<compile_context>
chip_gen: v7x
topology: tpu7x:2x2x1
jax: 0.10.2.dev20260603
libtpu: 0.0.44.dev20260713+nightly
codegen_flags: <defaults>
</compile_context>

<pallas_src>
import functools
import math

import jax
import jax.numpy as jnp
from jax.experimental import pallas as pl
from jax.experimental.pallas import tpu as pltpu
from jax.experimental.pallas import tpu_sc as plsc

VOCAB = 32000
D = 512
NL = 4
NH = 8
DH = 64
T = 1024
B = 2
R = B * T
RB = 256
NR = R // RB
FF = 2048
TOPK = 4

VBLK_E = 1280
NV_E = VOCAB // VBLK_E
VBLK_L = 3200
NV_L = VOCAB // VBLK_L
SBLK = 2048

_NEG = float("-inf")
_BIGI = 2**30

_NC = 2
_NS = 16
_NW = _NC * _NS
_GCH = 64


def _lnf(x, s, b):
    m = jnp.mean(x, axis=1, keepdims=True)
    v = jnp.mean((x - m) ** 2, axis=1, keepdims=True)
    return (x - m) / jnp.sqrt(v + 1e-5) * s + b


def _sc_gather(idx, table):
    n = idx.shape[0]
    epw = n // _NW
    nch = epw // _GCH
    mesh = plsc.VectorSubcoreMesh(core_axis_name="c", subcore_axis_name="s",
                                  num_cores=_NC, num_subcores=_NS)

    @functools.partial(
        pl.kernel,
        mesh=mesh,
        out_type=jax.ShapeDtypeStruct((n, D), jnp.float32),
        scratch_types=[
            pltpu.VMEM((_GCH,), jnp.int32),
            pltpu.VMEM((_GCH, D), jnp.float32),
            pltpu.SemaphoreType.DMA,
        ],
    )
    def k(table_hbm, idx_hbm, out_hbm, idx_v, rows_v, sem):
        wid = jax.lax.axis_index("s") * _NC + jax.lax.axis_index("c")
        base = wid * epw
        for c in range(nch):
            off = base + c * _GCH
            pltpu.sync_copy(idx_hbm.at[pl.ds(off, _GCH)], idx_v)
            pltpu.async_copy(table_hbm.at[idx_v], rows_v, sem).wait()
            pltpu.sync_copy(rows_v, out_hbm.at[pl.ds(off, _GCH)])

    return k(table, idx)


def _layers_body(xg_ref, pos_ref, ln1s_ref, ln1b_ref, Wqkv_ref, bqkv_ref,
                 Wo_ref, bo_ref, ln2s_ref, ln2b_ref, W1_ref, b1_ref,
                 W2_ref, b2m_ref, Wq_ref, bq_ref, xout_ref, qm_ref, xs):
    l = pl.program_id(0)
    b = pl.program_id(1)
    rsl = pl.ds(b * T, T)

    @pl.when(l == 0)
    def _():
        xs[rsl, :] = xg_ref[...] + pos_ref[...]

    x = xs[rsl, :]
    h = _lnf(x, ln1s_ref[0], ln1b_ref[0]).astype(jnp.bfloat16)
    qkv = jnp.dot(h, Wqkv_ref[0], preferred_element_type=jnp.float32)
    qkv = qkv + bqkv_ref[0]

    ri = jax.lax.broadcasted_iota(jnp.int32, (T, T), 0)
    ci = jax.lax.broadcasted_iota(jnp.int32, (T, T), 1)
    causal = ri >= ci
    ohs = []
    for hh in range(NH):
        q = qkv[:, hh * DH:(hh + 1) * DH].astype(jnp.bfloat16)
        k = qkv[:, D + hh * DH:D + (hh + 1) * DH].astype(jnp.bfloat16)
        v = qkv[:, 2 * D + hh * DH:2 * D + (hh + 1) * DH].astype(jnp.bfloat16)
        s = jax.lax.dot_general(q, k, (((1,), (1,)), ((), ())),
                                preferred_element_type=jnp.float32)
        s = s * (1.0 / math.sqrt(DH))
        s = jnp.where(causal, s, jnp.float32(-1e9))
        m = jnp.max(s, axis=1, keepdims=True)
        e = jnp.exp(s - m)
        p = (e / jnp.sum(e, axis=1, keepdims=True)).astype(jnp.bfloat16)
        ohs.append(jnp.dot(p, v, preferred_element_type=jnp.float32))
    o = jnp.concatenate(ohs, axis=1)

    x = x + jnp.dot(o.astype(jnp.bfloat16), Wo_ref[0],
                    preferred_element_type=jnp.float32) + bo_ref[0]
    h2 = _lnf(x, ln2s_ref[0], ln2b_ref[0]).astype(jnp.bfloat16)
    ff = jax.nn.gelu(jnp.dot(h2, W1_ref[0],
                             preferred_element_type=jnp.float32) + b1_ref[0])
    x = x + jnp.dot(ff.astype(jnp.bfloat16), W2_ref[0],
                    preferred_element_type=jnp.float32) + b2m_ref[0]
    xs[rsl, :] = x

    @pl.when(l == NL - 1)
    def _():
        xout_ref[...] = x
        qm_ref[...] = jnp.dot(x, Wq_ref[...],
                              preferred_element_type=jnp.float32) + bq_ref[...]


def _layers(xg, pos, ln1_s, ln1_b, Wqkv, bqkv, Wo, bo, ln2_s, ln2_b,
            W1, b1, W2, b2, Wq, bq):
    lvec = lambda n: pl.BlockSpec((1, 1, n), lambda l, b: (l, 0, 0))
    lmat = lambda m, n: pl.BlockSpec((1, m, n), lambda l, b: (l, 0, 0))
    return pl.pallas_call(
        _layers_body,
        grid=(NL, B),
        in_specs=[
            pl.BlockSpec((T, D), lambda l, b: (b, 0)),
            pl.BlockSpec((T, D), lambda l, b: (0, 0)),
            lvec(D), lvec(D),
            lmat(D, 3 * D), lvec(3 * D),
            lmat(D, D), lvec(D),
            lvec(D), lvec(D),
            lmat(D, FF), lvec(FF),
            lmat(FF, D), lvec(D),
            pl.BlockSpec((D, D), lambda l, b: (0, 0)),
            pl.BlockSpec((1, D), lambda l, b: (0, 0)),
        ],
        out_specs=[
            pl.BlockSpec((T, D), lambda l, b: (b, 0)),
            pl.BlockSpec((T, D), lambda l, b: (b, 0)),
        ],
        out_shape=[
            jax.ShapeDtypeStruct((R, D), jnp.float32),
            jax.ShapeDtypeStruct((R, D), jnp.float32),
        ],
        scratch_shapes=[pltpu.VMEM((R, D), jnp.float32)],
    )(xg, pos, ln1_s, ln1_b, Wqkv, bqkv, Wo, bo, ln2_s, ln2_b,
      W1, b1, W2, b2, Wq, bq)


def _topk_body(qm_ref, K_ref, Sb_ref, tv_ref, ti_ref, sv, si, *, ns):
    s_idx = pl.program_id(0)
    r_idx = pl.program_id(1)
    sc = jax.lax.dot_general(qm_ref[...], K_ref[...], (((1,), (1,)), ((), ())),
                             preferred_element_type=jnp.float32)
    sc = sc * (1.0 / math.sqrt(D)) + Sb_ref[...]
    iota = jax.lax.broadcasted_iota(jnp.int32, (RB, SBLK), 1) + s_idx * SBLK
    bvs, bis = [], []
    for _ in range(TOPK):
        m = jnp.max(sc, axis=1, keepdims=True)
        mi = jnp.min(jnp.where(sc == m, iota, _BIGI), axis=1, keepdims=True)
        bvs.append(m)
        bis.append(mi)
        sc = jnp.where(iota == mi, _NEG, sc)
    bv = jnp.concatenate(bvs, axis=1)
    bi = jnp.concatenate(bis, axis=1)

    rsl = pl.ds(r_idx * RB, RB)

    @pl.when(s_idx == 0)
    def _():
        sv[rsl, :] = jnp.full((RB, TOPK), _NEG, jnp.float32)
        si[rsl, :] = jnp.zeros((RB, TOPK), jnp.int32)

    av = jnp.concatenate([sv[rsl, :], bv], axis=1)
    ai = jnp.concatenate([si[rsl, :], bi], axis=1)
    nvs, nis = [], []
    for _ in range(TOPK):
        m = jnp.max(av, axis=1, keepdims=True)
        mi = jnp.min(jnp.where(av == m, ai, _BIGI), axis=1, keepdims=True)
        nvs.append(m)
        nis.append(mi)
        av = jnp.where(ai == mi, _NEG, av)
    sv[rsl, :] = jnp.concatenate(nvs, axis=1)
    si[rsl, :] = jnp.concatenate(nis, axis=1)

    @pl.when(s_idx == ns - 1)
    def _():
        tv_ref[...] = sv[rsl, :]
        ti_ref[...] = si[rsl, :]


def _topk(qm, K, Sb):
    S = K.shape[0]
    ns = S // SBLK
    return pl.pallas_call(
        functools.partial(_topk_body, ns=ns),
        grid=(ns, NR),
        in_specs=[
            pl.BlockSpec((RB, D), lambda s, r: (r, 0)),
            pl.BlockSpec((SBLK, D), lambda s, r: (s, 0)),
            pl.BlockSpec((1, SBLK), lambda s, r: (0, s)),
        ],
        out_specs=[
            pl.BlockSpec((RB, TOPK), lambda s, r: (r, 0)),
            pl.BlockSpec((RB, TOPK), lambda s, r: (r, 0)),
        ],
        out_shape=[
            jax.ShapeDtypeStruct((R, TOPK), jnp.float32),
            jax.ShapeDtypeStruct((R, TOPK), jnp.int32),
        ],
        scratch_shapes=[
            pltpu.VMEM((R, TOPK), jnp.float32),
            pltpu.VMEM((R, TOPK), jnp.int32),
        ],
    )(qm, K, Sb)


def _flog_body(x_ref, g0_ref, g1_ref, g2_ref, tv0_ref, tv1_ref, tv2_ref,
               Wr_ref, br_ref, s_ref, b_ref, emb_ref, out_ref, xf_s):
    v = pl.program_id(1)

    @pl.when(v == 0)
    def _():
        rd = jnp.zeros((RB, D), jnp.float32)
        for g_ref, tv_ref in ((g0_ref, tv0_ref), (g1_ref, tv1_ref),
                              (g2_ref, tv2_ref)):
            tv = tv_ref[...]
            m = jnp.max(tv, axis=1, keepdims=True)
            e = jnp.exp(tv - m)
            a = e / jnp.sum(e, axis=1, keepdims=True) * (1.0 / 3.0)
            for kk in range(TOPK):
                rd = rd + a[:, kk:kk + 1] * g_ref[kk]
        xx = x_ref[...] + jnp.dot(rd, Wr_ref[...],
                                  preferred_element_type=jnp.float32) + br_ref[...]
        xf_s[...] = _lnf(xx, s_ref[...], b_ref[...]).astype(jnp.bfloat16)

    out_ref[...] = jax.lax.dot_general(
        xf_s[...], emb_ref[...], (((1,), (1,)), ((), ())),
        preferred_element_type=jnp.float32)


def _flog(x, g0, g1, g2, tv0, tv1, tv2, Wr, br, s, b, emb):
    gspec = pl.BlockSpec((TOPK, RB, D), lambda r, v: (0, r, 0))
    tspec = pl.BlockSpec((RB, TOPK), lambda r, v: (r, 0))
    return pl.pallas_call(
        _flog_body,
        grid=(NR, NV_L),
        in_specs=[
            pl.BlockSpec((RB, D), lambda r, v: (r, 0)),
            gspec, gspec, gspec, tspec, tspec, tspec,
            pl.BlockSpec((D, D), lambda r, v: (0, 0)),
            pl.BlockSpec((1, D), lambda r, v: (0, 0)),
            pl.BlockSpec((1, D), lambda r, v: (0, 0)),
            pl.BlockSpec((1, D), lambda r, v: (0, 0)),
            pl.BlockSpec((VBLK_L, D), lambda r, v: (v, 0)),
        ],
        out_specs=pl.BlockSpec((RB, VBLK_L), lambda r, v: (r, v)),
        out_shape=jax.ShapeDtypeStruct((R, VOCAB), jnp.float32),
        scratch_shapes=[pltpu.VMEM((RB, D), jnp.bfloat16)],
    )(x, g0, g1, g2, tv0, tv1, tv2, Wr, br, s, b, emb)


def kernel(input_ids, tok_embed, pos_embed, ln1_s, ln1_b, Wqkv, bqkv, Wo, bo,
           ln2_s, ln2_b, W1, b1, W2, b2, Wq_mem, bq_mem, Wr_mem, br_mem,
           out_s, out_b, K0, V0, S0, K1, V1, S1, K2, V2, S2):
    ids = input_ids.reshape(R).astype(jnp.int32)
    Wqkv = Wqkv.astype(jnp.bfloat16)
    Wo = Wo.astype(jnp.bfloat16)
    W1 = W1.astype(jnp.bfloat16)
    W2 = W2.astype(jnp.bfloat16)
    emb_bf = tok_embed.astype(jnp.bfloat16)
    xg = _sc_gather(ids, tok_embed)
    x, qm = _layers(xg, pos_embed[:T],
                    ln1_s.reshape(NL, 1, D), ln1_b.reshape(NL, 1, D),
                    Wqkv, bqkv.reshape(NL, 1, 3 * D),
                    Wo, bo.reshape(NL, 1, D),
                    ln2_s.reshape(NL, 1, D), ln2_b.reshape(NL, 1, D),
                    W1, b1.reshape(NL, 1, FF),
                    W2, b2.reshape(NL, 1, D),
                    Wq_mem, bq_mem.reshape(1, D))
    tvs, gs = [], []
    for Ki, Vi, Si in ((K0, V0, S0), (K1, V1, S1), (K2, V2, S2)):
        tv, ti = _topk(qm, Ki, Si.reshape(1, -1))
        tvs.append(tv)
        idxk = ti.T.reshape(TOPK * R)
        gs.append(_sc_gather(idxk, Vi).reshape(TOPK, R, D))
    logits = _flog(x, gs[0], gs[1], gs[2], tvs[0], tvs[1], tvs[2], Wr_mem,
                   br_mem.reshape(1, D), out_s.reshape(1, D),
                   out_b.reshape(1, D), emb_bf)
    return logits.reshape(B, T, VOCAB)

# --- scband reference (transcript-rebuilt; emitter-appended) ---
"""Pipeline reference for scband-hierarchical-memory-dnc-850403525345 (READ-ONLY COPY).

The authoritative reference and input builder live on the scoring server;
editing this copy changes nothing except your own understanding.
"""

import jax, jax.numpy as jnp
import numpy as np
import math

VOCAB = 32000
D_MODEL = 512
N_LAYERS = 4
N_HEADS = 8
MAX_SEQ = 2048
SLOTS = (8192, 4096, 2048)
B, T = 2, 1024
TOPK = 4
D_FF = 4 * D_MODEL


def _ln(x, s, b):
    m = jnp.mean(x, axis=-1, keepdims=True)
    v = jnp.mean((x - m) ** 2, axis=-1, keepdims=True)
    return (x - m) / jnp.sqrt(v + 1e-5) * s + b


def _forward(input_ids, tok_embed, pos_embed, ln1_s, ln1_b, Wqkv, bqkv, Wo, bo, ln2_s, ln2_b, W1, b1, W2, b2, Wq_mem, bq_mem, Wr_mem, br_mem, out_s, out_b, K0, V0, S0, K1, V1, S1, K2, V2, S2):
    Bq, Tq = input_ids.shape
    dh = D_MODEL // N_HEADS
    x = tok_embed[input_ids] + pos_embed[:Tq][None, :, :]
    causal = jnp.tril(jnp.ones((Tq, Tq), dtype=bool))
    for l in range(N_LAYERS):
        h = _ln(x, ln1_s[l], ln1_b[l])
        qkv = h @ Wqkv[l] + bqkv[l]
        q, k, v = jnp.split(qkv, 3, axis=-1)
        q = q.reshape(Bq, Tq, N_HEADS, dh).transpose(0, 2, 1, 3)
        k = k.reshape(Bq, Tq, N_HEADS, dh).transpose(0, 2, 1, 3)
        v = v.reshape(Bq, Tq, N_HEADS, dh).transpose(0, 2, 1, 3)
        att = jnp.matmul(q, k.transpose(0, 1, 3, 2)) / math.sqrt(dh)
        att = jnp.where(causal[None, None, :, :], att, -1e9)
        att = jax.nn.softmax(att, axis=-1)
        o = jnp.matmul(att, v).transpose(0, 2, 1, 3).reshape(Bq, Tq, D_MODEL)
        x = x + o @ Wo[l] + bo[l]
        h2 = _ln(x, ln2_s[l], ln2_b[l])
        x = x + jax.nn.gelu(h2 @ W1[l] + b1[l]) @ W2[l] + b2[l]
    # hierarchical memory read (HierarchicalMemoryBank.read)
    qm = x @ Wq_mem + bq_mem
    read = jnp.zeros_like(x)
    for Ki, Vi, Si in ((K0, V0, S0), (K1, V1, S1), (K2, V2, S2)):
        sc = jnp.einsum('btd,sd->bts', qm, Ki) / math.sqrt(D_MODEL) + Si[None, None, :]
        ts, ti = jax.lax.top_k(sc, TOPK)
        a = jax.nn.softmax(ts, axis=-1)
        Vsel = Vi[ti]
        read = read + jnp.einsum('btk,btkd->btd', a, Vsel) * (1.0 / 3.0)
    x = x + read @ Wr_mem + br_mem
    x = _ln(x, out_s, out_b)
    return x @ tok_embed.T


def setup_inputs(seed: int = 0):
    key = jax.random.key(seed)
    def nk(i):
        return jax.random.fold_in(key, i)
    inp = {}
    inp['input_ids'] = jax.random.randint(nk(0), (B, T), 0, VOCAB)
    inp['tok_embed'] = jax.random.normal(nk(1), (VOCAB, D_MODEL), jnp.float32) * 0.02
    inp['pos_embed'] = jax.random.normal(nk(2), (MAX_SEQ, D_MODEL), jnp.float32) * 0.02
    inp['ln1_s'] = jnp.ones((N_LAYERS, D_MODEL), jnp.float32)
    inp['ln1_b'] = jnp.zeros((N_LAYERS, D_MODEL), jnp.float32)
    inp['Wqkv'] = jax.random.normal(nk(3), (N_LAYERS, D_MODEL, 3 * D_MODEL), jnp.float32) * 0.02
    inp['bqkv'] = jnp.zeros((N_LAYERS, 3 * D_MODEL), jnp.float32)
    inp['Wo'] = jax.random.normal(nk(4), (N_LAYERS, D_MODEL, D_MODEL), jnp.float32) * 0.02
    inp['bo'] = jnp.zeros((N_LAYERS, D_MODEL), jnp.float32)
    inp['ln2_s'] = jnp.ones((N_LAYERS, D_MODEL), jnp.float32)
    inp['ln2_b'] = jnp.zeros((N_LAYERS, D_MODEL), jnp.float32)
    inp['W1'] = jax.random.normal(nk(5), (N_LAYERS, D_MODEL, D_FF), jnp.float32) * 0.02
    inp['b1'] = jnp.zeros((N_LAYERS, D_FF), jnp.float32)
    inp['W2'] = jax.random.normal(nk(6), (N_LAYERS, D_FF, D_MODEL), jnp.float32) * 0.02
    inp['b2'] = jnp.zeros((N_LAYERS, D_MODEL), jnp.float32)
    inp['Wq_mem'] = jax.random.normal(nk(7), (D_MODEL, D_MODEL), jnp.float32) * 0.02
    inp['bq_mem'] = jnp.zeros((D_MODEL,), jnp.float32)
    inp['Wr_mem'] = jax.random.normal(nk(8), (D_MODEL, D_MODEL), jnp.float32) * 0.02
    inp['br_mem'] = jnp.zeros((D_MODEL,), jnp.float32)
    inp['out_s'] = jnp.ones((D_MODEL,), jnp.float32)
    inp['out_b'] = jnp.zeros((D_MODEL,), jnp.float32)
    for i, s in enumerate(SLOTS):
        inp['K%d' % i] = jax.random.normal(nk(10 + 3 * i), (s, D_MODEL), jnp.float32) * 0.02
        inp['V%d' % i] = jax.random.normal(nk(11 + 3 * i), (s, D_MODEL), jnp.float32) * 0.02
        inp['S%d' % i] = jnp.zeros((s,), jnp.float32)
    return inp


def reference(input_ids, tok_embed, pos_embed, ln1_s, ln1_b, Wqkv, bqkv, Wo, bo, ln2_s, ln2_b, W1, b1, W2, b2, Wq_mem, bq_mem, Wr_mem, br_mem, out_s, out_b, K0, V0, S0, K1, V1, S1, K2, V2, S2):
    return _forward(input_ids, tok_embed, pos_embed, ln1_s, ln1_b, Wqkv, bqkv, Wo, bo, ln2_s, ln2_b, W1, b1, W2, b2, Wq_mem, bq_mem, Wr_mem, br_mem, out_s, out_b, K0, V0, S0, K1, V1, S1, K2, V2, S2)

if __name__ == "__main__":
    import jax
    _d = setup_inputs()
    print(jax.jit(kernel)(*tuple(_d.values())))

</pallas_src>

<mosaic_0001>
#map = affine_map<(d0, d1) -> (0, 0)>
#map1 = affine_map<(d0, d1) -> (0)>
module attributes {stable_mosaic.version = 14 : i64} {
  func.func @k(%arg0: i32, %arg1: i32, %arg2: memref<2048x512xf32, #tpu.memory_space<hbm>>, %arg3: memref<8192xi32, #tpu.memory_space<hbm>>, %arg4: memref<8192x512xf32, #tpu.memory_space<hbm>>, %arg5: memref<64xi32, #tpu.memory_space<vmem>>, %arg6: memref<64x512xf32, #tpu.memory_space<vmem>>, %arg7: memref<!tpu.dma_semaphore, #tpu.memory_space<semaphore_mem>>) attributes {dimension_semantics = [#tpu.dimension_semantics<core_parallel>, #tpu.dimension_semantics<subcore_parallel>], iteration_bounds = array<i64: 2, 16>, scalar_prefetch = 0 : i64, scratch_operands = 3 : i64, tpu.core_type = #tpu.core_type<sc_vector_subcore>, window_params = [{transform_indices = #map}, {transform_indices = #map1}, {transform_indices = #map}]} {
    %mul3A = arith.constant 2 : i32
    %mul3A_0 = arith.muli %arg1, %mul3A : i32
    %add3A = arith.addi %mul3A_0, %arg0 : i32
    %mul3A_1 = arith.constant 256 : i32
    %mul3A_2 = arith.muli %add3A, %mul3A_1 : i32
    %add3A_3 = arith.constant 0 : i32
    %add3A_4 = arith.addi %mul3A_2, %add3A_3 : i32
    "tpu.region"() ({
      %run_scoped3A = tpu.sem_alloc : memref<!tpu.dma_semaphore, #tpu.memory_space<semaphore_mem>>
      %dma_start3A_33 = tpu.memref_slice %arg3[%add3A_4] : memref<8192xi32, #tpu.memory_space<hbm>> -> memref<64xi32, #tpu.memory_space<hbm>>
      %dma_start3A_34 = tpu.memref_slice %arg3[%add3A_4] : memref<8192xi32, #tpu.memory_space<hbm>> -> memref<64xi32, #tpu.memory_space<hbm>>
      tpu.enqueue_dma source(%dma_start3A_34 : memref<64xi32, #tpu.memory_space<hbm>>) target(%arg5 : memref<64xi32, #tpu.memory_space<vmem>>) target_semaphore(%run_scoped3A : memref<!tpu.dma_semaphore, #tpu.memory_space<semaphore_mem>>)
      %dma_wait3A_35 = tpu.memref_slice %arg3[%add3A_4] : memref<8192xi32, #tpu.memory_space<hbm>> -> memref<64xi32, #tpu.memory_space<hbm>>
      %dma_wait3A_36 = tpu.memref_slice %arg3[%add3A_4] : memref<8192xi32, #tpu.memory_space<hbm>> -> memref<64xi32, #tpu.memory_space<hbm>>
      tpu.wait_dma2 semaphore(%run_scoped3A : memref<!tpu.dma_semaphore, #tpu.memory_space<semaphore_mem>>) src(%dma_wait3A_36 : memref<64xi32, #tpu.memory_space<hbm>>) dst(%arg5 : memref<64xi32, #tpu.memory_space<vmem>>)
      tpu.yield
    }) : () -> ()
    %dma_start3A = arith.constant 0 : i32
    %dma_start3A_5 = arith.constant 0 : i32
    %dma_start3A_6 = tpu.memref_slice %arg2[%dma_start3A, %dma_start3A_5] : memref<2048x512xf32, #tpu.memory_space<hbm>> -> memref<2048x512xf32, #tpu.memory_space<hbm>>
    tpu.enqueue_indirect_dma source(%dma_start3A_6 : memref<2048x512xf32, #tpu.memory_space<hbm>>) target(%arg6 : memref<64x512xf32, #tpu.memory_space<vmem>>) offsets(%arg5 : memref<64xi32, #tpu.memory_space<vmem>>) semaphore(%arg7 : memref<!tpu.dma_semaphore, #tpu.memory_space<semaphore_mem>>)
    %dma_wait3A = arith.constant 0 : i32
    %dma_wait3A_7 = arith.constant 0 : i32
    %dma_wait3A_8 = tpu.memref_slice %arg2[%dma_wait3A, %dma_wait3A_7] : memref<2048x512xf32, #tpu.memory_space<hbm>> -> memref<2048x512xf32, #tpu.memory_space<hbm>>
    tpu.wait_indirect_dma semaphore(%arg7 : memref<!tpu.dma_semaphore, #tpu.memory_space<semaphore_mem>>) src(%dma_wait3A_8 : memref<2048x512xf32, #tpu.memory_space<hbm>>) dst(%arg6 : memref<64x512xf32, #tpu.memory_space<vmem>>)
    "tpu.region"() ({
      %run_scoped3A = tpu.sem_alloc : memref<!tpu.dma_semaphore, #tpu.memory_space<semaphore_mem>>
      %dma_start3A_33 = arith.constant 0 : i32
      %dma_start3A_34 = tpu.memref_slice %arg4[%add3A_4, %dma_start3A_33] : memref<8192x512xf32, #tpu.memory_space<hbm>> -> memref<64x512xf32, #tpu.memory_space<hbm>>
      %dma_start3A_35 = arith.constant 0 : i32
      %dma_start3A_36 = tpu.memref_slice %arg4[%add3A_4, %dma_start3A_35] : memref<8192x512xf32, #tpu.memory_space<hbm>> -> memref<64x512xf32, #tpu.memory_space<hbm>>
      tpu.enqueue_dma source(%arg6 : memref<64x512xf32, #tpu.memory_space<vmem>>) target(%dma_start3A_36 : memref<64x512xf32, #tpu.memory_space<hbm>>) target_semaphore(%run_scoped3A : memref<!tpu.dma_semaphore, #tpu.memory_space<semaphore_mem>>)
      %dma_wait3A_37 = arith.constant 0 : i32
      %dma_wait3A_38 = tpu.memref_slice %arg4[%add3A_4, %dma_wait3A_37] : memref<8192x512xf32, #tpu.memory_space<hbm>> -> memref<64x512xf32, #tpu.memory_space<hbm>>
      %dma_wait3A_39 = arith.constant 0 : i32
      %dma_wait3A_40 = tpu.memref_slice %arg4[%add3A_4, %dma_wait3A_39] : memref<8192x512xf32, #tpu.memory_space<hbm>> -> memref<64x512xf32, #tpu.memory_space<hbm>>
      tpu.wait_dma2 semaphore(%run_scoped3A : memref<!tpu.dma_semaphore, #tpu.memory_space<semaphore_mem>>) src(%arg6 : memref<64x512xf32, #tpu.memory_space<vmem>>) dst(%dma_wait3A_40 : memref<64x512xf32, #tpu.memory_space<hbm>>)
      tpu.yield
    }) : () -> ()
    %add3A_9 = arith.constant 64 : i32
    %add3A_10 = arith.addi %mul3A_2, %add3A_9 : i32
    "tpu.region"() ({
      %run_scoped3A = tpu.sem_alloc : memref<!tpu.dma_semaphore, #tpu.memory_space<semaphore_mem>>
      %dma_start3A_33 = tpu.memref_slice %arg3[%add3A_10] : memref<8192xi32, #tpu.memory_space<hbm>> -> memref<64xi32, #tpu.memory_space<hbm>>
      %dma_start3A_34 = tpu.memref_slice %arg3[%add3A_10] : memref<8192xi32, #tpu.memory_space<hbm>> -> memref<64xi32, #tpu.memory_space<hbm>>
      tpu.enqueue_dma source(%dma_start3A_34 : memref<64xi32, #tpu.memory_space<hbm>>) target(%arg5 : memref<64xi32, #tpu.memory_space<vmem>>) target_semaphore(%run_scoped3A : memref<!tpu.dma_semaphore, #tpu.memory_space<semaphore_mem>>)
      %dma_wait3A_35 = tpu.memref_slice %arg3[%add3A_10] : memref<8192xi32, #tpu.memory_space<hbm>> -> memref<64xi32, #tpu.memory_space<hbm>>
      %dma_wait3A_36 = tpu.memref_slice %arg3[%add3A_10] : memref<8192xi32, #tpu.memory_space<hbm>> -> memref<64xi32, #tpu.memory_space<hbm>>
      tpu.wait_dma2 semaphore(%run_scoped3A : memref<!tpu.dma_semaphore, #tpu.memory_space<semaphore_mem>>) src(%dma_wait3A_36 : memref<64xi32, #tpu.memory_space<hbm>>) dst(%arg5 : memref<64xi32, #tpu.memory_space<vmem>>)
      tpu.yield
    }) : () -> ()
    %dma_start3A_11 = arith.constant 0 : i32
    %dma_start3A_12 = arith.constant 0 : i32
    %dma_start3A_13 = tpu.memref_slice %arg2[%dma_start3A_11, %dma_start3A_12] : memref<2048x512xf32, #tpu.memory_space<hbm>> -> memref<2048x512xf32, #tpu.memory_space<hbm>>
    tpu.enqueue_indirect_dma source(%dma_start3A_13 : memref<2048x512xf32, #tpu.memory_space<hbm>>) target(%arg6 : memref<64x512xf32, #tpu.memory_space<vmem>>) offsets(%arg5 : memref<64xi32, #tpu.memory_space<vmem>>) semaphore(%arg7 : memref<!tpu.dma_semaphore, #tpu.memory_space<semaphore_mem>>)
    %dma_wait3A_14 = arith.constant 0 : i32
    %dma_wait3A_15 = arith.constant 0 : i32
    %dma_wait3A_16 = tpu.memref_slice %arg2[%dma_wait3A_14, %dma_wait3A_15] : memref<2048x512xf32, #tpu.memory_space<hbm>> -> memref<2048x512xf32, #tpu.memory_space<hbm>>
    tpu.wait_indirect_dma semaphore(%arg7 : memref<!tpu.dma_semaphore, #tpu.memory_space<semaphore_mem>>) src(%dma_wait3A_16 : memref<2048x512xf32, #tpu.memory_space<hbm>>) dst(%arg6 : memref<64x512xf32, #tpu.memory_space<vmem>>)
    "tpu.region"() ({
      %run_scoped3A = tpu.sem_alloc : memref<!tpu.dma_semaphore, #tpu.memory_space<semaphore_mem>>
      %dma_start3A_33 = arith.constant 0 : i32
      %dma_start3A_34 = tpu.memref_slice %arg4[%add3A_10, %dma_start3A_33] : memref<8192x512xf32, #tpu.memory_space<hbm>> -> memref<64x512xf32, #tpu.memory_space<hbm>>
      %dma_start3A_35 = arith.constant 0 : i32
      %dma_start3A_36 = tpu.memref_slice %arg4[%add3A_10, %dma_start3A_35] : memref<8192x512xf32, #tpu.memory_space<hbm>> -> memref<64x512xf32, #tpu.memory_space<hbm>>
      tpu.enqueue_dma source(%arg6 : memref<64x512xf32, #tpu.memory_space<vmem>>) target(%dma_start3A_36 : memref<64x512xf32, #tpu.memory_space<hbm>>) target_semaphore(%run_scoped3A : memref<!tpu.dma_semaphore, #tpu.memory_space<semaphore_mem>>)
      %dma_wait3A_37 = arith.constant 0 : i32
      %dma_wait3A_38 = tpu.memref_slice %arg4[%add3A_10, %dma_wait3A_37] : memref<8192x512xf32, #tpu.memory_space<hbm>> -> memref<64x512xf32, #tpu.memory_space<hbm>>
      %dma_wait3A_39 = arith.constant 0 : i32
      %dma_wait3A_40 = tpu.memref_slice %arg4[%add3A_10, %dma_wait3A_39] : memref<8192x512xf32, #tpu.memory_space<hbm>> -> memref<64x512xf32, #tpu.memory_space<hbm>>
      tpu.wait_dma2 semaphore(%run_scoped3A : memref<!tpu.dma_semaphore, #tpu.memory_space<semaphore_mem>>) src(%arg6 : memref<64x512xf32, #tpu.memory_space<vmem>>) dst(%dma_wait3A_40 : memref<64x512xf32, #tpu.memory_space<hbm>>)
      tpu.yield
    }) : () -> ()
    %add3A_17 = arith.constant 128 : i32
    %add3A_18 = arith.addi %mul3A_2, %add3A_17 : i32
    "tpu.region"() ({
      %run_scoped3A = tpu.sem_alloc : memref<!tpu.dma_semaphore, #tpu.memory_space<semaphore_mem>>
      %dma_start3A_33 = tpu.memref_slice %arg3[%add3A_18] : memref<8192xi32, #tpu.memory_space<hbm>> -> memref<64xi32, #tpu.memory_space<hbm>>
      %dma_start3A_34 = tpu.memref_slice %arg3[%add3A_18] : memref<8192xi32, #tpu.memory_space<hbm>> -> memref<64xi32, #tpu.memory_space<hbm>>
      tpu.enqueue_dma source(%dma_start3A_34 : memref<64xi32, #tpu.memory_space<hbm>>) target(%arg5 : memref<64xi32, #tpu.memory_space<vmem>>) target_semaphore(%run_scoped3A : memref<!tpu.dma_semaphore, #tpu.memory_space<semaphore_mem>>)
      %dma_wait3A_35 = tpu.memref_slice %arg3[%add3A_18] : memref<8192xi32, #tpu.memory_space<hbm>> -> memref<64xi32, #tpu.memory_space<hbm>>
      %dma_wait3A_36 = tpu.memref_slice %arg3[%add3A_18] : memref<8192xi32, #tpu.memory_space<hbm>> -> memref<64xi32, #tpu.memory_space<hbm>>
      tpu.wait_dma2 semaphore(%run_scoped3A : memref<!tpu.dma_semaphore, #tpu.memory_space<semaphore_mem>>) src(%dma_wait3A_36 : memref<64xi32, #tpu.memory_space<hbm>>) dst(%arg5 : memref<64xi32, #tpu.memory_space<vmem>>)
      tpu.yield
    }) : () -> ()
    %dma_start3A_19 = arith.constant 0 : i32
    %dma_start3A_20 = arith.constant 0 : i32
    %dma_start3A_21 = tpu.memref_slice %arg2[%dma_start3A_19, %dma_start3A_20] : memref<2048x512xf32, #tpu.memory_space<hbm>> -> memref<2048x512xf32, #tpu.memory_space<hbm>>
    tpu.enqueue_indirect_dma source(%dma_start3A_21 : memref<2048x512xf32, #tpu.memory_space<hbm>>) target(%arg6 : memref<64x512xf32, #tpu.memory_space<vmem>>) offsets(%arg5 : memref<64xi32, #tpu.memory_space<vmem>>) semaphore(%arg7 : memref<!tpu.dma_semaphore, #tpu.memory_space<semaphore_mem>>)
    %dma_wait3A_22 = arith.constant 0 : i32
    %dma_wait3A_23 = arith.constant 0 : i32
    %dma_wait3A_24 = tpu.memref_slice %arg2[%dma_wait3A_22, %dma_wait3A_23] : memref<2048x512xf32, #tpu.memory_space<hbm>> -> memref<2048x512xf32, #tpu.memory_space<hbm>>
    tpu.wait_indirect_dma semaphore(%arg7 : memref<!tpu.dma_semaphore, #tpu.memory_space<semaphore_mem>>) src(%dma_wait3A_24 : memref<2048x512xf32, #tpu.memory_space<hbm>>) dst(%arg6 : memref<64x512xf32, #tpu.memory_space<vmem>>)
    "tpu.region"() ({
      %run_scoped3A = tpu.sem_alloc : memref<!tpu.dma_semaphore, #tpu.memory_space<semaphore_mem>>
      %dma_start3A_33 = arith.constant 0 : i32
      %dma_start3A_34 = tpu.memref_slice %arg4[%add3A_18, %dma_start3A_33] : memref<8192x512xf32, #tpu.memory_space<hbm>> -> memref<64x512xf32, #tpu.memory_space<hbm>>
      %dma_start3A_35 = arith.constant 0 : i32
      %dma_start3A_36 = tpu.memref_slice %arg4[%add3A_18, %dma_start3A_35] : memref<8192x512xf32, #tpu.memory_space<hbm>> -> memref<64x512xf32, #tpu.memory_space<hbm>>
      tpu.enqueue_dma source(%arg6 : memref<64x512xf32, #tpu.memory_space<vmem>>) target(%dma_start3A_36 : memref<64x512xf32, #tpu.memory_space<hbm>>) target_semaphore(%run_scoped3A : memref<!tpu.dma_semaphore, #tpu.memory_space<semaphore_mem>>)
      %dma_wait3A_37 = arith.constant 0 : i32
      %dma_wait3A_38 = tpu.memref_slice %arg4[%add3A_18, %dma_wait3A_37] : memref<8192x512xf32, #tpu.memory_space<hbm>> -> memref<64x512xf32, #tpu.memory_space<hbm>>
      %dma_wait3A_39 = arith.constant 0 : i32
      %dma_wait3A_40 = tpu.memref_slice %arg4[%add3A_18, %dma_wait3A_39] : memref<8192x512xf32, #tpu.memory_space<hbm>> -> memref<64x512xf32, #tpu.memory_space<hbm>>
      tpu.wait_dma2 semaphore(%run_scoped3A : memref<!tpu.dma_semaphore, #tpu.memory_space<semaphore_mem>>) src(%arg6 : memref<64x512xf32, #tpu.memory_space<vmem>>) dst(%dma_wait3A_40 : memref<64x512xf32, #tpu.memory_space<hbm>>)
      tpu.yield
    }) : () -> ()
    %add3A_25 = arith.constant 192 : i32
    %add3A_26 = arith.addi %mul3A_2, %add3A_25 : i32
    "tpu.region"() ({
      %run_scoped3A = tpu.sem_alloc : memref<!tpu.dma_semaphore, #tpu.memory_space<semaphore_mem>>
      %dma_start3A_33 = tpu.memref_slice %arg3[%add3A_26] : memref<8192xi32, #tpu.memory_space<hbm>> -> memref<64xi32, #tpu.memory_space<hbm>>
      %dma_start3A_34 = tpu.memref_slice %arg3[%add3A_26] : memref<8192xi32, #tpu.memory_space<hbm>> -> memref<64xi32, #tpu.memory_space<hbm>>
      tpu.enqueue_dma source(%dma_start3A_34 : memref<64xi32, #tpu.memory_space<hbm>>) target(%arg5 : memref<64xi32, #tpu.memory_space<vmem>>) target_semaphore(%run_scoped3A : memref<!tpu.dma_semaphore, #tpu.memory_space<semaphore_mem>>)
      %dma_wait3A_35 = tpu.memref_slice %arg3[%add3A_26] : memref<8192xi32, #tpu.memory_space<hbm>> -> memref<64xi32, #tpu.memory_space<hbm>>
      %dma_wait3A_36 = tpu.memref_slice %arg3[%add3A_26] : memref<8192xi32, #tpu.memory_space<hbm>> -> memref<64xi32, #tpu.memory_space<hbm>>
      tpu.wait_dma2 semaphore(%run_scoped3A : memref<!tpu.dma_semaphore, #tpu.memory_space<semaphore_mem>>) src(%dma_wait3A_36 : memref<64xi32, #tpu.memory_space<hbm>>) dst(%arg5 : memref<64xi32, #tpu.memory_space<vmem>>)
      tpu.yield
    }) : () -> ()
    %dma_start3A_27 = arith.constant 0 : i32
    %dma_start3A_28 = arith.constant 0 : i32
    %dma_start3A_29 = tpu.memref_slice %arg2[%dma_start3A_27, %dma_start3A_28] : memref<2048x512xf32, #tpu.memory_space<hbm>> -> memref<2048x512xf32, #tpu.memory_space<hbm>>
    tpu.enqueue_indirect_dma source(%dma_start3A_29 : memref<2048x512xf32, #tpu.memory_space<hbm>>) target(%arg6 : memref<64x512xf32, #tpu.memory_space<vmem>>) offsets(%arg5 : memref<64xi32, #tpu.memory_space<vmem>>) semaphore(%arg7 : memref<!tpu.dma_semaphore, #tpu.memory_space<semaphore_mem>>)
    %dma_wait3A_30 = arith.constant 0 : i32
    %dma_wait3A_31 = arith.constant 0 : i32
    %dma_wait3A_32 = tpu.memref_slice %arg2[%dma_wait3A_30, %dma_wait3A_31] : memref<2048x512xf32, #tpu.memory_space<hbm>> -> memref<2048x512xf32, #tpu.memory_space<hbm>>
    tpu.wait_indirect_dma semaphore(%arg7 : memref<!tpu.dma_semaphore, #tpu.memory_space<semaphore_mem>>) src(%dma_wait3A_32 : memref<2048x512xf32, #tpu.memory_space<hbm>>) dst(%arg6 : memref<64x512xf32, #tpu.memory_space<vmem>>)
    "tpu.region"() ({
      %run_scoped3A = tpu.sem_alloc : memref<!tpu.dma_semaphore, #tpu.memory_space<semaphore_mem>>
      %dma_start3A_33 = arith.constant 0 : i32
      %dma_start3A_34 = tpu.memref_slice %arg4[%add3A_26, %dma_start3A_33] : memref<8192x512xf32, #tpu.memory_space<hbm>> -> memref<64x512xf32, #tpu.memory_space<hbm>>
      %dma_start3A_35 = arith.constant 0 : i32
      %dma_start3A_36 = tpu.memref_slice %arg4[%add3A_26, %dma_start3A_35] : memref<8192x512xf32, #tpu.memory_space<hbm>> -> memref<64x512xf32, #tpu.memory_space<hbm>>
      tpu.enqueue_dma source(%arg6 : memref<64x512xf32, #tpu.memory_space<vmem>>) target(%dma_start3A_36 : memref<64x512xf32, #tpu.memory_space<hbm>>) target_semaphore(%run_scoped3A : memref<!tpu.dma_semaphore, #tpu.memory_space<semaphore_mem>>)
      %dma_wait3A_37 = arith.constant 0 : i32
      %dma_wait3A_38 = tpu.memref_slice %arg4[%add3A_26, %dma_wait3A_37] : memref<8192x512xf32, #tpu.memory_space<hbm>> -> memref<64x512xf32, #tpu.memory_space<hbm>>
      %dma_wait3A_39 = arith.constant 0 : i32
      %dma_wait3A_40 = tpu.memref_slice %arg4[%add3A_26, %dma_wait3A_39] : memref<8192x512xf32, #tpu.memory_space<hbm>> -> memref<64x512xf32, #tpu.memory_space<hbm>>
      tpu.wait_dma2 semaphore(%run_scoped3A : memref<!tpu.dma_semaphore, #tpu.memory_space<semaphore_mem>>) src(%arg6 : memref<64x512xf32, #tpu.memory_space<vmem>>) dst(%dma_wait3A_40 : memref<64x512xf32, #tpu.memory_space<hbm>>)
      tpu.yield
    }) : () -> ()
    return
  }
}

#map = affine_map<(d0, d1) -> (0, 0)>
#map1 = affine_map<(d0, d1) -> (0)>
module attributes {stable_mosaic.version = 14 : i64} {
  func.func @k(%arg0: i32, %arg1: i32, %arg2: memref<8192x512xf32, #tpu.memory_space<hbm>>, %arg3: memref<8192xi32, #tpu.memory_space<hbm>>, %arg4: memref<8192x512xf32, #tpu.memory_space<hbm>>, %arg5: memref<64xi32, #tpu.memory_space<vmem>>, %arg6: memref<64x512xf32, #tpu.memory_space<vmem>>, %arg7: memref<!tpu.dma_semaphore, #tpu.memory_space<semaphore_mem>>) attributes {dimension_semantics = [#tpu.dimension_semantics<core_parallel>, #tpu.dimension_semantics<subcore_parallel>], iteration_bounds = array<i64: 2, 16>, scalar_prefetch = 0 : i64, scratch_operands = 3 : i64, tpu.core_type = #tpu.core_type<sc_vector_subcore>, window_params = [{transform_indices = #map}, {transform_indices = #map1}, {transform_indices = #map}]} {
    %mul3A = arith.constant 2 : i32
    %mul3A_0 = arith.muli %arg1, %mul3A : i32
    %add3A = arith.addi %mul3A_0, %arg0 : i32
    %mul3A_1 = arith.constant 256 : i32
    %mul3A_2 = arith.muli %add3A, %mul3A_1 : i32
    %add3A_3 = arith.constant 0 : i32
    %add3A_4 = arith.addi %mul3A_2, %add3A_3 : i32
    "tpu.region"() ({
      %run_scoped3A = tpu.sem_alloc : memref<!tpu.dma_semaphore, #tpu.memory_space<semaphore_mem>>
      %dma_start3A_33 = tpu.memref_slice %arg3[%add3A_4] : memref<8192xi32, #tpu.memory_space<hbm>> -> memref<64xi32, #tpu.memory_space<hbm>>
      %dma_start3A_34 = tpu.memref_slice %arg3[%add3A_4] : memref<8192xi32, #tpu.memory_space<hbm>> -> memref<64xi32, #tpu.memory_space<hbm>>
      tpu.enqueue_dma source(%dma_start3A_34 : memref<64xi32, #tpu.memory_space<hbm>>) target(%arg5 : memref<64xi32, #tpu.memory_space<vmem>>) target_semaphore(%run_scoped3A : memref<!tpu.dma_semaphore, #tpu.memory_space<semaphore_mem>>)
      %dma_wait3A_35 = tpu.memref_slice %arg3[%add3A_4] : memref<8192xi32, #tpu.memory_space<hbm>> -> memref<64xi32, #tpu.memory_space<hbm>>
      %dma_wait3A_36 = tpu.memref_slice %arg3[%add3A_4] : memref<8192xi32, #tpu.memory_space<hbm>> -> memref<64xi32, #tpu.memory_space<hbm>>
      tpu.wait_dma2 semaphore(%run_scoped3A : memref<!tpu.dma_semaphore, #tpu.memory_space<semaphore_mem>>) src(%dma_wait3A_36 : memref<64xi32, #tpu.memory_space<hbm>>) dst(%arg5 : memref<64xi32, #tpu.memory_space<vmem>>)
      tpu.yield
    }) : () -> ()
    %dma_start3A = arith.constant 0 : i32
    %dma_start3A_5 = arith.constant 0 : i32
    %dma_start3A_6 = tpu.memref_slice %arg2[%dma_start3A, %dma_start3A_5] : memref<8192x512xf32, #tpu.memory_space<hbm>> -> memref<8192x512xf32, #tpu.memory_space<hbm>>
    tpu.enqueue_indirect_dma source(%dma_start3A_6 : memref<8192x512xf32, #tpu.memory_space<hbm>>) target(%arg6 : memref<64x512xf32, #tpu.memory_space<vmem>>) offsets(%arg5 : memref<64xi32, #tpu.memory_space<vmem>>) semaphore(%arg7 : memref<!tpu.dma_semaphore, #tpu.memory_space<semaphore_mem>>)
    %dma_wait3A = arith.constant 0 : i32
    %dma_wait3A_7 = arith.constant 0 : i32
    %dma_wait3A_8 = tpu.memref_slice %arg2[%dma_wait3A, %dma_wait3A_7] : memref<8192x512xf32, #tpu.memory_space<hbm>> -> memref<8192x512xf32, #tpu.memory_space<hbm>>
    tpu.wait_indirect_dma semaphore(%arg7 : memref<!tpu.dma_semaphore, #tpu.memory_space<semaphore_mem>>) src(%dma_wait3A_8 : memref<8192x512xf32, #tpu.memory_space<hbm>>) dst(%arg6 : memref<64x512xf32, #tpu.memory_space<vmem>>)
    "tpu.region"() ({
      %run_scoped3A = tpu.sem_alloc : memref<!tpu.dma_semaphore, #tpu.memory_space<semaphore_mem>>
      %dma_start3A_33 = arith.constant 0 : i32
      %dma_start3A_34 = tpu.memref_slice %arg4[%add3A_4, %dma_start3A_33] : memref<8192x512xf32, #tpu.memory_space<hbm>> -> memref<64x512xf32, #tpu.memory_space<hbm>>
      %dma_start3A_35 = arith.constant 0 : i32
      %dma_start3A_36 = tpu.memref_slice %arg4[%add3A_4, %dma_start3A_35] : memref<8192x512xf32, #tpu.memory_space<hbm>> -> memref<64x512xf32, #tpu.memory_space<hbm>>
      tpu.enqueue_dma source(%arg6 : memref<64x512xf32, #tpu.memory_space<vmem>>) target(%dma_start3A_36 : memref<64x512xf32, #tpu.memory_space<hbm>>) target_semaphore(%run_scoped3A : memref<!tpu.dma_semaphore, #tpu.memory_space<semaphore_mem>>)
      %dma_wait3A_37 = arith.constant 0 : i32
      %dma_wait3A_38 = tpu.memref_slice %arg4[%add3A_4, %dma_wait3A_37] : memref<8192x512xf32, #tpu.memory_space<hbm>> -> memref<64x512xf32, #tpu.memory_space<hbm>>
      %dma_wait3A_39 = arith.constant 0 : i32
      %dma_wait3A_40 = tpu.memref_slice %arg4[%add3A_4, %dma_wait3A_39] : memref<8192x512xf32, #tpu.memory_space<hbm>> -> memref<64x512xf32, #tpu.memory_space<hbm>>
      tpu.wait_dma2 semaphore(%run_scoped3A : memref<!tpu.dma_semaphore, #tpu.memory_space<semaphore_mem>>) src(%arg6 : memref<64x512xf32, #tpu.memory_space<vmem>>) dst(%dma_wait3A_40 : memref<64x512xf32, #tpu.memory_space<hbm>>)
      tpu.yield
    }) : () -> ()
    %add3A_9 = arith.constant 64 : i32
    %add3A_10 = arith.addi %mul3A_2, %add3A_9 : i32
    "tpu.region"() ({
      %run_scoped3A = tpu.sem_alloc : memref<!tpu.dma_semaphore, #tpu.memory_space<semaphore_mem>>
      %dma_start3A_33 = tpu.memref_slice %arg3[%add3A_10] : memref<8192xi32, #tpu.memory_space<hbm>> -> memref<64xi32, #tpu.memory_space<hbm>>
      %dma_start3A_34 = tpu.memref_slice %arg3[%add3A_10] : memref<8192xi32, #tpu.memory_space<hbm>> -> memref<64xi32, #tpu.memory_space<hbm>>
      tpu.enqueue_dma source(%dma_start3A_34 : memref<64xi32, #tpu.memory_space<hbm>>) target(%arg5 : memref<64xi32, #tpu.memory_space<vmem>>) target_semaphore(%run_scoped3A : memref<!tpu.dma_semaphore, #tpu.memory_space<semaphore_mem>>)
      %dma_wait3A_35 = tpu.memref_slice %arg3[%add3A_10] : memref<8192xi32, #tpu.memory_space<hbm>> -> memref<64xi32, #tpu.memory_space<hbm>>
      %dma_wait3A_36 = tpu.memref_slice %arg3[%add3A_10] : memref<8192xi32, #tpu.memory_space<hbm>> -> memref<64xi32, #tpu.memory_space<hbm>>
      tpu.wait_dma2 semaphore(%run_scoped3A : memref<!tpu.dma_semaphore, #tpu.memory_space<semaphore_mem>>) src(%dma_wait3A_36 : memref<64xi32, #tpu.memory_space<hbm>>) dst(%arg5 : memref<64xi32, #tpu.memory_space<vmem>>)
      tpu.yield
    }) : () -> ()
    %dma_start3A_11 = arith.constant 0 : i32
    %dma_start3A_12 = arith.constant 0 : i32
    %dma_start3A_13 = tpu.memref_slice %arg2[%dma_start3A_11, %dma_start3A_12] : memref<8192x512xf32, #tpu.memory_space<hbm>> -> memref<8192x512xf32, #tpu.memory_space<hbm>>
    tpu.enqueue_indirect_dma source(%dma_start3A_13 : memref<8192x512xf32, #tpu.memory_space<hbm>>) target(%arg6 : memref<64x512xf32, #tpu.memory_space<vmem>>) offsets(%arg5 : memref<64xi32, #tpu.memory_space<vmem>>) semaphore(%arg7 : memref<!tpu.dma_semaphore, #tpu.memory_space<semaphore_mem>>)
    %dma_wait3A_14 = arith.constant 0 : i32
    %dma_wait3A_15 = arith.constant 0 : i32
    %dma_wait3A_16 = tpu.memref_slice %arg2[%dma_wait3A_14, %dma_wait3A_15] : memref<8192x512xf32, #tpu.memory_space<hbm>> -> memref<8192x512xf32, #tpu.memory_space<hbm>>
    tpu.wait_indirect_dma semaphore(%arg7 : memref<!tpu.dma_semaphore, #tpu.memory_space<semaphore_mem>>) src(%dma_wait3A_16 : memref<8192x512xf32, #tpu.memory_space<hbm>>) dst(%arg6 : memref<64x512xf32, #tpu.memory_space<vmem>>)
    "tpu.region"() ({
      %run_scoped3A = tpu.sem_alloc : memref<!tpu.dma_semaphore, #tpu.memory_space<semaphore_mem>>
      %dma_start3A_33 = arith.constant 0 : i32
      %dma_start3A_34 = tpu.memref_slice %arg4[%add3A_10, %dma_start3A_33] : memref<8192x512xf32, #tpu.memory_space<hbm>> -> memref<64x512xf32, #tpu.memory_space<hbm>>
      %dma_start3A_35 = arith.constant 0 : i32
      %dma_start3A_36 = tpu.memref_slice %arg4[%add3A_10, %dma_start3A_35] : memref<8192x512xf32, #tpu.memory_space<hbm>> -> memref<64x512xf32, #tpu.memory_space<hbm>>
      tpu.enqueue_dma source(%arg6 : memref<64x512xf32, #tpu.memory_space<vmem>>) target(%dma_start3A_36 : memref<64x512xf32, #tpu.memory_space<hbm>>) target_semaphore(%run_scoped3A : memref<!tpu.dma_semaphore, #tpu.memory_space<semaphore_mem>>)
      %dma_wait3A_37 = arith.constant 0 : i32
      %dma_wait3A_38 = tpu.memref_slice %arg4[%add3A_10, %dma_wait3A_37] : memref<8192x512xf32, #tpu.memory_space<hbm>> -> memref<64x512xf32, #tpu.memory_space<hbm>>
      %dma_wait3A_39 = arith.constant 0 : i32
      %dma_wait3A_40 = tpu.memref_slice %arg4[%add3A_10, %dma_wait3A_39] : memref<8192x512xf32, #tpu.memory_space<hbm>> -> memref<64x512xf32, #tpu.memory_space<hbm>>
      tpu.wait_dma2 semaphore(%run_scoped3A : memref<!tpu.dma_semaphore, #tpu.memory_space<semaphore_mem>>) src(%arg6 : memref<64x512xf32, #tpu.memory_space<vmem>>) dst(%dma_wait3A_40 : memref<64x512xf32, #tpu.memory_space<hbm>>)
      tpu.yield
    }) : () -> ()
    %add3A_17 = arith.constant 128 : i32
    %add3A_18 = arith.addi %mul3A_2, %add3A_17 : i32
    "tpu.region"() ({
      %run_scoped3A = tpu.sem_alloc : memref<!tpu.dma_semaphore, #tpu.memory_space<semaphore_mem>>
      %dma_start3A_33 = tpu.memref_slice %arg3[%add3A_18] : memref<8192xi32, #tpu.memory_space<hbm>> -> memref<64xi32, #tpu.memory_space<hbm>>
      %dma_start3A_34 = tpu.memref_slice %arg3[%add3A_18] : memref<8192xi32, #tpu.memory_space<hbm>> -> memref<64xi32, #tpu.memory_space<hbm>>
      tpu.enqueue_dma source(%dma_start3A_34 : memref<64xi32, #tpu.memory_space<hbm>>) target(%arg5 : memref<64xi32, #tpu.memory_space<vmem>>) target_semaphore(%run_scoped3A : memref<!tpu.dma_semaphore, #tpu.memory_space<semaphore_mem>>)
      %dma_wait3A_35 = tpu.memref_slice %arg3[%add3A_18] : memref<8192xi32, #tpu.memory_space<hbm>> -> memref<64xi32, #tpu.memory_space<hbm>>
      %dma_wait3A_36 = tpu.memref_slice %arg3[%add3A_18] : memref<8192xi32, #tpu.memory_space<hbm>> -> memref<64xi32, #tpu.memory_space<hbm>>
      tpu.wait_dma2 semaphore(%run_scoped3A : memref<!tpu.dma_semaphore, #tpu.memory_space<semaphore_mem>>) src(%dma_wait3A_36 : memref<64xi32, #tpu.memory_space<hbm>>) dst(%arg5 : memref<64xi32, #tpu.memory_space<vmem>>)
      tpu.yield
    }) : () -> ()
    %dma_start3A_19 = arith.constant 0 : i32
    %dma_start3A_20 = arith.constant 0 : i32
    %dma_start3A_21 = tpu.memref_slice %arg2[%dma_start3A_19, %dma_start3A_20] : memref<8192x512xf32, #tpu.memory_space<hbm>> -> memref<8192x512xf32, #tpu.memory_space<hbm>>
    tpu.enqueue_indirect_dma source(%dma_start3A_21 : memref<8192x512xf32, #tpu.memory_space<hbm>>) target(%arg6 : memref<64x512xf32, #tpu.memory_space<vmem>>) offsets(%arg5 : memref<64xi32, #tpu.memory_space<vmem>>) semaphore(%arg7 : memref<!tpu.dma_semaphore, #tpu.memory_space<semaphore_mem>>)
    %dma_wait3A_22 = arith.constant 0 : i32
    %dma_wait3A_23 = arith.constant 0 : i32
    %dma_wait3A_24 = tpu.memref_slice %arg2[%dma_wait3A_22, %dma_wait3A_23] : memref<8192x512xf32, #tpu.memory_space<hbm>> -> memref<8192x512xf32, #tpu.memory_space<hbm>>
    tpu.wait_indirect_dma semaphore(%arg7 : memref<!tpu.dma_semaphore, #tpu.memory_space<semaphore_mem>>) src(%dma_wait3A_24 : memref<8192x512xf32, #tpu.memory_space<hbm>>) dst(%arg6 : memref<64x512xf32, #tpu.memory_space<vmem>>)
    "tpu.region"() ({
      %run_scoped3A = tpu.sem_alloc : memref<!tpu.dma_semaphore, #tpu.memory_space<semaphore_mem>>
      %dma_start3A_33 = arith.constant 0 : i32
      %dma_start3A_34 = tpu.memref_slice %arg4[%add3A_18, %dma_start3A_33] : memref<8192x512xf32, #tpu.memory_space<hbm>> -> memref<64x512xf32, #tpu.memory_space<hbm>>
      %dma_start3A_35 = arith.constant 0 : i32
      %dma_start3A_36 = tpu.memref_slice %arg4[%add3A_18, %dma_start3A_35] : memref<8192x512xf32, #tpu.memory_space<hbm>> -> memref<64x512xf32, #tpu.memory_space<hbm>>
      tpu.enqueue_dma source(%arg6 : memref<64x512xf32, #tpu.memory_space<vmem>>) target(%dma_start3A_36 : memref<64x512xf32, #tpu.memory_space<hbm>>) target_semaphore(%run_scoped3A : memref<!tpu.dma_semaphore, #tpu.memory_space<semaphore_mem>>)
      %dma_wait3A_37 = arith.constant 0 : i32
      %dma_wait3A_38 = tpu.memref_slice %arg4[%add3A_18, %dma_wait3A_37] : memref<8192x512xf32, #tpu.memory_space<hbm>> -> memref<64x512xf32, #tpu.memory_space<hbm>>
      %dma_wait3A_39 = arith.constant 0 : i32
      %dma_wait3A_40 = tpu.memref_slice %arg4[%add3A_18, %dma_wait3A_39] : memref<8192x512xf32, #tpu.memory_space<hbm>> -> memref<64x512xf32, #tpu.memory_space<hbm>>
      tpu.wait_dma2 semaphore(%run_scoped3A : memref<!tpu.dma_semaphore, #tpu.memory_space<semaphore_mem>>) src(%arg6 : memref<64x512xf32, #tpu.memory_space<vmem>>) dst(%dma_wait3A_40 : memref<64x512xf32, #tpu.memory_space<hbm>>)
      tpu.yield
    }) : () -> ()
    %add3A_25 = arith.constant 192 : i32
    %add3A_26 = arith.addi %mul3A_2, %add3A_25 : i32
    "tpu.region"() ({
      %run_scoped3A = tpu.sem_alloc : memref<!tpu.dma_semaphore, #tpu.memory_space<semaphore_mem>>
      %dma_start3A_33 = tpu.memref_slice %arg3[%add3A_26] : memref<8192xi32, #tpu.memory_space<hbm>> -> memref<64xi32, #tpu.memory_space<hbm>>
      %dma_start3A_34 = tpu.memref_slice %arg3[%add3A_26] : memref<8192xi32, #tpu.memory_space<hbm>> -> memref<64xi32, #tpu.memory_space<hbm>>
      tpu.enqueue_dma source(%dma_start3A_34 : memref<64xi32, #tpu.memory_space<hbm>>) target(%arg5 : memref<64xi32, #tpu.memory_space<vmem>>) target_semaphore(%run_scoped3A : memref<!tpu.dma_semaphore, #tpu.memory_space<semaphore_mem>>)
      %dma_wait3A_35 = tpu.memref_slice %arg3[%add3A_26] : memref<8192xi32, #tpu.memory_space<hbm>> -> memref<64xi32, #tpu.memory_space<hbm>>
      %dma_wait3A_36 = tpu.memref_slice %arg3[%add3A_26] : memref<8192xi32, #tpu.memory_space<hbm>> -> memref<64xi32, #tpu.memory_space<hbm>>
      tpu.wait_dma2 semaphore(%run_scoped3A : memref<!tpu.dma_semaphore, #tpu.memory_space<semaphore_mem>>) src(%dma_wait3A_36 : memref<64xi32, #tpu.memory_space<hbm>>) dst(%arg5 : memref<64xi32, #tpu.memory_space<vmem>>)
      tpu.yield
    }) : () -> ()
    %dma_start3A_27 = arith.constant 0 : i32
    %dma_start3A_28 = arith.constant 0 : i32
    %dma_start3A_29 = tpu.memref_slice %arg2[%dma_start3A_27, %dma_start3A_28] : memref<8192x512xf32, #tpu.memory_space<hbm>> -> memref<8192x512xf32, #tpu.memory_space<hbm>>
    tpu.enqueue_indirect_dma source(%dma_start3A_29 : memref<8192x512xf32, #tpu.memory_space<hbm>>) target(%arg6 : memref<64x512xf32, #tpu.memory_space<vmem>>) offsets(%arg5 : memref<64xi32, #tpu.memory_space<vmem>>) semaphore(%arg7 : memref<!tpu.dma_semaphore, #tpu.memory_space<semaphore_mem>>)
    %dma_wait3A_30 = arith.constant 0 : i32
    %dma_wait3A_31 = arith.constant 0 : i32
    %dma_wait3A_32 = tpu.memref_slice %arg2[%dma_wait3A_30, %dma_wait3A_31] : memref<8192x512xf32, #tpu.memory_space<hbm>> -> memref<8192x512xf32, #tpu.memory_space<hbm>>
    tpu.wait_indirect_dma semaphore(%arg7 : memref<!tpu.dma_semaphore, #tpu.memory_space<semaphore_mem>>) src(%dma_wait3A_32 : memref<8192x512xf32, #tpu.memory_space<hbm>>) dst(%arg6 : memref<64x512xf32, #tpu.memory_space<vmem>>)
    "tpu.region"() ({
      %run_scoped3A = tpu.sem_alloc : memref<!tpu.dma_semaphore, #tpu.memory_space<semaphore_mem>>
      %dma_start3A_33 = arith.constant 0 : i32
      %dma_start3A_34 = tpu.memref_slice %arg4[%add3A_26, %dma_start3A_33] : memref<8192x512xf32, #tpu.memory_space<hbm>> -> memref<64x512xf32, #tpu.memory_space<hbm>>
      %dma_start3A_35 = arith.constant 0 : i32
      %dma_start3A_36 = tpu.memref_slice %arg4[%add3A_26, %dma_start3A_35] : memref<8192x512xf32, #tpu.memory_space<hbm>> -> memref<64x512xf32, #tpu.memory_space<hbm>>
      tpu.enqueue_dma source(%arg6 : memref<64x512xf32, #tpu.memory_space<vmem>>) target(%dma_start3A_36 : memref<64x512xf32, #tpu.memory_space<hbm>>) target_semaphore(%run_scoped3A : memref<!tpu.dma_semaphore, #tpu.memory_space<semaphore_mem>>)
      %dma_wait3A_37 = arith.constant 0 : i32
      %dma_wait3A_38 = tpu.memref_slice %arg4[%add3A_26, %dma_wait3A_37] : memref<8192x512xf32, #tpu.memory_space<hbm>> -> memref<64x512xf32, #tpu.memory_space<hbm>>
      %dma_wait3A_39 = arith.constant 0 : i32
      %dma_wait3A_40 = tpu.memref_slice %arg4[%add3A_26, %dma_wait3A_39] : memref<8192x512xf32, #tpu.memory_space<hbm>> -> memref<64x512xf32, #tpu.memory_space<hbm>>
      tpu.wait_dma2 semaphore(%run_scoped3A : memref<!tpu.dma_semaphore, #tpu.memory_space<semaphore_mem>>) src(%arg6 : memref<64x512xf32, #tpu.memory_space<vmem>>) dst(%dma_wait3A_40 : memref<64x512xf32, #tpu.memory_space<hbm>>)
      tpu.yield
    }) : () -> ()
    return
  }
}

#map = affine_map<(d0, d1) -> (0, 0)>
#map1 = affine_map<(d0, d1) -> (0)>
module attributes {stable_mosaic.version = 14 : i64} {
  func.func @k(%arg0: i32, %arg1: i32, %arg2: memref<4096x512xf32, #tpu.memory_space<hbm>>, %arg3: memref<8192xi32, #tpu.memory_space<hbm>>, %arg4: memref<8192x512xf32, #tpu.memory_space<hbm>>, %arg5: memref<64xi32, #tpu.memory_space<vmem>>, %arg6: memref<64x512xf32, #tpu.memory_space<vmem>>, %arg7: memref<!tpu.dma_semaphore, #tpu.memory_space<semaphore_mem>>) attributes {dimension_semantics = [#tpu.dimension_semantics<core_parallel>, #tpu.dimension_semantics<subcore_parallel>], iteration_bounds = array<i64: 2, 16>, scalar_prefetch = 0 : i64, scratch_operands = 3 : i64, tpu.core_type = #tpu.core_type<sc_vector_subcore>, window_params = [{transform_indices = #map}, {transform_indices = #map1}, {transform_indices = #map}]} {
    %mul3A = arith.constant 2 : i32
    %mul3A_0 = arith.muli %arg1, %mul3A : i32
    %add3A = arith.addi %mul3A_0, %arg0 : i32
    %mul3A_1 = arith.constant 256 : i32
    %mul3A_2 = arith.muli %add3A, %mul3A_1 : i32
    %add3A_3 = arith.constant 0 : i32
    %add3A_4 = arith.addi %mul3A_2, %add3A_3 : i32
    "tpu.region"() ({
      %run_scoped3A = tpu.sem_alloc : memref<!tpu.dma_semaphore, #tpu.memory_space<semaphore_mem>>
      %dma_start3A_33 = tpu.memref_slice %arg3[%add3A_4] : memref<8192xi32, #tpu.memory_space<hbm>> -> memref<64xi32, #tpu.memory_space<hbm>>
      %dma_start3A_34 = tpu.memref_slice %arg3[%add3A_4] : memref<8192xi32, #tpu.memory_space<hbm>> -> memref<64xi32, #tpu.memory_space<hbm>>
      tpu.enqueue_dma source(%dma_start3A_34 : memref<64xi32, #tpu.memory_space<hbm>>) target(%arg5 : memref<64xi32, #tpu.memory_space<vmem>>) target_semaphore(%run_scoped3A : memref<!tpu.dma_semaphore, #tpu.memory_space<semaphore_mem>>)
      %dma_wait3A_35 = tpu.memref_slice %arg3[%add3A_4] : memref<8192xi32, #tpu.memory_space<hbm>> -> memref<64xi32, #tpu.memory_space<hbm>>
      %dma_wait3A_36 = tpu.memref_slice %arg3[%add3A_4] : memref<8192xi32, #tpu.memory_space<hbm>> -> memref<64xi32, #tpu.memory_space<hbm>>
      tpu.wait_dma2 semaphore(%run_scoped3A : memref<!tpu.dma_semaphore, #tpu.memory_space<semaphore_mem>>) src(%dma_wait3A_36 : memref<64xi32, #tpu.memory_space<hbm>>) dst(%arg5 : memref<64xi32, #tpu.memory_space<vmem>>)
      tpu.yield
    }) : () -> ()
    %dma_start3A = arith.constant 0 : i32
    %dma_start3A_5 = arith.constant 0 : i32
    %dma_start3A_6 = tpu.memref_slice %arg2[%dma_start3A, %dma_start3A_5] : memref<4096x512xf32, #tpu.memory_space<hbm>> -> memref<4096x512xf32, #tpu.memory_space<hbm>>
    tpu.enqueue_indirect_dma source(%dma_start3A_6 : memref<4096x512xf32, #tpu.memory_space<hbm>>) target(%arg6 : memref<64x512xf32, #tpu.memory_space<vmem>>) offsets(%arg5 : memref<64xi32, #tpu.memory_space<vmem>>) semaphore(%arg7 : memref<!tpu.dma_semaphore, #tpu.memory_space<semaphore_mem>>)
    %dma_wait3A = arith.constant 0 : i32
    %dma_wait3A_7 = arith.constant 0 : i32
    %dma_wait3A_8 = tpu.memref_slice %arg2[%dma_wait3A, %dma_wait3A_7] : memref<4096x512xf32, #tpu.memory_space<hbm>> -> memref<4096x512xf32, #tpu.memory_space<hbm>>
    tpu.wait_indirect_dma semaphore(%arg7 : memref<!tpu.dma_semaphore, #tpu.memory_space<semaphore_mem>>) src(%dma_wait3A_8 : memref<4096x512xf32, #tpu.memory_space<hbm>>) dst(%arg6 : memref<64x512xf32, #tpu.memory_space<vmem>>)
    "tpu.region"() ({
      %run_scoped3A = tpu.sem_alloc : memref<!tpu.dma_semaphore, #tpu.memory_space<semaphore_mem>>
      %dma_start3A_33 = arith.constant 0 : i32
      %dma_start3A_34 = tpu.memref_slice %arg4[%add3A_4, %dma_start3A_33] : memref<8192x512xf32, #tpu.memory_space<hbm>> -> memref<64x512xf32, #tpu.memory_space<hbm>>
      %dma_start3A_35 = arith.constant 0 : i32
      %dma_start3A_36 = tpu.memref_slice %arg4[%add3A_4, %dma_start3A_35] : memref<8192x512xf32, #tpu.memory_space<hbm>> -> memref<64x512xf32, #tpu.memory_space<hbm>>
      tpu.enqueue_dma source(%arg6 : memref<64x512xf32, #tpu.memory_space<vmem>>) target(%dma_start3A_36 : memref<64x512xf32, #tpu.memory_space<hbm>>) target_semaphore(%run_scoped3A : memref<!tpu.dma_semaphore, #tpu.memory_space<semaphore_mem>>)
      %dma_wait3A_37 = arith.constant 0 : i32
      %dma_wait3A_38 = tpu.memref_slice %arg4[%add3A_4, %dma_wait3A_37] : memref<8192x512xf32, #tpu.memory_space<hbm>> -> memref<64x512xf32, #tpu.memory_space<hbm>>
      %dma_wait3A_39 = arith.constant 0 : i32
      %dma_wait3A_40 = tpu.memref_slice %arg4[%add3A_4, %dma_wait3A_39] : memref<8192x512xf32, #tpu.memory_space<hbm>> -> memref<64x512xf32, #tpu.memory_space<hbm>>
      tpu.wait_dma2 semaphore(%run_scoped3A : memref<!tpu.dma_semaphore, #tpu.memory_space<semaphore_mem>>) src(%arg6 : memref<64x512xf32, #tpu.memory_space<vmem>>) dst(%dma_wait3A_40 : memref<64x512xf32, #tpu.memory_space<hbm>>)
      tpu.yield
    }) : () -> ()
    %add3A_9 = arith.constant 64 : i32
    %add3A_10 = arith.addi %mul3A_2, %add3A_9 : i32
    "tpu.region"() ({
      %run_scoped3A = tpu.sem_alloc : memref<!tpu.dma_semaphore, #tpu.memory_space<semaphore_mem>>
      %dma_start3A_33 = tpu.memref_slice %arg3[%add3A_10] : memref<8192xi32, #tpu.memory_space<hbm>> -> memref<64xi32, #tpu.memory_space<hbm>>
      %dma_start3A_34 = tpu.memref_slice %arg3[%add3A_10] : memref<8192xi32, #tpu.memory_space<hbm>> -> memref<64xi32, #tpu.memory_space<hbm>>
      tpu.enqueue_dma source(%dma_start3A_34 : memref<64xi32, #tpu.memory_space<hbm>>) target(%arg5 : memref<64xi32, #tpu.memory_space<vmem>>) target_semaphore(%run_scoped3A : memref<!tpu.dma_semaphore, #tpu.memory_space<semaphore_mem>>)
      %dma_wait3A_35 = tpu.memref_slice %arg3[%add3A_10] : memref<8192xi32, #tpu.memory_space<hbm>> -> memref<64xi32, #tpu.memory_space<hbm>>
      %dma_wait3A_36 = tpu.memref_slice %arg3[%add3A_10] : memref<8192xi32, #tpu.memory_space<hbm>> -> memref<64xi32, #tpu.memory_space<hbm>>
      tpu.wait_dma2 semaphore(%run_scoped3A : memref<!tpu.dma_semaphore, #tpu.memory_space<semaphore_mem>>) src(%dma_wait3A_36 : memref<64xi32, #tpu.memory_space<hbm>>) dst(%arg5 : memref<64xi32, #tpu.memory_space<vmem>>)
      tpu.yield
    }) : () -> ()
    %dma_start3A_11 = arith.constant 0 : i32
    %dma_start3A_12 = arith.constant 0 : i32
    %dma_start3A_13 = tpu.memref_slice %arg2[%dma_start3A_11, %dma_start3A_12] : memref<4096x512xf32, #tpu.memory_space<hbm>> -> memref<4096x512xf32, #tpu.memory_space<hbm>>
    tpu.enqueue_indirect_dma source(%dma_start3A_13 : memref<4096x512xf32, #tpu.memory_space<hbm>>) target(%arg6 : memref<64x512xf32, #tpu.memory_space<vmem>>) offsets(%arg5 : memref<64xi32, #tpu.memory_space<vmem>>) semaphore(%arg7 : memref<!tpu.dma_semaphore, #tpu.memory_space<semaphore_mem>>)
    %dma_wait3A_14 = arith.constant 0 : i32
    %dma_wait3A_15 = arith.constant 0 : i32
    %dma_wait3A_16 = tpu.memref_slice %arg2[%dma_wait3A_14, %dma_wait3A_15] : memref<4096x512xf32, #tpu.memory_space<hbm>> -> memref<4096x512xf32, #tpu.memory_space<hbm>>
    tpu.wait_indirect_dma semaphore(%arg7 : memref<!tpu.dma_semaphore, #tpu.memory_space<semaphore_mem>>) src(%dma_wait3A_16 : memref<4096x512xf32, #tpu.memory_space<hbm>>) dst(%arg6 : memref<64x512xf32, #tpu.memory_space<vmem>>)
    "tpu.region"() ({
      %run_scoped3A = tpu.sem_alloc : memref<!tpu.dma_semaphore, #tpu.memory_space<semaphore_mem>>
      %dma_start3A_33 = arith.constant 0 : i32
      %dma_start3A_34 = tpu.memref_slice %arg4[%add3A_10, %dma_start3A_33] : memref<8192x512xf32, #tpu.memory_space<hbm>> -> memref<64x512xf32, #tpu.memory_space<hbm>>
      %dma_start3A_35 = arith.constant 0 : i32
      %dma_start3A_36 = tpu.memref_slice %arg4[%add3A_10, %dma_start3A_35] : memref<8192x512xf32, #tpu.memory_space<hbm>> -> memref<64x512xf32, #tpu.memory_space<hbm>>
      tpu.enqueue_dma source(%arg6 : memref<64x512xf32, #tpu.memory_space<vmem>>) target(%dma_start3A_36 : memref<64x512xf32, #tpu.memory_space<hbm>>) target_semaphore(%run_scoped3A : memref<!tpu.dma_semaphore, #tpu.memory_space<semaphore_mem>>)
      %dma_wait3A_37 = arith.constant 0 : i32
      %dma_wait3A_38 = tpu.memref_slice %arg4[%add3A_10, %dma_wait3A_37] : memref<8192x512xf32, #tpu.memory_space<hbm>> -> memref<64x512xf32, #tpu.memory_space<hbm>>
      %dma_wait3A_39 = arith.constant 0 : i32
      %dma_wait3A_40 = tpu.memref_slice %arg4[%add3A_10, %dma_wait3A_39] : memref<8192x512xf32, #tpu.memory_space<hbm>> -> memref<64x512xf32, #tpu.memory_space<hbm>>
      tpu.wait_dma2 semaphore(%run_scoped3A : memref<!tpu.dma_semaphore, #tpu.memory_space<semaphore_mem>>) src(%arg6 : memref<64x512xf32, #tpu.memory_space<vmem>>) dst(%dma_wait3A_40 : memref<64x512xf32, #tpu.memory_space<hbm>>)
      tpu.yield
    }) : () -> ()
    %add3A_17 = arith.constant 128 : i32
    %add3A_18 = arith.addi %mul3A_2, %add3A_17 : i32
    "tpu.region"() ({
      %run_scoped3A = tpu.sem_alloc : memref<!tpu.dma_semaphore, #tpu.memory_space<semaphore_mem>>
      %dma_start3A_33 = tpu.memref_slice %arg3[%add3A_18] : memref<8192xi32, #tpu.memory_space<hbm>> -> memref<64xi32, #tpu.memory_space<hbm>>
      %dma_start3A_34 = tpu.memref_slice %arg3[%add3A_18] : memref<8192xi32, #tpu.memory_space<hbm>> -> memref<64xi32, #tpu.memory_space<hbm>>
      tpu.enqueue_dma source(%dma_start3A_34 : memref<64xi32, #tpu.memory_space<hbm>>) target(%arg5 : memref<64xi32, #tpu.memory_space<vmem>>) target_semaphore(%run_scoped3A : memref<!tpu.dma_semaphore, #tpu.memory_space<semaphore_mem>>)
      %dma_wait3A_35 = tpu.memref_slice %arg3[%add3A_18] : memref<8192xi32, #tpu.memory_space<hbm>> -> memref<64xi32, #tpu.memory_space<hbm>>
      %dma_wait3A_36 = tpu.memref_slice %arg3[%add3A_18] : memref<8192xi32, #tpu.memory_space<hbm>> -> memref<64xi32, #tpu.memory_space<hbm>>
      tpu.wait_dma2 semaphore(%run_scoped3A : memref<!tpu.dma_semaphore, #tpu.memory_space<semaphore_mem>>) src(%dma_wait3A_36 : memref<64xi32, #tpu.memory_space<hbm>>) dst(%arg5 : memref<64xi32, #tpu.memory_space<vmem>>)
      tpu.yield
    }) : () -> ()
    %dma_start3A_19 = arith.constant 0 : i32
    %dma_start3A_20 = arith.constant 0 : i32
    %dma_start3A_21 = tpu.memref_slice %arg2[%dma_start3A_19, %dma_start3A_20] : memref<4096x512xf32, #tpu.memory_space<hbm>> -> memref<4096x512xf32, #tpu.memory_space<hbm>>
    tpu.enqueue_indirect_dma source(%dma_start3A_21 : memref<4096x512xf32, #tpu.memory_space<hbm>>) target(%arg6 : memref<64x512xf32, #tpu.memory_space<vmem>>) offsets(%arg5 : memref<64xi32, #tpu.memory_space<vmem>>) semaphore(%arg7 : memref<!tpu.dma_semaphore, #tpu.memory_space<semaphore_mem>>)
    %dma_wait3A_22 = arith.constant 0 : i32
    %dma_wait3A_23 = arith.constant 0 : i32
    %dma_wait3A_24 = tpu.memref_slice %arg2[%dma_wait3A_22, %dma_wait3A_23] : memref<4096x512xf32, #tpu.memory_space<hbm>> -> memref<4096x512xf32, #tpu.memory_space<hbm>>
    tpu.wait_indirect_dma semaphore(%arg7 : memref<!tpu.dma_semaphore, #tpu.memory_space<semaphore_mem>>) src(%dma_wait3A_24 : memref<4096x512xf32, #tpu.memory_space<hbm>>) dst(%arg6 : memref<64x512xf32, #tpu.memory_space<vmem>>)
    "tpu.region"() ({
      %run_scoped3A = tpu.sem_alloc : memref<!tpu.dma_semaphore, #tpu.memory_space<semaphore_mem>>
      %dma_start3A_33 = arith.constant 0 : i32
      %dma_start3A_34 = tpu.memref_slice %arg4[%add3A_18, %dma_start3A_33] : memref<8192x512xf32, #tpu.memory_space<hbm>> -> memref<64x512xf32, #tpu.memory_space<hbm>>
      %dma_start3A_35 = arith.constant 0 : i32
      %dma_start3A_36 = tpu.memref_slice %arg4[%add3A_18, %dma_start3A_35] : memref<8192x512xf32, #tpu.memory_space<hbm>> -> memref<64x512xf32, #tpu.memory_space<hbm>>
      tpu.enqueue_dma source(%arg6 : memref<64x512xf32, #tpu.memory_space<vmem>>) target(%dma_start3A_36 : memref<64x512xf32, #tpu.memory_space<hbm>>) target_semaphore(%run_scoped3A : memref<!tpu.dma_semaphore, #tpu.memory_space<semaphore_mem>>)
      %dma_wait3A_37 = arith.constant 0 : i32
      %dma_wait3A_38 = tpu.memref_slice %arg4[%add3A_18, %dma_wait3A_37] : memref<8192x512xf32, #tpu.memory_space<hbm>> -> memref<64x512xf32, #tpu.memory_space<hbm>>
      %dma_wait3A_39 = arith.constant 0 : i32
      %dma_wait3A_40 = tpu.memref_slice %arg4[%add3A_18, %dma_wait3A_39] : memref<8192x512xf32, #tpu.memory_space<hbm>> -> memref<64x512xf32, #tpu.memory_space<hbm>>
      tpu.wait_dma2 semaphore(%run_scoped3A : memref<!tpu.dma_semaphore, #tpu.memory_space<semaphore_mem>>) src(%arg6 : memref<64x512xf32, #tpu.memory_space<vmem>>) dst(%dma_wait3A_40 : memref<64x512xf32, #tpu.memory_space<hbm>>)
      tpu.yield
    }) : () -> ()
    %add3A_25 = arith.constant 192 : i32
    %add3A_26 = arith.addi %mul3A_2, %add3A_25 : i32
    "tpu.region"() ({
      %run_scoped3A = tpu.sem_alloc : memref<!tpu.dma_semaphore, #tpu.memory_space<semaphore_mem>>
      %dma_start3A_33 = tpu.memref_slice %arg3[%add3A_26] : memref<8192xi32, #tpu.memory_space<hbm>> -> memref<64xi32, #tpu.memory_space<hbm>>
      %dma_start3A_34 = tpu.memref_slice %arg3[%add3A_26] : memref<8192xi32, #tpu.memory_space<hbm>> -> memref<64xi32, #tpu.memory_space<hbm>>
      tpu.enqueue_dma source(%dma_start3A_34 : memref<64xi32, #tpu.memory_space<hbm>>) target(%arg5 : memref<64xi32, #tpu.memory_space<vmem>>) target_semaphore(%run_scoped3A : memref<!tpu.dma_semaphore, #tpu.memory_space<semaphore_mem>>)
      %dma_wait3A_35 = tpu.memref_slice %arg3[%add3A_26] : memref<8192xi32, #tpu.memory_space<hbm>> -> memref<64xi32, #tpu.memory_space<hbm>>
      %dma_wait3A_36 = tpu.memref_slice %arg3[%add3A_26] : memref<8192xi32, #tpu.memory_space<hbm>> -> memref<64xi32, #tpu.memory_space<hbm>>
      tpu.wait_dma2 semaphore(%run_scoped3A : memref<!tpu.dma_semaphore, #tpu.memory_space<semaphore_mem>>) src(%dma_wait3A_36 : memref<64xi32, #tpu.memory_space<hbm>>) dst(%arg5 : memref<64xi32, #tpu.memory_space<vmem>>)
      tpu.yield
    }) : () -> ()
    %dma_start3A_27 = arith.constant 0 : i32
    %dma_start3A_28 = arith.constant 0 : i32
    %dma_start3A_29 = tpu.memref_slice %arg2[%dma_start3A_27, %dma_start3A_28] : memref<4096x512xf32, #tpu.memory_space<hbm>> -> memref<4096x512xf32, #tpu.memory_space<hbm>>
    tpu.enqueue_indirect_dma source(%dma_start3A_29 : memref<4096x512xf32, #tpu.memory_space<hbm>>) target(%arg6 : memref<64x512xf32, #tpu.memory_space<vmem>>) offsets(%arg5 : memref<64xi32, #tpu.memory_space<vmem>>) semaphore(%arg7 : memref<!tpu.dma_semaphore, #tpu.memory_space<semaphore_mem>>)
    %dma_wait3A_30 = arith.constant 0 : i32
    %dma_wait3A_31 = arith.constant 0 : i32
    %dma_wait3A_32 = tpu.memref_slice %arg2[%dma_wait3A_30, %dma_wait3A_31] : memref<4096x512xf32, #tpu.memory_space<hbm>> -> memref<4096x512xf32, #tpu.memory_space<hbm>>
    tpu.wait_indirect_dma semaphore(%arg7 : memref<!tpu.dma_semaphore, #tpu.memory_space<semaphore_mem>>) src(%dma_wait3A_32 : memref<4096x512xf32, #tpu.memory_space<hbm>>) dst(%arg6 : memref<64x512xf32, #tpu.memory_space<vmem>>)
    "tpu.region"() ({
      %run_scoped3A = tpu.sem_alloc : memref<!tpu.dma_semaphore, #tpu.memory_space<semaphore_mem>>
      %dma_start3A_33 = arith.constant 0 : i32
      %dma_start3A_34 = tpu.memref_slice %arg4[%add3A_26, %dma_start3A_33] : memref<8192x512xf32, #tpu.memory_space<hbm>> -> memref<64x512xf32, #tpu.memory_space<hbm>>
      %dma_start3A_35 = arith.constant 0 : i32
      %dma_start3A_36 = tpu.memref_slice %arg4[%add3A_26, %dma_start3A_35] : memref<8192x512xf32, #tpu.memory_space<hbm>> -> memref<64x512xf32, #tpu.memory_space<hbm>>
      tpu.enqueue_dma source(%arg6 : memref<64x512xf32, #tpu.memory_space<vmem>>) target(%dma_start3A_36 : memref<64x512xf32, #tpu.memory_space<hbm>>) target_semaphore(%run_scoped3A : memref<!tpu.dma_semaphore, #tpu.memory_space<semaphore_mem>>)
      %dma_wait3A_37 = arith.constant 0 : i32
      %dma_wait3A_38 = tpu.memref_slice %arg4[%add3A_26, %dma_wait3A_37] : memref<8192x512xf32, #tpu.memory_space<hbm>> -> memref<64x512xf32, #tpu.memory_space<hbm>>
      %dma_wait3A_39 = arith.constant 0 : i32
      %dma_wait3A_40 = tpu.memref_slice %arg4[%add3A_26, %dma_wait3A_39] : memref<8192x512xf32, #tpu.memory_space<hbm>> -> memref<64x512xf32, #tpu.memory_space<hbm>>
      tpu.wait_dma2 semaphore(%run_scoped3A : memref<!tpu.dma_semaphore, #tpu.memory_space<semaphore_mem>>) src(%arg6 : memref<64x512xf32, #tpu.memory_space<vmem>>) dst(%dma_wait3A_40 : memref<64x512xf32, #tpu.memory_space<hbm>>)
      tpu.yield
    }) : () -> ()
    return
  }
}

#map = affine_map<(d0, d1) -> (0, 0)>
#map1 = affine_map<(d0, d1) -> (0)>
module attributes {stable_mosaic.version = 14 : i64} {
  func.func @k(%arg0: i32, %arg1: i32, %arg2: memref<32000x512xf32, #tpu.memory_space<hbm>>, %arg3: memref<2048xi32, #tpu.memory_space<hbm>>, %arg4: memref<2048x512xf32, #tpu.memory_space<hbm>>, %arg5: memref<64xi32, #tpu.memory_space<vmem>>, %arg6: memref<64x512xf32, #tpu.memory_space<vmem>>, %arg7: memref<!tpu.dma_semaphore, #tpu.memory_space<semaphore_mem>>) attributes {dimension_semantics = [#tpu.dimension_semantics<core_parallel>, #tpu.dimension_semantics<subcore_parallel>], iteration_bounds = array<i64: 2, 16>, scalar_prefetch = 0 : i64, scratch_operands = 3 : i64, tpu.core_type = #tpu.core_type<sc_vector_subcore>, window_params = [{transform_indices = #map}, {transform_indices = #map1}, {transform_indices = #map}]} {
    %mul3A = arith.constant 2 : i32
    %mul3A_0 = arith.muli %arg1, %mul3A : i32
    %add3A = arith.addi %mul3A_0, %arg0 : i32
    %mul3A_1 = arith.constant 64 : i32
    %mul3A_2 = arith.muli %add3A, %mul3A_1 : i32
    %add3A_3 = arith.constant 0 : i32
    %add3A_4 = arith.addi %mul3A_2, %add3A_3 : i32
    "tpu.region"() ({
      %run_scoped3A = tpu.sem_alloc : memref<!tpu.dma_semaphore, #tpu.memory_space<semaphore_mem>>
      %dma_start3A_9 = tpu.memref_slice %arg3[%add3A_4] : memref<2048xi32, #tpu.memory_space<hbm>> -> memref<64xi32, #tpu.memory_space<hbm>>
      %dma_start3A_10 = tpu.memref_slice %arg3[%add3A_4] : memref<2048xi32, #tpu.memory_space<hbm>> -> memref<64xi32, #tpu.memory_space<hbm>>
      tpu.enqueue_dma source(%dma_start3A_10 : memref<64xi32, #tpu.memory_space<hbm>>) target(%arg5 : memref<64xi32, #tpu.memory_space<vmem>>) target_semaphore(%run_scoped3A : memref<!tpu.dma_semaphore, #tpu.memory_space<semaphore_mem>>)
      %dma_wait3A_11 = tpu.memref_slice %arg3[%add3A_4] : memref<2048xi32, #tpu.memory_space<hbm>> -> memref<64xi32, #tpu.memory_space<hbm>>
      %dma_wait3A_12 = tpu.memref_slice %arg3[%add3A_4] : memref<2048xi32, #tpu.memory_space<hbm>> -> memref<64xi32, #tpu.memory_space<hbm>>
      tpu.wait_dma2 semaphore(%run_scoped3A : memref<!tpu.dma_semaphore, #tpu.memory_space<semaphore_mem>>) src(%dma_wait3A_12 : memref<64xi32, #tpu.memory_space<hbm>>) dst(%arg5 : memref<64xi32, #tpu.memory_space<vmem>>)
      tpu.yield
    }) : () -> ()
    %dma_start3A = arith.constant 0 : i32
    %dma_start3A_5 = arith.constant 0 : i32
    %dma_start3A_6 = tpu.memref_slice %arg2[%dma_start3A, %dma_start3A_5] : memref<32000x512xf32, #tpu.memory_space<hbm>> -> memref<32000x512xf32, #tpu.memory_space<hbm>>
    tpu.enqueue_indirect_dma source(%dma_start3A_6 : memref<32000x512xf32, #tpu.memory_space<hbm>>) target(%arg6 : memref<64x512xf32, #tpu.memory_space<vmem>>) offsets(%arg5 : memref<64xi32, #tpu.memory_space<vmem>>) semaphore(%arg7 : memref<!tpu.dma_semaphore, #tpu.memory_space<semaphore_mem>>)
    %dma_wait3A = arith.constant 0 : i32
    %dma_wait3A_7 = arith.constant 0 : i32
    %dma_wait3A_8 = tpu.memref_slice %arg2[%dma_wait3A, %dma_wait3A_7] : memref<32000x512xf32, #tpu.memory_space<hbm>> -> memref<32000x512xf32, #tpu.memory_space<hbm>>
    tpu.wait_indirect_dma semaphore(%arg7 : memref<!tpu.dma_semaphore, #tpu.memory_space<semaphore_mem>>) src(%dma_wait3A_8 : memref<32000x512xf32, #tpu.memory_space<hbm>>) dst(%arg6 : memref<64x512xf32, #tpu.memory_space<vmem>>)
    "tpu.region"() ({
      %run_scoped3A = tpu.sem_alloc : memref<!tpu.dma_semaphore, #tpu.memory_space<semaphore_mem>>
      %dma_start3A_9 = arith.constant 0 : i32
      %dma_start3A_10 = tpu.memref_slice %arg4[%add3A_4, %dma_start3A_9] : memref<2048x512xf32, #tpu.memory_space<hbm>> -> memref<64x512xf32, #tpu.memory_space<hbm>>
      %dma_start3A_11 = arith.constant 0 : i32
      %dma_start3A_12 = tpu.memref_slice %arg4[%add3A_4, %dma_start3A_11] : memref<2048x512xf32, #tpu.memory_space<hbm>> -> memref<64x512xf32, #tpu.memory_space<hbm>>
      tpu.enqueue_dma source(%arg6 : memref<64x512xf32, #tpu.memory_space<vmem>>) target(%dma_start3A_12 : memref<64x512xf32, #tpu.memory_space<hbm>>) target_semaphore(%run_scoped3A : memref<!tpu.dma_semaphore, #tpu.memory_space<semaphore_mem>>)
      %dma_wait3A_13 = arith.constant 0 : i32
      %dma_wait3A_14 = tpu.memref_slice %arg4[%add3A_4, %dma_wait3A_13] : memref<2048x512xf32, #tpu.memory_space<hbm>> -> memref<64x512xf32, #tpu.memory_space<hbm>>
      %dma_wait3A_15 = arith.constant 0 : i32
      %dma_wait3A_16 = tpu.memref_slice %arg4[%add3A_4, %dma_wait3A_15] : memref<2048x512xf32, #tpu.memory_space<hbm>> -> memref<64x512xf32, #tpu.memory_space<hbm>>
      tpu.wait_dma2 semaphore(%run_scoped3A : memref<!tpu.dma_semaphore, #tpu.memory_space<semaphore_mem>>) src(%arg6 : memref<64x512xf32, #tpu.memory_space<vmem>>) dst(%dma_wait3A_16 : memref<64x512xf32, #tpu.memory_space<hbm>>)
      tpu.yield
    }) : () -> ()
    return
  }
}

module attributes {stable_mosaic.version = 14 : i64} {
  func.func @_layers_body(%arg0: i32, %arg1: i32, %arg2: memref<1024x512xf32, #tpu.memory_space<vmem>>, %arg3: memref<1024x512xf32, #tpu.memory_space<vmem>>, %arg4: memref<1x1x512xf32, #tpu.memory_space<vmem>>, %arg5: memref<1x1x512xf32, #tpu.memory_space<vmem>>, %arg6: memref<1x512x1536xbf16, #tpu.memory_space<vmem>>, %arg7: memref<1x1x1536xf32, #tpu.memory_space<vmem>>, %arg8: memref<1x512x512xbf16, #tpu.memory_space<vmem>>, %arg9: memref<1x1x512xf32, #tpu.memory_space<vmem>>, %arg10: memref<1x1x512xf32, #tpu.memory_space<vmem>>, %arg11: memref<1x1x512xf32, #tpu.memory_space<vmem>>, %arg12: memref<1x512x2048xbf16, #tpu.memory_space<vmem>>, %arg13: memref<1x1x2048xf32, #tpu.memory_space<vmem>>, %arg14: memref<1x2048x512xbf16, #tpu.memory_space<vmem>>, %arg15: memref<1x1x512xf32, #tpu.memory_space<vmem>>, %arg16: memref<512x512xf32, #tpu.memory_space<vmem>>, %arg17: memref<1x512xf32, #tpu.memory_space<vmem>>, %arg18: memref<1024x512xf32, #tpu.memory_space<vmem>>, %arg19: memref<1024x512xf32, #tpu.memory_space<vmem>>, %arg20: memref<2048x512xf32, #tpu.memory_space<vmem>>) attributes {dimension_semantics = [#tpu.dimension_semantics<arbitrary>, #tpu.dimension_semantics<arbitrary>], iteration_bounds = array<i64: 4, 2>, scalar_prefetch = 0 : i64, scratch_operands = 1 : i64, tpu.core_type = #tpu.core_type<tc>, window_params = [{transform_indices = @transform_0, window_bounds = array<i64: 1024, 512>}, {pipeline_mode = #tpu.pipeline_mode<synchronous>, transform_indices = @transform_1, window_bounds = array<i64: 1024, 512>}, {transform_indices = @transform_2, window_bounds = array<i64: 1, 1, 512>}, {transform_indices = @transform_3, window_bounds = array<i64: 1, 1, 512>}, {transform_indices = @transform_4, window_bounds = array<i64: 1, 512, 1536>}, {transform_indices = @transform_5, window_bounds = array<i64: 1, 1, 1536>}, {transform_indices = @transform_6, window_bounds = array<i64: 1, 512, 512>}, {transform_indices = @transform_7, window_bounds = array<i64: 1, 1, 512>}, {transform_indices = @transform_8, window_bounds = array<i64: 1, 1, 512>}, {transform_indices = @transform_9, window_bounds = array<i64: 1, 1, 512>}, {transform_indices = @transform_10, window_bounds = array<i64: 1, 512, 2048>}, {transform_indices = @transform_11, window_bounds = array<i64: 1, 1, 2048>}, {transform_indices = @transform_12, window_bounds = array<i64: 1, 2048, 512>}, {transform_indices = @transform_13, window_bounds = array<i64: 1, 1, 512>}, {pipeline_mode = #tpu.pipeline_mode<synchronous>, transform_indices = @transform_14, window_bounds = array<i64: 512, 512>}, {pipeline_mode = #tpu.pipeline_mode<synchronous>, transform_indices = @transform_15, window_bounds = array<i64: 1, 512>}, {transform_indices = @transform_16, window_bounds = array<i64: 1024, 512>}, {transform_indices = @transform_17, window_bounds = array<i64: 1024, 512>}]} {
    %mul3A = arith.constant 1024 : i32
    %mul3A_0 = arith.muli %arg1, %mul3A : i32
    %eq3A = arith.constant 0 : i32
    %eq3A_1 = arith.cmpi eq, %arg0, %eq3A : i32
    %convert_element_type3A = arith.extui %eq3A_1 : i1 to i32
    %cond3A = arith.constant 0 : i32
    %cond3A_2 = arith.cmpi ne, %convert_element_type3A, %cond3A : i32
    scf.if %cond3A_2 {
      %get3A_376 = arith.constant 0 : index
      %get3A_377 = arith.constant 0 : index
      %get3A_378 = vector.load %arg2[%get3A_376, %get3A_377] : memref<1024x512xf32, #tpu.memory_space<vmem>>, vector<1024x512xf32>
      %get3A_379 = arith.constant 0 : index
      %get3A_380 = arith.constant 0 : index
      %get3A_381 = vector.load %arg3[%get3A_379, %get3A_380] : memref<1024x512xf32, #tpu.memory_space<vmem>>, vector<1024x512xf32>
      %add3A_382 = arith.addf %get3A_378, %get3A_381 : vector<1024x512xf32>
      %swap3A_383 = arith.index_cast %mul3A_0 : i32 to index
      %swap3A_384 = arith.constant 0 : index
      %swap3A_385 = vector.load %arg20[%swap3A_383, %swap3A_384] : memref<2048x512xf32, #tpu.memory_space<vmem>>, vector<1024x512xf32>
      tpu.vector_store %arg20[%swap3A_383, %swap3A_384], %add3A_382 {strides = array<i32>} : memref<2048x512xf32, #tpu.memory_space<vmem>>, vector<1024x512xf32>,
    } else {
    }
    %get3A = arith.index_cast %mul3A_0 : i32 to index
    %get3A_3 = arith.constant 0 : index
    %get3A_4 = vector.load %arg20[%get3A, %get3A_3] : memref<2048x512xf32, #tpu.memory_space<vmem>>, vector<1024x512xf32>
    %get3A_5 = arith.constant 0 : index
    %get3A_6 = arith.constant 0 : index
    %get3A_7 = arith.constant 0 : index
    %get3A_8 = vector.load %arg4[%get3A_5, %get3A_6, %get3A_7] : memref<1x1x512xf32, #tpu.memory_space<vmem>>, vector<1x1x512xf32>
    %get3A_9 = vector.shape_cast %get3A_8 : vector<1x1x512xf32> to vector<1x512xf32>
    %get3A_10 = arith.constant 0 : index
    %get3A_11 = arith.constant 0 : index
    %get3A_12 = arith.constant 0 : index
    %get3A_13 = vector.load %arg5[%get3A_10, %get3A_11, %get3A_12] : memref<1x1x512xf32, #tpu.memory_space<vmem>>, vector<1x1x512xf32>
    %get3A_14 = vector.shape_cast %get3A_13 : vector<1x1x512xf32> to vector<1x512xf32>
    %reduce_sum3A = arith.constant dense<0.000000e+00> : vector<1024xf32>
    %reduce_sum3A_15 = vector.multi_reduction <add>, %get3A_4, %reduce_sum3A [1] : vector<1024x512xf32> to vector<1024xf32>
    %broadcast_in_dim3A = vector.shape_cast %reduce_sum3A_15 : vector<1024xf32> to vector<1024x1xf32>
    %div3A = arith.constant 5.120000e+02 : f32
    %div3A_16 = vector.broadcast %div3A : f32 to vector<1024x1xf32>
    %div3A_17 = arith.divf %broadcast_in_dim3A, %div3A_16 : vector<1024x1xf32>
    %sub3A = vector.broadcast %div3A_17 : vector<1024x1xf32> to vector<1024x512xf32>
    %sub3A_18 = arith.subf %get3A_4, %sub3A : vector<1024x512xf32>
    %integer_pow3A = arith.mulf %sub3A_18, %sub3A_18 : vector<1024x512xf32>
    %reduce_sum3A_19 = arith.constant dense<0.000000e+00> : vector<1024xf32>
    %reduce_sum3A_20 = vector.multi_reduction <add>, %integer_pow3A, %reduce_sum3A_19 [1] : vector<1024x512xf32> to vector<1024xf32>
    %broadcast_in_dim3A_21 = vector.shape_cast %reduce_sum3A_20 : vector<1024xf32> to vector<1024x1xf32>
    %div3A_22 = arith.constant 5.120000e+02 : f32
    %div3A_23 = vector.broadcast %div3A_22 : f32 to vector<1024x1xf32>
    %div3A_24 = arith.divf %broadcast_in_dim3A_21, %div3A_23 : vector<1024x1xf32>
    %sub3A_25 = vector.broadcast %div3A_17 : vector<1024x1xf32> to vector<1024x512xf32>
    %sub3A_26 = arith.subf %get3A_4, %sub3A_25 : vector<1024x512xf32>
    %add3A = arith.constant 9.99999974E-6 : f32
    %add3A_27 = vector.broadcast %add3A : f32 to vector<1024x1xf32>
    %add3A_28 = arith.addf %div3A_24, %add3A_27 : vector<1024x1xf32>
    %sqrt3A = math.sqrt %add3A_28 : vector<1024x1xf32>
    %div3A_29 = vector.broadcast %sqrt3A : vector<1024x1xf32> to vector<1024x512xf32>
    %div3A_30 = arith.divf %sub3A_26, %div3A_29 : vector<1024x512xf32>
    %mul3A_31 = vector.broadcast %get3A_9 : vector<1x512xf32> to vector<1024x512xf32>
    %mul3A_32 = arith.mulf %div3A_30, %mul3A_31 : vector<1024x512xf32>
    %add3A_33 = vector.broadcast %get3A_14 : vector<1x512xf32> to vector<1024x512xf32>
    %add3A_34 = arith.addf %mul3A_32, %add3A_33 : vector<1024x512xf32>
    %convert_element_type3A_35 = arith.truncf %add3A_34 : vector<1024x512xf32> to vector<1024x512xbf16>
    %get3A_36 = arith.constant 0 : index
    %get3A_37 = arith.constant 0 : index
    %get3A_38 = arith.constant 0 : index
    %get3A_39 = vector.load %arg6[%get3A_36, %get3A_37, %get3A_38] : memref<1x512x1536xbf16, #tpu.memory_space<vmem>>, vector<1x512x1536xbf16>
    %get3A_40 = vector.shape_cast %get3A_39 : vector<1x512x1536xbf16> to vector<512x1536xbf16>
    %dot_general3A = arith.constant dense<0.000000e+00> : vector<1024x1536xf32>
    %dot_general3A_41 = tpu.matmul %convert_element_type3A_35, %get3A_40, %dot_general3A {dimension_numbers = #tpu.dot_dimension_numbers<[1], [0], [0], [1], [0, 0, 1, 1], [], []>, transpose_lhs_hint = false} : vector<1024x512xbf16>, vector<512x1536xbf16>, vector<1024x1536xf32> -> vector<1024x1536xf32>
    %get3A_42 = arith.constant 0 : index
    %get3A_43 = arith.constant 0 : index
    %get3A_44 = arith.constant 0 : index
    %get3A_45 = vector.load %arg7[%get3A_42, %get3A_43, %get3A_44] : memref<1x1x1536xf32, #tpu.memory_space<vmem>>, vector<1x1x1536xf32>
    %get3A_46 = vector.shape_cast %get3A_45 : vector<1x1x1536xf32> to vector<1x1536xf32>
    %add3A_47 = vector.broadcast %get3A_46 : vector<1x1536xf32> to vector<1024x1536xf32>
    %add3A_48 = arith.addf %dot_general3A_41, %add3A_47 : vector<1024x1536xf32>
    %iota3A = tpu.iota {dimensions = array<i32: 0>} : vector<1024x1024xi32>
    %iota3A_49 = tpu.iota {dimensions = array<i32: 1>} : vector<1024x1024xi32>
    %ge3A = arith.cmpi sge, %iota3A, %iota3A_49 : vector<1024x1024xi32>
    %slice3A = vector.extract_strided_slice %add3A_48 {offsets = [0, 0], sizes = [1024, 64], strides = [1, 1]} : vector<1024x1536xf32> to vector<1024x64xf32>
    %convert_element_type3A_50 = arith.truncf %slice3A : vector<1024x64xf32> to vector<1024x64xbf16>
    %slice3A_51 = vector.extract_strided_slice %add3A_48 {offsets = [0, 512], sizes = [1024, 64], strides = [1, 1]} : vector<1024x1536xf32> to vector<1024x64xf32>
    %convert_element_type3A_52 = arith.truncf %slice3A_51 : vector<1024x64xf32> to vector<1024x64xbf16>
    %slice3A_53 = vector.extract_strided_slice %add3A_48 {offsets = [0, 1024], sizes = [1024, 64], strides = [1, 1]} : vector<1024x1536xf32> to vector<1024x64xf32>
    %convert_element_type3A_54 = arith.truncf %slice3A_53 : vector<1024x64xf32> to vector<1024x64xbf16>
    %dot_general3A_55 = arith.constant dense<0.000000e+00> : vector<1024x1024xf32>
    %dot_general3A_56 = tpu.matmul %convert_element_type3A_50, %convert_element_type3A_52, %dot_general3A_55 {dimension_numbers = #tpu.dot_dimension_numbers<[1], [1], [0], [0], [0, 0, 1, 0], [], []>, transpose_lhs_hint = false} : vector<1024x64xbf16>, vector<1024x64xbf16>, vector<1024x1024xf32> -> vector<1024x1024xf32>
    %mul3A_57 = arith.constant 1.250000e-01 : f32
    %mul3A_58 = vector.broadcast %mul3A_57 : f32 to vector<1024x1024xf32>
    %mul3A_59 = arith.mulf %dot_general3A_56, %mul3A_58 : vector<1024x1024xf32>
    %jit3A = arith.constant -1.000000e+09 : f32
    %broadcast_in_dim3A_60 = vector.broadcast %jit3A : f32 to vector<1024x1024xf32>
    %select_n3A = arith.select %ge3A, %mul3A_59, %broadcast_in_dim3A_60 : vector<1024x1024xi1>, vector<1024x1024xf32>
    %reduce_max3A = arith.constant dense<0xFF800000> : vector<1024xf32>
    %reduce_max3A_61 = vector.multi_reduction <maximumf>, %select_n3A, %reduce_max3A [1] : vector<1024x1024xf32> to vector<1024xf32>
    %broadcast_in_dim3A_62 = vector.shape_cast %reduce_max3A_61 : vector<1024xf32> to vector<1024x1xf32>
    %sub3A_63 = vector.broadcast %broadcast_in_dim3A_62 : vector<1024x1xf32> to vector<1024x1024xf32>
    %sub3A_64 = arith.subf %select_n3A, %sub3A_63 : vector<1024x1024xf32>
    %exp3A = math.exp %sub3A_64 : vector<1024x1024xf32>
    %reduce_sum3A_65 = arith.constant dense<0.000000e+00> : vector<1024xf32>
    %reduce_sum3A_66 = vector.multi_reduction <add>, %exp3A, %reduce_sum3A_65 [1] : vector<1024x1024xf32> to vector<1024xf32>
    %broadcast_in_dim3A_67 = vector.shape_cast %reduce_sum3A_66 : vector<1024xf32> to vector<1024x1xf32>
    %div3A_68 = vector.broadcast %broadcast_in_dim3A_67 : vector<1024x1xf32> to vector<1024x1024xf32>
    %div3A_69 = arith.divf %exp3A, %div3A_68 : vector<1024x1024xf32>
    %convert_element_type3A_70 = arith.truncf %div3A_69 : vector<1024x1024xf32> to vector<1024x1024xbf16>
    %dot_general3A_71 = arith.constant dense<0.000000e+00> : vector<1024x64xf32>
    %dot_general3A_72 = tpu.matmul %convert_element_type3A_70, %convert_element_type3A_54, %dot_general3A_71 {dimension_numbers = #tpu.dot_dimension_numbers<[1], [0], [0], [1], [0, 0, 1, 1], [], []>, transpose_lhs_hint = false} : vector<1024x1024xbf16>, vector<1024x64xbf16>, vector<1024x64xf32> -> vector<1024x64xf32>
    %slice3A_73 = vector.extract_strided_slice %add3A_48 {offsets = [0, 64], sizes = [1024, 64], strides = [1, 1]} : vector<1024x1536xf32> to vector<1024x64xf32>
    %convert_element_type3A_74 = arith.truncf %slice3A_73 : vector<1024x64xf32> to vector<1024x64xbf16>
    %slice3A_75 = vector.extract_strided_slice %add3A_48 {offsets = [0, 576], sizes = [1024, 64], strides = [1, 1]} : vector<1024x1536xf32> to vector<1024x64xf32>
    %convert_element_type3A_76 = arith.truncf %slice3A_75 : vector<1024x64xf32> to vector<1024x64xbf16>
    %slice3A_77 = vector.extract_strided_slice %add3A_48 {offsets = [0, 1088], sizes = [1024, 64], strides = [1, 1]} : vector<1024x1536xf32> to vector<1024x64xf32>
    %convert_element_type3A_78 = arith.truncf %slice3A_77 : vector<1024x64xf32> to vector<1024x64xbf16>
    %dot_general3A_79 = arith.constant dense<0.000000e+00> : vector<1024x1024xf32>
    %dot_general3A_80 = tpu.matmul %convert_element_type3A_74, %convert_element_type3A_76, %dot_general3A_79 {dimension_numbers = #tpu.dot_dimension_numbers<[1], [1], [0], [0], [0, 0, 1, 0], [], []>, transpose_lhs_hint = false} : vector<1024x64xbf16>, vector<1024x64xbf16>, vector<1024x1024xf32> -> vector<1024x1024xf32>
    %mul3A_81 = arith.constant 1.250000e-01 : f32
    %mul3A_82 = vector.broadcast %mul3A_81 : f32 to vector<1024x1024xf32>
    %mul3A_83 = arith.mulf %dot_general3A_80, %mul3A_82 : vector<1024x1024xf32>
    %jit3A_84 = arith.constant -1.000000e+09 : f32
    %broadcast_in_dim3A_85 = vector.broadcast %jit3A_84 : f32 to vector<1024x1024xf32>
    %select_n3A_86 = arith.select %ge3A, %mul3A_83, %broadcast_in_dim3A_85 : vector<1024x1024xi1>, vector<1024x1024xf32>
    %reduce_max3A_87 = arith.constant dense<0xFF800000> : vector<1024xf32>
    %reduce_max3A_88 = vector.multi_reduction <maximumf>, %select_n3A_86, %reduce_max3A_87 [1] : vector<1024x1024xf32> to vector<1024xf32>
    %broadcast_in_dim3A_89 = vector.shape_cast %reduce_max3A_88 : vector<1024xf32> to vector<1024x1xf32>
    %sub3A_90 = vector.broadcast %broadcast_in_dim3A_89 : vector<1024x1xf32> to vector<1024x1024xf32>
    %sub3A_91 = arith.subf %select_n3A_86, %sub3A_90 : vector<1024x1024xf32>
    %exp3A_92 = math.exp %sub3A_91 : vector<1024x1024xf32>
    %reduce_sum3A_93 = arith.constant dense<0.000000e+00> : vector<1024xf32>
    %reduce_sum3A_94 = vector.multi_reduction <add>, %exp3A_92, %reduce_sum3A_93 [1] : vector<1024x1024xf32> to vector<1024xf32>
    %broadcast_in_dim3A_95 = vector.shape_cast %reduce_sum3A_94 : vector<1024xf32> to vector<1024x1xf32>
    %div3A_96 = vector.broadcast %broadcast_in_dim3A_95 : vector<1024x1xf32> to vector<1024x1024xf32>
    %div3A_97 = arith.divf %exp3A_92, %div3A_96 : vector<1024x1024xf32>
    %convert_element_type3A_98 = arith.truncf %div3A_97 : vector<1024x1024xf32> to vector<1024x1024xbf16>
    %dot_general3A_99 = arith.constant dense<0.000000e+00> : vector<1024x64xf32>
    %dot_general3A_100 = tpu.matmul %convert_element_type3A_98, %convert_element_type3A_78, %dot_general3A_99 {dimension_numbers = #tpu.dot_dimension_numbers<[1], [0], [0], [1], [0, 0, 1, 1], [], []>, transpose_lhs_hint = false} : vector<1024x1024xbf16>, vector<1024x64xbf16>, vector<1024x64xf32> -> vector<1024x64xf32>
    %slice3A_101 = vector.extract_strided_slice %add3A_48 {offsets = [0, 128], sizes = [1024, 64], strides = [1, 1]} : vector<1024x1536xf32> to vector<1024x64xf32>
    %convert_element_type3A_102 = arith.truncf %slice3A_101 : vector<1024x64xf32> to vector<1024x64xbf16>
    %slice3A_103 = vector.extract_strided_slice %add3A_48 {offsets = [0, 640], sizes = [1024, 64], strides = [1, 1]} : vector<1024x1536xf32> to vector<1024x64xf32>
    %convert_element_type3A_104 = arith.truncf %slice3A_103 : vector<1024x64xf32> to vector<1024x64xbf16>
    %slice3A_105 = vector.extract_strided_slice %add3A_48 {offsets = [0, 1152], sizes = [1024, 64], strides = [1, 1]} : vector<1024x1536xf32> to vector<1024x64xf32>
    %convert_element_type3A_106 = arith.truncf %slice3A_105 : vector<1024x64xf32> to vector<1024x64xbf16>
    %dot_general3A_107 = arith.constant dense<0.000000e+00> : vector<1024x1024xf32>
    %dot_general3A_108 = tpu.matmul %convert_element_type3A_102, %convert_element_type3A_104, %dot_general3A_107 {dimension_numbers = #tpu.dot_dimension_numbers<[1], [1], [0], [0], [0, 0, 1, 0], [], []>, transpose_lhs_hint = false} : vector<1024x64xbf16>, vector<1024x64xbf16>, vector<1024x1024xf32> -> vector<1024x1024xf32>
    %mul3A_109 = arith.constant 1.250000e-01 : f32
    %mul3A_110 = vector.broadcast %mul3A_109 : f32 to vector<1024x1024xf32>
    %mul3A_111 = arith.mulf %dot_general3A_108, %mul3A_110 : vector<1024x1024xf32>
    %jit3A_112 = arith.constant -1.000000e+09 : f32
    %broadcast_in_dim3A_113 = vector.broadcast %jit3A_112 : f32 to vector<1024x1024xf32>
    %select_n3A_114 = arith.select %ge3A, %mul3A_111, %broadcast_in_dim3A_113 : vector<1024x1024xi1>, vector<1024x1024xf32>
    %reduce_max3A_115 = arith.constant dense<0xFF800000> : vector<1024xf32>
    %reduce_max3A_116 = vector.multi_reduction <maximumf>, %select_n3A_114, %reduce_max3A_115 [1] : vector<1024x1024xf32> to vector<1024xf32>
    %broadcast_in_dim3A_117 = vector.shape_cast %reduce_max3A_116 : vector<1024xf32> to vector<1024x1xf32>
    %sub3A_118 = vector.broadcast %broadcast_in_dim3A_117 : vector<1024x1xf32> to vector<1024x1024xf32>
    %sub3A_119 = arith.subf %select_n3A_114, %sub3A_118 : vector<1024x1024xf32>
    %exp3A_120 = math.exp %sub3A_119 : vector<1024x1024xf32>
    %reduce_sum3A_121 = arith.constant dense<0.000000e+00> : vector<1024xf32>
    %reduce_sum3A_122 = vector.multi_reduction <add>, %exp3A_120, %reduce_sum3A_121 [1] : vector<1024x1024xf32> to vector<1024xf32>
    %broadcast_in_dim3A_123 = vector.shape_cast %reduce_sum3A_122 : vector<1024xf32> to vector<1024x1xf32>
    %div3A_124 = vector.broadcast %broadcast_in_dim3A_123 : vector<1024x1xf32> to vector<1024x1024xf32>
    %div3A_125 = arith.divf %exp3A_120, %div3A_124 : vector<1024x1024xf32>
    %convert_element_type3A_126 = arith.truncf %div3A_125 : vector<1024x1024xf32> to vector<1024x1024xbf16>
    %dot_general3A_127 = arith.constant dense<0.000000e+00> : vector<1024x64xf32>
    %dot_general3A_128 = tpu.matmul %convert_element_type3A_126, %convert_element_type3A_106, %dot_general3A_127 {dimension_numbers = #tpu.dot_dimension_numbers<[1], [0], [0], [1], [0, 0, 1, 1], [], []>, transpose_lhs_hint = false} : vector<1024x1024xbf16>, vector<1024x64xbf16>, vector<1024x64xf32> -> vector<1024x64xf32>
    %slice3A_129 = vector.extract_strided_slice %add3A_48 {offsets = [0, 192], sizes = [1024, 64], strides = [1, 1]} : vector<1024x1536xf32> to vector<1024x64xf32>
    %convert_element_type3A_130 = arith.truncf %slice3A_129 : vector<1024x64xf32> to vector<1024x64xbf16>
    %slice3A_131 = vector.extract_strided_slice %add3A_48 {offsets = [0, 704], sizes = [1024, 64], strides = [1, 1]} : vector<1024x1536xf32> to vector<1024x64xf32>
    %convert_element_type3A_132 = arith.truncf %slice3A_131 : vector<1024x64xf32> to vector<1024x64xbf16>
    %slice3A_133 = vector.extract_strided_slice %add3A_48 {offsets = [0, 1216], sizes = [1024, 64], strides = [1, 1]} : vector<1024x1536xf32> to vector<1024x64xf32>
    %convert_element_type3A_134 = arith.truncf %slice3A_133 : vector<1024x64xf32> to vector<1024x64xbf16>
    %dot_general3A_135 = arith.constant dense<0.000000e+00> : vector<1024x1024xf32>
    %dot_general3A_136 = tpu.matmul %convert_element_type3A_130, %convert_element_type3A_132, %dot_general3A_135 {dimension_numbers = #tpu.dot_dimension_numbers<[1], [1], [0], [0], [0, 0, 1, 0], [], []>, transpose_lhs_hint = false} : vector<1024x64xbf16>, vector<1024x64xbf16>, vector<1024x1024xf32> -> vector<1024x1024xf32>
    %mul3A_137 = arith.constant 1.250000e-01 : f32
    %mul3A_138 = vector.broadcast %mul3A_137 : f32 to vector<1024x1024xf32>
    %mul3A_139 = arith.mulf %dot_general3A_136, %mul3A_138 : vector<1024x1024xf32>
    %jit3A_140 = arith.constant -1.000000e+09 : f32
    %broadcast_in_dim3A_141 = vector.broadcast %jit3A_140 : f32 to vector<1024x1024xf32>
    %select_n3A_142 = arith.select %ge3A, %mul3A_139, %broadcast_in_dim3A_141 : vector<1024x1024xi1>, vector<1024x1024xf32>
    %reduce_max3A_143 = arith.constant dense<0xFF800000> : vector<1024xf32>
    %reduce_max3A_144 = vector.multi_reduction <maximumf>, %select_n3A_142, %reduce_max3A_143 [1] : vector<1024x1024xf32> to vector<1024xf32>
    %broadcast_in_dim3A_145 = vector.shape_cast %reduce_max3A_144 : vector<1024xf32> to vector<1024x1xf32>
    %sub3A_146 = vector.broadcast %broadcast_in_dim3A_145 : vector<1024x1xf32> to vector<1024x1024xf32>
    %sub3A_147 = arith.subf %select_n3A_142, %sub3A_146 : vector<1024x1024xf32>
    %exp3A_148 = math.exp %sub3A_147 : vector<1024x1024xf32>
    %reduce_sum3A_149 = arith.constant dense<0.000000e+00> : vector<1024xf32>
    %reduce_sum3A_150 = vector.multi_reduction <add>, %exp3A_148, %reduce_sum3A_149 [1] : vector<1024x1024xf32> to vector<1024xf32>
    %broadcast_in_dim3A_151 = vector.shape_cast %reduce_sum3A_150 : vector<1024xf32> to vector<1024x1xf32>
    %div3A_152 = vector.broadcast %broadcast_in_dim3A_151 : vector<1024x1xf32> to vector<1024x1024xf32>
    %div3A_153 = arith.divf %exp3A_148, %div3A_152 : vector<1024x1024xf32>
    %convert_element_type3A_154 = arith.truncf %div3A_153 : vector<1024x1024xf32> to vector<1024x1024xbf16>
    %dot_general3A_155 = arith.constant dense<0.000000e+00> : vector<1024x64xf32>
    %dot_general3A_156 = tpu.matmul %convert_element_type3A_154, %convert_element_type3A_134, %dot_general3A_155 {dimension_numbers = #tpu.dot_dimension_numbers<[1], [0], [0], [1], [0, 0, 1, 1], [], []>, transpose_lhs_hint = false} : vector<1024x1024xbf16>, vector<1024x64xbf16>, vector<1024x64xf32> -> vector<1024x64xf32>
    %slice3A_157 = vector.extract_strided_slice %add3A_48 {offsets = [0, 256], sizes = [1024, 64], strides = [1, 1]} : vector<1024x1536xf32> to vector<1024x64xf32>
    %convert_element_type3A_158 = arith.truncf %slice3A_157 : vector<1024x64xf32> to vector<1024x64xbf16>
    %slice3A_159 = vector.extract_strided_slice %add3A_48 {offsets = [0, 768], sizes = [1024, 64], strides = [1, 1]} : vector<1024x1536xf32> to vector<1024x64xf32>
    %convert_element_type3A_160 = arith.truncf %slice3A_159 : vector<1024x64xf32> to vector<1024x64xbf16>
    %slice3A_161 = vector.extract_strided_slice %add3A_48 {offsets = [0, 1280], sizes = [1024, 64], strides = [1, 1]} : vector<1024x1536xf32> to vector<1024x64xf32>
    %convert_element_type3A_162 = arith.truncf %slice3A_161 : vector<1024x64xf32> to vector<1024x64xbf16>
    %dot_general3A_163 = arith.constant dense<0.000000e+00> : vector<1024x1024xf32>
    %dot_general3A_164 = tpu.matmul %convert_element_type3A_158, %convert_element_type3A_160, %dot_general3A_163 {dimension_numbers = #tpu.dot_dimension_numbers<[1], [1], [0], [0], [0, 0, 1, 0], [], []>, transpose_lhs_hint = false} : vector<1024x64xbf16>, vector<1024x64xbf16>, vector<1024x1024xf32> -> vector<1024x1024xf32>
    %mul3A_165 = arith.constant 1.250000e-01 : f32
    %mul3A_166 = vector.broadcast %mul3A_165 : f32 to vector<1024x1024xf32>
    %mul3A_167 = arith.mulf %dot_general3A_164, %mul3A_166 : vector<1024x1024xf32>
    %jit3A_168 = arith.constant -1.000000e+09 : f32
    %broadcast_in_dim3A_169 = vector.broadcast %jit3A_168 : f32 to vector<1024x1024xf32>
    %select_n3A_170 = arith.select %ge3A, %mul3A_167, %broadcast_in_dim3A_169 : vector<1024x1024xi1>, vector<1024x1024xf32>
    %reduce_max3A_171 = arith.constant dense<0xFF800000> : vector<1024xf32>
    %reduce_max3A_172 = vector.multi_reduction <maximumf>, %select_n3A_170, %reduce_max3A_171 [1] : vector<1024x1024xf32> to vector<1024xf32>
    %broadcast_in_dim3A_173 = vector.shape_cast %reduce_max3A_172 : vector<1024xf32> to vector<1024x1xf32>
    %sub3A_174 = vector.broadcast %broadcast_in_dim3A_173 : vector<1024x1xf32> to vector<1024x1024xf32>
    %sub3A_175 = arith.subf %select_n3A_170, %sub3A_174 : vector<1024x1024xf32>
    %exp3A_176 = math.exp %sub3A_175 : vector<1024x1024xf32>
    %reduce_sum3A_177 = arith.constant dense<0.000000e+00> : vector<1024xf32>
    %reduce_sum3A_178 = vector.multi_reduction <add>, %exp3A_176, %reduce_sum3A_177 [1] : vector<1024x1024xf32> to vector<1024xf32>
    %broadcast_in_dim3A_179 = vector.shape_cast %reduce_sum3A_178 : vector<1024xf32> to vector<1024x1xf32>
    %div3A_180 = vector.broadcast %broadcast_in_dim3A_179 : vector<1024x1xf32> to vector<1024x1024xf32>
    %div3A_181 = arith.divf %exp3A_176, %div3A_180 : vector<1024x1024xf32>
    %convert_element_type3A_182 = arith.truncf %div3A_181 : vector<1024x1024xf32> to vector<1024x1024xbf16>
    %dot_general3A_183 = arith.constant dense<0.000000e+00> : vector<1024x64xf32>
    %dot_general3A_184 = tpu.matmul %convert_element_type3A_182, %convert_element_type3A_162, %dot_general3A_183 {dimension_numbers = #tpu.dot_dimension_numbers<[1], [0], [0], [1], [0, 0, 1, 1], [], []>, transpose_lhs_hint = false} : vector<1024x1024xbf16>, vector<1024x64xbf16>, vector<1024x64xf32> -> vector<1024x64xf32>
    %slice3A_185 = vector.extract_strided_slice %add3A_48 {offsets = [0, 320], sizes = [1024, 64], strides = [1, 1]} : vector<1024x1536xf32> to vector<1024x64xf32>
    %convert_element_type3A_186 = arith.truncf %slice3A_185 : vector<1024x64xf32> to vector<1024x64xbf16>
    %slice3A_187 = vector.extract_strided_slice %add3A_48 {offsets = [0, 832], sizes = [1024, 64], strides = [1, 1]} : vector<1024x1536xf32> to vector<1024x64xf32>
    %convert_element_type3A_188 = arith.truncf %slice3A_187 : vector<1024x64xf32> to vector<1024x64xbf16>
    %slice3A_189 = vector.extract_strided_slice %add3A_48 {offsets = [0, 1344], sizes = [1024, 64], strides = [1, 1]} : vector<1024x1536xf32> to vector<1024x64xf32>
    %convert_element_type3A_190 = arith.truncf %slice3A_189 : vector<1024x64xf32> to vector<1024x64xbf16>
    %dot_general3A_191 = arith.constant dense<0.000000e+00> : vector<1024x1024xf32>
    %dot_general3A_192 = tpu.matmul %convert_element_type3A_186, %convert_element_type3A_188, %dot_general3A_191 {dimension_numbers = #tpu.dot_dimension_numbers<[1], [1], [0], [0], [0, 0, 1, 0], [], []>, transpose_lhs_hint = false} : vector<1024x64xbf16>, vector<1024x64xbf16>, vector<1024x1024xf32> -> vector<1024x1024xf32>
    %mul3A_193 = arith.constant 1.250000e-01 : f32
    %mul3A_194 = vector.broadcast %mul3A_193 : f32 to vector<1024x1024xf32>
    %mul3A_195 = arith.mulf %dot_general3A_192, %mul3A_194 : vector<1024x1024xf32>
    %jit3A_196 = arith.constant -1.000000e+09 : f32
    %broadcast_in_dim3A_197 = vector.broadcast %jit3A_196 : f32 to vector<1024x1024xf32>
    %select_n3A_198 = arith.select %ge3A, %mul3A_195, %broadcast_in_dim3A_197 : vector<1024x1024xi1>, vector<1024x1024xf32>
    %reduce_max3A_199 = arith.constant dense<0xFF800000> : vector<1024xf32>
    %reduce_max3A_200 = vector.multi_reduction <maximumf>, %select_n3A_198, %reduce_max3A_199 [1] : vector<1024x1024xf32> to vector<1024xf32>
    %broadcast_in_dim3A_201 = vector.shape_cast %reduce_max3A_200 : vector<1024xf32> to vector<1024x1xf32>
    %sub3A_202 = vector.broadcast %broadcast_in_dim3A_201 : vector<1024x1xf32> to vector<1024x1024xf32>
    %sub3A_203 = arith.subf %select_n3A_198, %sub3A_202 : vector<1024x1024xf32>
    %exp3A_204 = math.exp %sub3A_203 : vector<1024x1024xf32>
    %reduce_sum3A_205 = arith.constant dense<0.000000e+00> : vector<1024xf32>
    %reduce_sum3A_206 = vector.multi_reduction <add>, %exp3A_204, %reduce_sum3A_205 [1] : vector<1024x1024xf32> to vector<1024xf32>
    %broadcast_in_dim3A_207 = vector.shape_cast %reduce_sum3A_206 : vector<1024xf32> to vector<1024x1xf32>
    %div3A_208 = vector.broadcast %broadcast_in_dim3A_207 : vector<1024x1xf32> to vector<1024x1024xf32>
    %div3A_209 = arith.divf %exp3A_204, %div3A_208 : vector<1024x1024xf32>
    %convert_element_type3A_210 = arith.truncf %div3A_209 : vector<1024x1024xf32> to vector<1024x1024xbf16>
    %dot_general3A_211 = arith.constant dense<0.000000e+00> : vector<1024x64xf32>
    %dot_general3A_212 = tpu.matmul %convert_element_type3A_210, %convert_element_type3A_190, %dot_general3A_211 {dimension_numbers = #tpu.dot_dimension_numbers<[1], [0], [0], [1], [0, 0, 1, 1], [], []>, transpose_lhs_hint = false} : vector<1024x1024xbf16>, vector<1024x64xbf16>, vector<1024x64xf32> -> vector<1024x64xf32>
    %slice3A_213 = vector.extract_strided_slice %add3A_48 {offsets = [0, 384], sizes = [1024, 64], strides = [1, 1]} : vector<1024x1536xf32> to vector<1024x64xf32>
    %convert_element_type3A_214 = arith.truncf %slice3A_213 : vector<1024x64xf32> to vector<1024x64xbf16>
    %slice3A_215 = vector.extract_strided_slice %add3A_48 {offsets = [0, 896], sizes = [1024, 64], strides = [1, 1]} : vector<1024x1536xf32> to vector<1024x64xf32>
    %convert_element_type3A_216 = arith.truncf %slice3A_215 : vector<1024x64xf32> to vector<1024x64xbf16>
    %slice3A_217 = vector.extract_strided_slice %add3A_48 {offsets = [0, 1408], sizes = [1024, 64], strides = [1, 1]} : vector<1024x1536xf32> to vector<1024x64xf32>
    %convert_element_type3A_218 = arith.truncf %slice3A_217 : vector<1024x64xf32> to vector<1024x64xbf16>
    %dot_general3A_219 = arith.constant dense<0.000000e+00> : vector<1024x1024xf32>
    %dot_general3A_220 = tpu.matmul %convert_element_type3A_214, %convert_element_type3A_216, %dot_general3A_219 {dimension_numbers = #tpu.dot_dimension_numbers<[1], [1], [0], [0], [0, 0, 1, 0], [], []>, transpose_lhs_hint = false} : vector<1024x64xbf16>, vector<1024x64xbf16>, vector<1024x1024xf32> -> vector<1024x1024xf32>
    %mul3A_221 = arith.constant 1.250000e-01 : f32
    %mul3A_222 = vector.broadcast %mul3A_221 : f32 to vector<1024x1024xf32>
    %mul3A_223 = arith.mulf %dot_general3A_220, %mul3A_222 : vector<1024x1024xf32>
    %jit3A_224 = arith.constant -1.000000e+09 : f32
    %broadcast_in_dim3A_225 = vector.broadcast %jit3A_224 : f32 to vector<1024x1024xf32>
    %select_n3A_226 = arith.select %ge3A, %mul3A_223, %broadcast_in_dim3A_225 : vector<1024x1024xi1>, vector<1024x1024xf32>
    %reduce_max3A_227 = arith.constant dense<0xFF800000> : vector<1024xf32>
    %reduce_max3A_228 = vector.multi_reduction <maximumf>, %select_n3A_226, %reduce_max3A_227 [1] : vector<1024x1024xf32> to vector<1024xf32>
    %broadcast_in_dim3A_229 = vector.shape_cast %reduce_max3A_228 : vector<1024xf32> to vector<1024x1xf32>
    %sub3A_230 = vector.broadcast %broadcast_in_dim3A_229 : vector<1024x1xf32> to vector<1024x1024xf32>
    %sub3A_231 = arith.subf %select_n3A_226, %sub3A_230 : vector<1024x1024xf32>
    %exp3A_232 = math.exp %sub3A_231 : vector<1024x1024xf32>
    %reduce_sum3A_233 = arith.constant dense<0.000000e+00> : vector<1024xf32>
    %reduce_sum3A_234 = vector.multi_reduction <add>, %exp3A_232, %reduce_sum3A_233 [1] : vector<1024x1024xf32> to vector<1024xf32>
    %broadcast_in_dim3A_235 = vector.shape_cast %reduce_sum3A_234 : vector<1024xf32> to vector<1024x1xf32>
    %div3A_236 = vector.broadcast %broadcast_in_dim3A_235 : vector<1024x1xf32> to vector<1024x1024xf32>
    %div3A_237 = arith.divf %exp3A_232, %div3A_236 : vector<1024x1024xf32>
    %convert_element_type3A_238 = arith.truncf %div3A_237 : vector<1024x1024xf32> to vector<1024x1024xbf16>
    %dot_general3A_239 = arith.constant dense<0.000000e+00> : vector<1024x64xf32>
    %dot_general3A_240 = tpu.matmul %convert_element_type3A_238, %convert_element_type3A_218, %dot_general3A_239 {dimension_numbers = #tpu.dot_dimension_numbers<[1], [0], [0], [1], [0, 0, 1, 1], [], []>, transpose_lhs_hint = false} : vector<1024x1024xbf16>, vector<1024x64xbf16>, vector<1024x64xf32> -> vector<1024x64xf32>
    %slice3A_241 = vector.extract_strided_slice %add3A_48 {offsets = [0, 448], sizes = [1024, 64], strides = [1, 1]} : vector<1024x1536xf32> to vector<1024x64xf32>
    %convert_element_type3A_242 = arith.truncf %slice3A_241 : vector<1024x64xf32> to vector<1024x64xbf16>
    %slice3A_243 = vector.extract_strided_slice %add3A_48 {offsets = [0, 960], sizes = [1024, 64], strides = [1, 1]} : vector<1024x1536xf32> to vector<1024x64xf32>
    %convert_element_type3A_244 = arith.truncf %slice3A_243 : vector<1024x64xf32> to vector<1024x64xbf16>
    %slice3A_245 = vector.extract_strided_slice %add3A_48 {offsets = [0, 1472], sizes = [1024, 64], strides = [1, 1]} : vector<1024x1536xf32> to vector<1024x64xf32>
    %convert_element_type3A_246 = arith.truncf %slice3A_245 : vector<1024x64xf32> to vector<1024x64xbf16>
    %dot_general3A_247 = arith.constant dense<0.000000e+00> : vector<1024x1024xf32>
    %dot_general3A_248 = tpu.matmul %convert_element_type3A_242, %convert_element_type3A_244, %dot_general3A_247 {dimension_numbers = #tpu.dot_dimension_numbers<[1], [1], [0], [0], [0, 0, 1, 0], [], []>, transpose_lhs_hint = false} : vector<1024x64xbf16>, vector<1024x64xbf16>, vector<1024x1024xf32> -> vector<1024x1024xf32>
    %mul3A_249 = arith.constant 1.250000e-01 : f32
    %mul3A_250 = vector.broadcast %mul3A_249 : f32 to vector<1024x1024xf32>
    %mul3A_251 = arith.mulf %dot_general3A_248, %mul3A_250 : vector<1024x1024xf32>
    %jit3A_252 = arith.constant -1.000000e+09 : f32
    %broadcast_in_dim3A_253 = vector.broadcast %jit3A_252 : f32 to vector<1024x1024xf32>
    %select_n3A_254 = arith.select %ge3A, %mul3A_251, %broadcast_in_dim3A_253 : vector<1024x1024xi1>, vector<1024x1024xf32>
    %reduce_max3A_255 = arith.constant dense<0xFF800000> : vector<1024xf32>
    %reduce_max3A_256 = vector.multi_reduction <maximumf>, %select_n3A_254, %reduce_max3A_255 [1] : vector<1024x1024xf32> to vector<1024xf32>
    %broadcast_in_dim3A_257 = vector.shape_cast %reduce_max3A_256 : vector<1024xf32> to vector<1024x1xf32>
    %sub3A_258 = vector.broadcast %broadcast_in_dim3A_257 : vector<1024x1xf32> to vector<1024x1024xf32>
    %sub3A_259 = arith.subf %select_n3A_254, %sub3A_258 : vector<1024x1024xf32>
    %exp3A_260 = math.exp %sub3A_259 : vector<1024x1024xf32>
    %reduce_sum3A_261 = arith.constant dense<0.000000e+00> : vector<1024xf32>
    %reduce_sum3A_262 = vector.multi_reduction <add>, %exp3A_260, %reduce_sum3A_261 [1] : vector<1024x1024xf32> to vector<1024xf32>
    %broadcast_in_dim3A_263 = vector.shape_cast %reduce_sum3A_262 : vector<1024xf32> to vector<1024x1xf32>
    %div3A_264 = vector.broadcast %broadcast_in_dim3A_263 : vector<1024x1xf32> to vector<1024x1024xf32>
    %div3A_265 = arith.divf %exp3A_260, %div3A_264 : vector<1024x1024xf32>
    %convert_element_type3A_266 = arith.truncf %div3A_265 : vector<1024x1024xf32> to vector<1024x1024xbf16>
    %dot_general3A_267 = arith.constant dense<0.000000e+00> : vector<1024x64xf32>
    %dot_general3A_268 = tpu.matmul %convert_element_type3A_266, %convert_element_type3A_246, %dot_general3A_267 {dimension_numbers = #tpu.dot_dimension_numbers<[1], [0], [0], [1], [0, 0, 1, 1], [], []>, transpose_lhs_hint = false} : vector<1024x1024xbf16>, vector<1024x64xbf16>, vector<1024x64xf32> -> vector<1024x64xf32>
    %concatenate3A = tpu.concatenate %dot_general3A_72, %dot_general3A_100, %dot_general3A_128, %dot_general3A_156, %dot_general3A_184, %dot_general3A_212, %dot_general3A_240, %dot_general3A_268 in 1 : vector<1024x64xf32>, vector<1024x64xf32>, vector<1024x64xf32>, vector<1024x64xf32>, vector<1024x64xf32>, vector<1024x64xf32>, vector<1024x64xf32>, vector<1024x64xf32> -> vector<1024x512xf32>
    %convert_element_type3A_269 = arith.truncf %concatenate3A : vector<1024x512xf32> to vector<1024x512xbf16>
    %get3A_270 = arith.constant 0 : index
    %get3A_271 = arith.constant 0 : index
    %get3A_272 = arith.constant 0 : index
    %get3A_273 = vector.load %arg8[%get3A_270, %get3A_271, %get3A_272] : memref<1x512x512xbf16, #tpu.memory_space<vmem>>, vector<1x512x512xbf16>
    %get3A_274 = vector.shape_cast %get3A_273 : vector<1x512x512xbf16> to vector<512x512xbf16>
    %dot_general3A_275 = arith.constant dense<0.000000e+00> : vector<1024x512xf32>
    %dot_general3A_276 = tpu.matmul %convert_element_type3A_269, %get3A_274, %dot_general3A_275 {dimension_numbers = #tpu.dot_dimension_numbers<[1], [0], [0], [1], [0, 0, 1, 1], [], []>, transpose_lhs_hint = false} : vector<1024x512xbf16>, vector<512x512xbf16>, vector<1024x512xf32> -> vector<1024x512xf32>
    %add3A_277 = arith.addf %get3A_4, %dot_general3A_276 : vector<1024x512xf32>
    %get3A_278 = arith.constant 0 : index
    %get3A_279 = arith.constant 0 : index
    %get3A_280 = arith.constant 0 : index
    %get3A_281 = vector.load %arg9[%get3A_278, %get3A_279, %get3A_280] : memref<1x1x512xf32, #tpu.memory_space<vmem>>, vector<1x1x512xf32>
    %get3A_282 = vector.shape_cast %get3A_281 : vector<1x1x512xf32> to vector<1x512xf32>
    %add3A_283 = vector.broadcast %get3A_282 : vector<1x512xf32> to vector<1024x512xf32>
    %add3A_284 = arith.addf %add3A_277, %add3A_283 : vector<1024x512xf32>
    %get3A_285 = arith.constant 0 : index
    %get3A_286 = arith.constant 0 : index
    %get3A_287 = arith.constant 0 : index
    %get3A_288 = vector.load %arg10[%get3A_285, %get3A_286, %get3A_287] : memref<1x1x512xf32, #tpu.memory_space<vmem>>, vector<1x1x512xf32>
    %get3A_289 = vector.shape_cast %get3A_288 : vector<1x1x512xf32> to vector<1x512xf32>
    %get3A_290 = arith.constant 0 : index
    %get3A_291 = arith.constant 0 : index
    %get3A_292 = arith.constant 0 : index
    %get3A_293 = vector.load %arg11[%get3A_290, %get3A_291, %get3A_292] : memref<1x1x512xf32, #tpu.memory_space<vmem>>, vector<1x1x512xf32>
    %get3A_294 = vector.shape_cast %get3A_293 : vector<1x1x512xf32> to vector<1x512xf32>
    %reduce_sum3A_295 = arith.constant dense<0.000000e+00> : vector<1024xf32>
    %reduce_sum3A_296 = vector.multi_reduction <add>, %add3A_284, %reduce_sum3A_295 [1] : vector<1024x512xf32> to vector<1024xf32>
    %broadcast_in_dim3A_297 = vector.shape_cast %reduce_sum3A_296 : vector<1024xf32> to vector<1024x1xf32>
    %div3A_298 = arith.constant 5.120000e+02 : f32
    %div3A_299 = vector.broadcast %div3A_298 : f32 to vector<1024x1xf32>
    %div3A_300 = arith.divf %broadcast_in_dim3A_297, %div3A_299 : vector<1024x1xf32>
    %sub3A_301 = vector.broadcast %div3A_300 : vector<1024x1xf32> to vector<1024x512xf32>
    %sub3A_302 = arith.subf %add3A_284, %sub3A_301 : vector<1024x512xf32>
    %integer_pow3A_303 = arith.mulf %sub3A_302, %sub3A_302 : vector<1024x512xf32>
    %reduce_sum3A_304 = arith.constant dense<0.000000e+00> : vector<1024xf32>
    %reduce_sum3A_305 = vector.multi_reduction <add>, %integer_pow3A_303, %reduce_sum3A_304 [1] : vector<1024x512xf32> to vector<1024xf32>
    %broadcast_in_dim3A_306 = vector.shape_cast %reduce_sum3A_305 : vector<1024xf32> to vector<1024x1xf32>
    %div3A_307 = arith.constant 5.120000e+02 : f32
    %div3A_308 = vector.broadcast %div3A_307 : f32 to vector<1024x1xf32>
    %div3A_309 = arith.divf %broadcast_in_dim3A_306, %div3A_308 : vector<1024x1xf32>
    %sub3A_310 = vector.broadcast %div3A_300 : vector<1024x1xf32> to vector<1024x512xf32>
    %sub3A_311 = arith.subf %add3A_284, %sub3A_310 : vector<1024x512xf32>
    %add3A_312 = arith.constant 9.99999974E-6 : f32
    %add3A_313 = vector.broadcast %add3A_312 : f32 to vector<1024x1xf32>
    %add3A_314 = arith.addf %div3A_309, %add3A_313 : vector<1024x1xf32>
    %sqrt3A_315 = math.sqrt %add3A_314 : vector<1024x1xf32>
    %div3A_316 = vector.broadcast %sqrt3A_315 : vector<1024x1xf32> to vector<1024x512xf32>
    %div3A_317 = arith.divf %sub3A_311, %div3A_316 : vector<1024x512xf32>
    %mul3A_318 = vector.broadcast %get3A_289 : vector<1x512xf32> to vector<1024x512xf32>
    %mul3A_319 = arith.mulf %div3A_317, %mul3A_318 : vector<1024x512xf32>
    %add3A_320 = vector.broadcast %get3A_294 : vector<1x512xf32> to vector<1024x512xf32>
    %add3A_321 = arith.addf %mul3A_319, %add3A_320 : vector<1024x512xf32>
    %convert_element_type3A_322 = arith.truncf %add3A_321 : vector<1024x512xf32> to vector<1024x512xbf16>
    %get3A_323 = arith.constant 0 : index
    %get3A_324 = arith.constant 0 : index
    %get3A_325 = arith.constant 0 : index
    %get3A_326 = vector.load %arg12[%get3A_323, %get3A_324, %get3A_325] : memref<1x512x2048xbf16, #tpu.memory_space<vmem>>, vector<1x512x2048xbf16>
    %get3A_327 = vector.shape_cast %get3A_326 : vector<1x512x2048xbf16> to vector<512x2048xbf16>
    %dot_general3A_328 = arith.constant dense<0.000000e+00> : vector<1024x2048xf32>
    %dot_general3A_329 = tpu.matmul %convert_element_type3A_322, %get3A_327, %dot_general3A_328 {dimension_numbers = #tpu.dot_dimension_numbers<[1], [0], [0], [1], [0, 0, 1, 1], [], []>, transpose_lhs_hint = false} : vector<1024x512xbf16>, vector<512x2048xbf16>, vector<1024x2048xf32> -> vector<1024x2048xf32>
    %get3A_330 = arith.constant 0 : index
    %get3A_331 = arith.constant 0 : index
    %get3A_332 = arith.constant 0 : index
    %get3A_333 = vector.load %arg13[%get3A_330, %get3A_331, %get3A_332] : memref<1x1x2048xf32, #tpu.memory_space<vmem>>, vector<1x1x2048xf32>
    %get3A_334 = vector.shape_cast %get3A_333 : vector<1x1x2048xf32> to vector<1x2048xf32>
    %add3A_335 = vector.broadcast %get3A_334 : vector<1x2048xf32> to vector<1024x2048xf32>
    %add3A_336 = arith.addf %dot_general3A_329, %add3A_335 : vector<1024x2048xf32>
    %integer_pow3A_337 = arith.mulf %add3A_336, %add3A_336 : vector<1024x2048xf32>
    %integer_pow3A_338 = arith.mulf %add3A_336, %integer_pow3A_337 : vector<1024x2048xf32>
    %mul3A_339 = arith.constant 4.471500e-02 : f32
    %mul3A_340 = vector.broadcast %mul3A_339 : f32 to vector<1024x2048xf32>
    %mul3A_341 = arith.mulf %mul3A_340, %integer_pow3A_338 : vector<1024x2048xf32>
    %add3A_342 = arith.addf %add3A_336, %mul3A_341 : vector<1024x2048xf32>
    %mul3A_343 = arith.constant 0.797884583 : f32
    %mul3A_344 = vector.broadcast %mul3A_343 : f32 to vector<1024x2048xf32>
    %mul3A_345 = arith.mulf %mul3A_344, %add3A_342 : vector<1024x2048xf32>
    %tanh3A = math.tanh %mul3A_345 : vector<1024x2048xf32>
    %add3A_346 = arith.constant 1.000000e+00 : f32
    %add3A_347 = vector.broadcast %add3A_346 : f32 to vector<1024x2048xf32>
    %add3A_348 = arith.addf %add3A_347, %tanh3A : vector<1024x2048xf32>
    %mul3A_349 = arith.constant 5.000000e-01 : f32
    %mul3A_350 = vector.broadcast %mul3A_349 : f32 to vector<1024x2048xf32>
    %mul3A_351 = arith.mulf %mul3A_350, %add3A_348 : vector<1024x2048xf32>
    %mul3A_352 = arith.mulf %add3A_336, %mul3A_351 : vector<1024x2048xf32>
    %convert_element_type3A_353 = arith.truncf %mul3A_352 : vector<1024x2048xf32> to vector<1024x2048xbf16>
    %get3A_354 = arith.constant 0 : index
    %get3A_355 = arith.constant 0 : index
    %get3A_356 = arith.constant 0 : index
    %get3A_357 = vector.load %arg14[%get3A_354, %get3A_355, %get3A_356] : memref<1x2048x512xbf16, #tpu.memory_space<vmem>>, vector<1x2048x512xbf16>
    %get3A_358 = vector.shape_cast %get3A_357 : vector<1x2048x512xbf16> to vector<2048x512xbf16>
    %dot_general3A_359 = arith.constant dense<0.000000e+00> : vector<1024x512xf32>
    %dot_general3A_360 = tpu.matmul %convert_element_type3A_353, %get3A_358, %dot_general3A_359 {dimension_numbers = #tpu.dot_dimension_numbers<[1], [0], [0], [1], [0, 0, 1, 1], [], []>, transpose_lhs_hint = false} : vector<1024x2048xbf16>, vector<2048x512xbf16>, vector<1024x512xf32> -> vector<1024x512xf32>
    %add3A_361 = arith.addf %add3A_284, %dot_general3A_360 : vector<1024x512xf32>
    %get3A_362 = arith.constant 0 : index
    %get3A_363 = arith.constant 0 : index
    %get3A_364 = arith.constant 0 : index
    %get3A_365 = vector.load %arg15[%get3A_362, %get3A_363, %get3A_364] : memref<1x1x512xf32, #tpu.memory_space<vmem>>, vector<1x1x512xf32>
    %get3A_366 = vector.shape_cast %get3A_365 : vector<1x1x512xf32> to vector<1x512xf32>
    %add3A_367 = vector.broadcast %get3A_366 : vector<1x512xf32> to vector<1024x512xf32>
    %add3A_368 = arith.addf %add3A_361, %add3A_367 : vector<1024x512xf32>
    %swap3A = arith.index_cast %mul3A_0 : i32 to index
    %swap3A_369 = arith.constant 0 : index
    %swap3A_370 = vector.load %arg20[%swap3A, %swap3A_369] : memref<2048x512xf32, #tpu.memory_space<vmem>>, vector<1024x512xf32>
    tpu.vector_store %arg20[%swap3A, %swap3A_369], %add3A_368 {strides = array<i32>} : memref<2048x512xf32, #tpu.memory_space<vmem>>, vector<1024x512xf32>,
    %eq3A_371 = arith.constant 3 : i32
    %eq3A_372 = arith.cmpi eq, %arg0, %eq3A_371 : i32
    %convert_element_type3A_373 = arith.extui %eq3A_372 : i1 to i32
    %cond3A_374 = arith.constant 0 : i32
    %cond3A_375 = arith.cmpi ne, %convert_element_type3A_373, %cond3A_374 : i32
    scf.if %cond3A_375 {
      %swap3A_376 = arith.constant 0 : index
      %swap3A_377 = arith.constant 0 : index
      %swap3A_378 = vector.load %arg18[%swap3A_376, %swap3A_377] : memref<1024x512xf32, #tpu.memory_space<vmem>>, vector<1024x512xf32>
      tpu.vector_store %arg18[%swap3A_376, %swap3A_377], %add3A_368 {strides = array<i32>} : memref<1024x512xf32, #tpu.memory_space<vmem>>, vector<1024x512xf32>,
      %get3A_379 = arith.constant 0 : index
      %get3A_380 = arith.constant 0 : index
      %get3A_381 = vector.load %arg16[%get3A_379, %get3A_380] : memref<512x512xf32, #tpu.memory_space<vmem>>, vector<512x512xf32>
      %dot_general3A_382 = arith.constant dense<0.000000e+00> : vector<1024x512xf32>
      %dot_general3A_383 = tpu.matmul %add3A_368, %get3A_381, %dot_general3A_382 {dimension_numbers = #tpu.dot_dimension_numbers<[1], [0], [0], [1], [0, 0, 1, 1], [], []>, transpose_lhs_hint = false} : vector<1024x512xf32>, vector<512x512xf32>, vector<1024x512xf32> -> vector<1024x512xf32>
      %get3A_384 = arith.constant 0 : index
      %get3A_385 = arith.constant 0 : index
      %get3A_386 = vector.load %arg17[%get3A_384, %get3A_385] : memref<1x512xf32, #tpu.memory_space<vmem>>, vector<1x512xf32>
      %add3A_387 = vector.broadcast %get3A_386 : vector<1x512xf32> to vector<1024x512xf32>
      %add3A_388 = arith.addf %dot_general3A_383, %add3A_387 : vector<1024x512xf32>
      %swap3A_389 = arith.constant 0 : index
      %swap3A_390 = arith.constant 0 : index
      %swap3A_391 = vector.load %arg19[%swap3A_389, %swap3A_390] : memref<1024x512xf32, #tpu.memory_space<vmem>>, vector<1024x512xf32>
      tpu.vector_store %arg19[%swap3A_389, %swap3A_390], %add3A_388 {strides = array<i32>} : memref<1024x512xf32, #tpu.memory_space<vmem>>, vector<1024x512xf32>,
    } else {
    }
    return
  }
  func.func @transform_0(%arg0: i32, %arg1: i32) -> (i32, i32) {
    %c0_i32 = arith.constant 0 : i32
    %c0_i32_0 = arith.constant 0 : i32
    return %arg1, %c0_i32 : i32, i32
  }
  func.func @transform_1(%arg0: i32, %arg1: i32) -> (i32, i32) {
    %c0_i32 = arith.constant 0 : i32
    %c0_i32_0 = arith.constant 0 : i32
    %c0_i32_1 = arith.constant 0 : i32
    return %c0_i32, %c0_i32_0 : i32, i32
  }
  func.func @transform_2(%arg0: i32, %arg1: i32) -> (i32, i32, i32) {
    %c0_i32 = arith.constant 0 : i32
    %c0_i32_0 = arith.constant 0 : i32
    %c0_i32_1 = arith.constant 0 : i32
    return %arg0, %c0_i32, %c0_i32_0 : i32, i32, i32
  }
  func.func @transform_3(%arg0: i32, %arg1: i32) -> (i32, i32, i32) {
    %c0_i32 = arith.constant 0 : i32
    %c0_i32_0 = arith.constant 0 : i32
    %c0_i32_1 = arith.constant 0 : i32
    return %arg0, %c0_i32, %c0_i32_0 : i32, i32, i32
  }
  func.func @transform_4(%arg0: i32, %arg1: i32) -> (i32, i32, i32) {
    %c0_i32 = arith.constant 0 : i32
    %c0_i32_0 = arith.constant 0 : i32
    %c0_i32_1 = arith.constant 0 : i32
    return %arg0, %c0_i32, %c0_i32_0 : i32, i32, i32
  }
  func.func @transform_5(%arg0: i32, %arg1: i32) -> (i32, i32, i32) {
    %c0_i32 = arith.constant 0 : i32
    %c0_i32_0 = arith.constant 0 : i32
    %c0_i32_1 = arith.constant 0 : i32
    return %arg0, %c0_i32, %c0_i32_0 : i32, i32, i32
  }
  func.func @transform_6(%arg0: i32, %arg1: i32) -> (i32, i32, i32) {
    %c0_i32 = arith.constant 0 : i32
    %c0_i32_0 = arith.constant 0 : i32
    %c0_i32_1 = arith.constant 0 : i32
    return %arg0, %c0_i32, %c0_i32_0 : i32, i32, i32
  }
  func.func @transform_7(%arg0: i32, %arg1: i32) -> (i32, i32, i32) {
    %c0_i32 = arith.constant 0 : i32
    %c0_i32_0 = arith.constant 0 : i32
    %c0_i32_1 = arith.constant 0 : i32
    return %arg0, %c0_i32, %c0_i32_0 : i32, i32, i32
  }
  func.func @transform_8(%arg0: i32, %arg1: i32) -> (i32, i32, i32) {
    %c0_i32 = arith.constant 0 : i32
    %c0_i32_0 = arith.constant 0 : i32
    %c0_i32_1 = arith.constant 0 : i32
    return %arg0, %c0_i32, %c0_i32_0 : i32, i32, i32
  }
  func.func @transform_9(%arg0: i32, %arg1: i32) -> (i32, i32, i32) {
    %c0_i32 = arith.constant 0 : i32
    %c0_i32_0 = arith.constant 0 : i32
    %c0_i32_1 = arith.constant 0 : i32
    return %arg0, %c0_i32, %c0_i32_0 : i32, i32, i32
  }
  func.func @transform_10(%arg0: i32, %arg1: i32) -> (i32, i32, i32) {
    %c0_i32 = arith.constant 0 : i32
    %c0_i32_0 = arith.constant 0 : i32
    %c0_i32_1 = arith.constant 0 : i32
    return %arg0, %c0_i32, %c0_i32_0 : i32, i32, i32
  }
  func.func @transform_11(%arg0: i32, %arg1: i32) -> (i32, i32, i32) {
    %c0_i32 = arith.constant 0 : i32
    %c0_i32_0 = arith.constant 0 : i32
    %c0_i32_1 = arith.constant 0 : i32
    return %arg0, %c0_i32, %c0_i32_0 : i32, i32, i32
  }
  func.func @transform_12(%arg0: i32, %arg1: i32) -> (i32, i32, i32) {
    %c0_i32 = arith.constant 0 : i32
    %c0_i32_0 = arith.constant 0 : i32
    %c0_i32_1 = arith.constant 0 : i32
    return %arg0, %c0_i32, %c0_i32_0 : i32, i32, i32
  }
  func.func @transform_13(%arg0: i32, %arg1: i32) -> (i32, i32, i32) {
    %c0_i32 = arith.constant 0 : i32
    %c0_i32_0 = arith.constant 0 : i32
    %c0_i32_1 = arith.constant 0 : i32
    return %arg0, %c0_i32, %c0_i32_0 : i32, i32, i32
  }
  func.func @transform_14(%arg0: i32, %arg1: i32) -> (i32, i32) {
    %c0_i32 = arith.constant 0 : i32
    %c0_i32_0 = arith.constant 0 : i32
    %c0_i32_1 = arith.constant 0 : i32
    return %c0_i32, %c0_i32_0 : i32, i32
  }
  func.func @transform_15(%arg0: i32, %arg1: i32) -> (i32, i32) {
    %c0_i32 = arith.constant 0 : i32
    %c0_i32_0 = arith.constant 0 : i32
    %c0_i32_1 = arith.constant 0 : i32
    return %c0_i32, %c0_i32_0 : i32, i32
  }
  func.func @transform_16(%arg0: i32, %arg1: i32) -> (i32, i32) {
    %c0_i32 = arith.constant 0 : i32
    %c0_i32_0 = arith.constant 0 : i32
    return %arg1, %c0_i32 : i32, i32
  }
  func.func @transform_17(%arg0: i32, %arg1: i32) -> (i32, i32) {
    %c0_i32 = arith.constant 0 : i32
    %c0_i32_0 = arith.constant 0 : i32
    return %arg1, %c0_i32 : i32, i32
  }
}

module attributes {stable_mosaic.version = 14 : i64} {
  func.func @_topk_body(%arg0: i32, %arg1: i32, %arg2: memref<256x512xf32, #tpu.memory_space<vmem>>, %arg3: memref<2048x512xf32, #tpu.memory_space<vmem>>, %arg4: memref<1x2048xf32, #tpu.memory_space<vmem>>, %arg5: memref<256x4xf32, #tpu.memory_space<vmem>>, %arg6: memref<256x4xi32, #tpu.memory_space<vmem>>, %arg7: memref<2048x4xf32, #tpu.memory_space<vmem>>, %arg8: memref<2048x4xi32, #tpu.memory_space<vmem>>) attributes {dimension_semantics = [#tpu.dimension_semantics<arbitrary>, #tpu.dimension_semantics<arbitrary>], iteration_bounds = array<i64: 2, 8>, scalar_prefetch = 0 : i64, scratch_operands = 2 : i64, tpu.core_type = #tpu.core_type<tc>, window_params = [{transform_indices = @transform_0, window_bounds = array<i64: 256, 512>}, {transform_indices = @transform_1, window_bounds = array<i64: 2048, 512>}, {transform_indices = @transform_2, window_bounds = array<i64: 1, 2048>}, {transform_indices = @transform_3, window_bounds = array<i64: 256, 4>}, {transform_indices = @transform_4, window_bounds = array<i64: 256, 4>}]} {
    %get3A = arith.constant 0 : index
    %get3A_0 = arith.constant 0 : index
    %get3A_1 = vector.load %arg2[%get3A, %get3A_0] : memref<256x512xf32, #tpu.memory_space<vmem>>, vector<256x512xf32>
    %get3A_2 = arith.constant 0 : index
    %get3A_3 = arith.constant 0 : index
    %get3A_4 = vector.load %arg3[%get3A_2, %get3A_3] : memref<2048x512xf32, #tpu.memory_space<vmem>>, vector<2048x512xf32>
    %dot_general3A = arith.constant dense<0.000000e+00> : vector<256x2048xf32>
    %dot_general3A_5 = tpu.matmul %get3A_1, %get3A_4, %dot_general3A {dimension_numbers = #tpu.dot_dimension_numbers<[1], [1], [0], [0], [0, 0, 1, 0], [], []>, transpose_lhs_hint = false} : vector<256x512xf32>, vector<2048x512xf32>, vector<256x2048xf32> -> vector<256x2048xf32>
    %mul3A = arith.constant 0.0441941731 : f32
    %mul3A_6 = vector.broadcast %mul3A : f32 to vector<256x2048xf32>
    %mul3A_7 = arith.mulf %dot_general3A_5, %mul3A_6 : vector<256x2048xf32>
    %get3A_8 = arith.constant 0 : index
    %get3A_9 = arith.constant 0 : index
    %get3A_10 = vector.load %arg4[%get3A_8, %get3A_9] : memref<1x2048xf32, #tpu.memory_space<vmem>>, vector<1x2048xf32>
    %add3A = vector.broadcast %get3A_10 : vector<1x2048xf32> to vector<256x2048xf32>
    %add3A_11 = arith.addf %mul3A_7, %add3A : vector<256x2048xf32>
    %iota3A = tpu.iota {dimensions = array<i32: 1>} : vector<256x2048xi32>
    %mul3A_12 = arith.constant 2048 : i32
    %mul3A_13 = arith.muli %arg0, %mul3A_12 : i32
    %add3A_14 = vector.broadcast %mul3A_13 : i32 to vector<256x2048xi32>
    %add3A_15 = arith.addi %iota3A, %add3A_14 : vector<256x2048xi32>
    %reduce_max3A = arith.constant dense<0xFF800000> : vector<256xf32>
    %reduce_max3A_16 = vector.multi_reduction <maximumf>, %add3A_11, %reduce_max3A [1] : vector<256x2048xf32> to vector<256xf32>
    %broadcast_in_dim3A = vector.shape_cast %reduce_max3A_16 : vector<256xf32> to vector<256x1xf32>
    %eq3A = vector.broadcast %broadcast_in_dim3A : vector<256x1xf32> to vector<256x2048xf32>
    %eq3A_17 = arith.cmpf oeq, %add3A_11, %eq3A : vector<256x2048xf32>
    %jit3A = arith.constant 1073741824 : i32
    %broadcast_in_dim3A_18 = vector.broadcast %jit3A : i32 to vector<256x2048xi32>
    %select_n3A = arith.select %eq3A_17, %add3A_15, %broadcast_in_dim3A_18 : vector<256x2048xi1>, vector<256x2048xi32>
    %reduce_min3A = arith.constant dense<2147483647> : vector<256xi32>
    %reduce_min3A_19 = vector.multi_reduction <minsi>, %select_n3A, %reduce_min3A [1] : vector<256x2048xi32> to vector<256xi32>
    %broadcast_in_dim3A_20 = vector.shape_cast %reduce_min3A_19 : vector<256xi32> to vector<256x1xi32>
    %eq3A_21 = vector.broadcast %broadcast_in_dim3A_20 : vector<256x1xi32> to vector<256x2048xi32>
    %eq3A_22 = arith.cmpi eq, %add3A_15, %eq3A_21 : vector<256x2048xi32>
    %jit3A_23 = arith.constant 0xFF800000 : f32
    %broadcast_in_dim3A_24 = vector.broadcast %jit3A_23 : f32 to vector<256x2048xf32>
    %select_n3A_25 = arith.select %eq3A_22, %broadcast_in_dim3A_24, %add3A_11 : vector<256x2048xi1>, vector<256x2048xf32>
    %reduce_max3A_26 = arith.constant dense<0xFF800000> : vector<256xf32>
    %reduce_max3A_27 = vector.multi_reduction <maximumf>, %select_n3A_25, %reduce_max3A_26 [1] : vector<256x2048xf32> to vector<256xf32>
    %broadcast_in_dim3A_28 = vector.shape_cast %reduce_max3A_27 : vector<256xf32> to vector<256x1xf32>
    %eq3A_29 = vector.broadcast %broadcast_in_dim3A_28 : vector<256x1xf32> to vector<256x2048xf32>
    %eq3A_30 = arith.cmpf oeq, %select_n3A_25, %eq3A_29 : vector<256x2048xf32>
    %jit3A_31 = arith.constant 1073741824 : i32
    %broadcast_in_dim3A_32 = vector.broadcast %jit3A_31 : i32 to vector<256x2048xi32>
    %select_n3A_33 = arith.select %eq3A_30, %add3A_15, %broadcast_in_dim3A_32 : vector<256x2048xi1>, vector<256x2048xi32>
    %reduce_min3A_34 = arith.constant dense<2147483647> : vector<256xi32>
    %reduce_min3A_35 = vector.multi_reduction <minsi>, %select_n3A_33, %reduce_min3A_34 [1] : vector<256x2048xi32> to vector<256xi32>
    %broadcast_in_dim3A_36 = vector.shape_cast %reduce_min3A_35 : vector<256xi32> to vector<256x1xi32>
    %eq3A_37 = vector.broadcast %broadcast_in_dim3A_36 : vector<256x1xi32> to vector<256x2048xi32>
    %eq3A_38 = arith.cmpi eq, %add3A_15, %eq3A_37 : vector<256x2048xi32>
    %jit3A_39 = arith.constant 0xFF800000 : f32
    %broadcast_in_dim3A_40 = vector.broadcast %jit3A_39 : f32 to vector<256x2048xf32>
    %select_n3A_41 = arith.select %eq3A_38, %broadcast_in_dim3A_40, %select_n3A_25 : vector<256x2048xi1>, vector<256x2048xf32>
    %reduce_max3A_42 = arith.constant dense<0xFF800000> : vector<256xf32>
    %reduce_max3A_43 = vector.multi_reduction <maximumf>, %select_n3A_41, %reduce_max3A_42 [1] : vector<256x2048xf32> to vector<256xf32>
    %broadcast_in_dim3A_44 = vector.shape_cast %reduce_max3A_43 : vector<256xf32> to vector<256x1xf32>
    %eq3A_45 = vector.broadcast %broadcast_in_dim3A_44 : vector<256x1xf32> to vector<256x2048xf32>
    %eq3A_46 = arith.cmpf oeq, %select_n3A_41, %eq3A_45 : vector<256x2048xf32>
    %jit3A_47 = arith.constant 1073741824 : i32
    %broadcast_in_dim3A_48 = vector.broadcast %jit3A_47 : i32 to vector<256x2048xi32>
    %select_n3A_49 = arith.select %eq3A_46, %add3A_15, %broadcast_in_dim3A_48 : vector<256x2048xi1>, vector<256x2048xi32>
    %reduce_min3A_50 = arith.constant dense<2147483647> : vector<256xi32>
    %reduce_min3A_51 = vector.multi_reduction <minsi>, %select_n3A_49, %reduce_min3A_50 [1] : vector<256x2048xi32> to vector<256xi32>
    %broadcast_in_dim3A_52 = vector.shape_cast %reduce_min3A_51 : vector<256xi32> to vector<256x1xi32>
    %eq3A_53 = vector.broadcast %broadcast_in_dim3A_52 : vector<256x1xi32> to vector<256x2048xi32>
    %eq3A_54 = arith.cmpi eq, %add3A_15, %eq3A_53 : vector<256x2048xi32>
    %jit3A_55 = arith.constant 0xFF800000 : f32
    %broadcast_in_dim3A_56 = vector.broadcast %jit3A_55 : f32 to vector<256x2048xf32>
    %select_n3A_57 = arith.select %eq3A_54, %broadcast_in_dim3A_56, %select_n3A_41 : vector<256x2048xi1>, vector<256x2048xf32>
    %reduce_max3A_58 = arith.constant dense<0xFF800000> : vector<256xf32>
    %reduce_max3A_59 = vector.multi_reduction <maximumf>, %select_n3A_57, %reduce_max3A_58 [1] : vector<256x2048xf32> to vector<256xf32>
    %broadcast_in_dim3A_60 = vector.shape_cast %reduce_max3A_59 : vector<256xf32> to vector<256x1xf32>
    %eq3A_61 = vector.broadcast %broadcast_in_dim3A_60 : vector<256x1xf32> to vector<256x2048xf32>
    %eq3A_62 = arith.cmpf oeq, %select_n3A_57, %eq3A_61 : vector<256x2048xf32>
    %jit3A_63 = arith.constant 1073741824 : i32
    %broadcast_in_dim3A_64 = vector.broadcast %jit3A_63 : i32 to vector<256x2048xi32>
    %select_n3A_65 = arith.select %eq3A_62, %add3A_15, %broadcast_in_dim3A_64 : vector<256x2048xi1>, vector<256x2048xi32>
    %reduce_min3A_66 = arith.constant dense<2147483647> : vector<256xi32>
    %reduce_min3A_67 = vector.multi_reduction <minsi>, %select_n3A_65, %reduce_min3A_66 [1] : vector<256x2048xi32> to vector<256xi32>
    %broadcast_in_dim3A_68 = vector.shape_cast %reduce_min3A_67 : vector<256xi32> to vector<256x1xi32>
    %concatenate3A = tpu.concatenate %broadcast_in_dim3A, %broadcast_in_dim3A_28, %broadcast_in_dim3A_44, %broadcast_in_dim3A_60 in 1 : vector<256x1xf32>, vector<256x1xf32>, vector<256x1xf32>, vector<256x1xf32> -> vector<256x4xf32>
    %concatenate3A_69 = tpu.concatenate %broadcast_in_dim3A_20, %broadcast_in_dim3A_36, %broadcast_in_dim3A_52, %broadcast_in_dim3A_68 in 1 : vector<256x1xi32>, vector<256x1xi32>, vector<256x1xi32>, vector<256x1xi32> -> vector<256x4xi32>
    %mul3A_70 = arith.constant 256 : i32
    %mul3A_71 = arith.muli %arg1, %mul3A_70 : i32
    %eq3A_72 = arith.constant 0 : i32
    %eq3A_73 = arith.cmpi eq, %arg0, %eq3A_72 : i32
    %convert_element_type3A = arith.extui %eq3A_73 : i1 to i32
    %cond3A = arith.constant 0 : i32
    %cond3A_74 = arith.cmpi ne, %convert_element_type3A, %cond3A : i32
    scf.if %cond3A_74 {
      %broadcast_in_dim3A_154 = arith.constant 0xFF800000 : f32
      %broadcast_in_dim3A_155 = vector.broadcast %broadcast_in_dim3A_154 : f32 to vector<256x4xf32>
      %swap3A_156 = arith.index_cast %mul3A_71 : i32 to index
      %swap3A_157 = arith.constant 0 : index
      %swap3A_158 = vector.load %arg7[%swap3A_156, %swap3A_157] : memref<2048x4xf32, #tpu.memory_space<vmem>>, vector<256x4xf32>
      tpu.vector_store %arg7[%swap3A_156, %swap3A_157], %broadcast_in_dim3A_155 {strides = array<i32>} : memref<2048x4xf32, #tpu.memory_space<vmem>>, vector<256x4xf32>,
      %broadcast_in_dim3A_159 = arith.constant 0 : i32
      %broadcast_in_dim3A_160 = vector.broadcast %broadcast_in_dim3A_159 : i32 to vector<256x4xi32>
      %swap3A_161 = arith.index_cast %mul3A_71 : i32 to index
      %swap3A_162 = arith.constant 0 : index
      %swap3A_163 = vector.load %arg8[%swap3A_161, %swap3A_162] : memref<2048x4xi32, #tpu.memory_space<vmem>>, vector<256x4xi32>
      tpu.vector_store %arg8[%swap3A_161, %swap3A_162], %broadcast_in_dim3A_160 {strides = array<i32>} : memref<2048x4xi32, #tpu.memory_space<vmem>>, vector<256x4xi32>,
    } else {
    }
    %get3A_75 = arith.index_cast %mul3A_71 : i32 to index
    %get3A_76 = arith.constant 0 : index
    %get3A_77 = vector.load %arg7[%get3A_75, %get3A_76] : memref<2048x4xf32, #tpu.memory_space<vmem>>, vector<256x4xf32>
    %concatenate3A_78 = tpu.concatenate %get3A_77, %concatenate3A in 1 : vector<256x4xf32>, vector<256x4xf32> -> vector<256x8xf32>
    %get3A_79 = arith.index_cast %mul3A_71 : i32 to index
    %get3A_80 = arith.constant 0 : index
    %get3A_81 = vector.load %arg8[%get3A_79, %get3A_80] : memref<2048x4xi32, #tpu.memory_space<vmem>>, vector<256x4xi32>
    %concatenate3A_82 = tpu.concatenate %get3A_81, %concatenate3A_69 in 1 : vector<256x4xi32>, vector<256x4xi32> -> vector<256x8xi32>
    %reduce_max3A_83 = arith.constant dense<0xFF800000> : vector<256xf32>
    %reduce_max3A_84 = vector.multi_reduction <maximumf>, %concatenate3A_78, %reduce_max3A_83 [1] : vector<256x8xf32> to vector<256xf32>
    %broadcast_in_dim3A_85 = vector.shape_cast %reduce_max3A_84 : vector<256xf32> to vector<256x1xf32>
    %eq3A_86 = vector.broadcast %broadcast_in_dim3A_85 : vector<256x1xf32> to vector<256x8xf32>
    %eq3A_87 = arith.cmpf oeq, %concatenate3A_78, %eq3A_86 : vector<256x8xf32>
    %jit3A_88 = arith.constant 1073741824 : i32
    %broadcast_in_dim3A_89 = vector.broadcast %jit3A_88 : i32 to vector<256x8xi32>
    %select_n3A_90 = arith.select %eq3A_87, %concatenate3A_82, %broadcast_in_dim3A_89 : vector<256x8xi1>, vector<256x8xi32>
    %reduce_min3A_91 = arith.constant dense<2147483647> : vector<256xi32>
    %reduce_min3A_92 = vector.multi_reduction <minsi>, %select_n3A_90, %reduce_min3A_91 [1] : vector<256x8xi32> to vector<256xi32>
    %broadcast_in_dim3A_93 = vector.shape_cast %reduce_min3A_92 : vector<256xi32> to vector<256x1xi32>
    %eq3A_94 = vector.broadcast %broadcast_in_dim3A_93 : vector<256x1xi32> to vector<256x8xi32>
    %eq3A_95 = arith.cmpi eq, %concatenate3A_82, %eq3A_94 : vector<256x8xi32>
    %jit3A_96 = arith.constant 0xFF800000 : f32
    %broadcast_in_dim3A_97 = vector.broadcast %jit3A_96 : f32 to vector<256x8xf32>
    %select_n3A_98 = arith.select %eq3A_95, %broadcast_in_dim3A_97, %concatenate3A_78 : vector<256x8xi1>, vector<256x8xf32>
    %reduce_max3A_99 = arith.constant dense<0xFF800000> : vector<256xf32>
    %reduce_max3A_100 = vector.multi_reduction <maximumf>, %select_n3A_98, %reduce_max3A_99 [1] : vector<256x8xf32> to vector<256xf32>
    %broadcast_in_dim3A_101 = vector.shape_cast %reduce_max3A_100 : vector<256xf32> to vector<256x1xf32>
    %eq3A_102 = vector.broadcast %broadcast_in_dim3A_101 : vector<256x1xf32> to vector<256x8xf32>
    %eq3A_103 = arith.cmpf oeq, %select_n3A_98, %eq3A_102 : vector<256x8xf32>
    %jit3A_104 = arith.constant 1073741824 : i32
    %broadcast_in_dim3A_105 = vector.broadcast %jit3A_104 : i32 to vector<256x8xi32>
    %select_n3A_106 = arith.select %eq3A_103, %concatenate3A_82, %broadcast_in_dim3A_105 : vector<256x8xi1>, vector<256x8xi32>
    %reduce_min3A_107 = arith.constant dense<2147483647> : vector<256xi32>
    %reduce_min3A_108 = vector.multi_reduction <minsi>, %select_n3A_106, %reduce_min3A_107 [1] : vector<256x8xi32> to vector<256xi32>
    %broadcast_in_dim3A_109 = vector.shape_cast %reduce_min3A_108 : vector<256xi32> to vector<256x1xi32>
    %eq3A_110 = vector.broadcast %broadcast_in_dim3A_109 : vector<256x1xi32> to vector<256x8xi32>
    %eq3A_111 = arith.cmpi eq, %concatenate3A_82, %eq3A_110 : vector<256x8xi32>
    %jit3A_112 = arith.constant 0xFF800000 : f32
    %broadcast_in_dim3A_113 = vector.broadcast %jit3A_112 : f32 to vector<256x8xf32>
    %select_n3A_114 = arith.select %eq3A_111, %broadcast_in_dim3A_113, %select_n3A_98 : vector<256x8xi1>, vector<256x8xf32>
    %reduce_max3A_115 = arith.constant dense<0xFF800000> : vector<256xf32>
    %reduce_max3A_116 = vector.multi_reduction <maximumf>, %select_n3A_114, %reduce_max3A_115 [1] : vector<256x8xf32> to vector<256xf32>
    %broadcast_in_dim3A_117 = vector.shape_cast %reduce_max3A_116 : vector<256xf32> to vector<256x1xf32>
    %eq3A_118 = vector.broadcast %broadcast_in_dim3A_117 : vector<256x1xf32> to vector<256x8xf32>
    %eq3A_119 = arith.cmpf oeq, %select_n3A_114, %eq3A_118 : vector<256x8xf32>
    %jit3A_120 = arith.constant 1073741824 : i32
    %broadcast_in_dim3A_121 = vector.broadcast %jit3A_120 : i32 to vector<256x8xi32>
    %select_n3A_122 = arith.select %eq3A_119, %concatenate3A_82, %broadcast_in_dim3A_121 : vector<256x8xi1>, vector<256x8xi32>
    %reduce_min3A_123 = arith.constant dense<2147483647> : vector<256xi32>
    %reduce_min3A_124 = vector.multi_reduction <minsi>, %select_n3A_122, %reduce_min3A_123 [1] : vector<256x8xi32> to vector<256xi32>
    %broadcast_in_dim3A_125 = vector.shape_cast %reduce_min3A_124 : vector<256xi32> to vector<256x1xi32>
    %eq3A_126 = vector.broadcast %broadcast_in_dim3A_125 : vector<256x1xi32> to vector<256x8xi32>
    %eq3A_127 = arith.cmpi eq, %concatenate3A_82, %eq3A_126 : vector<256x8xi32>
    %jit3A_128 = arith.constant 0xFF800000 : f32
    %broadcast_in_dim3A_129 = vector.broadcast %jit3A_128 : f32 to vector<256x8xf32>
    %select_n3A_130 = arith.select %eq3A_127, %broadcast_in_dim3A_129, %select_n3A_114 : vector<256x8xi1>, vector<256x8xf32>
    %reduce_max3A_131 = arith.constant dense<0xFF800000> : vector<256xf32>
    %reduce_max3A_132 = vector.multi_reduction <maximumf>, %select_n3A_130, %reduce_max3A_131 [1] : vector<256x8xf32> to vector<256xf32>
    %broadcast_in_dim3A_133 = vector.shape_cast %reduce_max3A_132 : vector<256xf32> to vector<256x1xf32>
    %eq3A_134 = vector.broadcast %broadcast_in_dim3A_133 : vector<256x1xf32> to vector<256x8xf32>
    %eq3A_135 = arith.cmpf oeq, %select_n3A_130, %eq3A_134 : vector<256x8xf32>
    %jit3A_136 = arith.constant 1073741824 : i32
    %broadcast_in_dim3A_137 = vector.broadcast %jit3A_136 : i32 to vector<256x8xi32>
    %select_n3A_138 = arith.select %eq3A_135, %concatenate3A_82, %broadcast_in_dim3A_137 : vector<256x8xi1>, vector<256x8xi32>
    %reduce_min3A_139 = arith.constant dense<2147483647> : vector<256xi32>
    %reduce_min3A_140 = vector.multi_reduction <minsi>, %select_n3A_138, %reduce_min3A_139 [1] : vector<256x8xi32> to vector<256xi32>
    %broadcast_in_dim3A_141 = vector.shape_cast %reduce_min3A_140 : vector<256xi32> to vector<256x1xi32>
    %concatenate3A_142 = tpu.concatenate %broadcast_in_dim3A_85, %broadcast_in_dim3A_101, %broadcast_in_dim3A_117, %broadcast_in_dim3A_133 in 1 : vector<256x1xf32>, vector<256x1xf32>, vector<256x1xf32>, vector<256x1xf32> -> vector<256x4xf32>
    %swap3A = arith.index_cast %mul3A_71 : i32 to index
    %swap3A_143 = arith.constant 0 : index
    %swap3A_144 = vector.load %arg7[%swap3A, %swap3A_143] : memref<2048x4xf32, #tpu.memory_space<vmem>>, vector<256x4xf32>
    tpu.vector_store %arg7[%swap3A, %swap3A_143], %concatenate3A_142 {strides = array<i32>} : memref<2048x4xf32, #tpu.memory_space<vmem>>, vector<256x4xf32>,
    %concatenate3A_145 = tpu.concatenate %broadcast_in_dim3A_93, %broadcast_in_dim3A_109, %broadcast_in_dim3A_125, %broadcast_in_dim3A_141 in 1 : vector<256x1xi32>, vector<256x1xi32>, vector<256x1xi32>, vector<256x1xi32> -> vector<256x4xi32>
    %swap3A_146 = arith.index_cast %mul3A_71 : i32 to index
    %swap3A_147 = arith.constant 0 : index
    %swap3A_148 = vector.load %arg8[%swap3A_146, %swap3A_147] : memref<2048x4xi32, #tpu.memory_space<vmem>>, vector<256x4xi32>
    tpu.vector_store %arg8[%swap3A_146, %swap3A_147], %concatenate3A_145 {strides = array<i32>} : memref<2048x4xi32, #tpu.memory_space<vmem>>, vector<256x4xi32>,
    %eq3A_149 = arith.constant 1 : i32
    %eq3A_150 = arith.cmpi eq, %arg0, %eq3A_149 : i32
    %convert_element_type3A_151 = arith.extui %eq3A_150 : i1 to i32
    %cond3A_152 = arith.constant 0 : i32
    %cond3A_153 = arith.cmpi ne, %convert_element_type3A_151, %cond3A_152 : i32
    scf.if %cond3A_153 {
      %get3A_154 = arith.index_cast %mul3A_71 : i32 to index
      %get3A_155 = arith.constant 0 : index
      %get3A_156 = vector.load %arg7[%get3A_154, %get3A_155] : memref<2048x4xf32, #tpu.memory_space<vmem>>, vector<256x4xf32>
      %swap3A_157 = arith.constant 0 : index
      %swap3A_158 = arith.constant 0 : index
      %swap3A_159 = vector.load %arg5[%swap3A_157, %swap3A_158] : memref<256x4xf32, #tpu.memory_space<vmem>>, vector<256x4xf32>
      tpu.vector_store %arg5[%swap3A_157, %swap3A_158], %get3A_156 {strides = array<i32>} : memref<256x4xf32, #tpu.memory_space<vmem>>, vector<256x4xf32>,
      %get3A_160 = arith.index_cast %mul3A_71 : i32 to index
      %get3A_161 = arith.constant 0 : index
      %get3A_162 = vector.load %arg8[%get3A_160, %get3A_161] : memref<2048x4xi32, #tpu.memory_space<vmem>>, vector<256x4xi32>
      %swap3A_163 = arith.constant 0 : index
      %swap3A_164 = arith.constant 0 : index
      %swap3A_165 = vector.load %arg6[%swap3A_163, %swap3A_164] : memref<256x4xi32, #tpu.memory_space<vmem>>, vector<256x4xi32>
      tpu.vector_store %arg6[%swap3A_163, %swap3A_164], %get3A_162 {strides = array<i32>} : memref<256x4xi32, #tpu.memory_space<vmem>>, vector<256x4xi32>,
    } else {
    }
    return
  }
  func.func @transform_0(%arg0: i32, %arg1: i32) -> (i32, i32) {
    %c0_i32 = arith.constant 0 : i32
    %c0_i32_0 = arith.constant 0 : i32
    return %arg1, %c0_i32 : i32, i32
  }
  func.func @transform_1(%arg0: i32, %arg1: i32) -> (i32, i32) {
    %c0_i32 = arith.constant 0 : i32
    %c0_i32_0 = arith.constant 0 : i32
    return %arg0, %c0_i32 : i32, i32
  }
  func.func @transform_2(%arg0: i32, %arg1: i32) -> (i32, i32) {
    %c0_i32 = arith.constant 0 : i32
    %c0_i32_0 = arith.constant 0 : i32
    return %c0_i32, %arg0 : i32, i32
  }
  func.func @transform_3(%arg0: i32, %arg1: i32) -> (i32, i32) {
    %c0_i32 = arith.constant 0 : i32
    %c0_i32_0 = arith.constant 0 : i32
    return %arg1, %c0_i32 : i32, i32
  }
  func.func @transform_4(%arg0: i32, %arg1: i32) -> (i32, i32) {
    %c0_i32 = arith.constant 0 : i32
    %c0_i32_0 = arith.constant 0 : i32
    return %arg1, %c0_i32 : i32, i32
  }
}

module attributes {stable_mosaic.version = 14 : i64} {
  func.func @_topk_body(%arg0: i32, %arg1: i32, %arg2: memref<256x512xf32, #tpu.memory_space<vmem>>, %arg3: memref<2048x512xf32, #tpu.memory_space<vmem>>, %arg4: memref<1x2048xf32, #tpu.memory_space<vmem>>, %arg5: memref<256x4xf32, #tpu.memory_space<vmem>>, %arg6: memref<256x4xi32, #tpu.memory_space<vmem>>, %arg7: memref<2048x4xf32, #tpu.memory_space<vmem>>, %arg8: memref<2048x4xi32, #tpu.memory_space<vmem>>) attributes {dimension_semantics = [#tpu.dimension_semantics<arbitrary>, #tpu.dimension_semantics<arbitrary>], iteration_bounds = array<i64: 4, 8>, scalar_prefetch = 0 : i64, scratch_operands = 2 : i64, tpu.core_type = #tpu.core_type<tc>, window_params = [{transform_indices = @transform_0, window_bounds = array<i64: 256, 512>}, {transform_indices = @transform_1, window_bounds = array<i64: 2048, 512>}, {transform_indices = @transform_2, window_bounds = array<i64: 1, 2048>}, {transform_indices = @transform_3, window_bounds = array<i64: 256, 4>}, {transform_indices = @transform_4, window_bounds = array<i64: 256, 4>}]} {
    %get3A = arith.constant 0 : index
    %get3A_0 = arith.constant 0 : index
    %get3A_1 = vector.load %arg2[%get3A, %get3A_0] : memref<256x512xf32, #tpu.memory_space<vmem>>, vector<256x512xf32>
    %get3A_2 = arith.constant 0 : index
    %get3A_3 = arith.constant 0 : index
    %get3A_4 = vector.load %arg3[%get3A_2, %get3A_3] : memref<2048x512xf32, #tpu.memory_space<vmem>>, vector<2048x512xf32>
    %dot_general3A = arith.constant dense<0.000000e+00> : vector<256x2048xf32>
    %dot_general3A_5 = tpu.matmul %get3A_1, %get3A_4, %dot_general3A {dimension_numbers = #tpu.dot_dimension_numbers<[1], [1], [0], [0], [0, 0, 1, 0], [], []>, transpose_lhs_hint = false} : vector<256x512xf32>, vector<2048x512xf32>, vector<256x2048xf32> -> vector<256x2048xf32>
    %mul3A = arith.constant 0.0441941731 : f32
    %mul3A_6 = vector.broadcast %mul3A : f32 to vector<256x2048xf32>
    %mul3A_7 = arith.mulf %dot_general3A_5, %mul3A_6 : vector<256x2048xf32>
    %get3A_8 = arith.constant 0 : index
    %get3A_9 = arith.constant 0 : index
    %get3A_10 = vector.load %arg4[%get3A_8, %get3A_9] : memref<1x2048xf32, #tpu.memory_space<vmem>>, vector<1x2048xf32>
    %add3A = vector.broadcast %get3A_10 : vector<1x2048xf32> to vector<256x2048xf32>
    %add3A_11 = arith.addf %mul3A_7, %add3A : vector<256x2048xf32>
    %iota3A = tpu.iota {dimensions = array<i32: 1>} : vector<256x2048xi32>
    %mul3A_12 = arith.constant 2048 : i32
    %mul3A_13 = arith.muli %arg0, %mul3A_12 : i32
    %add3A_14 = vector.broadcast %mul3A_13 : i32 to vector<256x2048xi32>
    %add3A_15 = arith.addi %iota3A, %add3A_14 : vector<256x2048xi32>
    %reduce_max3A = arith.constant dense<0xFF800000> : vector<256xf32>
    %reduce_max3A_16 = vector.multi_reduction <maximumf>, %add3A_11, %reduce_max3A [1] : vector<256x2048xf32> to vector<256xf32>
    %broadcast_in_dim3A = vector.shape_cast %reduce_max3A_16 : vector<256xf32> to vector<256x1xf32>
    %eq3A = vector.broadcast %broadcast_in_dim3A : vector<256x1xf32> to vector<256x2048xf32>
    %eq3A_17 = arith.cmpf oeq, %add3A_11, %eq3A : vector<256x2048xf32>
    %jit3A = arith.constant 1073741824 : i32
    %broadcast_in_dim3A_18 = vector.broadcast %jit3A : i32 to vector<256x2048xi32>
    %select_n3A = arith.select %eq3A_17, %add3A_15, %broadcast_in_dim3A_18 : vector<256x2048xi1>, vector<256x2048xi32>
    %reduce_min3A = arith.constant dense<2147483647> : vector<256xi32>
    %reduce_min3A_19 = vector.multi_reduction <minsi>, %select_n3A, %reduce_min3A [1] : vector<256x2048xi32> to vector<256xi32>
    %broadcast_in_dim3A_20 = vector.shape_cast %reduce_min3A_19 : vector<256xi32> to vector<256x1xi32>
    %eq3A_21 = vector.broadcast %broadcast_in_dim3A_20 : vector<256x1xi32> to vector<256x2048xi32>
    %eq3A_22 = arith.cmpi eq, %add3A_15, %eq3A_21 : vector<256x2048xi32>
    %jit3A_23 = arith.constant 0xFF800000 : f32
    %broadcast_in_dim3A_24 = vector.broadcast %jit3A_23 : f32 to vector<256x2048xf32>
    %select_n3A_25 = arith.select %eq3A_22, %broadcast_in_dim3A_24, %add3A_11 : vector<256x2048xi1>, vector<256x2048xf32>
    %reduce_max3A_26 = arith.constant dense<0xFF800000> : vector<256xf32>
    %reduce_max3A_27 = vector.multi_reduction <maximumf>, %select_n3A_25, %reduce_max3A_26 [1] : vector<256x2048xf32> to vector<256xf32>
    %broadcast_in_dim3A_28 = vector.shape_cast %reduce_max3A_27 : vector<256xf32> to vector<256x1xf32>
    %eq3A_29 = vector.broadcast %broadcast_in_dim3A_28 : vector<256x1xf32> to vector<256x2048xf32>
    %eq3A_30 = arith.cmpf oeq, %select_n3A_25, %eq3A_29 : vector<256x2048xf32>
    %jit3A_31 = arith.constant 1073741824 : i32
    %broadcast_in_dim3A_32 = vector.broadcast %jit3A_31 : i32 to vector<256x2048xi32>
    %select_n3A_33 = arith.select %eq3A_30, %add3A_15, %broadcast_in_dim3A_32 : vector<256x2048xi1>, vector<256x2048xi32>
    %reduce_min3A_34 = arith.constant dense<2147483647> : vector<256xi32>
    %reduce_min3A_35 = vector.multi_reduction <minsi>, %select_n3A_33, %reduce_min3A_34 [1] : vector<256x2048xi32> to vector<256xi32>
    %broadcast_in_dim3A_36 = vector.shape_cast %reduce_min3A_35 : vector<256xi32> to vector<256x1xi32>
    %eq3A_37 = vector.broadcast %broadcast_in_dim3A_36 : vector<256x1xi32> to vector<256x2048xi32>
    %eq3A_38 = arith.cmpi eq, %add3A_15, %eq3A_37 : vector<256x2048xi32>
    %jit3A_39 = arith.constant 0xFF800000 : f32
    %broadcast_in_dim3A_40 = vector.broadcast %jit3A_39 : f32 to vector<256x2048xf32>
    %select_n3A_41 = arith.select %eq3A_38, %broadcast_in_dim3A_40, %select_n3A_25 : vector<256x2048xi1>, vector<256x2048xf32>
    %reduce_max3A_42 = arith.constant dense<0xFF800000> : vector<256xf32>
    %reduce_max3A_43 = vector.multi_reduction <maximumf>, %select_n3A_41, %reduce_max3A_42 [1] : vector<256x2048xf32> to vector<256xf32>
    %broadcast_in_dim3A_44 = vector.shape_cast %reduce_max3A_43 : vector<256xf32> to vector<256x1xf32>
    %eq3A_45 = vector.broadcast %broadcast_in_dim3A_44 : vector<256x1xf32> to vector<256x2048xf32>
    %eq3A_46 = arith.cmpf oeq, %select_n3A_41, %eq3A_45 : vector<256x2048xf32>
    %jit3A_47 = arith.constant 1073741824 : i32
    %broadcast_in_dim3A_48 = vector.broadcast %jit3A_47 : i32 to vector<256x2048xi32>
    %select_n3A_49 = arith.select %eq3A_46, %add3A_15, %broadcast_in_dim3A_48 : vector<256x2048xi1>, vector<256x2048xi32>
    %reduce_min3A_50 = arith.constant dense<2147483647> : vector<256xi32>
    %reduce_min3A_51 = vector.multi_reduction <minsi>, %select_n3A_49, %reduce_min3A_50 [1] : vector<256x2048xi32> to vector<256xi32>
    %broadcast_in_dim3A_52 = vector.shape_cast %reduce_min3A_51 : vector<256xi32> to vector<256x1xi32>
    %eq3A_53 = vector.broadcast %broadcast_in_dim3A_52 : vector<256x1xi32> to vector<256x2048xi32>
    %eq3A_54 = arith.cmpi eq, %add3A_15, %eq3A_53 : vector<256x2048xi32>
    %jit3A_55 = arith.constant 0xFF800000 : f32
    %broadcast_in_dim3A_56 = vector.broadcast %jit3A_55 : f32 to vector<256x2048xf32>
    %select_n3A_57 = arith.select %eq3A_54, %broadcast_in_dim3A_56, %select_n3A_41 : vector<256x2048xi1>, vector<256x2048xf32>
    %reduce_max3A_58 = arith.constant dense<0xFF800000> : vector<256xf32>
    %reduce_max3A_59 = vector.multi_reduction <maximumf>, %select_n3A_57, %reduce_max3A_58 [1] : vector<256x2048xf32> to vector<256xf32>
    %broadcast_in_dim3A_60 = vector.shape_cast %reduce_max3A_59 : vector<256xf32> to vector<256x1xf32>
    %eq3A_61 = vector.broadcast %broadcast_in_dim3A_60 : vector<256x1xf32> to vector<256x2048xf32>
    %eq3A_62 = arith.cmpf oeq, %select_n3A_57, %eq3A_61 : vector<256x2048xf32>
    %jit3A_63 = arith.constant 1073741824 : i32
    %broadcast_in_dim3A_64 = vector.broadcast %jit3A_63 : i32 to vector<256x2048xi32>
    %select_n3A_65 = arith.select %eq3A_62, %add3A_15, %broadcast_in_dim3A_64 : vector<256x2048xi1>, vector<256x2048xi32>
    %reduce_min3A_66 = arith.constant dense<2147483647> : vector<256xi32>
    %reduce_min3A_67 = vector.multi_reduction <minsi>, %select_n3A_65, %reduce_min3A_66 [1] : vector<256x2048xi32> to vector<256xi32>
    %broadcast_in_dim3A_68 = vector.shape_cast %reduce_min3A_67 : vector<256xi32> to vector<256x1xi32>
    %concatenate3A = tpu.concatenate %broadcast_in_dim3A, %broadcast_in_dim3A_28, %broadcast_in_dim3A_44, %broadcast_in_dim3A_60 in 1 : vector<256x1xf32>, vector<256x1xf32>, vector<256x1xf32>, vector<256x1xf32> -> vector<256x4xf32>
    %concatenate3A_69 = tpu.concatenate %broadcast_in_dim3A_20, %broadcast_in_dim3A_36, %broadcast_in_dim3A_52, %broadcast_in_dim3A_68 in 1 : vector<256x1xi32>, vector<256x1xi32>, vector<256x1xi32>, vector<256x1xi32> -> vector<256x4xi32>
    %mul3A_70 = arith.constant 256 : i32
    %mul3A_71 = arith.muli %arg1, %mul3A_70 : i32
    %eq3A_72 = arith.constant 0 : i32
    %eq3A_73 = arith.cmpi eq, %arg0, %eq3A_72 : i32
    %convert_element_type3A = arith.extui %eq3A_73 : i1 to i32
    %cond3A = arith.constant 0 : i32
    %cond3A_74 = arith.cmpi ne, %convert_element_type3A, %cond3A : i32
    scf.if %cond3A_74 {
      %broadcast_in_dim3A_154 = arith.constant 0xFF800000 : f32
      %broadcast_in_dim3A_155 = vector.broadcast %broadcast_in_dim3A_154 : f32 to vector<256x4xf32>
      %swap3A_156 = arith.index_cast %mul3A_71 : i32 to index
      %swap3A_157 = arith.constant 0 : index
      %swap3A_158 = vector.load %arg7[%swap3A_156, %swap3A_157] : memref<2048x4xf32, #tpu.memory_space<vmem>>, vector<256x4xf32>
      tpu.vector_store %arg7[%swap3A_156, %swap3A_157], %broadcast_in_dim3A_155 {strides = array<i32>} : memref<2048x4xf32, #tpu.memory_space<vmem>>, vector<256x4xf32>,
      %broadcast_in_dim3A_159 = arith.constant 0 : i32
      %broadcast_in_dim3A_160 = vector.broadcast %broadcast_in_dim3A_159 : i32 to vector<256x4xi32>
      %swap3A_161 = arith.index_cast %mul3A_71 : i32 to index
      %swap3A_162 = arith.constant 0 : index
      %swap3A_163 = vector.load %arg8[%swap3A_161, %swap3A_162] : memref<2048x4xi32, #tpu.memory_space<vmem>>, vector<256x4xi32>
      tpu.vector_store %arg8[%swap3A_161, %swap3A_162], %broadcast_in_dim3A_160 {strides = array<i32>} : memref<2048x4xi32, #tpu.memory_space<vmem>>, vector<256x4xi32>,
    } else {
    }
    %get3A_75 = arith.index_cast %mul3A_71 : i32 to index
    %get3A_76 = arith.constant 0 : index
    %get3A_77 = vector.load %arg7[%get3A_75, %get3A_76] : memref<2048x4xf32, #tpu.memory_space<vmem>>, vector<256x4xf32>
    %concatenate3A_78 = tpu.concatenate %get3A_77, %concatenate3A in 1 : vector<256x4xf32>, vector<256x4xf32> -> vector<256x8xf32>
    %get3A_79 = arith.index_cast %mul3A_71 : i32 to index
    %get3A_80 = arith.constant 0 : index
    %get3A_81 = vector.load %arg8[%get3A_79, %get3A_80] : memref<2048x4xi32, #tpu.memory_space<vmem>>, vector<256x4xi32>
    %concatenate3A_82 = tpu.concatenate %get3A_81, %concatenate3A_69 in 1 : vector<256x4xi32>, vector<256x4xi32> -> vector<256x8xi32>
    %reduce_max3A_83 = arith.constant dense<0xFF800000> : vector<256xf32>
    %reduce_max3A_84 = vector.multi_reduction <maximumf>, %concatenate3A_78, %reduce_max3A_83 [1] : vector<256x8xf32> to vector<256xf32>
    %broadcast_in_dim3A_85 = vector.shape_cast %reduce_max3A_84 : vector<256xf32> to vector<256x1xf32>
    %eq3A_86 = vector.broadcast %broadcast_in_dim3A_85 : vector<256x1xf32> to vector<256x8xf32>
    %eq3A_87 = arith.cmpf oeq, %concatenate3A_78, %eq3A_86 : vector<256x8xf32>
    %jit3A_88 = arith.constant 1073741824 : i32
    %broadcast_in_dim3A_89 = vector.broadcast %jit3A_88 : i32 to vector<256x8xi32>
    %select_n3A_90 = arith.select %eq3A_87, %concatenate3A_82, %broadcast_in_dim3A_89 : vector<256x8xi1>, vector<256x8xi32>
    %reduce_min3A_91 = arith.constant dense<2147483647> : vector<256xi32>
    %reduce_min3A_92 = vector.multi_reduction <minsi>, %select_n3A_90, %reduce_min3A_91 [1] : vector<256x8xi32> to vector<256xi32>
    %broadcast_in_dim3A_93 = vector.shape_cast %reduce_min3A_92 : vector<256xi32> to vector<256x1xi32>
    %eq3A_94 = vector.broadcast %broadcast_in_dim3A_93 : vector<256x1xi32> to vector<256x8xi32>
    %eq3A_95 = arith.cmpi eq, %concatenate3A_82, %eq3A_94 : vector<256x8xi32>
    %jit3A_96 = arith.constant 0xFF800000 : f32
    %broadcast_in_dim3A_97 = vector.broadcast %jit3A_96 : f32 to vector<256x8xf32>
    %select_n3A_98 = arith.select %eq3A_95, %broadcast_in_dim3A_97, %concatenate3A_78 : vector<256x8xi1>, vector<256x8xf32>
    %reduce_max3A_99 = arith.constant dense<0xFF800000> : vector<256xf32>
    %reduce_max3A_100 = vector.multi_reduction <maximumf>, %select_n3A_98, %reduce_max3A_99 [1] : vector<256x8xf32> to vector<256xf32>
    %broadcast_in_dim3A_101 = vector.shape_cast %reduce_max3A_100 : vector<256xf32> to vector<256x1xf32>
    %eq3A_102 = vector.broadcast %broadcast_in_dim3A_101 : vector<256x1xf32> to vector<256x8xf32>
    %eq3A_103 = arith.cmpf oeq, %select_n3A_98, %eq3A_102 : vector<256x8xf32>
    %jit3A_104 = arith.constant 1073741824 : i32
    %broadcast_in_dim3A_105 = vector.broadcast %jit3A_104 : i32 to vector<256x8xi32>
    %select_n3A_106 = arith.select %eq3A_103, %concatenate3A_82, %broadcast_in_dim3A_105 : vector<256x8xi1>, vector<256x8xi32>
    %reduce_min3A_107 = arith.constant dense<2147483647> : vector<256xi32>
    %reduce_min3A_108 = vector.multi_reduction <minsi>, %select_n3A_106, %reduce_min3A_107 [1] : vector<256x8xi32> to vector<256xi32>
    %broadcast_in_dim3A_109 = vector.shape_cast %reduce_min3A_108 : vector<256xi32> to vector<256x1xi32>
    %eq3A_110 = vector.broadcast %broadcast_in_dim3A_109 : vector<256x1xi32> to vector<256x8xi32>
    %eq3A_111 = arith.cmpi eq, %concatenate3A_82, %eq3A_110 : vector<256x8xi32>
    %jit3A_112 = arith.constant 0xFF800000 : f32
    %broadcast_in_dim3A_113 = vector.broadcast %jit3A_112 : f32 to vector<256x8xf32>
    %select_n3A_114 = arith.select %eq3A_111, %broadcast_in_dim3A_113, %select_n3A_98 : vector<256x8xi1>, vector<256x8xf32>
    %reduce_max3A_115 = arith.constant dense<0xFF800000> : vector<256xf32>
    %reduce_max3A_116 = vector.multi_reduction <maximumf>, %select_n3A_114, %reduce_max3A_115 [1] : vector<256x8xf32> to vector<256xf32>
    %broadcast_in_dim3A_117 = vector.shape_cast %reduce_max3A_116 : vector<256xf32> to vector<256x1xf32>
    %eq3A_118 = vector.broadcast %broadcast_in_dim3A_117 : vector<256x1xf32> to vector<256x8xf32>
    %eq3A_119 = arith.cmpf oeq, %select_n3A_114, %eq3A_118 : vector<256x8xf32>
    %jit3A_120 = arith.constant 1073741824 : i32
    %broadcast_in_dim3A_121 = vector.broadcast %jit3A_120 : i32 to vector<256x8xi32>
    %select_n3A_122 = arith.select %eq3A_119, %concatenate3A_82, %broadcast_in_dim3A_121 : vector<256x8xi1>, vector<256x8xi32>
    %reduce_min3A_123 = arith.constant dense<2147483647> : vector<256xi32>
    %reduce_min3A_124 = vector.multi_reduction <minsi>, %select_n3A_122, %reduce_min3A_123 [1] : vector<256x8xi32> to vector<256xi32>
    %broadcast_in_dim3A_125 = vector.shape_cast %reduce_min3A_124 : vector<256xi32> to vector<256x1xi32>
    %eq3A_126 = vector.broadcast %broadcast_in_dim3A_125 : vector<256x1xi32> to vector<256x8xi32>
    %eq3A_127 = arith.cmpi eq, %concatenate3A_82, %eq3A_126 : vector<256x8xi32>
    %jit3A_128 = arith.constant 0xFF800000 : f32
    %broadcast_in_dim3A_129 = vector.broadcast %jit3A_128 : f32 to vector<256x8xf32>
    %select_n3A_130 = arith.select %eq3A_127, %broadcast_in_dim3A_129, %select_n3A_114 : vector<256x8xi1>, vector<256x8xf32>
    %reduce_max3A_131 = arith.constant dense<0xFF800000> : vector<256xf32>
    %reduce_max3A_132 = vector.multi_reduction <maximumf>, %select_n3A_130, %reduce_max3A_131 [1] : vector<256x8xf32> to vector<256xf32>
    %broadcast_in_dim3A_133 = vector.shape_cast %reduce_max3A_132 : vector<256xf32> to vector<256x1xf32>
    %eq3A_134 = vector.broadcast %broadcast_in_dim3A_133 : vector<256x1xf32> to vector<256x8xf32>
    %eq3A_135 = arith.cmpf oeq, %select_n3A_130, %eq3A_134 : vector<256x8xf32>
    %jit3A_136 = arith.constant 1073741824 : i32
    %broadcast_in_dim3A_137 = vector.broadcast %jit3A_136 : i32 to vector<256x8xi32>
    %select_n3A_138 = arith.select %eq3A_135, %concatenate3A_82, %broadcast_in_dim3A_137 : vector<256x8xi1>, vector<256x8xi32>
    %reduce_min3A_139 = arith.constant dense<2147483647> : vector<256xi32>
    %reduce_min3A_140 = vector.multi_reduction <minsi>, %select_n3A_138, %reduce_min3A_139 [1] : vector<256x8xi32> to vector<256xi32>
    %broadcast_in_dim3A_141 = vector.shape_cast %reduce_min3A_140 : vector<256xi32> to vector<256x1xi32>
    %concatenate3A_142 = tpu.concatenate %broadcast_in_dim3A_85, %broadcast_in_dim3A_101, %broadcast_in_dim3A_117, %broadcast_in_dim3A_133 in 1 : vector<256x1xf32>, vector<256x1xf32>, vector<256x1xf32>, vector<256x1xf32> -> vector<256x4xf32>
    %swap3A = arith.index_cast %mul3A_71 : i32 to index
    %swap3A_143 = arith.constant 0 : index
    %swap3A_144 = vector.load %arg7[%swap3A, %swap3A_143] : memref<2048x4xf32, #tpu.memory_space<vmem>>, vector<256x4xf32>
    tpu.vector_store %arg7[%swap3A, %swap3A_143], %concatenate3A_142 {strides = array<i32>} : memref<2048x4xf32, #tpu.memory_space<vmem>>, vector<256x4xf32>,
    %concatenate3A_145 = tpu.concatenate %broadcast_in_dim3A_93, %broadcast_in_dim3A_109, %broadcast_in_dim3A_125, %broadcast_in_dim3A_141 in 1 : vector<256x1xi32>, vector<256x1xi32>, vector<256x1xi32>, vector<256x1xi32> -> vector<256x4xi32>
    %swap3A_146 = arith.index_cast %mul3A_71 : i32 to index
    %swap3A_147 = arith.constant 0 : index
    %swap3A_148 = vector.load %arg8[%swap3A_146, %swap3A_147] : memref<2048x4xi32, #tpu.memory_space<vmem>>, vector<256x4xi32>
    tpu.vector_store %arg8[%swap3A_146, %swap3A_147], %concatenate3A_145 {strides = array<i32>} : memref<2048x4xi32, #tpu.memory_space<vmem>>, vector<256x4xi32>,
    %eq3A_149 = arith.constant 3 : i32
    %eq3A_150 = arith.cmpi eq, %arg0, %eq3A_149 : i32
    %convert_element_type3A_151 = arith.extui %eq3A_150 : i1 to i32
    %cond3A_152 = arith.constant 0 : i32
    %cond3A_153 = arith.cmpi ne, %convert_element_type3A_151, %cond3A_152 : i32
    scf.if %cond3A_153 {
      %get3A_154 = arith.index_cast %mul3A_71 : i32 to index
      %get3A_155 = arith.constant 0 : index
      %get3A_156 = vector.load %arg7[%get3A_154, %get3A_155] : memref<2048x4xf32, #tpu.memory_space<vmem>>, vector<256x4xf32>
      %swap3A_157 = arith.constant 0 : index
      %swap3A_158 = arith.constant 0 : index
      %swap3A_159 = vector.load %arg5[%swap3A_157, %swap3A_158] : memref<256x4xf32, #tpu.memory_space<vmem>>, vector<256x4xf32>
      tpu.vector_store %arg5[%swap3A_157, %swap3A_158], %get3A_156 {strides = array<i32>} : memref<256x4xf32, #tpu.memory_space<vmem>>, vector<256x4xf32>,
      %get3A_160 = arith.index_cast %mul3A_71 : i32 to index
      %get3A_161 = arith.constant 0 : index
      %get3A_162 = vector.load %arg8[%get3A_160, %get3A_161] : memref<2048x4xi32, #tpu.memory_space<vmem>>, vector<256x4xi32>
      %swap3A_163 = arith.constant 0 : index
      %swap3A_164 = arith.constant 0 : index
      %swap3A_165 = vector.load %arg6[%swap3A_163, %swap3A_164] : memref<256x4xi32, #tpu.memory_space<vmem>>, vector<256x4xi32>
      tpu.vector_store %arg6[%swap3A_163, %swap3A_164], %get3A_162 {strides = array<i32>} : memref<256x4xi32, #tpu.memory_space<vmem>>, vector<256x4xi32>,
    } else {
    }
    return
  }
  func.func @transform_0(%arg0: i32, %arg1: i32) -> (i32, i32) {
    %c0_i32 = arith.constant 0 : i32
    %c0_i32_0 = arith.constant 0 : i32
    return %arg1, %c0_i32 : i32, i32
  }
  func.func @transform_1(%arg0: i32, %arg1: i32) -> (i32, i32) {
    %c0_i32 = arith.constant 0 : i32
    %c0_i32_0 = arith.constant 0 : i32
    return %arg0, %c0_i32 : i32, i32
  }
  func.func @transform_2(%arg0: i32, %arg1: i32) -> (i32, i32) {
    %c0_i32 = arith.constant 0 : i32
    %c0_i32_0 = arith.constant 0 : i32
    return %c0_i32, %arg0 : i32, i32
  }
  func.func @transform_3(%arg0: i32, %arg1: i32) -> (i32, i32) {
    %c0_i32 = arith.constant 0 : i32
    %c0_i32_0 = arith.constant 0 : i32
    return %arg1, %c0_i32 : i32, i32
  }
  func.func @transform_4(%arg0: i32, %arg1: i32) -> (i32, i32) {
    %c0_i32 = arith.constant 0 : i32
    %c0_i32_0 = arith.constant 0 : i32
    return %arg1, %c0_i32 : i32, i32
  }
}

module attributes {stable_mosaic.version = 14 : i64} {
  func.func @_topk_body(%arg0: i32, %arg1: i32, %arg2: memref<256x512xf32, #tpu.memory_space<vmem>>, %arg3: memref<2048x512xf32, #tpu.memory_space<vmem>>, %arg4: memref<1x2048xf32, #tpu.memory_space<vmem>>, %arg5: memref<256x4xf32, #tpu.memory_space<vmem>>, %arg6: memref<256x4xi32, #tpu.memory_space<vmem>>, %arg7: memref<2048x4xf32, #tpu.memory_space<vmem>>, %arg8: memref<2048x4xi32, #tpu.memory_space<vmem>>) attributes {dimension_semantics = [#tpu.dimension_semantics<arbitrary>, #tpu.dimension_semantics<arbitrary>], iteration_bounds = array<i64: 1, 8>, scalar_prefetch = 0 : i64, scratch_operands = 2 : i64, tpu.core_type = #tpu.core_type<tc>, window_params = [{transform_indices = @transform_0, window_bounds = array<i64: 256, 512>}, {transform_indices = @transform_1, window_bounds = array<i64: 2048, 512>}, {transform_indices = @transform_2, window_bounds = array<i64: 1, 2048>}, {transform_indices = @transform_3, window_bounds = array<i64: 256, 4>}, {transform_indices = @transform_4, window_bounds = array<i64: 256, 4>}]} {
    %get3A = arith.constant 0 : index
    %get3A_0 = arith.constant 0 : index
    %get3A_1 = vector.load %arg2[%get3A, %get3A_0] : memref<256x512xf32, #tpu.memory_space<vmem>>, vector<256x512xf32>
    %get3A_2 = arith.constant 0 : index
    %get3A_3 = arith.constant 0 : index
    %get3A_4 = vector.load %arg3[%get3A_2, %get3A_3] : memref<2048x512xf32, #tpu.memory_space<vmem>>, vector<2048x512xf32>
    %dot_general3A = arith.constant dense<0.000000e+00> : vector<256x2048xf32>
    %dot_general3A_5 = tpu.matmul %get3A_1, %get3A_4, %dot_general3A {dimension_numbers = #tpu.dot_dimension_numbers<[1], [1], [0], [0], [0, 0, 1, 0], [], []>, transpose_lhs_hint = false} : vector<256x512xf32>, vector<2048x512xf32>, vector<256x2048xf32> -> vector<256x2048xf32>
    %mul3A = arith.constant 0.0441941731 : f32
    %mul3A_6 = vector.broadcast %mul3A : f32 to vector<256x2048xf32>
    %mul3A_7 = arith.mulf %dot_general3A_5, %mul3A_6 : vector<256x2048xf32>
    %get3A_8 = arith.constant 0 : index
    %get3A_9 = arith.constant 0 : index
    %get3A_10 = vector.load %arg4[%get3A_8, %get3A_9] : memref<1x2048xf32, #tpu.memory_space<vmem>>, vector<1x2048xf32>
    %add3A = vector.broadcast %get3A_10 : vector<1x2048xf32> to vector<256x2048xf32>
    %add3A_11 = arith.addf %mul3A_7, %add3A : vector<256x2048xf32>
    %iota3A = tpu.iota {dimensions = array<i32: 1>} : vector<256x2048xi32>
    %mul3A_12 = arith.constant 2048 : i32
    %mul3A_13 = arith.muli %arg0, %mul3A_12 : i32
    %add3A_14 = vector.broadcast %mul3A_13 : i32 to vector<256x2048xi32>
    %add3A_15 = arith.addi %iota3A, %add3A_14 : vector<256x2048xi32>
    %reduce_max3A = arith.constant dense<0xFF800000> : vector<256xf32>
    %reduce_max3A_16 = vector.multi_reduction <maximumf>, %add3A_11, %reduce_max3A [1] : vector<256x2048xf32> to vector<256xf32>
    %broadcast_in_dim3A = vector.shape_cast %reduce_max3A_16 : vector<256xf32> to vector<256x1xf32>
    %eq3A = vector.broadcast %broadcast_in_dim3A : vector<256x1xf32> to vector<256x2048xf32>
    %eq3A_17 = arith.cmpf oeq, %add3A_11, %eq3A : vector<256x2048xf32>
    %jit3A = arith.constant 1073741824 : i32
    %broadcast_in_dim3A_18 = vector.broadcast %jit3A : i32 to vector<256x2048xi32>
    %select_n3A = arith.select %eq3A_17, %add3A_15, %broadcast_in_dim3A_18 : vector<256x2048xi1>, vector<256x2048xi32>
    %reduce_min3A = arith.constant dense<2147483647> : vector<256xi32>
    %reduce_min3A_19 = vector.multi_reduction <minsi>, %select_n3A, %reduce_min3A [1] : vector<256x2048xi32> to vector<256xi32>
    %broadcast_in_dim3A_20 = vector.shape_cast %reduce_min3A_19 : vector<256xi32> to vector<256x1xi32>
    %eq3A_21 = vector.broadcast %broadcast_in_dim3A_20 : vector<256x1xi32> to vector<256x2048xi32>
    %eq3A_22 = arith.cmpi eq, %add3A_15, %eq3A_21 : vector<256x2048xi32>
    %jit3A_23 = arith.constant 0xFF800000 : f32
    %broadcast_in_dim3A_24 = vector.broadcast %jit3A_23 : f32 to vector<256x2048xf32>
    %select_n3A_25 = arith.select %eq3A_22, %broadcast_in_dim3A_24, %add3A_11 : vector<256x2048xi1>, vector<256x2048xf32>
    %reduce_max3A_26 = arith.constant dense<0xFF800000> : vector<256xf32>
    %reduce_max3A_27 = vector.multi_reduction <maximumf>, %select_n3A_25, %reduce_max3A_26 [1] : vector<256x2048xf32> to vector<256xf32>
    %broadcast_in_dim3A_28 = vector.shape_cast %reduce_max3A_27 : vector<256xf32> to vector<256x1xf32>
    %eq3A_29 = vector.broadcast %broadcast_in_dim3A_28 : vector<256x1xf32> to vector<256x2048xf32>
    %eq3A_30 = arith.cmpf oeq, %select_n3A_25, %eq3A_29 : vector<256x2048xf32>
    %jit3A_31 = arith.constant 1073741824 : i32
    %broadcast_in_dim3A_32 = vector.broadcast %jit3A_31 : i32 to vector<256x2048xi32>
    %select_n3A_33 = arith.select %eq3A_30, %add3A_15, %broadcast_in_dim3A_32 : vector<256x2048xi1>, vector<256x2048xi32>
    %reduce_min3A_34 = arith.constant dense<2147483647> : vector<256xi32>
    %reduce_min3A_35 = vector.multi_reduction <minsi>, %select_n3A_33, %reduce_min3A_34 [1] : vector<256x2048xi32> to vector<256xi32>
    %broadcast_in_dim3A_36 = vector.shape_cast %reduce_min3A_35 : vector<256xi32> to vector<256x1xi32>
    %eq3A_37 = vector.broadcast %broadcast_in_dim3A_36 : vector<256x1xi32> to vector<256x2048xi32>
    %eq3A_38 = arith.cmpi eq, %add3A_15, %eq3A_37 : vector<256x2048xi32>
    %jit3A_39 = arith.constant 0xFF800000 : f32
    %broadcast_in_dim3A_40 = vector.broadcast %jit3A_39 : f32 to vector<256x2048xf32>
    %select_n3A_41 = arith.select %eq3A_38, %broadcast_in_dim3A_40, %select_n3A_25 : vector<256x2048xi1>, vector<256x2048xf32>
    %reduce_max3A_42 = arith.constant dense<0xFF800000> : vector<256xf32>
    %reduce_max3A_43 = vector.multi_reduction <maximumf>, %select_n3A_41, %reduce_max3A_42 [1] : vector<256x2048xf32> to vector<256xf32>
    %broadcast_in_dim3A_44 = vector.shape_cast %reduce_max3A_43 : vector<256xf32> to vector<256x1xf32>
    %eq3A_45 = vector.broadcast %broadcast_in_dim3A_44 : vector<256x1xf32> to vector<256x2048xf32>
    %eq3A_46 = arith.cmpf oeq, %select_n3A_41, %eq3A_45 : vector<256x2048xf32>
    %jit3A_47 = arith.constant 1073741824 : i32
    %broadcast_in_dim3A_48 = vector.broadcast %jit3A_47 : i32 to vector<256x2048xi32>
    %select_n3A_49 = arith.select %eq3A_46, %add3A_15, %broadcast_in_dim3A_48 : vector<256x2048xi1>, vector<256x2048xi32>
    %reduce_min3A_50 = arith.constant dense<2147483647> : vector<256xi32>
    %reduce_min3A_51 = vector.multi_reduction <minsi>, %select_n3A_49, %reduce_min3A_50 [1] : vector<256x2048xi32> to vector<256xi32>
    %broadcast_in_dim3A_52 = vector.shape_cast %reduce_min3A_51 : vector<256xi32> to vector<256x1xi32>
    %eq3A_53 = vector.broadcast %broadcast_in_dim3A_52 : vector<256x1xi32> to vector<256x2048xi32>
    %eq3A_54 = arith.cmpi eq, %add3A_15, %eq3A_53 : vector<256x2048xi32>
    %jit3A_55 = arith.constant 0xFF800000 : f32
    %broadcast_in_dim3A_56 = vector.broadcast %jit3A_55 : f32 to vector<256x2048xf32>
    %select_n3A_57 = arith.select %eq3A_54, %broadcast_in_dim3A_56, %select_n3A_41 : vector<256x2048xi1>, vector<256x2048xf32>
    %reduce_max3A_58 = arith.constant dense<0xFF800000> : vector<256xf32>
    %reduce_max3A_59 = vector.multi_reduction <maximumf>, %select_n3A_57, %reduce_max3A_58 [1] : vector<256x2048xf32> to vector<256xf32>
    %broadcast_in_dim3A_60 = vector.shape_cast %reduce_max3A_59 : vector<256xf32> to vector<256x1xf32>
    %eq3A_61 = vector.broadcast %broadcast_in_dim3A_60 : vector<256x1xf32> to vector<256x2048xf32>
    %eq3A_62 = arith.cmpf oeq, %select_n3A_57, %eq3A_61 : vector<256x2048xf32>
    %jit3A_63 = arith.constant 1073741824 : i32
    %broadcast_in_dim3A_64 = vector.broadcast %jit3A_63 : i32 to vector<256x2048xi32>
    %select_n3A_65 = arith.select %eq3A_62, %add3A_15, %broadcast_in_dim3A_64 : vector<256x2048xi1>, vector<256x2048xi32>
    %reduce_min3A_66 = arith.constant dense<2147483647> : vector<256xi32>
    %reduce_min3A_67 = vector.multi_reduction <minsi>, %select_n3A_65, %reduce_min3A_66 [1] : vector<256x2048xi32> to vector<256xi32>
    %broadcast_in_dim3A_68 = vector.shape_cast %reduce_min3A_67 : vector<256xi32> to vector<256x1xi32>
    %concatenate3A = tpu.concatenate %broadcast_in_dim3A, %broadcast_in_dim3A_28, %broadcast_in_dim3A_44, %broadcast_in_dim3A_60 in 1 : vector<256x1xf32>, vector<256x1xf32>, vector<256x1xf32>, vector<256x1xf32> -> vector<256x4xf32>
    %concatenate3A_69 = tpu.concatenate %broadcast_in_dim3A_20, %broadcast_in_dim3A_36, %broadcast_in_dim3A_52, %broadcast_in_dim3A_68 in 1 : vector<256x1xi32>, vector<256x1xi32>, vector<256x1xi32>, vector<256x1xi32> -> vector<256x4xi32>
    %mul3A_70 = arith.constant 256 : i32
    %mul3A_71 = arith.muli %arg1, %mul3A_70 : i32
    %eq3A_72 = arith.constant 0 : i32
    %eq3A_73 = arith.cmpi eq, %arg0, %eq3A_72 : i32
    %convert_element_type3A = arith.extui %eq3A_73 : i1 to i32
    %cond3A = arith.constant 0 : i32
    %cond3A_74 = arith.cmpi ne, %convert_element_type3A, %cond3A : i32
    scf.if %cond3A_74 {
      %broadcast_in_dim3A_154 = arith.constant 0xFF800000 : f32
      %broadcast_in_dim3A_155 = vector.broadcast %broadcast_in_dim3A_154 : f32 to vector<256x4xf32>
      %swap3A_156 = arith.index_cast %mul3A_71 : i32 to index
      %swap3A_157 = arith.constant 0 : index
      %swap3A_158 = vector.load %arg7[%swap3A_156, %swap3A_157] : memref<2048x4xf32, #tpu.memory_space<vmem>>, vector<256x4xf32>
      tpu.vector_store %arg7[%swap3A_156, %swap3A_157], %broadcast_in_dim3A_155 {strides = array<i32>} : memref<2048x4xf32, #tpu.memory_space<vmem>>, vector<256x4xf32>,
      %broadcast_in_dim3A_159 = arith.constant 0 : i32
      %broadcast_in_dim3A_160 = vector.broadcast %broadcast_in_dim3A_159 : i32 to vector<256x4xi32>
      %swap3A_161 = arith.index_cast %mul3A_71 : i32 to index
      %swap3A_162 = arith.constant 0 : index
      %swap3A_163 = vector.load %arg8[%swap3A_161, %swap3A_162] : memref<2048x4xi32, #tpu.memory_space<vmem>>, vector<256x4xi32>
      tpu.vector_store %arg8[%swap3A_161, %swap3A_162], %broadcast_in_dim3A_160 {strides = array<i32>} : memref<2048x4xi32, #tpu.memory_space<vmem>>, vector<256x4xi32>,
    } else {
    }
    %get3A_75 = arith.index_cast %mul3A_71 : i32 to index
    %get3A_76 = arith.constant 0 : index
    %get3A_77 = vector.load %arg7[%get3A_75, %get3A_76] : memref<2048x4xf32, #tpu.memory_space<vmem>>, vector<256x4xf32>
    %concatenate3A_78 = tpu.concatenate %get3A_77, %concatenate3A in 1 : vector<256x4xf32>, vector<256x4xf32> -> vector<256x8xf32>
    %get3A_79 = arith.index_cast %mul3A_71 : i32 to index
    %get3A_80 = arith.constant 0 : index
    %get3A_81 = vector.load %arg8[%get3A_79, %get3A_80] : memref<2048x4xi32, #tpu.memory_space<vmem>>, vector<256x4xi32>
    %concatenate3A_82 = tpu.concatenate %get3A_81, %concatenate3A_69 in 1 : vector<256x4xi32>, vector<256x4xi32> -> vector<256x8xi32>
    %reduce_max3A_83 = arith.constant dense<0xFF800000> : vector<256xf32>
    %reduce_max3A_84 = vector.multi_reduction <maximumf>, %concatenate3A_78, %reduce_max3A_83 [1] : vector<256x8xf32> to vector<256xf32>
    %broadcast_in_dim3A_85 = vector.shape_cast %reduce_max3A_84 : vector<256xf32> to vector<256x1xf32>
    %eq3A_86 = vector.broadcast %broadcast_in_dim3A_85 : vector<256x1xf32> to vector<256x8xf32>
    %eq3A_87 = arith.cmpf oeq, %concatenate3A_78, %eq3A_86 : vector<256x8xf32>
    %jit3A_88 = arith.constant 1073741824 : i32
    %broadcast_in_dim3A_89 = vector.broadcast %jit3A_88 : i32 to vector<256x8xi32>
    %select_n3A_90 = arith.select %eq3A_87, %concatenate3A_82, %broadcast_in_dim3A_89 : vector<256x8xi1>, vector<256x8xi32>
    %reduce_min3A_91 = arith.constant dense<2147483647> : vector<256xi32>
    %reduce_min3A_92 = vector.multi_reduction <minsi>, %select_n3A_90, %reduce_min3A_91 [1] : vector<256x8xi32> to vector<256xi32>
    %broadcast_in_dim3A_93 = vector.shape_cast %reduce_min3A_92 : vector<256xi32> to vector<256x1xi32>
    %eq3A_94 = vector.broadcast %broadcast_in_dim3A_93 : vector<256x1xi32> to vector<256x8xi32>
    %eq3A_95 = arith.cmpi eq, %concatenate3A_82, %eq3A_94 : vector<256x8xi32>
    %jit3A_96 = arith.constant 0xFF800000 : f32
    %broadcast_in_dim3A_97 = vector.broadcast %jit3A_96 : f32 to vector<256x8xf32>
    %select_n3A_98 = arith.select %eq3A_95, %broadcast_in_dim3A_97, %concatenate3A_78 : vector<256x8xi1>, vector<256x8xf32>
    %reduce_max3A_99 = arith.constant dense<0xFF800000> : vector<256xf32>
    %reduce_max3A_100 = vector.multi_reduction <maximumf>, %select_n3A_98, %reduce_max3A_99 [1] : vector<256x8xf32> to vector<256xf32>
    %broadcast_in_dim3A_101 = vector.shape_cast %reduce_max3A_100 : vector<256xf32> to vector<256x1xf32>
    %eq3A_102 = vector.broadcast %broadcast_in_dim3A_101 : vector<256x1xf32> to vector<256x8xf32>
    %eq3A_103 = arith.cmpf oeq, %select_n3A_98, %eq3A_102 : vector<256x8xf32>
    %jit3A_104 = arith.constant 1073741824 : i32
    %broadcast_in_dim3A_105 = vector.broadcast %jit3A_104 : i32 to vector<256x8xi32>
    %select_n3A_106 = arith.select %eq3A_103, %concatenate3A_82, %broadcast_in_dim3A_105 : vector<256x8xi1>, vector<256x8xi32>
    %reduce_min3A_107 = arith.constant dense<2147483647> : vector<256xi32>
    %reduce_min3A_108 = vector.multi_reduction <minsi>, %select_n3A_106, %reduce_min3A_107 [1] : vector<256x8xi32> to vector<256xi32>
    %broadcast_in_dim3A_109 = vector.shape_cast %reduce_min3A_108 : vector<256xi32> to vector<256x1xi32>
    %eq3A_110 = vector.broadcast %broadcast_in_dim3A_109 : vector<256x1xi32> to vector<256x8xi32>
    %eq3A_111 = arith.cmpi eq, %concatenate3A_82, %eq3A_110 : vector<256x8xi32>
    %jit3A_112 = arith.constant 0xFF800000 : f32
    %broadcast_in_dim3A_113 = vector.broadcast %jit3A_112 : f32 to vector<256x8xf32>
    %select_n3A_114 = arith.select %eq3A_111, %broadcast_in_dim3A_113, %select_n3A_98 : vector<256x8xi1>, vector<256x8xf32>
    %reduce_max3A_115 = arith.constant dense<0xFF800000> : vector<256xf32>
    %reduce_max3A_116 = vector.multi_reduction <maximumf>, %select_n3A_114, %reduce_max3A_115 [1] : vector<256x8xf32> to vector<256xf32>
    %broadcast_in_dim3A_117 = vector.shape_cast %reduce_max3A_116 : vector<256xf32> to vector<256x1xf32>
    %eq3A_118 = vector.broadcast %broadcast_in_dim3A_117 : vector<256x1xf32> to vector<256x8xf32>
    %eq3A_119 = arith.cmpf oeq, %select_n3A_114, %eq3A_118 : vector<256x8xf32>
    %jit3A_120 = arith.constant 1073741824 : i32
    %broadcast_in_dim3A_121 = vector.broadcast %jit3A_120 : i32 to vector<256x8xi32>
    %select_n3A_122 = arith.select %eq3A_119, %concatenate3A_82, %broadcast_in_dim3A_121 : vector<256x8xi1>, vector<256x8xi32>
    %reduce_min3A_123 = arith.constant dense<2147483647> : vector<256xi32>
    %reduce_min3A_124 = vector.multi_reduction <minsi>, %select_n3A_122, %reduce_min3A_123 [1] : vector<256x8xi32> to vector<256xi32>
    %broadcast_in_dim3A_125 = vector.shape_cast %reduce_min3A_124 : vector<256xi32> to vector<256x1xi32>
    %eq3A_126 = vector.broadcast %broadcast_in_dim3A_125 : vector<256x1xi32> to vector<256x8xi32>
    %eq3A_127 = arith.cmpi eq, %concatenate3A_82, %eq3A_126 : vector<256x8xi32>
    %jit3A_128 = arith.constant 0xFF800000 : f32
    %broadcast_in_dim3A_129 = vector.broadcast %jit3A_128 : f32 to vector<256x8xf32>
    %select_n3A_130 = arith.select %eq3A_127, %broadcast_in_dim3A_129, %select_n3A_114 : vector<256x8xi1>, vector<256x8xf32>
    %reduce_max3A_131 = arith.constant dense<0xFF800000> : vector<256xf32>
    %reduce_max3A_132 = vector.multi_reduction <maximumf>, %select_n3A_130, %reduce_max3A_131 [1] : vector<256x8xf32> to vector<256xf32>
    %broadcast_in_dim3A_133 = vector.shape_cast %reduce_max3A_132 : vector<256xf32> to vector<256x1xf32>
    %eq3A_134 = vector.broadcast %broadcast_in_dim3A_133 : vector<256x1xf32> to vector<256x8xf32>
    %eq3A_135 = arith.cmpf oeq, %select_n3A_130, %eq3A_134 : vector<256x8xf32>
    %jit3A_136 = arith.constant 1073741824 : i32
    %broadcast_in_dim3A_137 = vector.broadcast %jit3A_136 : i32 to vector<256x8xi32>
    %select_n3A_138 = arith.select %eq3A_135, %concatenate3A_82, %broadcast_in_dim3A_137 : vector<256x8xi1>, vector<256x8xi32>
    %reduce_min3A_139 = arith.constant dense<2147483647> : vector<256xi32>
    %reduce_min3A_140 = vector.multi_reduction <minsi>, %select_n3A_138, %reduce_min3A_139 [1] : vector<256x8xi32> to vector<256xi32>
    %broadcast_in_dim3A_141 = vector.shape_cast %reduce_min3A_140 : vector<256xi32> to vector<256x1xi32>
    %concatenate3A_142 = tpu.concatenate %broadcast_in_dim3A_85, %broadcast_in_dim3A_101, %broadcast_in_dim3A_117, %broadcast_in_dim3A_133 in 1 : vector<256x1xf32>, vector<256x1xf32>, vector<256x1xf32>, vector<256x1xf32> -> vector<256x4xf32>
    %swap3A = arith.index_cast %mul3A_71 : i32 to index
    %swap3A_143 = arith.constant 0 : index
    %swap3A_144 = vector.load %arg7[%swap3A, %swap3A_143] : memref<2048x4xf32, #tpu.memory_space<vmem>>, vector<256x4xf32>
    tpu.vector_store %arg7[%swap3A, %swap3A_143], %concatenate3A_142 {strides = array<i32>} : memref<2048x4xf32, #tpu.memory_space<vmem>>, vector<256x4xf32>,
    %concatenate3A_145 = tpu.concatenate %broadcast_in_dim3A_93, %broadcast_in_dim3A_109, %broadcast_in_dim3A_125, %broadcast_in_dim3A_141 in 1 : vector<256x1xi32>, vector<256x1xi32>, vector<256x1xi32>, vector<256x1xi32> -> vector<256x4xi32>
    %swap3A_146 = arith.index_cast %mul3A_71 : i32 to index
    %swap3A_147 = arith.constant 0 : index
    %swap3A_148 = vector.load %arg8[%swap3A_146, %swap3A_147] : memref<2048x4xi32, #tpu.memory_space<vmem>>, vector<256x4xi32>
    tpu.vector_store %arg8[%swap3A_146, %swap3A_147], %concatenate3A_145 {strides = array<i32>} : memref<2048x4xi32, #tpu.memory_space<vmem>>, vector<256x4xi32>,
    %eq3A_149 = arith.constant 0 : i32
    %eq3A_150 = arith.cmpi eq, %arg0, %eq3A_149 : i32
    %convert_element_type3A_151 = arith.extui %eq3A_150 : i1 to i32
    %cond3A_152 = arith.constant 0 : i32
    %cond3A_153 = arith.cmpi ne, %convert_element_type3A_151, %cond3A_152 : i32
    scf.if %cond3A_153 {
      %get3A_154 = arith.index_cast %mul3A_71 : i32 to index
      %get3A_155 = arith.constant 0 : index
      %get3A_156 = vector.load %arg7[%get3A_154, %get3A_155] : memref<2048x4xf32, #tpu.memory_space<vmem>>, vector<256x4xf32>
      %swap3A_157 = arith.constant 0 : index
      %swap3A_158 = arith.constant 0 : index
      %swap3A_159 = vector.load %arg5[%swap3A_157, %swap3A_158] : memref<256x4xf32, #tpu.memory_space<vmem>>, vector<256x4xf32>
      tpu.vector_store %arg5[%swap3A_157, %swap3A_158], %get3A_156 {strides = array<i32>} : memref<256x4xf32, #tpu.memory_space<vmem>>, vector<256x4xf32>,
      %get3A_160 = arith.index_cast %mul3A_71 : i32 to index
      %get3A_161 = arith.constant 0 : index
      %get3A_162 = vector.load %arg8[%get3A_160, %get3A_161] : memref<2048x4xi32, #tpu.memory_space<vmem>>, vector<256x4xi32>
      %swap3A_163 = arith.constant 0 : index
      %swap3A_164 = arith.constant 0 : index
      %swap3A_165 = vector.load %arg6[%swap3A_163, %swap3A_164] : memref<256x4xi32, #tpu.memory_space<vmem>>, vector<256x4xi32>
      tpu.vector_store %arg6[%swap3A_163, %swap3A_164], %get3A_162 {strides = array<i32>} : memref<256x4xi32, #tpu.memory_space<vmem>>, vector<256x4xi32>,
    } else {
    }
    return
  }
  func.func @transform_0(%arg0: i32, %arg1: i32) -> (i32, i32) {
    %c0_i32 = arith.constant 0 : i32
    %c0_i32_0 = arith.constant 0 : i32
    return %arg1, %c0_i32 : i32, i32
  }
  func.func @transform_1(%arg0: i32, %arg1: i32) -> (i32, i32) {
    %c0_i32 = arith.constant 0 : i32
    %c0_i32_0 = arith.constant 0 : i32
    return %arg0, %c0_i32 : i32, i32
  }
  func.func @transform_2(%arg0: i32, %arg1: i32) -> (i32, i32) {
    %c0_i32 = arith.constant 0 : i32
    %c0_i32_0 = arith.constant 0 : i32
    return %c0_i32, %arg0 : i32, i32
  }
  func.func @transform_3(%arg0: i32, %arg1: i32) -> (i32, i32) {
    %c0_i32 = arith.constant 0 : i32
    %c0_i32_0 = arith.constant 0 : i32
    return %arg1, %c0_i32 : i32, i32
  }
  func.func @transform_4(%arg0: i32, %arg1: i32) -> (i32, i32) {
    %c0_i32 = arith.constant 0 : i32
    %c0_i32_0 = arith.constant 0 : i32
    return %arg1, %c0_i32 : i32, i32
  }
}

module attributes {stable_mosaic.version = 14 : i64} {
  func.func @_flog_body(%arg0: i32, %arg1: i32, %arg2: memref<256x512xf32, #tpu.memory_space<vmem>>, %arg3: memref<4x256x512xf32, #tpu.memory_space<vmem>>, %arg4: memref<4x256x512xf32, #tpu.memory_space<vmem>>, %arg5: memref<4x256x512xf32, #tpu.memory_space<vmem>>, %arg6: memref<256x4xf32, #tpu.memory_space<vmem>>, %arg7: memref<256x4xf32, #tpu.memory_space<vmem>>, %arg8: memref<256x4xf32, #tpu.memory_space<vmem>>, %arg9: memref<512x512xf32, #tpu.memory_space<vmem>>, %arg10: memref<1x512xf32, #tpu.memory_space<vmem>>, %arg11: memref<1x512xf32, #tpu.memory_space<vmem>>, %arg12: memref<1x512xf32, #tpu.memory_space<vmem>>, %arg13: memref<3200x512xbf16, #tpu.memory_space<vmem>>, %arg14: memref<256x3200xf32, #tpu.memory_space<vmem>>, %arg15: memref<256x512xbf16, #tpu.memory_space<vmem>>) attributes {dimension_semantics = [#tpu.dimension_semantics<arbitrary>, #tpu.dimension_semantics<arbitrary>], iteration_bounds = array<i64: 8, 10>, scalar_prefetch = 0 : i64, scratch_operands = 1 : i64, tpu.core_type = #tpu.core_type<tc>, window_params = [{transform_indices = @transform_0, window_bounds = array<i64: 256, 512>}, {transform_indices = @transform_1, window_bounds = array<i64: 4, 256, 512>}, {transform_indices = @transform_2, window_bounds = array<i64: 4, 256, 512>}, {transform_indices = @transform_3, window_bounds = array<i64: 4, 256, 512>}, {transform_indices = @transform_4, window_bounds = array<i64: 256, 4>}, {transform_indices = @transform_5, window_bounds = array<i64: 256, 4>}, {transform_indices = @transform_6, window_bounds = array<i64: 256, 4>}, {pipeline_mode = #tpu.pipeline_mode<synchronous>, transform_indices = @transform_7, window_bounds = array<i64: 512, 512>}, {pipeline_mode = #tpu.pipeline_mode<synchronous>, transform_indices = @transform_8, window_bounds = array<i64: 1, 512>}, {pipeline_mode = #tpu.pipeline_mode<synchronous>, transform_indices = @transform_9, window_bounds = array<i64: 1, 512>}, {pipeline_mode = #tpu.pipeline_mode<synchronous>, transform_indices = @transform_10, window_bounds = array<i64: 1, 512>}, {transform_indices = @transform_11, window_bounds = array<i64: 3200, 512>}, {transform_indices = @transform_12, window_bounds = array<i64: 256, 3200>}]} {
    %eq3A = arith.constant 0 : i32
    %eq3A_0 = arith.cmpi eq, %arg1, %eq3A : i32
    %convert_element_type3A = arith.extui %eq3A_0 : i1 to i32
    %cond3A = arith.constant 0 : i32
    %cond3A_1 = arith.cmpi ne, %convert_element_type3A, %cond3A : i32
    scf.if %cond3A_1 {
      %broadcast_in_dim3A = arith.constant 0.000000e+00 : f32
      %broadcast_in_dim3A_10 = vector.broadcast %broadcast_in_dim3A : f32 to vector<256x512xf32>
      %get3A_11 = arith.constant 0 : index
      %get3A_12 = arith.constant 0 : index
      %get3A_13 = vector.load %arg6[%get3A_11, %get3A_12] : memref<256x4xf32, #tpu.memory_space<vmem>>, vector<256x4xf32>
      %reduce_max3A = arith.constant dense<0xFF800000> : vector<256xf32>
      %reduce_max3A_14 = vector.multi_reduction <maximumf>, %get3A_13, %reduce_max3A [1] : vector<256x4xf32> to vector<256xf32>
      %broadcast_in_dim3A_15 = vector.shape_cast %reduce_max3A_14 : vector<256xf32> to vector<256x1xf32>
      %sub3A = vector.broadcast %broadcast_in_dim3A_15 : vector<256x1xf32> to vector<256x4xf32>
      %sub3A_16 = arith.subf %get3A_13, %sub3A : vector<256x4xf32>
      %exp3A = math.exp %sub3A_16 : vector<256x4xf32>
      %reduce_sum3A = arith.constant dense<0.000000e+00> : vector<256xf32>
      %reduce_sum3A_17 = vector.multi_reduction <add>, %exp3A, %reduce_sum3A [1] : vector<256x4xf32> to vector<256xf32>
      %broadcast_in_dim3A_18 = vector.shape_cast %reduce_sum3A_17 : vector<256xf32> to vector<256x1xf32>
      %div3A = vector.broadcast %broadcast_in_dim3A_18 : vector<256x1xf32> to vector<256x4xf32>
      %div3A_19 = arith.divf %exp3A, %div3A : vector<256x4xf32>
      %mul3A = arith.constant 0.333333343 : f32
      %mul3A_20 = vector.broadcast %mul3A : f32 to vector<256x4xf32>
      %mul3A_21 = arith.mulf %div3A_19, %mul3A_20 : vector<256x4xf32>
      %slice3A = vector.extract_strided_slice %mul3A_21 {offsets = [0, 0], sizes = [256, 1], strides = [1, 1]} : vector<256x4xf32> to vector<256x1xf32>
      %get3A_22 = arith.constant 0 : index
      %get3A_23 = arith.constant 0 : index
      %get3A_24 = arith.constant 0 : index
      %get3A_25 = vector.load %arg3[%get3A_22, %get3A_23, %get3A_24] : memref<4x256x512xf32, #tpu.memory_space<vmem>>, vector<1x256x512xf32>
      %get3A_26 = vector.shape_cast %get3A_25 : vector<1x256x512xf32> to vector<256x512xf32>
      %mul3A_27 = vector.broadcast %slice3A : vector<256x1xf32> to vector<256x512xf32>
      %mul3A_28 = arith.mulf %mul3A_27, %get3A_26 : vector<256x512xf32>
      %add3A = arith.addf %broadcast_in_dim3A_10, %mul3A_28 : vector<256x512xf32>
      %slice3A_29 = vector.extract_strided_slice %mul3A_21 {offsets = [0, 1], sizes = [256, 1], strides = [1, 1]} : vector<256x4xf32> to vector<256x1xf32>
      %get3A_30 = arith.constant 1 : index
      %get3A_31 = arith.constant 0 : index
      %get3A_32 = arith.constant 0 : index
      %get3A_33 = vector.load %arg3[%get3A_30, %get3A_31, %get3A_32] : memref<4x256x512xf32, #tpu.memory_space<vmem>>, vector<1x256x512xf32>
      %get3A_34 = vector.shape_cast %get3A_33 : vector<1x256x512xf32> to vector<256x512xf32>
      %mul3A_35 = vector.broadcast %slice3A_29 : vector<256x1xf32> to vector<256x512xf32>
      %mul3A_36 = arith.mulf %mul3A_35, %get3A_34 : vector<256x512xf32>
      %add3A_37 = arith.addf %add3A, %mul3A_36 : vector<256x512xf32>
      %slice3A_38 = vector.extract_strided_slice %mul3A_21 {offsets = [0, 2], sizes = [256, 1], strides = [1, 1]} : vector<256x4xf32> to vector<256x1xf32>
      %get3A_39 = arith.constant 2 : index
      %get3A_40 = arith.constant 0 : index
      %get3A_41 = arith.constant 0 : index
      %get3A_42 = vector.load %arg3[%get3A_39, %get3A_40, %get3A_41] : memref<4x256x512xf32, #tpu.memory_space<vmem>>, vector<1x256x512xf32>
      %get3A_43 = vector.shape_cast %get3A_42 : vector<1x256x512xf32> to vector<256x512xf32>
      %mul3A_44 = vector.broadcast %slice3A_38 : vector<256x1xf32> to vector<256x512xf32>
      %mul3A_45 = arith.mulf %mul3A_44, %get3A_43 : vector<256x512xf32>
      %add3A_46 = arith.addf %add3A_37, %mul3A_45 : vector<256x512xf32>
      %slice3A_47 = vector.extract_strided_slice %mul3A_21 {offsets = [0, 3], sizes = [256, 1], strides = [1, 1]} : vector<256x4xf32> to vector<256x1xf32>
      %get3A_48 = arith.constant 3 : index
      %get3A_49 = arith.constant 0 : index
      %get3A_50 = arith.constant 0 : index
      %get3A_51 = vector.load %arg3[%get3A_48, %get3A_49, %get3A_50] : memref<4x256x512xf32, #tpu.memory_space<vmem>>, vector<1x256x512xf32>
      %get3A_52 = vector.shape_cast %get3A_51 : vector<1x256x512xf32> to vector<256x512xf32>
      %mul3A_53 = vector.broadcast %slice3A_47 : vector<256x1xf32> to vector<256x512xf32>
      %mul3A_54 = arith.mulf %mul3A_53, %get3A_52 : vector<256x512xf32>
      %add3A_55 = arith.addf %add3A_46, %mul3A_54 : vector<256x512xf32>
      %get3A_56 = arith.constant 0 : index
      %get3A_57 = arith.constant 0 : index
      %get3A_58 = vector.load %arg7[%get3A_56, %get3A_57] : memref<256x4xf32, #tpu.memory_space<vmem>>, vector<256x4xf32>
      %reduce_max3A_59 = arith.constant dense<0xFF800000> : vector<256xf32>
      %reduce_max3A_60 = vector.multi_reduction <maximumf>, %get3A_58, %reduce_max3A_59 [1] : vector<256x4xf32> to vector<256xf32>
      %broadcast_in_dim3A_61 = vector.shape_cast %reduce_max3A_60 : vector<256xf32> to vector<256x1xf32>
      %sub3A_62 = vector.broadcast %broadcast_in_dim3A_61 : vector<256x1xf32> to vector<256x4xf32>
      %sub3A_63 = arith.subf %get3A_58, %sub3A_62 : vector<256x4xf32>
      %exp3A_64 = math.exp %sub3A_63 : vector<256x4xf32>
      %reduce_sum3A_65 = arith.constant dense<0.000000e+00> : vector<256xf32>
      %reduce_sum3A_66 = vector.multi_reduction <add>, %exp3A_64, %reduce_sum3A_65 [1] : vector<256x4xf32> to vector<256xf32>
      %broadcast_in_dim3A_67 = vector.shape_cast %reduce_sum3A_66 : vector<256xf32> to vector<256x1xf32>
      %div3A_68 = vector.broadcast %broadcast_in_dim3A_67 : vector<256x1xf32> to vector<256x4xf32>
      %div3A_69 = arith.divf %exp3A_64, %div3A_68 : vector<256x4xf32>
      %mul3A_70 = arith.constant 0.333333343 : f32
      %mul3A_71 = vector.broadcast %mul3A_70 : f32 to vector<256x4xf32>
      %mul3A_72 = arith.mulf %div3A_69, %mul3A_71 : vector<256x4xf32>
      %slice3A_73 = vector.extract_strided_slice %mul3A_72 {offsets = [0, 0], sizes = [256, 1], strides = [1, 1]} : vector<256x4xf32> to vector<256x1xf32>
      %get3A_74 = arith.constant 0 : index
      %get3A_75 = arith.constant 0 : index
      %get3A_76 = arith.constant 0 : index
      %get3A_77 = vector.load %arg4[%get3A_74, %get3A_75, %get3A_76] : memref<4x256x512xf32, #tpu.memory_space<vmem>>, vector<1x256x512xf32>
      %get3A_78 = vector.shape_cast %get3A_77 : vector<1x256x512xf32> to vector<256x512xf32>
      %mul3A_79 = vector.broadcast %slice3A_73 : vector<256x1xf32> to vector<256x512xf32>
      %mul3A_80 = arith.mulf %mul3A_79, %get3A_78 : vector<256x512xf32>
      %add3A_81 = arith.addf %add3A_55, %mul3A_80 : vector<256x512xf32>
      %slice3A_82 = vector.extract_strided_slice %mul3A_72 {offsets = [0, 1], sizes = [256, 1], strides = [1, 1]} : vector<256x4xf32> to vector<256x1xf32>
      %get3A_83 = arith.constant 1 : index
      %get3A_84 = arith.constant 0 : index
      %get3A_85 = arith.constant 0 : index
      %get3A_86 = vector.load %arg4[%get3A_83, %get3A_84, %get3A_85] : memref<4x256x512xf32, #tpu.memory_space<vmem>>, vector<1x256x512xf32>
      %get3A_87 = vector.shape_cast %get3A_86 : vector<1x256x512xf32> to vector<256x512xf32>
      %mul3A_88 = vector.broadcast %slice3A_82 : vector<256x1xf32> to vector<256x512xf32>
      %mul3A_89 = arith.mulf %mul3A_88, %get3A_87 : vector<256x512xf32>
      %add3A_90 = arith.addf %add3A_81, %mul3A_89 : vector<256x512xf32>
      %slice3A_91 = vector.extract_strided_slice %mul3A_72 {offsets = [0, 2], sizes = [256, 1], strides = [1, 1]} : vector<256x4xf32> to vector<256x1xf32>
      %get3A_92 = arith.constant 2 : index
      %get3A_93 = arith.constant 0 : index
      %get3A_94 = arith.constant 0 : index
      %get3A_95 = vector.load %arg4[%get3A_92, %get3A_93, %get3A_94] : memref<4x256x512xf32, #tpu.memory_space<vmem>>, vector<1x256x512xf32>
      %get3A_96 = vector.shape_cast %get3A_95 : vector<1x256x512xf32> to vector<256x512xf32>
      %mul3A_97 = vector.broadcast %slice3A_91 : vector<256x1xf32> to vector<256x512xf32>
      %mul3A_98 = arith.mulf %mul3A_97, %get3A_96 : vector<256x512xf32>
      %add3A_99 = arith.addf %add3A_90, %mul3A_98 : vector<256x512xf32>
      %slice3A_100 = vector.extract_strided_slice %mul3A_72 {offsets = [0, 3], sizes = [256, 1], strides = [1, 1]} : vector<256x4xf32> to vector<256x1xf32>
      %get3A_101 = arith.constant 3 : index
      %get3A_102 = arith.constant 0 : index
      %get3A_103 = arith.constant 0 : index
      %get3A_104 = vector.load %arg4[%get3A_101, %get3A_102, %get3A_103] : memref<4x256x512xf32, #tpu.memory_space<vmem>>, vector<1x256x512xf32>
      %get3A_105 = vector.shape_cast %get3A_104 : vector<1x256x512xf32> to vector<256x512xf32>
      %mul3A_106 = vector.broadcast %slice3A_100 : vector<256x1xf32> to vector<256x512xf32>
      %mul3A_107 = arith.mulf %mul3A_106, %get3A_105 : vector<256x512xf32>
      %add3A_108 = arith.addf %add3A_99, %mul3A_107 : vector<256x512xf32>
      %get3A_109 = arith.constant 0 : index
      %get3A_110 = arith.constant 0 : index
      %get3A_111 = vector.load %arg8[%get3A_109, %get3A_110] : memref<256x4xf32, #tpu.memory_space<vmem>>, vector<256x4xf32>
      %reduce_max3A_112 = arith.constant dense<0xFF800000> : vector<256xf32>
      %reduce_max3A_113 = vector.multi_reduction <maximumf>, %get3A_111, %reduce_max3A_112 [1] : vector<256x4xf32> to vector<256xf32>
      %broadcast_in_dim3A_114 = vector.shape_cast %reduce_max3A_113 : vector<256xf32> to vector<256x1xf32>
      %sub3A_115 = vector.broadcast %broadcast_in_dim3A_114 : vector<256x1xf32> to vector<256x4xf32>
      %sub3A_116 = arith.subf %get3A_111, %sub3A_115 : vector<256x4xf32>
      %exp3A_117 = math.exp %sub3A_116 : vector<256x4xf32>
      %reduce_sum3A_118 = arith.constant dense<0.000000e+00> : vector<256xf32>
      %reduce_sum3A_119 = vector.multi_reduction <add>, %exp3A_117, %reduce_sum3A_118 [1] : vector<256x4xf32> to vector<256xf32>
      %broadcast_in_dim3A_120 = vector.shape_cast %reduce_sum3A_119 : vector<256xf32> to vector<256x1xf32>
      %div3A_121 = vector.broadcast %broadcast_in_dim3A_120 : vector<256x1xf32> to vector<256x4xf32>
      %div3A_122 = arith.divf %exp3A_117, %div3A_121 : vector<256x4xf32>
      %mul3A_123 = arith.constant 0.333333343 : f32
      %mul3A_124 = vector.broadcast %mul3A_123 : f32 to vector<256x4xf32>
      %mul3A_125 = arith.mulf %div3A_122, %mul3A_124 : vector<256x4xf32>
      %slice3A_126 = vector.extract_strided_slice %mul3A_125 {offsets = [0, 0], sizes = [256, 1], strides = [1, 1]} : vector<256x4xf32> to vector<256x1xf32>
      %get3A_127 = arith.constant 0 : index
      %get3A_128 = arith.constant 0 : index
      %get3A_129 = arith.constant 0 : index
      %get3A_130 = vector.load %arg5[%get3A_127, %get3A_128, %get3A_129] : memref<4x256x512xf32, #tpu.memory_space<vmem>>, vector<1x256x512xf32>
      %get3A_131 = vector.shape_cast %get3A_130 : vector<1x256x512xf32> to vector<256x512xf32>
      %mul3A_132 = vector.broadcast %slice3A_126 : vector<256x1xf32> to vector<256x512xf32>
      %mul3A_133 = arith.mulf %mul3A_132, %get3A_131 : vector<256x512xf32>
      %add3A_134 = arith.addf %add3A_108, %mul3A_133 : vector<256x512xf32>
      %slice3A_135 = vector.extract_strided_slice %mul3A_125 {offsets = [0, 1], sizes = [256, 1], strides = [1, 1]} : vector<256x4xf32> to vector<256x1xf32>
      %get3A_136 = arith.constant 1 : index
      %get3A_137 = arith.constant 0 : index
      %get3A_138 = arith.constant 0 : index
      %get3A_139 = vector.load %arg5[%get3A_136, %get3A_137, %get3A_138] : memref<4x256x512xf32, #tpu.memory_space<vmem>>, vector<1x256x512xf32>
      %get3A_140 = vector.shape_cast %get3A_139 : vector<1x256x512xf32> to vector<256x512xf32>
      %mul3A_141 = vector.broadcast %slice3A_135 : vector<256x1xf32> to vector<256x512xf32>
      %mul3A_142 = arith.mulf %mul3A_141, %get3A_140 : vector<256x512xf32>
      %add3A_143 = arith.addf %add3A_134, %mul3A_142 : vector<256x512xf32>
      %slice3A_144 = vector.extract_strided_slice %mul3A_125 {offsets = [0, 2], sizes = [256, 1], strides = [1, 1]} : vector<256x4xf32> to vector<256x1xf32>
      %get3A_145 = arith.constant 2 : index
      %get3A_146 = arith.constant 0 : index
      %get3A_147 = arith.constant 0 : index
      %get3A_148 = vector.load %arg5[%get3A_145, %get3A_146, %get3A_147] : memref<4x256x512xf32, #tpu.memory_space<vmem>>, vector<1x256x512xf32>
      %get3A_149 = vector.shape_cast %get3A_148 : vector<1x256x512xf32> to vector<256x512xf32>
      %mul3A_150 = vector.broadcast %slice3A_144 : vector<256x1xf32> to vector<256x512xf32>
      %mul3A_151 = arith.mulf %mul3A_150, %get3A_149 : vector<256x512xf32>
      %add3A_152 = arith.addf %add3A_143, %mul3A_151 : vector<256x512xf32>
      %slice3A_153 = vector.extract_strided_slice %mul3A_125 {offsets = [0, 3], sizes = [256, 1], strides = [1, 1]} : vector<256x4xf32> to vector<256x1xf32>
      %get3A_154 = arith.constant 3 : index
      %get3A_155 = arith.constant 0 : index
      %get3A_156 = arith.constant 0 : index
      %get3A_157 = vector.load %arg5[%get3A_154, %get3A_155, %get3A_156] : memref<4x256x512xf32, #tpu.memory_space<vmem>>, vector<1x256x512xf32>
      %get3A_158 = vector.shape_cast %get3A_157 : vector<1x256x512xf32> to vector<256x512xf32>
      %mul3A_159 = vector.broadcast %slice3A_153 : vector<256x1xf32> to vector<256x512xf32>
      %mul3A_160 = arith.mulf %mul3A_159, %get3A_158 : vector<256x512xf32>
      %add3A_161 = arith.addf %add3A_152, %mul3A_160 : vector<256x512xf32>
      %get3A_162 = arith.constant 0 : index
      %get3A_163 = arith.constant 0 : index
      %get3A_164 = vector.load %arg2[%get3A_162, %get3A_163] : memref<256x512xf32, #tpu.memory_space<vmem>>, vector<256x512xf32>
      %get3A_165 = arith.constant 0 : index
      %get3A_166 = arith.constant 0 : index
      %get3A_167 = vector.load %arg9[%get3A_165, %get3A_166] : memref<512x512xf32, #tpu.memory_space<vmem>>, vector<512x512xf32>
      %dot_general3A_168 = arith.constant dense<0.000000e+00> : vector<256x512xf32>
      %dot_general3A_169 = tpu.matmul %add3A_161, %get3A_167, %dot_general3A_168 {dimension_numbers = #tpu.dot_dimension_numbers<[1], [0], [0], [1], [0, 0, 1, 1], [], []>, transpose_lhs_hint = false} : vector<256x512xf32>, vector<512x512xf32>, vector<256x512xf32> -> vector<256x512xf32>
      %add3A_170 = arith.addf %get3A_164, %dot_general3A_169 : vector<256x512xf32>
      %get3A_171 = arith.constant 0 : index
      %get3A_172 = arith.constant 0 : index
      %get3A_173 = vector.load %arg10[%get3A_171, %get3A_172] : memref<1x512xf32, #tpu.memory_space<vmem>>, vector<1x512xf32>
      %add3A_174 = vector.broadcast %get3A_173 : vector<1x512xf32> to vector<256x512xf32>
      %add3A_175 = arith.addf %add3A_170, %add3A_174 : vector<256x512xf32>
      %get3A_176 = arith.constant 0 : index
      %get3A_177 = arith.constant 0 : index
      %get3A_178 = vector.load %arg11[%get3A_176, %get3A_177] : memref<1x512xf32, #tpu.memory_space<vmem>>, vector<1x512xf32>
      %get3A_179 = arith.constant 0 : index
      %get3A_180 = arith.constant 0 : index
      %get3A_181 = vector.load %arg12[%get3A_179, %get3A_180] : memref<1x512xf32, #tpu.memory_space<vmem>>, vector<1x512xf32>
      %reduce_sum3A_182 = arith.constant dense<0.000000e+00> : vector<256xf32>
      %reduce_sum3A_183 = vector.multi_reduction <add>, %add3A_175, %reduce_sum3A_182 [1] : vector<256x512xf32> to vector<256xf32>
      %broadcast_in_dim3A_184 = vector.shape_cast %reduce_sum3A_183 : vector<256xf32> to vector<256x1xf32>
      %div3A_185 = arith.constant 5.120000e+02 : f32
      %div3A_186 = vector.broadcast %div3A_185 : f32 to vector<256x1xf32>
      %div3A_187 = arith.divf %broadcast_in_dim3A_184, %div3A_186 : vector<256x1xf32>
      %sub3A_188 = vector.broadcast %div3A_187 : vector<256x1xf32> to vector<256x512xf32>
      %sub3A_189 = arith.subf %add3A_175, %sub3A_188 : vector<256x512xf32>
      %integer_pow3A = arith.mulf %sub3A_189, %sub3A_189 : vector<256x512xf32>
      %reduce_sum3A_190 = arith.constant dense<0.000000e+00> : vector<256xf32>
      %reduce_sum3A_191 = vector.multi_reduction <add>, %integer_pow3A, %reduce_sum3A_190 [1] : vector<256x512xf32> to vector<256xf32>
      %broadcast_in_dim3A_192 = vector.shape_cast %reduce_sum3A_191 : vector<256xf32> to vector<256x1xf32>
      %div3A_193 = arith.constant 5.120000e+02 : f32
      %div3A_194 = vector.broadcast %div3A_193 : f32 to vector<256x1xf32>
      %div3A_195 = arith.divf %broadcast_in_dim3A_192, %div3A_194 : vector<256x1xf32>
      %sub3A_196 = vector.broadcast %div3A_187 : vector<256x1xf32> to vector<256x512xf32>
      %sub3A_197 = arith.subf %add3A_175, %sub3A_196 : vector<256x512xf32>
      %add3A_198 = arith.constant 9.99999974E-6 : f32
      %add3A_199 = vector.broadcast %add3A_198 : f32 to vector<256x1xf32>
      %add3A_200 = arith.addf %div3A_195, %add3A_199 : vector<256x1xf32>
      %sqrt3A = math.sqrt %add3A_200 : vector<256x1xf32>
      %div3A_201 = vector.broadcast %sqrt3A : vector<256x1xf32> to vector<256x512xf32>
      %div3A_202 = arith.divf %sub3A_197, %div3A_201 : vector<256x512xf32>
      %mul3A_203 = vector.broadcast %get3A_178 : vector<1x512xf32> to vector<256x512xf32>
      %mul3A_204 = arith.mulf %div3A_202, %mul3A_203 : vector<256x512xf32>
      %add3A_205 = vector.broadcast %get3A_181 : vector<1x512xf32> to vector<256x512xf32>
      %add3A_206 = arith.addf %mul3A_204, %add3A_205 : vector<256x512xf32>
      %convert_element_type3A_207 = arith.truncf %add3A_206 : vector<256x512xf32> to vector<256x512xbf16>
      %swap3A_208 = arith.constant 0 : index
      %swap3A_209 = arith.constant 0 : index
      %swap3A_210 = vector.load %arg15[%swap3A_208, %swap3A_209] : memref<256x512xbf16, #tpu.memory_space<vmem>>, vector<256x512xbf16>
      tpu.vector_store %arg15[%swap3A_208, %swap3A_209], %convert_element_type3A_207 {strides = array<i32>} : memref<256x512xbf16, #tpu.memory_space<vmem>>, vector<256x512xbf16>,
    } else {
    }
    %get3A = arith.constant 0 : index
    %get3A_2 = arith.constant 0 : index
    %get3A_3 = vector.load %arg15[%get3A, %get3A_2] : memref<256x512xbf16, #tpu.memory_space<vmem>>, vector<256x512xbf16>
    %get3A_4 = arith.constant 0 : index
    %get3A_5 = arith.constant 0 : index
    %get3A_6 = vector.load %arg13[%get3A_4, %get3A_5] : memref<3200x512xbf16, #tpu.memory_space<vmem>>, vector<3200x512xbf16>
    %dot_general3A = arith.constant dense<0.000000e+00> : vector<256x3200xf32>
    %dot_general3A_7 = tpu.matmul %get3A_3, %get3A_6, %dot_general3A {dimension_numbers = #tpu.dot_dimension_numbers<[1], [1], [0], [0], [0, 0, 1, 0], [], []>, transpose_lhs_hint = false} : vector<256x512xbf16>, vector<3200x512xbf16>, vector<256x3200xf32> -> vector<256x3200xf32>
    %swap3A = arith.constant 0 : index
    %swap3A_8 = arith.constant 0 : index
    %swap3A_9 = vector.load %arg14[%swap3A, %swap3A_8] : memref<256x3200xf32, #tpu.memory_space<vmem>>, vector<256x3200xf32>
    tpu.vector_store %arg14[%swap3A, %swap3A_8], %dot_general3A_7 {strides = array<i32>} : memref<256x3200xf32, #tpu.memory_space<vmem>>, vector<256x3200xf32>,
    return
  }
  func.func @transform_0(%arg0: i32, %arg1: i32) -> (i32, i32) {
    %c0_i32 = arith.constant 0 : i32
    %c0_i32_0 = arith.constant 0 : i32
    return %arg0, %c0_i32 : i32, i32
  }
  func.func @transform_1(%arg0: i32, %arg1: i32) -> (i32, i32, i32) {
    %c0_i32 = arith.constant 0 : i32
    %c0_i32_0 = arith.constant 0 : i32
    %c0_i32_1 = arith.constant 0 : i32
    return %c0_i32, %arg0, %c0_i32_0 : i32, i32, i32
  }
  func.func @transform_2(%arg0: i32, %arg1: i32) -> (i32, i32, i32) {
    %c0_i32 = arith.constant 0 : i32
    %c0_i32_0 = arith.constant 0 : i32
    %c0_i32_1 = arith.constant 0 : i32
    return %c0_i32, %arg0, %c0_i32_0 : i32, i32, i32
  }
  func.func @transform_3(%arg0: i32, %arg1: i32) -> (i32, i32, i32) {
    %c0_i32 = arith.constant 0 : i32
    %c0_i32_0 = arith.constant 0 : i32
    %c0_i32_1 = arith.constant 0 : i32
    return %c0_i32, %arg0, %c0_i32_0 : i32, i32, i32
  }
  func.func @transform_4(%arg0: i32, %arg1: i32) -> (i32, i32) {
    %c0_i32 = arith.constant 0 : i32
    %c0_i32_0 = arith.constant 0 : i32
    return %arg0, %c0_i32 : i32, i32
  }
  func.func @transform_5(%arg0: i32, %arg1: i32) -> (i32, i32) {
    %c0_i32 = arith.constant 0 : i32
    %c0_i32_0 = arith.constant 0 : i32
    return %arg0, %c0_i32 : i32, i32
  }
  func.func @transform_6(%arg0: i32, %arg1: i32) -> (i32, i32) {
    %c0_i32 = arith.constant 0 : i32
    %c0_i32_0 = arith.constant 0 : i32
    return %arg0, %c0_i32 : i32, i32
  }
  func.func @transform_7(%arg0: i32, %arg1: i32) -> (i32, i32) {
    %c0_i32 = arith.constant 0 : i32
    %c0_i32_0 = arith.constant 0 : i32
    %c0_i32_1 = arith.constant 0 : i32
    return %c0_i32, %c0_i32_0 : i32, i32
  }
  func.func @transform_8(%arg0: i32, %arg1: i32) -> (i32, i32) {
    %c0_i32 = arith.constant 0 : i32
    %c0_i32_0 = arith.constant 0 : i32
    %c0_i32_1 = arith.constant 0 : i32
    return %c0_i32, %c0_i32_0 : i32, i32
  }
  func.func @transform_9(%arg0: i32, %arg1: i32) -> (i32, i32) {
    %c0_i32 = arith.constant 0 : i32
    %c0_i32_0 = arith.constant 0 : i32
    %c0_i32_1 = arith.constant 0 : i32
    return %c0_i32, %c0_i32_0 : i32, i32
  }
  func.func @transform_10(%arg0: i32, %arg1: i32) -> (i32, i32) {
    %c0_i32 = arith.constant 0 : i32
    %c0_i32_0 = arith.constant 0 : i32
    %c0_i32_1 = arith.constant 0 : i32
    return %c0_i32, %c0_i32_0 : i32, i32
  }
  func.func @transform_11(%arg0: i32, %arg1: i32) -> (i32, i32) {
    %c0_i32 = arith.constant 0 : i32
    %c0_i32_0 = arith.constant 0 : i32
    return %arg1, %c0_i32 : i32, i32
  }
  func.func @transform_12(%arg0: i32, %arg1: i32) -> (i32, i32) {
    %c0_i32 = arith.constant 0 : i32
    return %arg0, %arg1 : i32, i32
  }
}

</mosaic_0001>

<sc_bundles>
// kernel: kernel.11.cloned.1.call-start
scs
__scs_entry_jumppad:
0x0: {  	(pc) =	sbr.rel $0x88, $3  }
0x1: {  	(tag) =	ssettag $0x0;
	lr =	simm.s32 $0x1  }
0x2: {  	[smem:$0x3F83] =	sst lr;
	_ =	strace $0xD0000000  }
0x3: {  	_ = 	snop  }
0x4: {  	_ = 	snop  }
0x5: {  	_ = 	snop  }
0x6: {  	_ = 	snop  }
0x7: {  	_ = 	snop  }
__scs_overlays_trampoline_lowered:
0x8: {  	[smem:$0x3F92] =	sst s0  }
0x9: {  	[smem:$0x3F93] =	sst s1  }
0xa: {  	[smem:$0x3F94] =	sst s2  }
0xb: {  	[smem:$0x3F95] =	sst s3  }
0xc: {  	[smem:$0x3F96] =	sst s4  }
0xd: {  	[smem:$0x3F97] =	sst s5  }
0xe: {  	[smem:$0x3F98] =	sst s6  }
0xf: {  	[smem:$0x3F99] =	sst s7  }
0x10: {  	[smem:$0x3F9A] =	sst s8  }
0x11: {  	[smem:$0x3F9B] =	sst s9;
	s0 =	simm.s32 @!p0 $0x0  }
0x12: {  	s1 =	sld [smem:$0x3F81];
	s0 =	simm.s32 @p0 $0x1  }
0x13: {  	[smem:$0x3F9C] =	sst s0;
	s0 =	simm.s32 @!p1 $0x0  }
0x14: {  	s2 =	sld [smem:$0x3F80];
	s0 =	simm.s32 @p1 $0x1  }
0x15: {  	[smem:$0x3F9D] =	sst s0;
	s0 =	simm.s32 @!p2 $0x0  }
0x16: {  	s3 =	sld [smem:$0x3FDB];
	s0 =	simm.s32 @p2 $0x1  }
0x17: {  	s4 =	simm.s32 $0x1BF5;
	[smem:$0x3F9F] =	sst s0  }
0x18: {  	s0 =	sld [smem:$0x3F82];
	_ =	swait.ge [sflag:s4], $0x0  }
0x19: {  	s7 =	sld [smem:$0x3F83]  }
0x1a: {  	s8 =	sadd.s32 $0xFFFFE003, lr  }
0x1b: {  	s9 =	sadd.s32 $0xFFFFFEF7, lr;
	s5 =	simm.s32 $0xFFFFFFFF;
	p2 =	slt.u32 s8, $0xFFFFF086  }
0x1c: {  	p1 =	slt.u32 s9, $0xF7A;
	s5 =	simm.s32 @!p2 $0x0  }
0x1d: {  	s5 =	simm.s32 @p1 $0x1;
	p0 =	seq.s32 s7, s2  }
0x1e: {  	s7 =	smul.u32 @!p0 $0xF7A, s2;
	p2 =	seq.s32 @!p0 s5, $0x0  }
0x1f: {  	s9 =	smul.u32 $0xF7A, s1;
	s8 =	simm.s32 @!p0 $0x1BF5;
	p2 =	por !p2, p0  }
0x20: {  	[sflag:s8] =	ssyncset.s32 @!p0 $0xFFFFF086;
	s6 =	sadd.s32 @!p0 s3, s7;
	s7 =	simm.s32 @!p0 $0x108  }
0x21: {  	s3 =	sadd.s32 s3, s9;
	s6 =	sadd.s32 @!p0 $0x88, s6;
	s7 =	simm.s32 @p2 $0x1082  }
0x22: {  	[simem:s7], [sflag:s8] =	dma.local @!p0 [hbm:s6], $0xF7A  }
0x23: {  	s9 =	sor.u32 $0xD0000000, s2;
	s6 =	simm.s32 $0x108;
	_ =	swait.ge @!p0 [sflag:s8], $0x0  }
0x24: {  	s3 =	sadd.s32 $0x88, s3;
	s6 =	simm.s32 @!p1 $0x1082;
	[sflag:s4] =	ssyncset.s32 $0xFFFFF086  }
0x25: {  	[simem:s6], [sflag:s4] =	dma.local [hbm:s3], $0xF7A  }
0x26: {  	[smem:$0x3F83] =	sst s1;
	(tag) =	ssettag s2;
	_ =	strace s9  }
0x27: {  	s1 =	sld [smem:$0x3F93]  }
0x28: {  	s2 =	sld [smem:$0x3F94]  }
0x29: {  	s4 =	sld [smem:$0x3F96]  }
0x2a: {  	p0 =	seq.s32 s5, $0x0;
	s5 =	sld [smem:$0x3F97]  }
0x2b: {  	s6 =	sld [smem:$0x3F98]  }
0x2c: {  	s7 =	sld [smem:$0x3F99]  }
0x2d: {  	s3 =	simm.s32 $0x108;
	s8 =	sld [smem:$0x3F9A]  }
0x2e: {  	s3 =	simm.s32 @!p0 $0x1082;
	s9 =	sld [smem:$0x3F9B]  }
0x2f: {  	lr =	sadd.s32 s0, s3;
	s0 =	sld [smem:$0x3F92]  }
0x30: {  	s3 =	sld [smem:$0x3F95]  }
0x31: {  	[smem:$0x3F9E] =	sst s10  }
0x32: {  	s10 =	sld [smem:$0x3F9C];
	_ =	sdelay $0x3  }
0x33: {  	p0 =	seq.s32 s10, $0x1;
	s10 =	sld [smem:$0x3F9E];
	_ =	sdelay $0x3  }
0x34: {  	[smem:$0x3F9E] =	sst s10  }
0x35: {  	s10 =	sld [smem:$0x3F9D];
	_ =	sdelay $0x3  }
0x36: {  	p1 =	seq.s32 s10, $0x1;
	s10 =	sld [smem:$0x3F9E];
	_ =	sdelay $0x3  }
0x37: {  	[smem:$0x3F9E] =	sst s10  }
0x38: {  	s10 =	sld [smem:$0x3F9F]  }
0x39: {  	_ = 	snop;
	(pc) =	sbr.ind lr, $3  }
0x3a: {  	_ = 	snop  }
0x3b: {  	_ = 	snop  }
0x3c: {  	p2 =	seq.s32 s10, $0x1;
	s10 =	sld [smem:$0x3F9E]  }
0x3d: {  	_ =	shalt  }
0x3e: {  	_ =	shalt  }
0x3f: {  	_ =	shalt  }
0x40: {  	_ =	shalt  }
0x41: {  	_ =	shalt  }
0x42: {  	_ =	shalt  }
0x43: {  	_ =	shalt  }
0x44: {  	_ =	shalt  }
0x45: {  	_ =	shalt  }
0x46: {  	_ =	shalt  }
0x47: {  	_ =	shalt  }
0x48: {  	_ =	shalt  }
0x49: {  	_ =	shalt  }
0x4a: {  	_ =	shalt  }
0x4b: {  	_ =	shalt  }
0x4c: {  	_ =	shalt  }
0x4d: {  	_ =	shalt  }
0x4e: {  	_ =	shalt  }
0x4f: {  	_ =	shalt  }
0x50: {  	_ =	shalt  }
0x51: {  	_ =	shalt  }
0x52: {  	_ =	shalt  }
0x53: {  	_ =	shalt  }
0x54: {  	_ =	shalt  }
0x55: {  	_ =	shalt  }
0x56: {  	_ =	shalt  }
0x57: {  	_ =	shalt  }
0x58: {  	_ =	shalt  }
0x59: {  	_ =	shalt  }
0x5a: {  	_ =	shalt  }
0x5b: {  	_ =	shalt  }
0x5c: {  	_ =	shalt  }
0x5d: {  	_ =	shalt  }
0x5e: {  	_ =	shalt  }
0x5f: {  	_ =	shalt  }
0x60: {  	_ =	shalt  }
0x61: {  	_ =	shalt  }
0x62: {  	_ =	shalt  }
0x63: {  	_ =	shalt  }
0x64: {  	_ =	shalt  }
0x65: {  	_ =	shalt  }
0x66: {  	_ =	shalt  }
0x67: {  	_ =	shalt  }
0x68: {  	_ =	shalt  }
0x69: {  	_ =	shalt  }
0x6a: {  	_ =	shalt  }
0x6b: {  	_ =	shalt  }
0x6c: {  	_ =	shalt  }
0x6d: {  	_ =	shalt  }
0x6e: {  	_ =	shalt  }
0x6f: {  	_ =	shalt  }
0x70: {  	_ =	shalt  }
0x71: {  	_ =	shalt  }
0x72: {  	_ =	shalt  }
0x73: {  	_ =	shalt  }
0x74: {  	_ =	shalt  }
0x75: {  	_ =	shalt  }
0x76: {  	_ =	shalt  }
0x77: {  	_ =	shalt  }
0x78: {  	_ =	shalt  }
0x79: {  	_ =	shalt  }
0x7a: {  	_ =	shalt  }
0x7b: {  	_ =	shalt  }
0x7c: {  	_ =	shalt  }
0x7d: {  	_ =	shalt  }
0x7e: {  	_ =	shalt  }
0x7f: {  	_ =	shalt  }
0x80: {  	_ =	shalt  }
0x81: {  	_ =	shalt  }
0x82: {  	_ =	shalt  }
0x83: {  	_ =	shalt  }
0x84: {  	_ =	shalt  }
0x85: {  	_ =	shalt  }
0x86: {  	_ =	shalt  }
0x87: {  	_ =	shalt  }
.Lfunc_end0:
.L_simem_size_0:
called_computation_lowered:
.L_overlay_start_0:
0x88: {  	s2 =	sld [smem:$0x3FD9]  }
0x89: {  	s3 =	sld [smem:$0x3FFE];
	_ =	sdelay $0x1  }
0x8a: {  	s1 =	srdreg.scid  }
0x8b: {  	s0 =	sand.u32 $0x1, s1  }
0x8c: {  	s17 =	sshll.u32 s0, $0xA;
	s2 =	sadd.s32 s3, s2  }
0x8d: {  	s2 =	sadd.s32 s2, s17  }
0x8e: {  	[smem:$0x3FAA] =	sst s2  }
0x8f: {  	_ = 	snop  }
0x90: {  	s2 =	sld [smem:$0x3FC8];
	(tm) =	ssettm $0x1  }
0x91: {  	s18 =	sld [smem:$0x3FFB];
	_ =	sdelay $0x3  }
0x92: {  	_ =	strace s18  }
0x93: {  	s3 =	sld [smem:$0x3FFC];
	_ =	sdelay $0x3  }
0x94: {  	_ =	strace s3  }
0x95: {  	s3 =	sld [smem:$0x3FFD];
	_ =	sdelay $0x3  }
0x96: {  	_ =	strace s3  }
0x97: {  	_ =	strace $0x8FFFFFFF  }
0x98: {  	s19 =	sld [smem:$0x3FDB];
	_ =	sdelay $0x1  }
0x99: {  	s4 =	simm.s32 $_scs_section_size  }
0x9a: {  	s5 =	simm.s32 $_size__tile_overlayer_lowered;
	s6 =	simm.s32 $_tile_overlayer_lowered  }
0x9b: {  	s22 =	simm.s32 $0x1BFF;
	s21 =	sshll.u32 s6, $0x1;
	s3 =	sadd.s32 s4, s19  }
0x9c: {  	s7 =	simm.s32 $0x0;
	s20 =	sshll.u32 s5, $0x1;
	s5 =	sadd.s32 s21, s3  }
0x9d: {  	[timem:s7], [sflag:s22] =	dma.local [hbm:s5], s20  }
0x9e: {  	_ =	swait.ge [sflag:s22], s20  }
0x9f: {  	s4 =	ssub.s32 $0x0, s20;
	[sflag:s22] =	ssyncset.done $0x0  }
0xa0: {  	[sflag:s22] =	ssyncadd.s32 s4;
	_ =	sdelay $0x1  }
0xa1: {  	s23 =	simm.s32 $0x1B8B  }
0xa2: {  	_ =	swait.ge [sflag:s23], $0x1  }
0xa3: {  	[sflag:s23] =	ssyncset.done $0x0  }
0xa4: {  	s25 =	simm.s32 $0x1B8E;
	s24 =	sld [smem:$0x3FFE];
	[sflag:s23] =	ssyncadd.s32 $0xFFFFFFFF  }
0xa5: {  	s26 =	simm.s32 $execute0_lowered;
	[smem:$0x3FD2] =	sst s25  }
0xa6: {  	s5 =	sshll.u32 s26, $0x1;
	_ =	strace $0x80000046;
	[dreg:$0x1] =	wrdreg $0xFFFFFFFF  }
0xa7: {  	s28 =	simm.s32 $_size_execute0_lowered;
	s3 =	sadd.s32 s3, s5;
	[dreg:$0x0] =	wrdreg $0x0  }
0xa8: {  	s5 =	sshll.u32 s28, $0x1;
	[dreg:$0x2] =	wrdreg s3  }
0xa9: {  	[dreg:$0x3] =	wrdreg s5  }
0xaa: {  	[dreg:$0x4] =	wrdreg $0xC0  }
0xab: {  	_ =	task [dreg:s7], $0x5FFFF  }
0xac: {  	[dreg:$0x1] =	wrdreg $0xFFFFFFFF  }
0xad: {  	[dreg:$0x0] =	wrdreg $0x60  }
0xae: {  	[dreg:$0x2] =	wrdreg s2  }
0xaf: {  	[dreg:$0x3] =	wrdreg s24  }
0xb0: {  	[dreg:$0x4] =	wrdreg $0x9  }
0xb1: {  	_ =	task.clear_ibuf [dreg:s7], $0x5FFFF;
	_ =	strace $0x90000046  }
0xb2: {  	s29 =	simm.s32 $0x9;
	_ =	strace $0x80000048  }
0xb3: {  	_ =	swait.ge [sflag:s29], $0x1  }
0xb4: {  	[sflag:s29] =	ssyncadd.s32 $0xFFFFFFFF  }
0xb5: {  	_ =	strace $0x90000048  }
0xb6: {  	_ =	sfence  }
0xb7: {  	s30 =	sld [smem:$0x0];
	_ =	sdelay $0x2  }
0xb8: {  	s31 =	sshll.u32 s1, $0xD;
	s1 =	sshrl.u32 s1, $0x2  }
0xb9: {  	s3 =	sand.u32 $0x4000, s31;
	s1 =	sadd.s32 s1, s30  }
0xba: {  	s0 =	sor.u32 s3, s0;
	s1 =	sshll.u32 s1, $0x11  }
0xbb: {  	s0 =	sor.u32 s1, s0  }
0xbc: {  	s0 =	sadd.s32 $0x8F2B, s0  }
0xbd: {  	[sflag:s0] =	ssyncadd.remote.s32 $0x1  }
0xbe: {  	_ =	sfence.sel $0xFFFF  }
0xbf: {  	[dreg:$0x0] =	wrdreg $0xFFFFFFFF;
	(pc) =	sbr.abs _section_cstart, $3  }
0xc0: {  	[dreg:$0x1] =	wrdreg $0xFFFFFFFF  }
0xc1: {  	_ =	task.clear_ibuf [dreg:s7], $0x2FFFF;
	_ =	strace $0x9FFFFFFF  }
0xc2: {  	(tm) =	ssettm $0x7FFFFFFF  }
0xc3: {  	_ =	shalt  }
tec
execute0_lowered:
.L_overlay_start_1:
0x0: {  	(tag) =	ssettag $0x1  }
0x1: {  	s2 =	rddreg [dreg:$0x0]  }
0x2: {  	s4 =	rddreg [dreg:$0x1];
	s3 =	srdreg.scid  }
0x3: {  	s0 =	rddreg [dreg:$0x2];
	s1 =	stileid.u32  }
0x4: {  	s9 =	simm.s32 $0x80;
	s10 =	simm.s32 $0x880;
	s11 =	simm.s32 $0x1080  }
0x5: {  	s12 =	simm.s32 $0x1880;
	s13 =	simm.s32 $0x2080;
	s14 =	simm.s32 $0x2880  }
0x6: {  	s15 =	simm.s32 $0x3080;
	s16 =	simm.s32 $0x3880;
	s17 =	simm.s32 $0x4080  }
0x7: {  	s18 =	simm.s32 $0x4880;
	s19 =	simm.s32 $0x5080;
	s20 =	simm.s32 $0x5880  }
0x8: {  	s21 =	simm.s32 $0x6080;
	s22 =	simm.s32 $0x6880;
	s23 =	simm.s32 $0x7080  }
0x9: {  	s24 =	simm.s32 $0x7880;
	s25 =	simm.s32 $0x1;
	s5 =	sand.u32 $0x1, s3  }
0xa: {  	s3 =	simm.s32 $0x0;
	s6 =	sshll.u32 s1, $0x7;
	s7 =	sshll.u32 s5, $0x6  }
0xb: {  	[smem:$0x7FF] =	sst s3;
	s5 =	ssub.s32 $0x2, s5;
	s6 =	sor.u32 s7, s6  }
0xc: {  	_ =	strace $0x80000047;
	s8 =	sshrl.u32 s5, $0x1;
	s7 =	sshrl.u32 s6, $0x3  }
0xd: {  	v2 =	vlaneseq.u32;
	s6 =	sshll.u32 s6, $0x6;
	s8 =	ssub.s32 s5, s8;
	s7 =	sadd.s32 s7, s4  }
0xe: {  	vm0 =	vmmov $0xffff;
	v1 =	vshrl.u32 v2, $0x3;
	s5 =	sadd.s32 $0x100, s2;
	s6 =	sadd.s32 s6, s4;
	s4 =	sadd.s32 $0x4A00, s7  }
0xf: {  	v0 =	vand.u32 $0x7, v2;
	v2 =	vor.u32 $0x8, v2;
	v1 =	vmul.u32 $0x8, v1;
	s6 =	sadd.s32 $0x4C00, s6;
	s7 =	smax.u32 s8, $0x1;
	s8 =	simm.s32 $0x2  }
.LBB2_1:
0x10: {  	[tilespmem:s3], [sflag:$0x2] =	stream.linear.gather [hbm4b:s4+s3], $0x40, $0x38;
	[tilespmem:$0x8080] =	vst v63  }
0x11: {  	_ =	swait.ge [sflag:s8], $0x40  }
0x12: {  	[sflag:s8] =	ssyncset.done $0x0  }
0x13: {  	[sflag:s8] =	ssyncadd.s32 $0xFFFFFFC0  }
0x14: {  	v3 =	vld [tilespmem:$0x0];
	_ =	sdelay $0x4  }
0x15: {  	v4 =	vshll.u32 v3, $0x2  }
0x16: {  	v3 =	vand.u32 $0x7, v3;
	v4 =	vand.u32 $0xFFFFFFE0, v4  }
0x17: {  	v3 =	vor.u32 v3, v4  }
0x18: {  	v4 =	vperm.xlane v3, v0;
	_ =	sdelay $0x1  }
0x19: {  	v4 =	vadd.s32 v1, v4;
	_ =	sdelay $0x1  }
0x1a: {  	v3 =	vperm.xlane v3, v2;
	_ =	sdelay $0x1  }
0x1b: {  	v3 =	vadd.s32 v1, v3  }
0x1c: {  	[tilespmem:s9], [sflag:$0x1] =	stream.indirect_vreg.gather [hbm4b:s2+s3], $0x80, v4, vm0, $0xb8;
	[tilespmem:$0x8080] =	vst v63  }
0x1d: {  	_ = 	snop  }
0x1e: {  	[tilespmem:s10], [sflag:$0x1] =	stream.indirect_vreg.gather [hbm4b:s5+s3], $0x80, v4, vm0, $0xb8;
	[tilespmem:$0x8080] =	vst v63  }
0x1f: {  	_ = 	snop  }
0x20: {  	[tilespmem:s11], [sflag:$0x1] =	stream.indirect_vreg.gather [hbm4b:s2+s3], $0x80, v3, vm0, $0xb8;
	[tilespmem:$0x8080] =	vst v63  }
0x21: {  	_ = 	snop  }
0x22: {  	[tilespmem:s12], [sflag:$0x1] =	stream.indirect_vreg.gather [hbm4b:s5+s3], $0x80, v3, vm0, $0xb8;
	[tilespmem:$0x8080] =	vst v63  }
0x23: {  	v3 =	vld [tilespmem:$0x10];
	_ =	sdelay $0x4  }
0x24: {  	v61 =	vshll.u32 v3, $0x2  }
0x25: {  	v3 =	vand.u32 $0x7, v3;
	v4 =	vand.u32 $0xFFFFFFE0, v61  }
0x26: {  	v3 =	vor.u32 v3, v4  }
0x27: {  	v4 =	vperm.xlane v3, v0;
	_ =	sdelay $0x1  }
0x28: {  	v4 =	vadd.s32 v1, v4;
	_ =	sdelay $0x1  }
0x29: {  	v3 =	vperm.xlane v3, v2;
	_ =	sdelay $0x1  }
0x2a: {  	v3 =	vadd.s32 v1, v3  }
0x2b: {  	[tilespmem:s13], [sflag:$0x1] =	stream.indirect_vreg.gather [hbm4b:s2+s3], $0x80, v4, vm0, $0xb8;
	[tilespmem:$0x8080] =	vst v63  }
0x2c: {  	_ = 	snop  }
0x2d: {  	[tilespmem:s14], [sflag:$0x1] =	stream.indirect_vreg.gather [hbm4b:s5+s3], $0x80, v4, vm0, $0xb8;
	[tilespmem:$0x8080] =	vst v63  }
0x2e: {  	_ = 	snop  }
0x2f: {  	[tilespmem:s15], [sflag:$0x1] =	stream.indirect_vreg.gather [hbm4b:s2+s3], $0x80, v3, vm0, $0xb8;
	[tilespmem:$0x8080] =	vst v63  }
0x30: {  	_ = 	snop  }
0x31: {  	[tilespmem:s16], [sflag:$0x1] =	stream.indirect_vreg.gather [hbm4b:s5+s3], $0x80, v3, vm0, $0xb8;
	[tilespmem:$0x8080] =	vst v63  }
0x32: {  	v3 =	vld [tilespmem:$0x20];
	_ =	sdelay $0x4  }
0x33: {  	v62 =	vshll.u32 v3, $0x2  }
0x34: {  	v3 =	vand.u32 $0x7, v3;
	v4 =	vand.u32 $0xFFFFFFE0, v62  }
0x35: {  	v3 =	vor.u32 v3, v4  }
0x36: {  	v4 =	vperm.xlane v3, v0;
	_ =	sdelay $0x1  }
0x37: {  	v4 =	vadd.s32 v1, v4;
	_ =	sdelay $0x1  }
0x38: {  	v3 =	vperm.xlane v3, v2;
	_ =	sdelay $0x1  }
0x39: {  	v3 =	vadd.s32 v1, v3  }
0x3a: {  	[tilespmem:s17], [sflag:$0x1] =	stream.indirect_vreg.gather [hbm4b:s2+s3], $0x80, v4, vm0, $0xb8;
	[tilespmem:$0x8080] =	vst v63  }
0x3b: {  	_ = 	snop  }
0x3c: {  	[tilespmem:s18], [sflag:$0x1] =	stream.indirect_vreg.gather [hbm4b:s5+s3], $0x80, v4, vm0, $0xb8;
	[tilespmem:$0x8080] =	vst v63  }
0x3d: {  	_ = 	snop  }
0x3e: {  	[tilespmem:s19], [sflag:$0x1] =	stream.indirect_vreg.gather [hbm4b:s2+s3], $0x80, v3, vm0, $0xb8;
	[tilespmem:$0x8080] =	vst v63  }
0x3f: {  	_ = 	snop  }
0x40: {  	[tilespmem:s20], [sflag:$0x1] =	stream.indirect_vreg.gather [hbm4b:s5+s3], $0x80, v3, vm0, $0xb8;
	[tilespmem:$0x8080] =	vst v63  }
0x41: {  	v3 =	vld [tilespmem:$0x30];
	_ =	sdelay $0x4  }
0x42: {  	v63 =	vshll.u32 v3, $0x2  }
0x43: {  	v3 =	vand.u32 $0x7, v3;
	v4 =	vand.u32 $0xFFFFFFE0, v63  }
0x44: {  	v3 =	vor.u32 v3, v4  }
0x45: {  	v4 =	vperm.xlane v3, v0;
	_ =	sdelay $0x1  }
0x46: {  	v4 =	vadd.s32 v1, v4;
	_ =	sdelay $0x1  }
0x47: {  	v3 =	vperm.xlane v3, v2;
	_ =	sdelay $0x1  }
0x48: {  	v3 =	vadd.s32 v1, v3  }
0x49: {  	[tilespmem:s21], [sflag:$0x1] =	stream.indirect_vreg.gather [hbm4b:s2+s3], $0x80, v4, vm0, $0xb8;
	[tilespmem:$0x8080] =	vst v63  }
0x4a: {  	_ = 	snop  }
0x4b: {  	[tilespmem:s22], [sflag:$0x1] =	stream.indirect_vreg.gather [hbm4b:s5+s3], $0x80, v4, vm0, $0xb8;
	[tilespmem:$0x8080] =	vst v63  }
0x4c: {  	_ = 	snop  }
0x4d: {  	[tilespmem:s23], [sflag:$0x1] =	stream.indirect_vreg.gather [hbm4b:s2+s3], $0x80, v3, vm0, $0xb8;
	[tilespmem:$0x8080] =	vst v63  }
0x4e: {  	_ = 	snop  }
0x4f: {  	[tilespmem:s24], [sflag:$0x1] =	stream.indirect_vreg.gather [hbm4b:s5+s3], $0x80, v3, vm0, $0xb8;
	[tilespmem:$0x8080] =	vst v63  }
0x50: {  	_ =	swait.ge [sflag:s25], $0x8000  }
0x51: {  	p0 =	sne.s32 s7, $0x1;
	[sflag:s25] =	ssyncset.done $0x0  }
.Ltmp0:
0x52: {  	[sflag:s25] =	ssyncadd.s32 $0xFFFF8000;
	(pc) =	sbr.rel @p0 .LBB2_1-.Ltmp0, $4  }
0x53: {  	[hbm4b:s6+s3] =	stream.linear.scatter [tilespmem:s9], [sflag:$0x2], $0x8000, $0x38;
	[tilespmem:$0x8080] =	vst v63  }
0x54: {  	_ =	swait.ge [sflag:s8], $0x8000  }
0x55: {  	[sflag:s8] =	ssyncset.done $0x0  }
0x56: {  	s7 =	sadd.s32 $0xFFFFFFFF, s7;
	[sflag:s8] =	ssyncadd.s32 $0xFFFF8000  }
0x57: {  	_ =	sfence.sel $0x180000  }
0x58: {  	[bflag:$0x0] =	sbarrier.arrive $0xFFFF  }
0x59: {  	p0 =	sne.s32 s1, $0x0;
	_ =	strace $0x90000047  }
0x5a: {  	s0 =	sadd.s32 @!p0 $0x100000, s0;
	[bflag:$0x2] =	sbarrier.arrive $0xFFFF  }
0x5b: {  	[sflag:s0] =	ssyncadd.tile.s32 @!p0 $0x1;
	_ =	shalt  }
.Lfunc_end2:
_tile_overlayer_lowered:
.L_overlay_start_2:
0x5c: {  	(tag) =	ssettag $0x2  }
0x5d: {  	s0 =	rddreg [dreg:$0x0];
	s2 =	stileid.u32  }
0x5e: {  	s1 =	rddreg [dreg:$0x1];
	p0 =	sne.s32 s2, $0x0  }
0x5f: {  	s3 =	rddreg [dreg:$0x2];
	[bflag:$0x3] =	sbarrier.arrive $0xFFFF;
	s2 =	simm.s32 @!p0 $0x1C02  }
0x60: {  	[timem:s3], [sflag:s2] =	dma.local @!p0 [hbm:s0], s1  }
0x61: {  	s0 =	simm.s32 @!p0 $0x2  }
0x62: {  	_ =	swait.ge @!p0 [sflag:s0], s1  }
0x63: {  	s1 =	ssub.s32 @!p0 $0x0, s1;
	[sflag:s0] =	ssyncset.done @!p0 $0x0  }
0x64: {  	[sflag:s0] =	ssyncadd.s32 @!p0 s1  }
0x65: {  	[bflag:$0x3] =	sbarrier.arrive $0xFFFF  }
0x66: {  	_ =	shalt  }

// kernel: kernel.14.cloned.1.call-start
scs
__scs_entry_jumppad:
0x0: {  	(pc) =	sbr.rel $0x88, $3  }
0x1: {  	(tag) =	ssettag $0x0;
	lr =	simm.s32 $0x1  }
0x2: {  	[smem:$0x3F83] =	sst lr;
	_ =	strace $0xD0000000  }
0x3: {  	_ = 	snop  }
0x4: {  	_ = 	snop  }
0x5: {  	_ = 	snop  }
0x6: {  	_ = 	snop  }
0x7: {  	_ = 	snop  }
__scs_overlays_trampoline_lowered:
0x8: {  	[smem:$0x3F92] =	sst s0  }
0x9: {  	[smem:$0x3F93] =	sst s1  }
0xa: {  	[smem:$0x3F94] =	sst s2  }
0xb: {  	[smem:$0x3F95] =	sst s3  }
0xc: {  	[smem:$0x3F96] =	sst s4  }
0xd: {  	[smem:$0x3F97] =	sst s5  }
0xe: {  	[smem:$0x3F98] =	sst s6  }
0xf: {  	[smem:$0x3F99] =	sst s7  }
0x10: {  	[smem:$0x3F9A] =	sst s8  }
0x11: {  	[smem:$0x3F9B] =	sst s9;
	s0 =	simm.s32 @!p0 $0x0  }
0x12: {  	s1 =	sld [smem:$0x3F81];
	s0 =	simm.s32 @p0 $0x1  }
0x13: {  	[smem:$0x3F9C] =	sst s0;
	s0 =	simm.s32 @!p1 $0x0  }
0x14: {  	s2 =	sld [smem:$0x3F80];
	s0 =	simm.s32 @p1 $0x1  }
0x15: {  	[smem:$0x3F9D] =	sst s0;
	s0 =	simm.s32 @!p2 $0x0  }
0x16: {  	s3 =	sld [smem:$0x3FDB];
	s0 =	simm.s32 @p2 $0x1  }
0x17: {  	s4 =	simm.s32 $0x1BF5;
	[smem:$0x3F9F] =	sst s0  }
0x18: {  	s0 =	sld [smem:$0x3F82];
	_ =	swait.ge [sflag:s4], $0x0  }
0x19: {  	s7 =	sld [smem:$0x3F83]  }
0x1a: {  	s8 =	sadd.s32 $0xFFFFE003, lr  }
0x1b: {  	s9 =	sadd.s32 $0xFFFFFEF7, lr;
	s5 =	simm.s32 $0xFFFFFFFF;
	p2 =	slt.u32 s8, $0xFFFFF086  }
0x1c: {  	p1 =	slt.u32 s9, $0xF7A;
	s5 =	simm.s32 @!p2 $0x0  }
0x1d: {  	s5 =	simm.s32 @p1 $0x1;
	p0 =	seq.s32 s7, s2  }
0x1e: {  	s7 =	smul.u32 @!p0 $0xF7A, s2;
	p2 =	seq.s32 @!p0 s5, $0x0  }
0x1f: {  	s9 =	smul.u32 $0xF7A, s1;
	s8 =	simm.s32 @!p0 $0x1BF5;
	p2 =	por !p2, p0  }
0x20: {  	[sflag:s8] =	ssyncset.s32 @!p0 $0xFFFFF086;
	s6 =	sadd.s32 @!p0 s3, s7;
	s7 =	simm.s32 @!p0 $0x108  }
0x21: {  	s3 =	sadd.s32 s3, s9;
	s6 =	sadd.s32 @!p0 $0x88, s6;
	s7 =	simm.s32 @p2 $0x1082  }
0x22: {  	[simem:s7], [sflag:s8] =	dma.local @!p0 [hbm:s6], $0xF7A  }
0x23: {  	s9 =	sor.u32 $0xD0000000, s2;
	s6 =	simm.s32 $0x108;
	_ =	swait.ge @!p0 [sflag:s8], $0x0  }
0x24: {  	s3 =	sadd.s32 $0x88, s3;
	s6 =	simm.s32 @!p1 $0x1082;
	[sflag:s4] =	ssyncset.s32 $0xFFFFF086  }
0x25: {  	[simem:s6], [sflag:s4] =	dma.local [hbm:s3], $0xF7A  }
0x26: {  	[smem:$0x3F83] =	sst s1;
	(tag) =	ssettag s2;
	_ =	strace s9  }
0x27: {  	s1 =	sld [smem:$0x3F93]  }
0x28: {  	s2 =	sld [smem:$0x3F94]  }
0x29: {  	s4 =	sld [smem:$0x3F96]  }
0x2a: {  	p0 =	seq.s32 s5, $0x0;
	s5 =	sld [smem:$0x3F97]  }
0x2b: {  	s6 =	sld [smem:$0x3F98]  }
0x2c: {  	s7 =	sld [smem:$0x3F99]  }
0x2d: {  	s3 =	simm.s32 $0x108;
	s8 =	sld [smem:$0x3F9A]  }
0x2e: {  	s3 =	simm.s32 @!p0 $0x1082;
	s9 =	sld [smem:$0x3F9B]  }
0x2f: {  	lr =	sadd.s32 s0, s3;
	s0 =	sld [smem:$0x3F92]  }
0x30: {  	s3 =	sld [smem:$0x3F95]  }
0x31: {  	[smem:$0x3F9E] =	sst s10  }
0x32: {  	s10 =	sld [smem:$0x3F9C];
	_ =	sdelay $0x3  }
0x33: {  	p0 =	seq.s32 s10, $0x1;
	s10 =	sld [smem:$0x3F9E];
	_ =	sdelay $0x3  }
0x34: {  	[smem:$0x3F9E] =	sst s10  }
0x35: {  	s10 =	sld [smem:$0x3F9D];
	_ =	sdelay $0x3  }
0x36: {  	p1 =	seq.s32 s10, $0x1;
	s10 =	sld [smem:$0x3F9E];
	_ =	sdelay $0x3  }
0x37: {  	[smem:$0x3F9E] =	sst s10  }
0x38: {  	s10 =	sld [smem:$0x3F9F]  }
0x39: {  	_ = 	snop;
	(pc) =	sbr.ind lr, $3  }
0x3a: {  	_ = 	snop  }
0x3b: {  	_ = 	snop  }
0x3c: {  	p2 =	seq.s32 s10, $0x1;
	s10 =	sld [smem:$0x3F9E]  }
0x3d: {  	_ =	shalt  }
0x3e: {  	_ =	shalt  }
0x3f: {  	_ =	shalt  }
0x40: {  	_ =	shalt  }
0x41: {  	_ =	shalt  }
0x42: {  	_ =	shalt  }
0x43: {  	_ =	shalt  }
0x44: {  	_ =	shalt  }
0x45: {  	_ =	shalt  }
0x46: {  	_ =	shalt  }
0x47: {  	_ =	shalt  }
0x48: {  	_ =	shalt  }
0x49: {  	_ =	shalt  }
0x4a: {  	_ =	shalt  }
0x4b: {  	_ =	shalt  }
0x4c: {  	_ =	shalt  }
0x4d: {  	_ =	shalt  }
0x4e: {  	_ =	shalt  }
0x4f: {  	_ =	shalt  }
0x50: {  	_ =	shalt  }
0x51: {  	_ =	shalt  }
0x52: {  	_ =	shalt  }
0x53: {  	_ =	shalt  }
0x54: {  	_ =	shalt  }
0x55: {  	_ =	shalt  }
0x56: {  	_ =	shalt  }
0x57: {  	_ =	shalt  }
0x58: {  	_ =	shalt  }
0x59: {  	_ =	shalt  }
0x5a: {  	_ =	shalt  }
0x5b: {  	_ =	shalt  }
0x5c: {  	_ =	shalt  }
0x5d: {  	_ =	shalt  }
0x5e: {  	_ =	shalt  }
0x5f: {  	_ =	shalt  }
0x60: {  	_ =	shalt  }
0x61: {  	_ =	shalt  }
0x62: {  	_ =	shalt  }
0x63: {  	_ =	shalt  }
0x64: {  	_ =	shalt  }
0x65: {  	_ =	shalt  }
0x66: {  	_ =	shalt  }
0x67: {  	_ =	shalt  }
0x68: {  	_ =	shalt  }
0x69: {  	_ =	shalt  }
0x6a: {  	_ =	shalt  }
0x6b: {  	_ =	shalt  }
0x6c: {  	_ =	shalt  }
0x6d: {  	_ =	shalt  }
0x6e: {  	_ =	shalt  }
0x6f: {  	_ =	shalt  }
0x70: {  	_ =	shalt  }
0x71: {  	_ =	shalt  }
0x72: {  	_ =	shalt  }
0x73: {  	_ =	shalt  }
0x74: {  	_ =	shalt  }
0x75: {  	_ =	shalt  }
0x76: {  	_ =	shalt  }
0x77: {  	_ =	shalt  }
0x78: {  	_ =	shalt  }
0x79: {  	_ =	shalt  }
0x7a: {  	_ =	shalt  }
0x7b: {  	_ =	shalt  }
0x7c: {  	_ =	shalt  }
0x7d: {  	_ =	shalt  }
0x7e: {  	_ =	shalt  }
0x7f: {  	_ =	shalt  }
0x80: {  	_ =	shalt  }
0x81: {  	_ =	shalt  }
0x82: {  	_ =	shalt  }
0x83: {  	_ =	shalt  }
0x84: {  	_ =	shalt  }
0x85: {  	_ =	shalt  }
0x86: {  	_ =	shalt  }
0x87: {  	_ =	shalt  }
.Lfunc_end0:
.L_simem_size_0:
called_computation.1_lowered:
.L_overlay_start_0:
0x88: {  	s2 =	sld [smem:$0x3FD9]  }
0x89: {  	s3 =	sld [smem:$0x3FFE];
	_ =	sdelay $0x1  }
0x8a: {  	s1 =	srdreg.scid  }
0x8b: {  	s0 =	sand.u32 $0x1, s1  }
0x8c: {  	s17 =	sshll.u32 s0, $0xA;
	s2 =	sadd.s32 s3, s2  }
0x8d: {  	s2 =	sadd.s32 s2, s17  }
0x8e: {  	[smem:$0x3FAA] =	sst s2  }
0x8f: {  	_ = 	snop  }
0x90: {  	s18 =	sld [smem:$0x3FB3]  }
0x91: {  	s4 =	sld [smem:$0x3FD0];
	(tm) =	ssettm $0x1  }
0x92: {  	s19 =	sld [smem:$0x3FFB];
	_ =	sdelay $0x3  }
0x93: {  	_ =	strace s19  }
0x94: {  	s2 =	sld [smem:$0x3FFC];
	_ =	sdelay $0x3  }
0x95: {  	_ =	strace s2  }
0x96: {  	s2 =	sld [smem:$0x3FFD];
	_ =	sdelay $0x3  }
0x97: {  	_ =	strace s2  }
0x98: {  	_ =	strace $0x8FFFFFFF  }
0x99: {  	s20 =	sld [smem:$0x3FDB];
	_ =	sdelay $0x1  }
0x9a: {  	s5 =	simm.s32 $_scs_section_size  }
0x9b: {  	s6 =	simm.s32 $_size__tile_overlayer_lowered;
	s7 =	simm.s32 $_tile_overlayer_lowered  }
0x9c: {  	s8 =	simm.s32 $0x1BFF;
	s21 =	sshll.u32 s7, $0x1;
	s5 =	sadd.s32 s5, s20  }
0x9d: {  	s22 =	simm.s32 $0x0;
	s6 =	sshll.u32 s6, $0x1;
	s7 =	sadd.s32 s21, s5  }
0x9e: {  	[timem:s22], [sflag:s8] =	dma.local [hbm:s7], s6  }
0x9f: {  	_ =	swait.ge [sflag:s8], s6  }
0xa0: {  	s6 =	ssub.s32 $0x0, s6;
	[sflag:s8] =	ssyncset.done $0x0  }
0xa1: {  	[sflag:s8] =	ssyncadd.s32 s6;
	_ =	sdelay $0x1  }
0xa2: {  	s23 =	simm.s32 $0x1B8B  }
0xa3: {  	_ =	swait.ge [sflag:s23], $0x1  }
0xa4: {  	[sflag:s23] =	ssyncset.done $0x0  }
0xa5: {  	[sflag:s23] =	ssyncadd.s32 $0xFFFFFFFF  }
0xa6: {  	s6 =	sld [smem:$0x0]  }
0xa7: {  	s7 =	sand.u32 $0xFFFFFFFE, s1  }
0xa8: {  	p0 =	sne.s32 s1, s7  }
0xa9: {  	s7 =	sshll.u32 @p0 s7, $0xE  }
0xaa: {  	s7 =	sadd.s32 @p0 $0x11B8D, s7;
	s8 =	sshll.u32 @p0 s6, $0x11  }
0xab: {  	s7 =	sor.u32 @p0 s8, s7  }
0xac: {  	[sflag:s7] =	ssyncadd.remote.s32 @p0 $0x1;
	_ =	sdelay $0x1  }
0xad: {  	s7 =	simm.s32 @p0 $0x1B8D  }
0xae: {  	_ =	swait.eq @p0 [sflag:s7], $0x1  }
0xaf: {  	[sflag:s7] =	ssyncadd.s32 @p0 $0xFFFFFFFF  }
0xb0: {  	s8 =	sshll.u32 @!p0 s1, $0xE  }
0xb1: {  	s8 =	sor.u32 @!p0 $0x4000, s8;
	s7 =	simm.s32 @!p0 $0x1B8D  }
0xb2: {  	s6 =	sshll.u32 @!p0 s6, $0x11;
	s8 =	sadd.s32 @!p0 $0x11B8D, s8;
	_ =	swait.eq @!p0 [sflag:s7], $0x1  }
0xb3: {  	s6 =	sor.u32 @!p0 s6, s8;
	[sflag:s7] =	ssyncadd.s32 @!p0 $0xFFFFFFFF  }
0xb4: {  	s25 =	simm.s32 $0x1B8E;
	s24 =	sld [smem:$0x3FFE];
	[sflag:s6] =	ssyncadd.remote.s32 @!p0 $0x1  }
0xb5: {  	s26 =	simm.s32 $execute0_lowered;
	[smem:$0x3FD2] =	sst s25  }
0xb6: {  	s7 =	sshll.u32 s26, $0x1;
	_ =	strace $0x8000004C;
	[dreg:$0x1] =	wrdreg $0xFFFFFFFF  }
0xb7: {  	s28 =	simm.s32 $_size_execute0_lowered;
	s5 =	sadd.s32 s5, s7;
	[dreg:$0x0] =	wrdreg $0x0  }
0xb8: {  	s7 =	sshll.u32 s28, $0x1;
	[dreg:$0x2] =	wrdreg s5  }
0xb9: {  	[dreg:$0x3] =	wrdreg s7  }
0xba: {  	[dreg:$0x4] =	wrdreg $0xC0  }
0xbb: {  	_ =	task [dreg:s22], $0x5FFFF  }
0xbc: {  	[dreg:$0x1] =	wrdreg $0xFFFFFFFF  }
0xbd: {  	[dreg:$0x0] =	wrdreg $0x60  }
0xbe: {  	[dreg:$0x2] =	wrdreg s18  }
0xbf: {  	[dreg:$0x3] =	wrdreg s4  }
0xc0: {  	[dreg:$0x4] =	wrdreg s24  }
0xc1: {  	[dreg:$0x5] =	wrdreg $0x9  }
0xc2: {  	_ =	task.clear_ibuf [dreg:s22], $0x6FFFF;
	_ =	strace $0x9000004C  }
0xc3: {  	s29 =	simm.s32 $0x9;
	_ =	strace $0x8000004E  }
0xc4: {  	_ =	swait.ge [sflag:s29], $0x1  }
0xc5: {  	[sflag:s29] =	ssyncadd.s32 $0xFFFFFFFF  }
0xc6: {  	_ =	strace $0x9000004E  }
0xc7: {  	_ =	sfence  }
0xc8: {  	s30 =	sld [smem:$0x0];
	_ =	sdelay $0x2  }
0xc9: {  	s31 =	sshll.u32 s1, $0xD;
	s1 =	sshrl.u32 s1, $0x2  }
0xca: {  	s4 =	sand.u32 $0x4000, s31;
	s1 =	sadd.s32 s1, s30  }
0xcb: {  	s0 =	sor.u32 s4, s0;
	s1 =	sshll.u32 s1, $0x11  }
0xcc: {  	s0 =	sor.u32 s1, s0  }
0xcd: {  	s0 =	sadd.s32 $0x8F2B, s0  }
0xce: {  	[sflag:s0] =	ssyncadd.remote.s32 $0x1  }
0xcf: {  	_ =	sfence.sel $0xFFFF  }
0xd0: {  	[dreg:$0x0] =	wrdreg $0xFFFFFFFF;
	(pc) =	sbr.abs _section_cstart, $3  }
0xd1: {  	[dreg:$0x1] =	wrdreg $0xFFFFFFFF  }
0xd2: {  	_ =	task.clear_ibuf [dreg:s22], $0x2FFFF;
	_ =	strace $0x9FFFFFFF  }
0xd3: {  	(tm) =	ssettm $0x7FFFFFFF  }
tec
execute0_lowered:
.L_overlay_start_1:
0x0: {  	(tag) =	ssettag $0x1  }
0x1: {  	s1 =	rddreg [dreg:$0x0]  }
0x2: {  	s10 =	rddreg [dreg:$0x1]  }
0x3: {  	s4 =	rddreg [dreg:$0x2]  }
0x4: {  	s3 =	srdreg.scid;
	s2 =	stileid.u32  }
0x5: {  	s15 =	simm.s32 $0x880;
	s16 =	simm.s32 $0x1080;
	s17 =	simm.s32 $0x1880  }
0x6: {  	s18 =	simm.s32 $0x2080;
	s19 =	simm.s32 $0x2880;
	s20 =	simm.s32 $0x3080  }
0x7: {  	s28 =	simm.s32 $0x6880;
	s29 =	simm.s32 $0x7080;
	s30 =	simm.s32 $0x7880  }
0x8: {  	s31 =	simm.s32 $0x1;
	s5 =	sand.u32 $0x1, s3;
	s3 =	simm.s32 $0x0  }
0x9: {  	s6 =	sshll.u32 s2, $0x9;
	s11 =	sadd.s32 $0x84E00, s4;
	s4 =	sadd.s32 $0x100, s1  }
0xa: {  	s7 =	sshll.u32 s5, $0x8;
	[smem:$0x7FF] =	sst s3;
	s5 =	ssub.s32 $0x2, s5  }
0xb: {  	s9 =	sor.u32 s7, s6;
	_ =	strace $0x8000004D;
	s21 =	sshrl.u32 s5, $0x1  }
0xc: {  	s6 =	sshrl.u32 s9, $0x3;
	s12 =	ssub.s32 s5, s21;
	s22 =	sshll.u32 s9, $0x6  }
0xd: {  	s23 =	sor.u32 $0x40, s9;
	s13 =	sor.u32 $0x80, s9;
	s14 =	sor.u32 $0xC0, s9  }
0xe: {  	s21 =	simm.s32 $0x3880;
	s6 =	sadd.s32 s10, s6;
	s5 =	sadd.s32 s11, s22  }
0xf: {  	s24 =	sshrl.u32 s23, $0x3;
	s8 =	sshll.u32 s23, $0x6;
	s25 =	sshrl.u32 s13, $0x3  }
0x10: {  	s13 =	sshll.u32 s13, $0x6;
	s26 =	sshrl.u32 s14, $0x3;
	s14 =	sshll.u32 s14, $0x6  }
0x11: {  	s12 =	smax.u32 s12, $0x1;
	s22 =	simm.s32 $0x4080;
	s23 =	simm.s32 $0x4880  }
0x12: {  	[dreg:$0x4] =	wrdreg s6;
	s6 =	sadd.s32 s10, s24;
	s7 =	sadd.s32 s11, s8  }
0x13: {  	v2 =	vlaneseq.u32;
	s8 =	sadd.s32 s10, s25;
	s9 =	sadd.s32 s11, s13;
	s10 =	sadd.s32 s10, s26  }
0x14: {  	vm0 =	vmmov $0xffff;
	v1 =	vshrl.u32 v2, $0x3;
	s11 =	sadd.s32 s11, s14;
	s13 =	simm.s32 $0x2;
	s14 =	simm.s32 $0x80  }
0x15: {  	v0 =	vand.u32 $0x7, v2;
	v2 =	vor.u32 $0x8, v2;
	v1 =	vmul.u32 $0x8, v1;
	s24 =	simm.s32 $0x5080;
	s25 =	simm.s32 $0x5880;
	s26 =	simm.s32 $0x6080  }
.LBB2_1:
0x16: {  	s0 =	rddreg [dreg:$0x4]  }
0x17: {  	[tilespmem:s3], [sflag:$0x2] =	stream.linear.gather [hbm4b:s0+s3], $0x40, $0x38;
	[tilespmem:$0x8080] =	vst v63  }
0x18: {  	_ =	swait.ge [sflag:s13], $0x40  }
0x19: {  	[sflag:s13] =	ssyncset.done $0x0  }
0x1a: {  	[sflag:s13] =	ssyncadd.s32 $0xFFFFFFC0  }
0x1b: {  	v3 =	vld [tilespmem:$0x0];
	_ =	sdelay $0x4  }
0x1c: {  	v4 =	vshll.u32 v3, $0x2  }
0x1d: {  	v3 =	vand.u32 $0x7, v3;
	v4 =	vand.u32 $0xFFFFFFE0, v4  }
0x1e: {  	v3 =	vor.u32 v3, v4  }
0x1f: {  	v4 =	vperm.xlane v3, v0;
	_ =	sdelay $0x1  }
0x20: {  	v4 =	vadd.s32 v1, v4;
	_ =	sdelay $0x1  }
0x21: {  	v3 =	vperm.xlane v3, v2;
	_ =	sdelay $0x1  }
0x22: {  	v3 =	vadd.s32 v1, v3  }
0x23: {  	[tilespmem:s14], [sflag:$0x1] =	stream.indirect_vreg.gather [hbm4b:s1+s3], $0x80, v4, vm0, $0xb8;
	[tilespmem:$0x8080] =	vst v63  }
0x24: {  	_ = 	snop  }
0x25: {  	[tilespmem:s15], [sflag:$0x1] =	stream.indirect_vreg.gather [hbm4b:s4+s3], $0x80, v4, vm0, $0xb8;
	[tilespmem:$0x8080] =	vst v63  }
0x26: {  	_ = 	snop  }
0x27: {  	[tilespmem:s16], [sflag:$0x1] =	stream.indirect_vreg.gather [hbm4b:s1+s3], $0x80, v3, vm0, $0xb8;
	[tilespmem:$0x8080] =	vst v63  }
0x28: {  	_ = 	snop  }
0x29: {  	[tilespmem:s17], [sflag:$0x1] =	stream.indirect_vreg.gather [hbm4b:s4+s3], $0x80, v3, vm0, $0xb8;
	[tilespmem:$0x8080] =	vst v63  }
0x2a: {  	v3 =	vld [tilespmem:$0x10];
	_ =	sdelay $0x4  }
0x2b: {  	v49 =	vshll.u32 v3, $0x2  }
0x2c: {  	v3 =	vand.u32 $0x7, v3;
	v4 =	vand.u32 $0xFFFFFFE0, v49  }
0x2d: {  	v3 =	vor.u32 v3, v4  }
0x2e: {  	v4 =	vperm.xlane v3, v0;
	_ =	sdelay $0x1  }
0x2f: {  	v4 =	vadd.s32 v1, v4;
	_ =	sdelay $0x1  }
0x30: {  	v3 =	vperm.xlane v3, v2;
	_ =	sdelay $0x1  }
0x31: {  	v3 =	vadd.s32 v1, v3  }
0x32: {  	[tilespmem:s18], [sflag:$0x1] =	stream.indirect_vreg.gather [hbm4b:s1+s3], $0x80, v4, vm0, $0xb8;
	[tilespmem:$0x8080] =	vst v63  }
0x33: {  	_ = 	snop  }
0x34: {  	[tilespmem:s19], [sflag:$0x1] =	stream.indirect_vreg.gather [hbm4b:s4+s3], $0x80, v4, vm0, $0xb8;
	[tilespmem:$0x8080] =	vst v63  }
0x35: {  	_ = 	snop  }
0x36: {  	[tilespmem:s20], [sflag:$0x1] =	stream.indirect_vreg.gather [hbm4b:s1+s3], $0x80, v3, vm0, $0xb8;
	[tilespmem:$0x8080] =	vst v63  }
0x37: {  	_ = 	snop  }
0x38: {  	[tilespmem:s21], [sflag:$0x1] =	stream.indirect_vreg.gather [hbm4b:s4+s3], $0x80, v3, vm0, $0xb8;
	[tilespmem:$0x8080] =	vst v63  }
0x39: {  	v3 =	vld [tilespmem:$0x20];
	_ =	sdelay $0x4  }
0x3a: {  	v50 =	vshll.u32 v3, $0x2  }
0x3b: {  	v3 =	vand.u32 $0x7, v3;
	v4 =	vand.u32 $0xFFFFFFE0, v50  }
0x3c: {  	v3 =	vor.u32 v3, v4  }
0x3d: {  	v4 =	vperm.xlane v3, v0;
	_ =	sdelay $0x1  }
0x3e: {  	v4 =	vadd.s32 v1, v4;
	_ =	sdelay $0x1  }
0x3f: {  	v3 =	vperm.xlane v3, v2;
	_ =	sdelay $0x1  }
0x40: {  	v3 =	vadd.s32 v1, v3  }
0x41: {  	[tilespmem:s22], [sflag:$0x1] =	stream.indirect_vreg.gather [hbm4b:s1+s3], $0x80, v4, vm0, $0xb8;
	[tilespmem:$0x8080] =	vst v63  }
0x42: {  	_ = 	snop  }
0x43: {  	[tilespmem:s23], [sflag:$0x1] =	stream.indirect_vreg.gather [hbm4b:s4+s3], $0x80, v4, vm0, $0xb8;
	[tilespmem:$0x8080] =	vst v63  }
0x44: {  	_ = 	snop  }
0x45: {  	[tilespmem:s24], [sflag:$0x1] =	stream.indirect_vreg.gather [hbm4b:s1+s3], $0x80, v3, vm0, $0xb8;
	[tilespmem:$0x8080] =	vst v63  }
0x46: {  	_ = 	snop  }
0x47: {  	[tilespmem:s25], [sflag:$0x1] =	stream.indirect_vreg.gather [hbm4b:s4+s3], $0x80, v3, vm0, $0xb8;
	[tilespmem:$0x8080] =	vst v63  }
0x48: {  	v3 =	vld [tilespmem:$0x30];
	_ =	sdelay $0x4  }
0x49: {  	v51 =	vshll.u32 v3, $0x2  }
0x4a: {  	v3 =	vand.u32 $0x7, v3;
	v4 =	vand.u32 $0xFFFFFFE0, v51  }
0x4b: {  	v3 =	vor.u32 v3, v4  }
0x4c: {  	v4 =	vperm.xlane v3, v0;
	_ =	sdelay $0x1  }
0x4d: {  	v4 =	vadd.s32 v1, v4;
	_ =	sdelay $0x1  }
0x4e: {  	v3 =	vperm.xlane v3, v2;
	_ =	sdelay $0x1  }
0x4f: {  	v3 =	vadd.s32 v1, v3  }
0x50: {  	[tilespmem:s26], [sflag:$0x1] =	stream.indirect_vreg.gather [hbm4b:s1+s3], $0x80, v4, vm0, $0xb8;
	[tilespmem:$0x8080] =	vst v63  }
0x51: {  	_ = 	snop  }
0x52: {  	[tilespmem:s28], [sflag:$0x1] =	stream.indirect_vreg.gather [hbm4b:s4+s3], $0x80, v4, vm0, $0xb8;
	[tilespmem:$0x8080] =	vst v63  }
0x53: {  	_ = 	snop  }
0x54: {  	[tilespmem:s29], [sflag:$0x1] =	stream.indirect_vreg.gather [hbm4b:s1+s3], $0x80, v3, vm0, $0xb8;
	[tilespmem:$0x8080] =	vst v63  }
0x55: {  	_ = 	snop  }
0x56: {  	[tilespmem:s30], [sflag:$0x1] =	stream.indirect_vreg.gather [hbm4b:s4+s3], $0x80, v3, vm0, $0xb8;
	[tilespmem:$0x8080] =	vst v63  }
0x57: {  	_ =	swait.ge [sflag:s31], $0x8000  }
0x58: {  	[sflag:s31] =	ssyncset.done $0x0  }
0x59: {  	[sflag:s31] =	ssyncadd.s32 $0xFFFF8000  }
0x5a: {  	[hbm4b:s5+s3] =	stream.linear.scatter [tilespmem:s14], [sflag:$0x2], $0x8000, $0x38;
	[tilespmem:$0x8080] =	vst v63  }
0x5b: {  	_ =	swait.ge [sflag:s13], $0x8000  }
0x5c: {  	[sflag:s13] =	ssyncset.done $0x0  }
0x5d: {  	[sflag:s13] =	ssyncadd.s32 $0xFFFF8000  }
0x5e: {  	[tilespmem:s3], [sflag:$0x2] =	stream.linear.gather [hbm4b:s6+s3], $0x40, $0x38;
	[tilespmem:$0x8080] =	vst v63  }
0x5f: {  	_ =	swait.ge [sflag:s13], $0x40  }
0x60: {  	[sflag:s13] =	ssyncset.done $0x0  }
0x61: {  	[sflag:s13] =	ssyncadd.s32 $0xFFFFFFC0  }
0x62: {  	v3 =	vld [tilespmem:$0x0];
	_ =	sdelay $0x4  }
0x63: {  	v52 =	vshll.u32 v3, $0x2  }
0x64: {  	v3 =	vand.u32 $0x7, v3;
	v4 =	vand.u32 $0xFFFFFFE0, v52  }
0x65: {  	v3 =	vor.u32 v3, v4  }
0x66: {  	v4 =	vperm.xlane v3, v0;
	_ =	sdelay $0x1  }
0x67: {  	v4 =	vadd.s32 v1, v4;
	_ =	sdelay $0x1  }
0x68: {  	v3 =	vperm.xlane v3, v2;
	_ =	sdelay $0x1  }
0x69: {  	v3 =	vadd.s32 v1, v3  }
0x6a: {  	[tilespmem:s14], [sflag:$0x1] =	stream.indirect_vreg.gather [hbm4b:s1+s3], $0x80, v4, vm0, $0xb8;
	[tilespmem:$0x8080] =	vst v63  }
0x6b: {  	_ = 	snop  }
0x6c: {  	[tilespmem:s15], [sflag:$0x1] =	stream.indirect_vreg.gather [hbm4b:s4+s3], $0x80, v4, vm0, $0xb8;
	[tilespmem:$0x8080] =	vst v63  }
0x6d: {  	_ = 	snop  }
0x6e: {  	[tilespmem:s16], [sflag:$0x1] =	stream.indirect_vreg.gather [hbm4b:s1+s3], $0x80, v3, vm0, $0xb8;
	[tilespmem:$0x8080] =	vst v63  }
0x6f: {  	_ = 	snop  }
0x70: {  	[tilespmem:s17], [sflag:$0x1] =	stream.indirect_vreg.gather [hbm4b:s4+s3], $0x80, v3, vm0, $0xb8;
	[tilespmem:$0x8080] =	vst v63  }
0x71: {  	v3 =	vld [tilespmem:$0x10];
	_ =	sdelay $0x4  }
0x72: {  	v53 =	vshll.u32 v3, $0x2  }
0x73: {  	v3 =	vand.u32 $0x7, v3;
	v4 =	vand.u32 $0xFFFFFFE0, v53  }
0x74: {  	v3 =	vor.u32 v3, v4  }
0x75: {  	v4 =	vperm.xlane v3, v0;
	_ =	sdelay $0x1  }
0x76: {  	v4 =	vadd.s32 v1, v4;
	_ =	sdelay $0x1  }
0x77: {  	v3 =	vperm.xlane v3, v2;
	_ =	sdelay $0x1  }
0x78: {  	v3 =	vadd.s32 v1, v3  }
0x79: {  	[tilespmem:s18], [sflag:$0x1] =	stream.indirect_vreg.gather [hbm4b:s1+s3], $0x80, v4, vm0, $0xb8;
	[tilespmem:$0x8080] =	vst v63  }
0x7a: {  	_ = 	snop  }
0x7b: {  	[tilespmem:s19], [sflag:$0x1] =	stream.indirect_vreg.gather [hbm4b:s4+s3], $0x80, v4, vm0, $0xb8;
	[tilespmem:$0x8080] =	vst v63  }
0x7c: {  	_ = 	snop  }
0x7d: {  	[tilespmem:s20], [sflag:$0x1] =	stream.indirect_vreg.gather [hbm4b:s1+s3], $0x80, v3, vm0, $0xb8;
	[tilespmem:$0x8080] =	vst v63  }
0x7e: {  	_ = 	snop  }
0x7f: {  	[tilespmem:s21], [sflag:$0x1] =	stream.indirect_vreg.gather [hbm4b:s4+s3], $0x80, v3, vm0, $0xb8;
	[tilespmem:$0x8080] =	vst v63  }
0x80: {  	v3 =	vld [tilespmem:$0x20];
	_ =	sdelay $0x4  }
0x81: {  	v54 =	vshll.u32 v3, $0x2  }
0x82: {  	v3 =	vand.u32 $0x7, v3;
	v4 =	vand.u32 $0xFFFFFFE0, v54  }
0x83: {  	v3 =	vor.u32 v3, v4  }
0x84: {  	v4 =	vperm.xlane v3, v0;
	_ =	sdelay $0x1  }
0x85: {  	v4 =	vadd.s32 v1, v4;
	_ =	sdelay $0x1  }
0x86: {  	v3 =	vperm.xlane v3, v2;
	_ =	sdelay $0x1  }
0x87: {  	v3 =	vadd.s32 v1, v3  }
0x88: {  	[tilespmem:s22], [sflag:$0x1] =	stream.indirect_vreg.gather [hbm4b:s1+s3], $0x80, v4, vm0, $0xb8;
	[tilespmem:$0x8080] =	vst v63  }
0x89: {  	_ = 	snop  }
0x8a: {  	[tilespmem:s23], [sflag:$0x1] =	stream.indirect_vreg.gather [hbm4b:s4+s3], $0x80, v4, vm0, $0xb8;
	[tilespmem:$0x8080] =	vst v63  }
0x8b: {  	_ = 	snop  }
0x8c: {  	[tilespmem:s24], [sflag:$0x1] =	stream.indirect_vreg.gather [hbm4b:s1+s3], $0x80, v3, vm0, $0xb8;
	[tilespmem:$0x8080] =	vst v63  }
0x8d: {  	_ = 	snop  }
0x8e: {  	[tilespmem:s25], [sflag:$0x1] =	stream.indirect_vreg.gather [hbm4b:s4+s3], $0x80, v3, vm0, $0xb8;
	[tilespmem:$0x8080] =	vst v63  }
0x8f: {  	v3 =	vld [tilespmem:$0x30];
	_ =	sdelay $0x4  }
0x90: {  	v55 =	vshll.u32 v3, $0x2  }
0x91: {  	v3 =	vand.u32 $0x7, v3;
	v4 =	vand.u32 $0xFFFFFFE0, v55  }
0x92: {  	v3 =	vor.u32 v3, v4  }
0x93: {  	v4 =	vperm.xlane v3, v0;
	_ =	sdelay $0x1  }
0x94: {  	v4 =	vadd.s32 v1, v4;
	_ =	sdelay $0x1  }
0x95: {  	v3 =	vperm.xlane v3, v2;
	_ =	sdelay $0x1  }
0x96: {  	v3 =	vadd.s32 v1, v3  }
0x97: {  	[tilespmem:s26], [sflag:$0x1] =	stream.indirect_vreg.gather [hbm4b:s1+s3], $0x80, v4, vm0, $0xb8;
	[tilespmem:$0x8080] =	vst v63  }
0x98: {  	_ = 	snop  }
0x99: {  	[tilespmem:s28], [sflag:$0x1] =	stream.indirect_vreg.gather [hbm4b:s4+s3], $0x80, v4, vm0, $0xb8;
	[tilespmem:$0x8080] =	vst v63  }
0x9a: {  	_ = 	snop  }
0x9b: {  	[tilespmem:s29], [sflag:$0x1] =	stream.indirect_vreg.gather [hbm4b:s1+s3], $0x80, v3, vm0, $0xb8;
	[tilespmem:$0x8080] =	vst v63  }
0x9c: {  	_ = 	snop  }
0x9d: {  	[tilespmem:s30], [sflag:$0x1] =	stream.indirect_vreg.gather [hbm4b:s4+s3], $0x80, v3, vm0, $0xb8;
	[tilespmem:$0x8080] =	vst v63  }
0x9e: {  	_ =	swait.ge [sflag:s31], $0x8000  }
0x9f: {  	[sflag:s31] =	ssyncset.done $0x0  }
0xa0: {  	[sflag:s31] =	ssyncadd.s32 $0xFFFF8000  }
0xa1: {  	[hbm4b:s7+s3] =	stream.linear.scatter [tilespmem:s14], [sflag:$0x2], $0x8000, $0x38;
	[tilespmem:$0x8080] =	vst v63  }
0xa2: {  	_ =	swait.ge [sflag:s13], $0x8000  }
0xa3: {  	[sflag:s13] =	ssyncset.done $0x0  }
0xa4: {  	[sflag:s13] =	ssyncadd.s32 $0xFFFF8000  }
0xa5: {  	[tilespmem:s3], [sflag:$0x2] =	stream.linear.gather [hbm4b:s8+s3], $0x40, $0x38;
	[tilespmem:$0x8080] =	vst v63  }
0xa6: {  	_ =	swait.ge [sflag:s13], $0x40  }
0xa7: {  	[sflag:s13] =	ssyncset.done $0x0  }
0xa8: {  	[sflag:s13] =	ssyncadd.s32 $0xFFFFFFC0  }
0xa9: {  	v3 =	vld [tilespmem:$0x0];
	_ =	sdelay $0x4  }
0xaa: {  	v56 =	vshll.u32 v3, $0x2  }
0xab: {  	v3 =	vand.u32 $0x7, v3;
	v4 =	vand.u32 $0xFFFFFFE0, v56  }
0xac: {  	v3 =	vor.u32 v3, v4  }
0xad: {  	v4 =	vperm.xlane v3, v0;
	_ =	sdelay $0x1  }
0xae: {  	v4 =	vadd.s32 v1, v4;
	_ =	sdelay $0x1  }
0xaf: {  	v3 =	vperm.xlane v3, v2;
	_ =	sdelay $0x1  }
0xb0: {  	v3 =	vadd.s32 v1, v3  }
0xb1: {  	[tilespmem:s14], [sflag:$0x1] =	stream.indirect_vreg.gather [hbm4b:s1+s3], $0x80, v4, vm0, $0xb8;
	[tilespmem:$0x8080] =	vst v63  }
0xb2: {  	_ = 	snop  }
0xb3: {  	[tilespmem:s15], [sflag:$0x1] =	stream.indirect_vreg.gather [hbm4b:s4+s3], $0x80, v4, vm0, $0xb8;
	[tilespmem:$0x8080] =	vst v63  }
0xb4: {  	_ = 	snop  }
0xb5: {  	[tilespmem:s16], [sflag:$0x1] =	stream.indirect_vreg.gather [hbm4b:s1+s3], $0x80, v3, vm0, $0xb8;
	[tilespmem:$0x8080] =	vst v63  }
0xb6: {  	_ = 	snop  }
0xb7: {  	[tilespmem:s17], [sflag:$0x1] =	stream.indirect_vreg.gather [hbm4b:s4+s3], $0x80, v3, vm0, $0xb8;
	[tilespmem:$0x8080] =	vst v63  }
0xb8: {  	v3 =	vld [tilespmem:$0x10];
	_ =	sdelay $0x4  }
0xb9: {  	v57 =	vshll.u32 v3, $0x2  }
0xba: {  	v3 =	vand.u32 $0x7, v3;
	v4 =	vand.u32 $0xFFFFFFE0, v57  }
0xbb: {  	v3 =	vor.u32 v3, v4  }
0xbc: {  	v4 =	vperm.xlane v3, v0;
	_ =	sdelay $0x1  }
0xbd: {  	v4 =	vadd.s32 v1, v4;
	_ =	sdelay $0x1  }
0xbe: {  	v3 =	vperm.xlane v3, v2;
	_ =	sdelay $0x1  }
0xbf: {  	v3 =	vadd.s32 v1, v3  }
0xc0: {  	[tilespmem:s18], [sflag:$0x1] =	stream.indirect_vreg.gather [hbm4b:s1+s3], $0x80, v4, vm0, $0xb8;
	[tilespmem:$0x8080] =	vst v63  }
0xc1: {  	_ = 	snop  }
0xc2: {  	[tilespmem:s19], [sflag:$0x1] =	stream.indirect_vreg.gather [hbm4b:s4+s3], $0x80, v4, vm0, $0xb8;
	[tilespmem:$0x8080] =	vst v63  }
0xc3: {  	_ = 	snop  }
0xc4: {  	[tilespmem:s20], [sflag:$0x1] =	stream.indirect_vreg.gather [hbm4b:s1+s3], $0x80, v3, vm0, $0xb8;
	[tilespmem:$0x8080] =	vst v63  }
0xc5: {  	_ = 	snop  }
0xc6: {  	[tilespmem:s21], [sflag:$0x1] =	stream.indirect_vreg.gather [hbm4b:s4+s3], $0x80, v3, vm0, $0xb8;
	[tilespmem:$0x8080] =	vst v63  }
0xc7: {  	v3 =	vld [tilespmem:$0x20];
	_ =	sdelay $0x4  }
0xc8: {  	v58 =	vshll.u32 v3, $0x2  }
0xc9: {  	v3 =	vand.u32 $0x7, v3;
	v4 =	vand.u32 $0xFFFFFFE0, v58  }
0xca: {  	v3 =	vor.u32 v3, v4  }
0xcb: {  	v4 =	vperm.xlane v3, v0;
	_ =	sdelay $0x1  }
0xcc: {  	v4 =	vadd.s32 v1, v4;
	_ =	sdelay $0x1  }
0xcd: {  	v3 =	vperm.xlane v3, v2;
	_ =	sdelay $0x1  }
0xce: {  	v3 =	vadd.s32 v1, v3  }
0xcf: {  	[tilespmem:s22], [sflag:$0x1] =	stream.indirect_vreg.gather [hbm4b:s1+s3], $0x80, v4, vm0, $0xb8;
	[tilespmem:$0x8080] =	vst v63  }
0xd0: {  	_ = 	snop  }
0xd1: {  	[tilespmem:s23], [sflag:$0x1] =	stream.indirect_vreg.gather [hbm4b:s4+s3], $0x80, v4, vm0, $0xb8;
	[tilespmem:$0x8080] =	vst v63  }
0xd2: {  	_ = 	snop  }
0xd3: {  	[tilespmem:s24], [sflag:$0x1] =	stream.indirect_vreg.gather [hbm4b:s1+s3], $0x80, v3, vm0, $0xb8;
	[tilespmem:$0x8080] =	vst v63  }
0xd4: {  	_ = 	snop  }
0xd5: {  	[tilespmem:s25], [sflag:$0x1] =	stream.indirect_vreg.gather [hbm4b:s4+s3], $0x80, v3, vm0, $0xb8;
	[tilespmem:$0x8080] =	vst v63  }
0xd6: {  	v3 =	vld [tilespmem:$0x30];
	_ =	sdelay $0x4  }
0xd7: {  	v59 =	vshll.u32 v3, $0x2  }
0xd8: {  	v3 =	vand.u32 $0x7, v3;
	v4 =	vand.u32 $0xFFFFFFE0, v59  }
0xd9: {  	v3 =	vor.u32 v3, v4  }
0xda: {  	v4 =	vperm.xlane v3, v0;
	_ =	sdelay $0x1  }
0xdb: {  	v4 =	vadd.s32 v1, v4;
	_ =	sdelay $0x1  }
0xdc: {  	v3 =	vperm.xlane v3, v2;
	_ =	sdelay $0x1  }
0xdd: {  	v3 =	vadd.s32 v1, v3  }
0xde: {  	[tilespmem:s26], [sflag:$0x1] =	stream.indirect_vreg.gather [hbm4b:s1+s3], $0x80, v4, vm0, $0xb8;
	[tilespmem:$0x8080] =	vst v63  }
0xdf: {  	_ = 	snop  }
0xe0: {  	[tilespmem:s28], [sflag:$0x1] =	stream.indirect_vreg.gather [hbm4b:s4+s3], $0x80, v4, vm0, $0xb8;
	[tilespmem:$0x8080] =	vst v63  }
0xe1: {  	_ = 	snop  }
0xe2: {  	[tilespmem:s29], [sflag:$0x1] =	stream.indirect_vreg.gather [hbm4b:s1+s3], $0x80, v3, vm0, $0xb8;
	[tilespmem:$0x8080] =	vst v63  }
0xe3: {  	_ = 	snop  }
0xe4: {  	[tilespmem:s30], [sflag:$0x1] =	stream.indirect_vreg.gather [hbm4b:s4+s3], $0x80, v3, vm0, $0xb8;
	[tilespmem:$0x8080] =	vst v63  }
0xe5: {  	_ =	swait.ge [sflag:s31], $0x8000  }
0xe6: {  	[sflag:s31] =	ssyncset.done $0x0  }
0xe7: {  	[sflag:s31] =	ssyncadd.s32 $0xFFFF8000  }
0xe8: {  	[hbm4b:s9+s3] =	stream.linear.scatter [tilespmem:s14], [sflag:$0x2], $0x8000, $0x38;
	[tilespmem:$0x8080] =	vst v63  }
0xe9: {  	_ =	swait.ge [sflag:s13], $0x8000  }
0xea: {  	[sflag:s13] =	ssyncset.done $0x0  }
0xeb: {  	[sflag:s13] =	ssyncadd.s32 $0xFFFF8000  }
0xec: {  	[tilespmem:s3], [sflag:$0x2] =	stream.linear.gather [hbm4b:s10+s3], $0x40, $0x38;
	[tilespmem:$0x8080] =	vst v63  }
0xed: {  	_ =	swait.ge [sflag:s13], $0x40  }
0xee: {  	[sflag:s13] =	ssyncset.done $0x0  }
0xef: {  	[sflag:s13] =	ssyncadd.s32 $0xFFFFFFC0  }
0xf0: {  	v3 =	vld [tilespmem:$0x0];
	_ =	sdelay $0x4  }
0xf1: {  	v60 =	vshll.u32 v3, $0x2  }
0xf2: {  	v3 =	vand.u32 $0x7, v3;
	v4 =	vand.u32 $0xFFFFFFE0, v60  }
0xf3: {  	v3 =	vor.u32 v3, v4  }
0xf4: {  	v4 =	vperm.xlane v3, v0;
	_ =	sdelay $0x1  }
0xf5: {  	v4 =	vadd.s32 v1, v4;
	_ =	sdelay $0x1  }
0xf6: {  	v3 =	vperm.xlane v3, v2;
	_ =	sdelay $0x1  }
0xf7: {  	v3 =	vadd.s32 v1, v3  }
0xf8: {  	[tilespmem:s14], [sflag:$0x1] =	stream.indirect_vreg.gather [hbm4b:s1+s3], $0x80, v4, vm0, $0xb8;
	[tilespmem:$0x8080] =	vst v63  }
0xf9: {  	_ = 	snop  }
0xfa: {  	[tilespmem:s15], [sflag:$0x1] =	stream.indirect_vreg.gather [hbm4b:s4+s3], $0x80, v4, vm0, $0xb8;
	[tilespmem:$0x8080] =	vst v63  }
0xfb: {  	_ = 	snop  }
0xfc: {  	[tilespmem:s16], [sflag:$0x1] =	stream.indirect_vreg.gather [hbm4b:s1+s3], $0x80, v3, vm0, $0xb8;
	[tilespmem:$0x8080] =	vst v63  }
0xfd: {  	_ = 	snop  }
0xfe: {  	[tilespmem:s17], [sflag:$0x1] =	stream.indirect_vreg.gather [hbm4b:s4+s3], $0x80, v3, vm0, $0xb8;
	[tilespmem:$0x8080] =	vst v63  }
0xff: {  	v3 =	vld [tilespmem:$0x10];
	_ =	sdelay $0x4  }
0x100: {  	v61 =	vshll.u32 v3, $0x2  }
0x101: {  	v3 =	vand.u32 $0x7, v3;
	v4 =	vand.u32 $0xFFFFFFE0, v61  }
0x102: {  	v3 =	vor.u32 v3, v4  }
0x103: {  	v4 =	vperm.xlane v3, v0;
	_ =	sdelay $0x1  }
0x104: {  	v4 =	vadd.s32 v1, v4;
	_ =	sdelay $0x1  }
0x105: {  	v3 =	vperm.xlane v3, v2;
	_ =	sdelay $0x1  }
0x106: {  	v3 =	vadd.s32 v1, v3  }
0x107: {  	[tilespmem:s18], [sflag:$0x1] =	stream.indirect_vreg.gather [hbm4b:s1+s3], $0x80, v4, vm0, $0xb8;
	[tilespmem:$0x8080] =	vst v63  }
0x108: {  	_ = 	snop  }
0x109: {  	[tilespmem:s19], [sflag:$0x1] =	stream.indirect_vreg.gather [hbm4b:s4+s3], $0x80, v4, vm0, $0xb8;
	[tilespmem:$0x8080] =	vst v63  }
0x10a: {  	_ = 	snop  }
0x10b: {  	[tilespmem:s20], [sflag:$0x1] =	stream.indirect_vreg.gather [hbm4b:s1+s3], $0x80, v3, vm0, $0xb8;
	[tilespmem:$0x8080] =	vst v63  }
0x10c: {  	_ = 	snop  }
0x10d: {  	[tilespmem:s21], [sflag:$0x1] =	stream.indirect_vreg.gather [hbm4b:s4+s3], $0x80, v3, vm0, $0xb8;
	[tilespmem:$0x8080] =	vst v63  }
0x10e: {  	v3 =	vld [tilespmem:$0x20];
	_ =	sdelay $0x4  }
0x10f: {  	v62 =	vshll.u32 v3, $0x2  }
0x110: {  	v3 =	vand.u32 $0x7, v3;
	v4 =	vand.u32 $0xFFFFFFE0, v62  }
0x111: {  	v3 =	vor.u32 v3, v4  }
0x112: {  	v4 =	vperm.xlane v3, v0;
	_ =	sdelay $0x1  }
0x113: {  	v4 =	vadd.s32 v1, v4;
	_ =	sdelay $0x1  }
0x114: {  	v3 =	vperm.xlane v3, v2;
	_ =	sdelay $0x1  }
0x115: {  	v3 =	vadd.s32 v1, v3  }
0x116: {  	[tilespmem:s22], [sflag:$0x1] =	stream.indirect_vreg.gather [hbm4b:s1+s3], $0x80, v4, vm0, $0xb8;
	[tilespmem:$0x8080] =	vst v63  }
0x117: {  	_ = 	snop  }
0x118: {  	[tilespmem:s23], [sflag:$0x1] =	stream.indirect_vreg.gather [hbm4b:s4+s3], $0x80, v4, vm0, $0xb8;
	[tilespmem:$0x8080] =	vst v63  }
0x119: {  	_ = 	snop  }
0x11a: {  	[tilespmem:s24], [sflag:$0x1] =	stream.indirect_vreg.gather [hbm4b:s1+s3], $0x80, v3, vm0, $0xb8;
	[tilespmem:$0x8080] =	vst v63  }
0x11b: {  	_ = 	snop  }
0x11c: {  	[tilespmem:s25], [sflag:$0x1] =	stream.indirect_vreg.gather [hbm4b:s4+s3], $0x80, v3, vm0, $0xb8;
	[tilespmem:$0x8080] =	vst v63  }
0x11d: {  	v3 =	vld [tilespmem:$0x30];
	_ =	sdelay $0x4  }
0x11e: {  	v63 =	vshll.u32 v3, $0x2  }
0x11f: {  	v3 =	vand.u32 $0x7, v3;
	v4 =	vand.u32 $0xFFFFFFE0, v63  }
0x120: {  	v3 =	vor.u32 v3, v4  }
0x121: {  	v4 =	vperm.xlane v3, v0;
	_ =	sdelay $0x1  }
0x122: {  	v4 =	vadd.s32 v1, v4;
	_ =	sdelay $0x1  }
0x123: {  	v3 =	vperm.xlane v3, v2;
	_ =	sdelay $0x1  }
0x124: {  	v3 =	vadd.s32 v1, v3  }
0x125: {  	[tilespmem:s26], [sflag:$0x1] =	stream.indirect_vreg.gather [hbm4b:s1+s3], $0x80, v4, vm0, $0xb8;
	[tilespmem:$0x8080] =	vst v63  }
0x126: {  	_ = 	snop  }
0x127: {  	[tilespmem:s28], [sflag:$0x1] =	stream.indirect_vreg.gather [hbm4b:s4+s3], $0x80, v4, vm0, $0xb8;
	[tilespmem:$0x8080] =	vst v63  }
0x128: {  	_ = 	snop  }
0x129: {  	[tilespmem:s29], [sflag:$0x1] =	stream.indirect_vreg.gather [hbm4b:s1+s3], $0x80, v3, vm0, $0xb8;
	[tilespmem:$0x8080] =	vst v63  }
0x12a: {  	_ = 	snop  }
0x12b: {  	[tilespmem:s30], [sflag:$0x1] =	stream.indirect_vreg.gather [hbm4b:s4+s3], $0x80, v3, vm0, $0xb8;
	[tilespmem:$0x8080] =	vst v63  }
0x12c: {  	_ =	swait.ge [sflag:s31], $0x8000  }
0x12d: {  	p0 =	sne.s32 s12, $0x1;
	[sflag:s31] =	ssyncset.done $0x0  }
.Ltmp0:
0x12e: {  	[sflag:s31] =	ssyncadd.s32 $0xFFFF8000;
	(pc) =	sbr.rel @p0 .LBB2_1-.Ltmp0, $4  }
0x12f: {  	[hbm4b:s11+s3] =	stream.linear.scatter [tilespmem:s14], [sflag:$0x2], $0x8000, $0x38;
	[tilespmem:$0x8080] =	vst v63  }
0x130: {  	_ =	swait.ge [sflag:s13], $0x8000  }
0x131: {  	[sflag:s13] =	ssyncset.done $0x0  }
0x132: {  	s12 =	sadd.s32 $0xFFFFFFFF, s12;
	[sflag:s13] =	ssyncadd.s32 $0xFFFF8000  }
0x133: {  	_ =	sfence.sel $0x180000  }
0x134: {  	[bflag:$0x0] =	sbarrier.arrive $0xFFFF  }
0x135: {  	_ =	strace $0x9000004D  }
0x136: {  	[bflag:$0x2] =	sbarrier.arrive $0xFFFF  }
0x137: {  	p0 =	sne.s32 s2, $0x0;
	s0 =	rddreg [dreg:$0x3]  }
0x138: {  	s0 =	sadd.s32 @!p0 $0x100000, s0  }
0x139: {  	[sflag:s0] =	ssyncadd.tile.s32 @!p0 $0x1;
	_ =	shalt  }
.Lfunc_end2:
_tile_overlayer_lowered:
.L_overlay_start_2:
0x13a: {  	(tag) =	ssettag $0x2  }
0x13b: {  	s0 =	rddreg [dreg:$0x0];
	s2 =	stileid.u32  }
0x13c: {  	s1 =	rddreg [dreg:$0x1];
	p0 =	sne.s32 s2, $0x0  }
0x13d: {  	s3 =	rddreg [dreg:$0x2];
	[bflag:$0x3] =	sbarrier.arrive $0xFFFF;
	s2 =	simm.s32 @!p0 $0x1C02  }
0x13e: {  	[timem:s3], [sflag:s2] =	dma.local @!p0 [hbm:s0], s1  }
0x13f: {  	s0 =	simm.s32 @!p0 $0x2  }
0x140: {  	_ =	swait.ge @!p0 [sflag:s0], s1  }
0x141: {  	s1 =	ssub.s32 @!p0 $0x0, s1;
	[sflag:s0] =	ssyncset.done @!p0 $0x0  }
0x142: {  	[sflag:s0] =	ssyncadd.s32 @!p0 s1  }
0x143: {  	[bflag:$0x3] =	sbarrier.arrive $0xFFFF  }
0x144: {  	_ =	shalt  }

// kernel: kernel.17.cloned.1.call-start
scs
__scs_entry_jumppad:
0x0: {  	(pc) =	sbr.rel $0x88, $3  }
0x1: {  	(tag) =	ssettag $0x0;
	lr =	simm.s32 $0x1  }
0x2: {  	[smem:$0x3F83] =	sst lr;
	_ =	strace $0xD0000000  }
0x3: {  	_ = 	snop  }
0x4: {  	_ = 	snop  }
0x5: {  	_ = 	snop  }
0x6: {  	_ = 	snop  }
0x7: {  	_ = 	snop  }
__scs_overlays_trampoline_lowered:
0x8: {  	[smem:$0x3F92] =	sst s0  }
0x9: {  	[smem:$0x3F93] =	sst s1  }
0xa: {  	[smem:$0x3F94] =	sst s2  }
0xb: {  	[smem:$0x3F95] =	sst s3  }
0xc: {  	[smem:$0x3F96] =	sst s4  }
0xd: {  	[smem:$0x3F97] =	sst s5  }
0xe: {  	[smem:$0x3F98] =	sst s6  }
0xf: {  	[smem:$0x3F99] =	sst s7  }
0x10: {  	[smem:$0x3F9A] =	sst s8  }
0x11: {  	[smem:$0x3F9B] =	sst s9;
	s0 =	simm.s32 @!p0 $0x0  }
0x12: {  	s1 =	sld [smem:$0x3F81];
	s0 =	simm.s32 @p0 $0x1  }
0x13: {  	[smem:$0x3F9C] =	sst s0;
	s0 =	simm.s32 @!p1 $0x0  }
0x14: {  	s2 =	sld [smem:$0x3F80];
	s0 =	simm.s32 @p1 $0x1  }
0x15: {  	[smem:$0x3F9D] =	sst s0;
	s0 =	simm.s32 @!p2 $0x0  }
0x16: {  	s3 =	sld [smem:$0x3FDB];
	s0 =	simm.s32 @p2 $0x1  }
0x17: {  	s4 =	simm.s32 $0x1BF5;
	[smem:$0x3F9F] =	sst s0  }
0x18: {  	s0 =	sld [smem:$0x3F82];
	_ =	swait.ge [sflag:s4], $0x0  }
0x19: {  	s7 =	sld [smem:$0x3F83]  }
0x1a: {  	s8 =	sadd.s32 $0xFFFFE003, lr  }
0x1b: {  	s9 =	sadd.s32 $0xFFFFFEF7, lr;
	s5 =	simm.s32 $0xFFFFFFFF;
	p2 =	slt.u32 s8, $0xFFFFF086  }
0x1c: {  	p1 =	slt.u32 s9, $0xF7A;
	s5 =	simm.s32 @!p2 $0x0  }
0x1d: {  	s5 =	simm.s32 @p1 $0x1;
	p0 =	seq.s32 s7, s2  }
0x1e: {  	s7 =	smul.u32 @!p0 $0xF7A, s2;
	p2 =	seq.s32 @!p0 s5, $0x0  }
0x1f: {  	s9 =	smul.u32 $0xF7A, s1;
	s8 =	simm.s32 @!p0 $0x1BF5;
	p2 =	por !p2, p0  }
0x20: {  	[sflag:s8] =	ssyncset.s32 @!p0 $0xFFFFF086;
	s6 =	sadd.s32 @!p0 s3, s7;
	s7 =	simm.s32 @!p0 $0x108  }
0x21: {  	s3 =	sadd.s32 s3, s9;
	s6 =	sadd.s32 @!p0 $0x88, s6;
	s7 =	simm.s32 @p2 $0x1082  }
0x22: {  	[simem:s7], [sflag:s8] =	dma.local @!p0 [hbm:s6], $0xF7A  }
0x23: {  	s9 =	sor.u32 $0xD0000000, s2;
	s6 =	simm.s32 $0x108;
	_ =	swait.ge @!p0 [sflag:s8], $0x0  }
0x24: {  	s3 =	sadd.s32 $0x88, s3;
	s6 =	simm.s32 @!p1 $0x1082;
	[sflag:s4] =	ssyncset.s32 $0xFFFFF086  }
0x25: {  	[simem:s6], [sflag:s4] =	dma.local [hbm:s3], $0xF7A  }
0x26: {  	[smem:$0x3F83] =	sst s1;
	(tag) =	ssettag s2;
	_ =	strace s9  }
0x27: {  	s1 =	sld [smem:$0x3F93]  }
0x28: {  	s2 =	sld [smem:$0x3F94]  }
0x29: {  	s4 =	sld [smem:$0x3F96]  }
0x2a: {  	p0 =	seq.s32 s5, $0x0;
	s5 =	sld [smem:$0x3F97]  }
0x2b: {  	s6 =	sld [smem:$0x3F98]  }
0x2c: {  	s7 =	sld [smem:$0x3F99]  }
0x2d: {  	s3 =	simm.s32 $0x108;
	s8 =	sld [smem:$0x3F9A]  }
0x2e: {  	s3 =	simm.s32 @!p0 $0x1082;
	s9 =	sld [smem:$0x3F9B]  }
0x2f: {  	lr =	sadd.s32 s0, s3;
	s0 =	sld [smem:$0x3F92]  }
0x30: {  	s3 =	sld [smem:$0x3F95]  }
0x31: {  	[smem:$0x3F9E] =	sst s10  }
0x32: {  	s10 =	sld [smem:$0x3F9C];
	_ =	sdelay $0x3  }
0x33: {  	p0 =	seq.s32 s10, $0x1;
	s10 =	sld [smem:$0x3F9E];
	_ =	sdelay $0x3  }
0x34: {  	[smem:$0x3F9E] =	sst s10  }
0x35: {  	s10 =	sld [smem:$0x3F9D];
	_ =	sdelay $0x3  }
0x36: {  	p1 =	seq.s32 s10, $0x1;
	s10 =	sld [smem:$0x3F9E];
	_ =	sdelay $0x3  }
0x37: {  	[smem:$0x3F9E] =	sst s10  }
0x38: {  	s10 =	sld [smem:$0x3F9F]  }
0x39: {  	_ = 	snop;
	(pc) =	sbr.ind lr, $3  }
0x3a: {  	_ = 	snop  }
0x3b: {  	_ = 	snop  }
0x3c: {  	p2 =	seq.s32 s10, $0x1;
	s10 =	sld [smem:$0x3F9E]  }
0x3d: {  	_ =	shalt  }
0x3e: {  	_ =	shalt  }
0x3f: {  	_ =	shalt  }
0x40: {  	_ =	shalt  }
0x41: {  	_ =	shalt  }
0x42: {  	_ =	shalt  }
0x43: {  	_ =	shalt  }
0x44: {  	_ =	shalt  }
0x45: {  	_ =	shalt  }
0x46: {  	_ =	shalt  }
0x47: {  	_ =	shalt  }
0x48: {  	_ =	shalt  }
0x49: {  	_ =	shalt  }
0x4a: {  	_ =	shalt  }
0x4b: {  	_ =	shalt  }
0x4c: {  	_ =	shalt  }
0x4d: {  	_ =	shalt  }
0x4e: {  	_ =	shalt  }
0x4f: {  	_ =	shalt  }
0x50: {  	_ =	shalt  }
0x51: {  	_ =	shalt  }
0x52: {  	_ =	shalt  }
0x53: {  	_ =	shalt  }
0x54: {  	_ =	shalt  }
0x55: {  	_ =	shalt  }
0x56: {  	_ =	shalt  }
0x57: {  	_ =	shalt  }
0x58: {  	_ =	shalt  }
0x59: {  	_ =	shalt  }
0x5a: {  	_ =	shalt  }
0x5b: {  	_ =	shalt  }
0x5c: {  	_ =	shalt  }
0x5d: {  	_ =	shalt  }
0x5e: {  	_ =	shalt  }
0x5f: {  	_ =	shalt  }
0x60: {  	_ =	shalt  }
0x61: {  	_ =	shalt  }
0x62: {  	_ =	shalt  }
0x63: {  	_ =	shalt  }
0x64: {  	_ =	shalt  }
0x65: {  	_ =	shalt  }
0x66: {  	_ =	shalt  }
0x67: {  	_ =	shalt  }
0x68: {  	_ =	shalt  }
0x69: {  	_ =	shalt  }
0x6a: {  	_ =	shalt  }
0x6b: {  	_ =	shalt  }
0x6c: {  	_ =	shalt  }
0x6d: {  	_ =	shalt  }
0x6e: {  	_ =	shalt  }
0x6f: {  	_ =	shalt  }
0x70: {  	_ =	shalt  }
0x71: {  	_ =	shalt  }
0x72: {  	_ =	shalt  }
0x73: {  	_ =	shalt  }
0x74: {  	_ =	shalt  }
0x75: {  	_ =	shalt  }
0x76: {  	_ =	shalt  }
0x77: {  	_ =	shalt  }
0x78: {  	_ =	shalt  }
0x79: {  	_ =	shalt  }
0x7a: {  	_ =	shalt  }
0x7b: {  	_ =	shalt  }
0x7c: {  	_ =	shalt  }
0x7d: {  	_ =	shalt  }
0x7e: {  	_ =	shalt  }
0x7f: {  	_ =	shalt  }
0x80: {  	_ =	shalt  }
0x81: {  	_ =	shalt  }
0x82: {  	_ =	shalt  }
0x83: {  	_ =	shalt  }
0x84: {  	_ =	shalt  }
0x85: {  	_ =	shalt  }
0x86: {  	_ =	shalt  }
0x87: {  	_ =	shalt  }
.Lfunc_end0:
.L_simem_size_0:
called_computation.2_lowered:
.L_overlay_start_0:
0x88: {  	s2 =	sld [smem:$0x3FD9]  }
0x89: {  	s3 =	sld [smem:$0x3FFE];
	_ =	sdelay $0x1  }
0x8a: {  	s1 =	srdreg.scid  }
0x8b: {  	s0 =	sand.u32 $0x1, s1  }
0x8c: {  	s17 =	sshll.u32 s0, $0xA;
	s2 =	sadd.s32 s3, s2  }
0x8d: {  	s2 =	sadd.s32 s2, s17  }
0x8e: {  	[smem:$0x3FAA] =	sst s2  }
0x8f: {  	_ = 	snop  }
0x90: {  	s2 =	sld [smem:$0x3FB0];
	(tm) =	ssettm $0x1  }
0x91: {  	s18 =	sld [smem:$0x3FFB];
	_ =	sdelay $0x3  }
0x92: {  	_ =	strace s18  }
0x93: {  	s3 =	sld [smem:$0x3FFC];
	_ =	sdelay $0x3  }
0x94: {  	_ =	strace s3  }
0x95: {  	s3 =	sld [smem:$0x3FFD];
	_ =	sdelay $0x3  }
0x96: {  	_ =	strace s3  }
0x97: {  	_ =	strace $0x8FFFFFFF  }
0x98: {  	s19 =	sld [smem:$0x3FDB];
	_ =	sdelay $0x1  }
0x99: {  	s4 =	simm.s32 $_scs_section_size  }
0x9a: {  	s5 =	simm.s32 $_size__tile_overlayer_lowered;
	s6 =	simm.s32 $_tile_overlayer_lowered  }
0x9b: {  	s22 =	simm.s32 $0x1BFF;
	s21 =	sshll.u32 s6, $0x1;
	s3 =	sadd.s32 s4, s19  }
0x9c: {  	s7 =	simm.s32 $0x0;
	s20 =	sshll.u32 s5, $0x1;
	s5 =	sadd.s32 s21, s3  }
0x9d: {  	[timem:s7], [sflag:s22] =	dma.local [hbm:s5], s20  }
0x9e: {  	_ =	swait.ge [sflag:s22], s20  }
0x9f: {  	s4 =	ssub.s32 $0x0, s20;
	[sflag:s22] =	ssyncset.done $0x0  }
0xa0: {  	[sflag:s22] =	ssyncadd.s32 s4;
	_ =	sdelay $0x1  }
0xa1: {  	s23 =	simm.s32 $0x1B8B  }
0xa2: {  	_ =	swait.ge [sflag:s23], $0x1  }
0xa3: {  	[sflag:s23] =	ssyncset.done $0x0  }
0xa4: {  	s25 =	simm.s32 $0x1B8E;
	s24 =	sld [smem:$0x3FFE];
	[sflag:s23] =	ssyncadd.s32 $0xFFFFFFFF  }
0xa5: {  	s26 =	simm.s32 $execute0_lowered;
	[smem:$0x3FD2] =	sst s25  }
0xa6: {  	s5 =	sshll.u32 s26, $0x1;
	_ =	strace $0x80000049;
	[dreg:$0x1] =	wrdreg $0xFFFFFFFF  }
0xa7: {  	s28 =	simm.s32 $_size_execute0_lowered;
	s3 =	sadd.s32 s3, s5;
	[dreg:$0x0] =	wrdreg $0x0  }
0xa8: {  	s5 =	sshll.u32 s28, $0x1;
	[dreg:$0x2] =	wrdreg s3  }
0xa9: {  	[dreg:$0x3] =	wrdreg s5  }
0xaa: {  	[dreg:$0x4] =	wrdreg $0xC0  }
0xab: {  	_ =	task [dreg:s7], $0x5FFFF  }
0xac: {  	[dreg:$0x1] =	wrdreg $0xFFFFFFFF  }
0xad: {  	[dreg:$0x0] =	wrdreg $0x60  }
0xae: {  	[dreg:$0x2] =	wrdreg s2  }
0xaf: {  	[dreg:$0x3] =	wrdreg s24  }
0xb0: {  	[dreg:$0x4] =	wrdreg $0xA  }
0xb1: {  	_ =	task.clear_ibuf [dreg:s7], $0x5FFFF;
	_ =	strace $0x90000049  }
0xb2: {  	s29 =	simm.s32 $0xA;
	_ =	strace $0x8000004B  }
0xb3: {  	_ =	swait.ge [sflag:s29], $0x1  }
0xb4: {  	[sflag:s29] =	ssyncadd.s32 $0xFFFFFFFF  }
0xb5: {  	_ =	strace $0x9000004B  }
0xb6: {  	_ =	sfence  }
0xb7: {  	s30 =	sld [smem:$0x0];
	_ =	sdelay $0x2  }
0xb8: {  	s31 =	sshll.u32 s1, $0xD;
	s1 =	sshrl.u32 s1, $0x2  }
0xb9: {  	s3 =	sand.u32 $0x4000, s31;
	s1 =	sadd.s32 s1, s30  }
0xba: {  	s0 =	sor.u32 s3, s0;
	s1 =	sshll.u32 s1, $0x11  }
0xbb: {  	s0 =	sor.u32 s1, s0  }
0xbc: {  	s0 =	sadd.s32 $0x8F2B, s0  }
0xbd: {  	[sflag:s0] =	ssyncadd.remote.s32 $0x1  }
0xbe: {  	_ =	sfence.sel $0xFFFF  }
0xbf: {  	[dreg:$0x0] =	wrdreg $0xFFFFFFFF;
	(pc) =	sbr.abs _section_cstart, $3  }
0xc0: {  	[dreg:$0x1] =	wrdreg $0xFFFFFFFF  }
0xc1: {  	_ =	task.clear_ibuf [dreg:s7], $0x2FFFF;
	_ =	strace $0x9FFFFFFF  }
0xc2: {  	(tm) =	ssettm $0x7FFFFFFF  }
0xc3: {  	_ =	shalt  }
tec
execute0_lowered:
.L_overlay_start_1:
0x0: {  	(tag) =	ssettag $0x1  }
0x1: {  	s1 =	rddreg [dreg:$0x0]  }
0x2: {  	s4 =	rddreg [dreg:$0x1]  }
0x3: {  	s5 =	srdreg.scid;
	s3 =	simm.s32 $0x0;
	s2 =	stileid.u32  }
0x4: {  	s15 =	simm.s32 $0x880;
	s16 =	simm.s32 $0x1080;
	s17 =	simm.s32 $0x1880  }
0x5: {  	s18 =	simm.s32 $0x2080;
	s19 =	simm.s32 $0x2880;
	s20 =	simm.s32 $0x3080  }
0x6: {  	s28 =	simm.s32 $0x6880;
	s29 =	simm.s32 $0x7080;
	s30 =	simm.s32 $0x7880  }
0x7: {  	s31 =	simm.s32 $0x1;
	s5 =	sand.u32 $0x1, s5;
	[smem:$0x7FF] =	sst s3  }
0x8: {  	s6 =	sshll.u32 s2, $0x9;
	s10 =	sadd.s32 $0x4A00, s4;
	s11 =	sadd.s32 $0x4E00, s4  }
0x9: {  	s4 =	sadd.s32 $0x100, s1;
	s7 =	sshll.u32 s5, $0x8;
	s5 =	ssub.s32 $0x2, s5  }
0xa: {  	_ =	strace $0x8000004A;
	s9 =	sor.u32 s7, s6;
	s21 =	sshrl.u32 s5, $0x1  }
0xb: {  	s6 =	sshrl.u32 s9, $0x3;
	s12 =	ssub.s32 s5, s21;
	s22 =	sshll.u32 s9, $0x6  }
0xc: {  	s23 =	sor.u32 $0x40, s9;
	s13 =	sor.u32 $0x80, s9;
	s14 =	sor.u32 $0xC0, s9  }
0xd: {  	s21 =	simm.s32 $0x3880;
	s6 =	sadd.s32 s10, s6;
	s5 =	sadd.s32 s11, s22  }
0xe: {  	s24 =	sshrl.u32 s23, $0x3;
	s8 =	sshll.u32 s23, $0x6;
	s25 =	sshrl.u32 s13, $0x3  }
0xf: {  	s13 =	sshll.u32 s13, $0x6;
	s26 =	sshrl.u32 s14, $0x3;
	s14 =	sshll.u32 s14, $0x6  }
0x10: {  	s12 =	smax.u32 s12, $0x1;
	s22 =	simm.s32 $0x4080;
	s23 =	simm.s32 $0x4880  }
0x11: {  	[dreg:$0x3] =	wrdreg s6;
	s6 =	sadd.s32 s10, s24;
	s7 =	sadd.s32 s11, s8  }
0x12: {  	v2 =	vlaneseq.u32;
	s8 =	sadd.s32 s10, s25;
	s9 =	sadd.s32 s11, s13;
	s10 =	sadd.s32 s10, s26  }
0x13: {  	vm0 =	vmmov $0xffff;
	v1 =	vshrl.u32 v2, $0x3;
	s11 =	sadd.s32 s11, s14;
	s13 =	simm.s32 $0x2;
	s14 =	simm.s32 $0x80  }
0x14: {  	v0 =	vand.u32 $0x7, v2;
	v2 =	vor.u32 $0x8, v2;
	v1 =	vmul.u32 $0x8, v1;
	s24 =	simm.s32 $0x5080;
	s25 =	simm.s32 $0x5880;
	s26 =	simm.s32 $0x6080  }
.LBB2_1:
0x15: {  	s0 =	rddreg [dreg:$0x3]  }
0x16: {  	[tilespmem:s3], [sflag:$0x2] =	stream.linear.gather [hbm4b:s0+s3], $0x40, $0x38;
	[tilespmem:$0x8080] =	vst v63  }
0x17: {  	_ =	swait.ge [sflag:s13], $0x40  }
0x18: {  	[sflag:s13] =	ssyncset.done $0x0  }
0x19: {  	[sflag:s13] =	ssyncadd.s32 $0xFFFFFFC0  }
0x1a: {  	v3 =	vld [tilespmem:$0x0];
	_ =	sdelay $0x4  }
0x1b: {  	v4 =	vshll.u32 v3, $0x2  }
0x1c: {  	v3 =	vand.u32 $0x7, v3;
	v4 =	vand.u32 $0xFFFFFFE0, v4  }
0x1d: {  	v3 =	vor.u32 v3, v4  }
0x1e: {  	v4 =	vperm.xlane v3, v0;
	_ =	sdelay $0x1  }
0x1f: {  	v4 =	vadd.s32 v1, v4;
	_ =	sdelay $0x1  }
0x20: {  	v3 =	vperm.xlane v3, v2;
	_ =	sdelay $0x1  }
0x21: {  	v3 =	vadd.s32 v1, v3  }
0x22: {  	[tilespmem:s14], [sflag:$0x1] =	stream.indirect_vreg.gather [hbm4b:s1+s3], $0x80, v4, vm0, $0xb8;
	[tilespmem:$0x8080] =	vst v63  }
0x23: {  	_ = 	snop  }
0x24: {  	[tilespmem:s15], [sflag:$0x1] =	stream.indirect_vreg.gather [hbm4b:s4+s3], $0x80, v4, vm0, $0xb8;
	[tilespmem:$0x8080] =	vst v63  }
0x25: {  	_ = 	snop  }
0x26: {  	[tilespmem:s16], [sflag:$0x1] =	stream.indirect_vreg.gather [hbm4b:s1+s3], $0x80, v3, vm0, $0xb8;
	[tilespmem:$0x8080] =	vst v63  }
0x27: {  	_ = 	snop  }
0x28: {  	[tilespmem:s17], [sflag:$0x1] =	stream.indirect_vreg.gather [hbm4b:s4+s3], $0x80, v3, vm0, $0xb8;
	[tilespmem:$0x8080] =	vst v63  }
0x29: {  	v3 =	vld [tilespmem:$0x10];
	_ =	sdelay $0x4  }
0x2a: {  	v49 =	vshll.u32 v3, $0x2  }
0x2b: {  	v3 =	vand.u32 $0x7, v3;
	v4 =	vand.u32 $0xFFFFFFE0, v49  }
0x2c: {  	v3 =	vor.u32 v3, v4  }
0x2d: {  	v4 =	vperm.xlane v3, v0;
	_ =	sdelay $0x1  }
0x2e: {  	v4 =	vadd.s32 v1, v4;
	_ =	sdelay $0x1  }
0x2f: {  	v3 =	vperm.xlane v3, v2;
	_ =	sdelay $0x1  }
0x30: {  	v3 =	vadd.s32 v1, v3  }
0x31: {  	[tilespmem:s18], [sflag:$0x1] =	stream.indirect_vreg.gather [hbm4b:s1+s3], $0x80, v4, vm0, $0xb8;
	[tilespmem:$0x8080] =	vst v63  }
0x32: {  	_ = 	snop  }
0x33: {  	[tilespmem:s19], [sflag:$0x1] =	stream.indirect_vreg.gather [hbm4b:s4+s3], $0x80, v4, vm0, $0xb8;
	[tilespmem:$0x8080] =	vst v63  }
0x34: {  	_ = 	snop  }
0x35: {  	[tilespmem:s20], [sflag:$0x1] =	stream.indirect_vreg.gather [hbm4b:s1+s3], $0x80, v3, vm0, $0xb8;
	[tilespmem:$0x8080] =	vst v63  }
0x36: {  	_ = 	snop  }
0x37: {  	[tilespmem:s21], [sflag:$0x1] =	stream.indirect_vreg.gather [hbm4b:s4+s3], $0x80, v3, vm0, $0xb8;
	[tilespmem:$0x8080] =	vst v63  }
0x38: {  	v3 =	vld [tilespmem:$0x20];
	_ =	sdelay $0x4  }
0x39: {  	v50 =	vshll.u32 v3, $0x2  }
0x3a: {  	v3 =	vand.u32 $0x7, v3;
	v4 =	vand.u32 $0xFFFFFFE0, v50  }
0x3b: {  	v3 =	vor.u32 v3, v4  }
0x3c: {  	v4 =	vperm.xlane v3, v0;
	_ =	sdelay $0x1  }
0x3d: {  	v4 =	vadd.s32 v1, v4;
	_ =	sdelay $0x1  }
0x3e: {  	v3 =	vperm.xlane v3, v2;
	_ =	sdelay $0x1  }
0x3f: {  	v3 =	vadd.s32 v1, v3  }
0x40: {  	[tilespmem:s22], [sflag:$0x1] =	stream.indirect_vreg.gather [hbm4b:s1+s3], $0x80, v4, vm0, $0xb8;
	[tilespmem:$0x8080] =	vst v63  }
0x41: {  	_ = 	snop  }
0x42: {  	[tilespmem:s23], [sflag:$0x1] =	stream.indirect_vreg.gather [hbm4b:s4+s3], $0x80, v4, vm0, $0xb8;
	[tilespmem:$0x8080] =	vst v63  }
0x43: {  	_ = 	snop  }
0x44: {  	[tilespmem:s24], [sflag:$0x1] =	stream.indirect_vreg.gather [hbm4b:s1+s3], $0x80, v3, vm0, $0xb8;
	[tilespmem:$0x8080] =	vst v63  }
0x45: {  	_ = 	snop  }
0x46: {  	[tilespmem:s25], [sflag:$0x1] =	stream.indirect_vreg.gather [hbm4b:s4+s3], $0x80, v3, vm0, $0xb8;
	[tilespmem:$0x8080] =	vst v63  }
0x47: {  	v3 =	vld [tilespmem:$0x30];
	_ =	sdelay $0x4  }
0x48: {  	v51 =	vshll.u32 v3, $0x2  }
0x49: {  	v3 =	vand.u32 $0x7, v3;
	v4 =	vand.u32 $0xFFFFFFE0, v51  }
0x4a: {  	v3 =	vor.u32 v3, v4  }
0x4b: {  	v4 =	vperm.xlane v3, v0;
	_ =	sdelay $0x1  }
0x4c: {  	v4 =	vadd.s32 v1, v4;
	_ =	sdelay $0x1  }
0x4d: {  	v3 =	vperm.xlane v3, v2;
	_ =	sdelay $0x1  }
0x4e: {  	v3 =	vadd.s32 v1, v3  }
0x4f: {  	[tilespmem:s26], [sflag:$0x1] =	stream.indirect_vreg.gather [hbm4b:s1+s3], $0x80, v4, vm0, $0xb8;
	[tilespmem:$0x8080] =	vst v63  }
0x50: {  	_ = 	snop  }
0x51: {  	[tilespmem:s28], [sflag:$0x1] =	stream.indirect_vreg.gather [hbm4b:s4+s3], $0x80, v4, vm0, $0xb8;
	[tilespmem:$0x8080] =	vst v63  }
0x52: {  	_ = 	snop  }
0x53: {  	[tilespmem:s29], [sflag:$0x1] =	stream.indirect_vreg.gather [hbm4b:s1+s3], $0x80, v3, vm0, $0xb8;
	[tilespmem:$0x8080] =	vst v63  }
0x54: {  	_ = 	snop  }
0x55: {  	[tilespmem:s30], [sflag:$0x1] =	stream.indirect_vreg.gather [hbm4b:s4+s3], $0x80, v3, vm0, $0xb8;
	[tilespmem:$0x8080] =	vst v63  }
0x56: {  	_ =	swait.ge [sflag:s31], $0x8000  }
0x57: {  	[sflag:s31] =	ssyncset.done $0x0  }
0x58: {  	[sflag:s31] =	ssyncadd.s32 $0xFFFF8000  }
0x59: {  	[hbm4b:s5+s3] =	stream.linear.scatter [tilespmem:s14], [sflag:$0x2], $0x8000, $0x38;
	[tilespmem:$0x8080] =	vst v63  }
0x5a: {  	_ =	swait.ge [sflag:s13], $0x8000  }
0x5b: {  	[sflag:s13] =	ssyncset.done $0x0  }
0x5c: {  	[sflag:s13] =	ssyncadd.s32 $0xFFFF8000  }
0x5d: {  	[tilespmem:s3], [sflag:$0x2] =	stream.linear.gather [hbm4b:s6+s3], $0x40, $0x38;
	[tilespmem:$0x8080] =	vst v63  }
0x5e: {  	_ =	swait.ge [sflag:s13], $0x40  }
0x5f: {  	[sflag:s13] =	ssyncset.done $0x0  }
0x60: {  	[sflag:s13] =	ssyncadd.s32 $0xFFFFFFC0  }
0x61: {  	v3 =	vld [tilespmem:$0x0];
	_ =	sdelay $0x4  }
0x62: {  	v52 =	vshll.u32 v3, $0x2  }
0x63: {  	v3 =	vand.u32 $0x7, v3;
	v4 =	vand.u32 $0xFFFFFFE0, v52  }
0x64: {  	v3 =	vor.u32 v3, v4  }
0x65: {  	v4 =	vperm.xlane v3, v0;
	_ =	sdelay $0x1  }
0x66: {  	v4 =	vadd.s32 v1, v4;
	_ =	sdelay $0x1  }
0x67: {  	v3 =	vperm.xlane v3, v2;
	_ =	sdelay $0x1  }
0x68: {  	v3 =	vadd.s32 v1, v3  }
0x69: {  	[tilespmem:s14], [sflag:$0x1] =	stream.indirect_vreg.gather [hbm4b:s1+s3], $0x80, v4, vm0, $0xb8;
	[tilespmem:$0x8080] =	vst v63  }
0x6a: {  	_ = 	snop  }
0x6b: {  	[tilespmem:s15], [sflag:$0x1] =	stream.indirect_vreg.gather [hbm4b:s4+s3], $0x80, v4, vm0, $0xb8;
	[tilespmem:$0x8080] =	vst v63  }
0x6c: {  	_ = 	snop  }
0x6d: {  	[tilespmem:s16], [sflag:$0x1] =	stream.indirect_vreg.gather [hbm4b:s1+s3], $0x80, v3, vm0, $0xb8;
	[tilespmem:$0x8080] =	vst v63  }
0x6e: {  	_ = 	snop  }
0x6f: {  	[tilespmem:s17], [sflag:$0x1] =	stream.indirect_vreg.gather [hbm4b:s4+s3], $0x80, v3, vm0, $0xb8;
	[tilespmem:$0x8080] =	vst v63  }
0x70: {  	v3 =	vld [tilespmem:$0x10];
	_ =	sdelay $0x4  }
0x71: {  	v53 =	vshll.u32 v3, $0x2  }
0x72: {  	v3 =	vand.u32 $0x7, v3;
	v4 =	vand.u32 $0xFFFFFFE0, v53  }
0x73: {  	v3 =	vor.u32 v3, v4  }
0x74: {  	v4 =	vperm.xlane v3, v0;
	_ =	sdelay $0x1  }
0x75: {  	v4 =	vadd.s32 v1, v4;
	_ =	sdelay $0x1  }
0x76: {  	v3 =	vperm.xlane v3, v2;
	_ =	sdelay $0x1  }
0x77: {  	v3 =	vadd.s32 v1, v3  }
0x78: {  	[tilespmem:s18], [sflag:$0x1] =	stream.indirect_vreg.gather [hbm4b:s1+s3], $0x80, v4, vm0, $0xb8;
	[tilespmem:$0x8080] =	vst v63  }
0x79: {  	_ = 	snop  }
0x7a: {  	[tilespmem:s19], [sflag:$0x1] =	stream.indirect_vreg.gather [hbm4b:s4+s3], $0x80, v4, vm0, $0xb8;
	[tilespmem:$0x8080] =	vst v63  }
0x7b: {  	_ = 	snop  }
0x7c: {  	[tilespmem:s20], [sflag:$0x1] =	stream.indirect_vreg.gather [hbm4b:s1+s3], $0x80, v3, vm0, $0xb8;
	[tilespmem:$0x8080] =	vst v63  }
0x7d: {  	_ = 	snop  }
0x7e: {  	[tilespmem:s21], [sflag:$0x1] =	stream.indirect_vreg.gather [hbm4b:s4+s3], $0x80, v3, vm0, $0xb8;
	[tilespmem:$0x8080] =	vst v63  }
0x7f: {  	v3 =	vld [tilespmem:$0x20];
	_ =	sdelay $0x4  }
0x80: {  	v54 =	vshll.u32 v3, $0x2  }
0x81: {  	v3 =	vand.u32 $0x7, v3;
	v4 =	vand.u32 $0xFFFFFFE0, v54  }
0x82: {  	v3 =	vor.u32 v3, v4  }
0x83: {  	v4 =	vperm.xlane v3, v0;
	_ =	sdelay $0x1  }
0x84: {  	v4 =	vadd.s32 v1, v4;
	_ =	sdelay $0x1  }
0x85: {  	v3 =	vperm.xlane v3, v2;
	_ =	sdelay $0x1  }
0x86: {  	v3 =	vadd.s32 v1, v3  }
0x87: {  	[tilespmem:s22], [sflag:$0x1] =	stream.indirect_vreg.gather [hbm4b:s1+s3], $0x80, v4, vm0, $0xb8;
	[tilespmem:$0x8080] =	vst v63  }
0x88: {  	_ = 	snop  }
0x89: {  	[tilespmem:s23], [sflag:$0x1] =	stream.indirect_vreg.gather [hbm4b:s4+s3], $0x80, v4, vm0, $0xb8;
	[tilespmem:$0x8080] =	vst v63  }
0x8a: {  	_ = 	snop  }
0x8b: {  	[tilespmem:s24], [sflag:$0x1] =	stream.indirect_vreg.gather [hbm4b:s1+s3], $0x80, v3, vm0, $0xb8;
	[tilespmem:$0x8080] =	vst v63  }
0x8c: {  	_ = 	snop  }
0x8d: {  	[tilespmem:s25], [sflag:$0x1] =	stream.indirect_vreg.gather [hbm4b:s4+s3], $0x80, v3, vm0, $0xb8;
	[tilespmem:$0x8080] =	vst v63  }
0x8e: {  	v3 =	vld [tilespmem:$0x30];
	_ =	sdelay $0x4  }
0x8f: {  	v55 =	vshll.u32 v3, $0x2  }
0x90: {  	v3 =	vand.u32 $0x7, v3;
	v4 =	vand.u32 $0xFFFFFFE0, v55  }
0x91: {  	v3 =	vor.u32 v3, v4  }
0x92: {  	v4 =	vperm.xlane v3, v0;
	_ =	sdelay $0x1  }
0x93: {  	v4 =	vadd.s32 v1, v4;
	_ =	sdelay $0x1  }
0x94: {  	v3 =	vperm.xlane v3, v2;
	_ =	sdelay $0x1  }
0x95: {  	v3 =	vadd.s32 v1, v3  }
0x96: {  	[tilespmem:s26], [sflag:$0x1] =	stream.indirect_vreg.gather [hbm4b:s1+s3], $0x80, v4, vm0, $0xb8;
	[tilespmem:$0x8080] =	vst v63  }
0x97: {  	_ = 	snop  }
0x98: {  	[tilespmem:s28], [sflag:$0x1] =	stream.indirect_vreg.gather [hbm4b:s4+s3], $0x80, v4, vm0, $0xb8;
	[tilespmem:$0x8080] =	vst v63  }
0x99: {  	_ = 	snop  }
0x9a: {  	[tilespmem:s29], [sflag:$0x1] =	stream.indirect_vreg.gather [hbm4b:s1+s3], $0x80, v3, vm0, $0xb8;
	[tilespmem:$0x8080] =	vst v63  }
0x9b: {  	_ = 	snop  }
0x9c: {  	[tilespmem:s30], [sflag:$0x1] =	stream.indirect_vreg.gather [hbm4b:s4+s3], $0x80, v3, vm0, $0xb8;
	[tilespmem:$0x8080] =	vst v63  }
0x9d: {  	_ =	swait.ge [sflag:s31], $0x8000  }
0x9e: {  	[sflag:s31] =	ssyncset.done $0x0  }
0x9f: {  	[sflag:s31] =	ssyncadd.s32 $0xFFFF8000  }
0xa0: {  	[hbm4b:s7+s3] =	stream.linear.scatter [tilespmem:s14], [sflag:$0x2], $0x8000, $0x38;
	[tilespmem:$0x8080] =	vst v63  }
0xa1: {  	_ =	swait.ge [sflag:s13], $0x8000  }
0xa2: {  	[sflag:s13] =	ssyncset.done $0x0  }
0xa3: {  	[sflag:s13] =	ssyncadd.s32 $0xFFFF8000  }
0xa4: {  	[tilespmem:s3], [sflag:$0x2] =	stream.linear.gather [hbm4b:s8+s3], $0x40, $0x38;
	[tilespmem:$0x8080] =	vst v63  }
0xa5: {  	_ =	swait.ge [sflag:s13], $0x40  }
0xa6: {  	[sflag:s13] =	ssyncset.done $0x0  }
0xa7: {  	[sflag:s13] =	ssyncadd.s32 $0xFFFFFFC0  }
0xa8: {  	v3 =	vld [tilespmem:$0x0];
	_ =	sdelay $0x4  }
0xa9: {  	v56 =	vshll.u32 v3, $0x2  }
0xaa: {  	v3 =	vand.u32 $0x7, v3;
	v4 =	vand.u32 $0xFFFFFFE0, v56  }
0xab: {  	v3 =	vor.u32 v3, v4  }
0xac: {  	v4 =	vperm.xlane v3, v0;
	_ =	sdelay $0x1  }
0xad: {  	v4 =	vadd.s32 v1, v4;
	_ =	sdelay $0x1  }
0xae: {  	v3 =	vperm.xlane v3, v2;
	_ =	sdelay $0x1  }
0xaf: {  	v3 =	vadd.s32 v1, v3  }
0xb0: {  	[tilespmem:s14], [sflag:$0x1] =	stream.indirect_vreg.gather [hbm4b:s1+s3], $0x80, v4, vm0, $0xb8;
	[tilespmem:$0x8080] =	vst v63  }
0xb1: {  	_ = 	snop  }
0xb2: {  	[tilespmem:s15], [sflag:$0x1] =	stream.indirect_vreg.gather [hbm4b:s4+s3], $0x80, v4, vm0, $0xb8;
	[tilespmem:$0x8080] =	vst v63  }
0xb3: {  	_ = 	snop  }
0xb4: {  	[tilespmem:s16], [sflag:$0x1] =	stream.indirect_vreg.gather [hbm4b:s1+s3], $0x80, v3, vm0, $0xb8;
	[tilespmem:$0x8080] =	vst v63  }
0xb5: {  	_ = 	snop  }
0xb6: {  	[tilespmem:s17], [sflag:$0x1] =	stream.indirect_vreg.gather [hbm4b:s4+s3], $0x80, v3, vm0, $0xb8;
	[tilespmem:$0x8080] =	vst v63  }
0xb7: {  	v3 =	vld [tilespmem:$0x10];
	_ =	sdelay $0x4  }
0xb8: {  	v57 =	vshll.u32 v3, $0x2  }
0xb9: {  	v3 =	vand.u32 $0x7, v3;
	v4 =	vand.u32 $0xFFFFFFE0, v57  }
0xba: {  	v3 =	vor.u32 v3, v4  }
0xbb: {  	v4 =	vperm.xlane v3, v0;
	_ =	sdelay $0x1  }
0xbc: {  	v4 =	vadd.s32 v1, v4;
	_ =	sdelay $0x1  }
0xbd: {  	v3 =	vperm.xlane v3, v2;
	_ =	sdelay $0x1  }
0xbe: {  	v3 =	vadd.s32 v1, v3  }
0xbf: {  	[tilespmem:s18], [sflag:$0x1] =	stream.indirect_vreg.gather [hbm4b:s1+s3], $0x80, v4, vm0, $0xb8;
	[tilespmem:$0x8080] =	vst v63  }
0xc0: {  	_ = 	snop  }
0xc1: {  	[tilespmem:s19], [sflag:$0x1] =	stream.indirect_vreg.gather [hbm4b:s4+s3], $0x80, v4, vm0, $0xb8;
	[tilespmem:$0x8080] =	vst v63  }
0xc2: {  	_ = 	snop  }
0xc3: {  	[tilespmem:s20], [sflag:$0x1] =	stream.indirect_vreg.gather [hbm4b:s1+s3], $0x80, v3, vm0, $0xb8;
	[tilespmem:$0x8080] =	vst v63  }
0xc4: {  	_ = 	snop  }
0xc5: {  	[tilespmem:s21], [sflag:$0x1] =	stream.indirect_vreg.gather [hbm4b:s4+s3], $0x80, v3, vm0, $0xb8;
	[tilespmem:$0x8080] =	vst v63  }
0xc6: {  	v3 =	vld [tilespmem:$0x20];
	_ =	sdelay $0x4  }
0xc7: {  	v58 =	vshll.u32 v3, $0x2  }
0xc8: {  	v3 =	vand.u32 $0x7, v3;
	v4 =	vand.u32 $0xFFFFFFE0, v58  }
0xc9: {  	v3 =	vor.u32 v3, v4  }
0xca: {  	v4 =	vperm.xlane v3, v0;
	_ =	sdelay $0x1  }
0xcb: {  	v4 =	vadd.s32 v1, v4;
	_ =	sdelay $0x1  }
0xcc: {  	v3 =	vperm.xlane v3, v2;
	_ =	sdelay $0x1  }
0xcd: {  	v3 =	vadd.s32 v1, v3  }
0xce: {  	[tilespmem:s22], [sflag:$0x1] =	stream.indirect_vreg.gather [hbm4b:s1+s3], $0x80, v4, vm0, $0xb8;
	[tilespmem:$0x8080] =	vst v63  }
0xcf: {  	_ = 	snop  }
0xd0: {  	[tilespmem:s23], [sflag:$0x1] =	stream.indirect_vreg.gather [hbm4b:s4+s3], $0x80, v4, vm0, $0xb8;
	[tilespmem:$0x8080] =	vst v63  }
0xd1: {  	_ = 	snop  }
0xd2: {  	[tilespmem:s24], [sflag:$0x1] =	stream.indirect_vreg.gather [hbm4b:s1+s3], $0x80, v3, vm0, $0xb8;
	[tilespmem:$0x8080] =	vst v63  }
0xd3: {  	_ = 	snop  }
0xd4: {  	[tilespmem:s25], [sflag:$0x1] =	stream.indirect_vreg.gather [hbm4b:s4+s3], $0x80, v3, vm0, $0xb8;
	[tilespmem:$0x8080] =	vst v63  }
0xd5: {  	v3 =	vld [tilespmem:$0x30];
	_ =	sdelay $0x4  }
0xd6: {  	v59 =	vshll.u32 v3, $0x2  }
0xd7: {  	v3 =	vand.u32 $0x7, v3;
	v4 =	vand.u32 $0xFFFFFFE0, v59  }
0xd8: {  	v3 =	vor.u32 v3, v4  }
0xd9: {  	v4 =	vperm.xlane v3, v0;
	_ =	sdelay $0x1  }
0xda: {  	v4 =	vadd.s32 v1, v4;
	_ =	sdelay $0x1  }
0xdb: {  	v3 =	vperm.xlane v3, v2;
	_ =	sdelay $0x1  }
0xdc: {  	v3 =	vadd.s32 v1, v3  }
0xdd: {  	[tilespmem:s26], [sflag:$0x1] =	stream.indirect_vreg.gather [hbm4b:s1+s3], $0x80, v4, vm0, $0xb8;
	[tilespmem:$0x8080] =	vst v63  }
0xde: {  	_ = 	snop  }
0xdf: {  	[tilespmem:s28], [sflag:$0x1] =	stream.indirect_vreg.gather [hbm4b:s4+s3], $0x80, v4, vm0, $0xb8;
	[tilespmem:$0x8080] =	vst v63  }
0xe0: {  	_ = 	snop  }
0xe1: {  	[tilespmem:s29], [sflag:$0x1] =	stream.indirect_vreg.gather [hbm4b:s1+s3], $0x80, v3, vm0, $0xb8;
	[tilespmem:$0x8080] =	vst v63  }
0xe2: {  	_ = 	snop  }
0xe3: {  	[tilespmem:s30], [sflag:$0x1] =	stream.indirect_vreg.gather [hbm4b:s4+s3], $0x80, v3, vm0, $0xb8;
	[tilespmem:$0x8080] =	vst v63  }
0xe4: {  	_ =	swait.ge [sflag:s31], $0x8000  }
0xe5: {  	[sflag:s31] =	ssyncset.done $0x0  }
0xe6: {  	[sflag:s31] =	ssyncadd.s32 $0xFFFF8000  }
0xe7: {  	[hbm4b:s9+s3] =	stream.linear.scatter [tilespmem:s14], [sflag:$0x2], $0x8000, $0x38;
	[tilespmem:$0x8080] =	vst v63  }
0xe8: {  	_ =	swait.ge [sflag:s13], $0x8000  }
0xe9: {  	[sflag:s13] =	ssyncset.done $0x0  }
0xea: {  	[sflag:s13] =	ssyncadd.s32 $0xFFFF8000  }
0xeb: {  	[tilespmem:s3], [sflag:$0x2] =	stream.linear.gather [hbm4b:s10+s3], $0x40, $0x38;
	[tilespmem:$0x8080] =	vst v63  }
0xec: {  	_ =	swait.ge [sflag:s13], $0x40  }
0xed: {  	[sflag:s13] =	ssyncset.done $0x0  }
0xee: {  	[sflag:s13] =	ssyncadd.s32 $0xFFFFFFC0  }
0xef: {  	v3 =	vld [tilespmem:$0x0];
	_ =	sdelay $0x4  }
0xf0: {  	v60 =	vshll.u32 v3, $0x2  }
0xf1: {  	v3 =	vand.u32 $0x7, v3;
	v4 =	vand.u32 $0xFFFFFFE0, v60  }
0xf2: {  	v3 =	vor.u32 v3, v4  }
0xf3: {  	v4 =	vperm.xlane v3, v0;
	_ =	sdelay $0x1  }
0xf4: {  	v4 =	vadd.s32 v1, v4;
	_ =	sdelay $0x1  }
0xf5: {  	v3 =	vperm.xlane v3, v2;
	_ =	sdelay $0x1  }
0xf6: {  	v3 =	vadd.s32 v1, v3  }
0xf7: {  	[tilespmem:s14], [sflag:$0x1] =	stream.indirect_vreg.gather [hbm4b:s1+s3], $0x80, v4, vm0, $0xb8;
	[tilespmem:$0x8080] =	vst v63  }
0xf8: {  	_ = 	snop  }
0xf9: {  	[tilespmem:s15], [sflag:$0x1] =	stream.indirect_vreg.gather [hbm4b:s4+s3], $0x80, v4, vm0, $0xb8;
	[tilespmem:$0x8080] =	vst v63  }
0xfa: {  	_ = 	snop  }
0xfb: {  	[tilespmem:s16], [sflag:$0x1] =	stream.indirect_vreg.gather [hbm4b:s1+s3], $0x80, v3, vm0, $0xb8;
	[tilespmem:$0x8080] =	vst v63  }
0xfc: {  	_ = 	snop  }
0xfd: {  	[tilespmem:s17], [sflag:$0x1] =	stream.indirect_vreg.gather [hbm4b:s4+s3], $0x80, v3, vm0, $0xb8;
	[tilespmem:$0x8080] =	vst v63  }
0xfe: {  	v3 =	vld [tilespmem:$0x10];
	_ =	sdelay $0x4  }
0xff: {  	v61 =	vshll.u32 v3, $0x2  }
0x100: {  	v3 =	vand.u32 $0x7, v3;
	v4 =	vand.u32 $0xFFFFFFE0, v61  }
0x101: {  	v3 =	vor.u32 v3, v4  }
0x102: {  	v4 =	vperm.xlane v3, v0;
	_ =	sdelay $0x1  }
0x103: {  	v4 =	vadd.s32 v1, v4;
	_ =	sdelay $0x1  }
0x104: {  	v3 =	vperm.xlane v3, v2;
	_ =	sdelay $0x1  }
0x105: {  	v3 =	vadd.s32 v1, v3  }
0x106: {  	[tilespmem:s18], [sflag:$0x1] =	stream.indirect_vreg.gather [hbm4b:s1+s3], $0x80, v4, vm0, $0xb8;
	[tilespmem:$0x8080] =	vst v63  }
0x107: {  	_ = 	snop  }
0x108: {  	[tilespmem:s19], [sflag:$0x1] =	stream.indirect_vreg.gather [hbm4b:s4+s3], $0x80, v4, vm0, $0xb8;
	[tilespmem:$0x8080] =	vst v63  }
0x109: {  	_ = 	snop  }
0x10a: {  	[tilespmem:s20], [sflag:$0x1] =	stream.indirect_vreg.gather [hbm4b:s1+s3], $0x80, v3, vm0, $0xb8;
	[tilespmem:$0x8080] =	vst v63  }
0x10b: {  	_ = 	snop  }
0x10c: {  	[tilespmem:s21], [sflag:$0x1] =	stream.indirect_vreg.gather [hbm4b:s4+s3], $0x80, v3, vm0, $0xb8;
	[tilespmem:$0x8080] =	vst v63  }
0x10d: {  	v3 =	vld [tilespmem:$0x20];
	_ =	sdelay $0x4  }
0x10e: {  	v62 =	vshll.u32 v3, $0x2  }
0x10f: {  	v3 =	vand.u32 $0x7, v3;
	v4 =	vand.u32 $0xFFFFFFE0, v62  }
0x110: {  	v3 =	vor.u32 v3, v4  }
0x111: {  	v4 =	vperm.xlane v3, v0;
	_ =	sdelay $0x1  }
0x112: {  	v4 =	vadd.s32 v1, v4;
	_ =	sdelay $0x1  }
0x113: {  	v3 =	vperm.xlane v3, v2;
	_ =	sdelay $0x1  }
0x114: {  	v3 =	vadd.s32 v1, v3  }
0x115: {  	[tilespmem:s22], [sflag:$0x1] =	stream.indirect_vreg.gather [hbm4b:s1+s3], $0x80, v4, vm0, $0xb8;
	[tilespmem:$0x8080] =	vst v63  }
0x116: {  	_ = 	snop  }
0x117: {  	[tilespmem:s23], [sflag:$0x1] =	stream.indirect_vreg.gather [hbm4b:s4+s3], $0x80, v4, vm0, $0xb8;
	[tilespmem:$0x8080] =	vst v63  }
0x118: {  	_ = 	snop  }
0x119: {  	[tilespmem:s24], [sflag:$0x1] =	stream.indirect_vreg.gather [hbm4b:s1+s3], $0x80, v3, vm0, $0xb8;
	[tilespmem:$0x8080] =	vst v63  }
0x11a: {  	_ = 	snop  }
0x11b: {  	[tilespmem:s25], [sflag:$0x1] =	stream.indirect_vreg.gather [hbm4b:s4+s3], $0x80, v3, vm0, $0xb8;
	[tilespmem:$0x8080] =	vst v63  }
0x11c: {  	v3 =	vld [tilespmem:$0x30];
	_ =	sdelay $0x4  }
0x11d: {  	v63 =	vshll.u32 v3, $0x2  }
0x11e: {  	v3 =	vand.u32 $0x7, v3;
	v4 =	vand.u32 $0xFFFFFFE0, v63  }
0x11f: {  	v3 =	vor.u32 v3, v4  }
0x120: {  	v4 =	vperm.xlane v3, v0;
	_ =	sdelay $0x1  }
0x121: {  	v4 =	vadd.s32 v1, v4;
	_ =	sdelay $0x1  }
0x122: {  	v3 =	vperm.xlane v3, v2;
	_ =	sdelay $0x1  }
0x123: {  	v3 =	vadd.s32 v1, v3  }
0x124: {  	[tilespmem:s26], [sflag:$0x1] =	stream.indirect_vreg.gather [hbm4b:s1+s3], $0x80, v4, vm0, $0xb8;
	[tilespmem:$0x8080] =	vst v63  }
0x125: {  	_ = 	snop  }
0x126: {  	[tilespmem:s28], [sflag:$0x1] =	stream.indirect_vreg.gather [hbm4b:s4+s3], $0x80, v4, vm0, $0xb8;
	[tilespmem:$0x8080] =	vst v63  }
0x127: {  	_ = 	snop  }
0x128: {  	[tilespmem:s29], [sflag:$0x1] =	stream.indirect_vreg.gather [hbm4b:s1+s3], $0x80, v3, vm0, $0xb8;
	[tilespmem:$0x8080] =	vst v63  }
0x129: {  	_ = 	snop  }
0x12a: {  	[tilespmem:s30], [sflag:$0x1] =	stream.indirect_vreg.gather [hbm4b:s4+s3], $0x80, v3, vm0, $0xb8;
	[tilespmem:$0x8080] =	vst v63  }
0x12b: {  	_ =	swait.ge [sflag:s31], $0x8000  }
0x12c: {  	p0 =	sne.s32 s12, $0x1;
	[sflag:s31] =	ssyncset.done $0x0  }
.Ltmp0:
0x12d: {  	[sflag:s31] =	ssyncadd.s32 $0xFFFF8000;
	(pc) =	sbr.rel @p0 .LBB2_1-.Ltmp0, $4  }
0x12e: {  	[hbm4b:s11+s3] =	stream.linear.scatter [tilespmem:s14], [sflag:$0x2], $0x8000, $0x38;
	[tilespmem:$0x8080] =	vst v63  }
0x12f: {  	_ =	swait.ge [sflag:s13], $0x8000  }
0x130: {  	[sflag:s13] =	ssyncset.done $0x0  }
0x131: {  	s12 =	sadd.s32 $0xFFFFFFFF, s12;
	[sflag:s13] =	ssyncadd.s32 $0xFFFF8000  }
0x132: {  	_ =	sfence.sel $0x180000  }
0x133: {  	[bflag:$0x0] =	sbarrier.arrive $0xFFFF  }
0x134: {  	_ =	strace $0x9000004A  }
0x135: {  	[bflag:$0x2] =	sbarrier.arrive $0xFFFF  }
0x136: {  	p0 =	sne.s32 s2, $0x0;
	s0 =	rddreg [dreg:$0x2]  }
0x137: {  	s0 =	sadd.s32 @!p0 $0x100000, s0  }
0x138: {  	[sflag:s0] =	ssyncadd.tile.s32 @!p0 $0x1;
	_ =	shalt  }
.Lfunc_end2:
_tile_overlayer_lowered:
.L_overlay_start_2:
0x139: {  	(tag) =	ssettag $0x2  }
0x13a: {  	s0 =	rddreg [dreg:$0x0];
	s2 =	stileid.u32  }
0x13b: {  	s1 =	rddreg [dreg:$0x1];
	p0 =	sne.s32 s2, $0x0  }
0x13c: {  	s3 =	rddreg [dreg:$0x2];
	[bflag:$0x3] =	sbarrier.arrive $0xFFFF;
	s2 =	simm.s32 @!p0 $0x1C02  }
0x13d: {  	[timem:s3], [sflag:s2] =	dma.local @!p0 [hbm:s0], s1  }
0x13e: {  	s0 =	simm.s32 @!p0 $0x2  }
0x13f: {  	_ =	swait.ge @!p0 [sflag:s0], s1  }
0x140: {  	s1 =	ssub.s32 @!p0 $0x0, s1;
	[sflag:s0] =	ssyncset.done @!p0 $0x0  }
0x141: {  	[sflag:s0] =	ssyncadd.s32 @!p0 s1  }
0x142: {  	[bflag:$0x3] =	sbarrier.arrive $0xFFFF  }
0x143: {  	_ =	shalt  }

// kernel: kernel.20.cloned.1.call-start
scs
__scs_entry_jumppad:
0x0: {  	(pc) =	sbr.rel $0x88, $3  }
0x1: {  	(tag) =	ssettag $0x0;
	lr =	simm.s32 $0x1  }
0x2: {  	[smem:$0x3F83] =	sst lr;
	_ =	strace $0xD0000000  }
0x3: {  	_ = 	snop  }
0x4: {  	_ = 	snop  }
0x5: {  	_ = 	snop  }
0x6: {  	_ = 	snop  }
0x7: {  	_ = 	snop  }
__scs_overlays_trampoline_lowered:
0x8: {  	[smem:$0x3F92] =	sst s0  }
0x9: {  	[smem:$0x3F93] =	sst s1  }
0xa: {  	[smem:$0x3F94] =	sst s2  }
0xb: {  	[smem:$0x3F95] =	sst s3  }
0xc: {  	[smem:$0x3F96] =	sst s4  }
0xd: {  	[smem:$0x3F97] =	sst s5  }
0xe: {  	[smem:$0x3F98] =	sst s6  }
0xf: {  	[smem:$0x3F99] =	sst s7  }
0x10: {  	[smem:$0x3F9A] =	sst s8  }
0x11: {  	[smem:$0x3F9B] =	sst s9;
	s0 =	simm.s32 @!p0 $0x0  }
0x12: {  	s1 =	sld [smem:$0x3F81];
	s0 =	simm.s32 @p0 $0x1  }
0x13: {  	[smem:$0x3F9C] =	sst s0;
	s0 =	simm.s32 @!p1 $0x0  }
0x14: {  	s2 =	sld [smem:$0x3F80];
	s0 =	simm.s32 @p1 $0x1  }
0x15: {  	[smem:$0x3F9D] =	sst s0;
	s0 =	simm.s32 @!p2 $0x0  }
0x16: {  	s3 =	sld [smem:$0x3FDB];
	s0 =	simm.s32 @p2 $0x1  }
0x17: {  	s4 =	simm.s32 $0x1BF5;
	[smem:$0x3F9F] =	sst s0  }
0x18: {  	s0 =	sld [smem:$0x3F82];
	_ =	swait.ge [sflag:s4], $0x0  }
0x19: {  	s7 =	sld [smem:$0x3F83]  }
0x1a: {  	s8 =	sadd.s32 $0xFFFFE003, lr  }
0x1b: {  	s9 =	sadd.s32 $0xFFFFFEF7, lr;
	s5 =	simm.s32 $0xFFFFFFFF;
	p2 =	slt.u32 s8, $0xFFFFF086  }
0x1c: {  	p1 =	slt.u32 s9, $0xF7A;
	s5 =	simm.s32 @!p2 $0x0  }
0x1d: {  	s5 =	simm.s32 @p1 $0x1;
	p0 =	seq.s32 s7, s2  }
0x1e: {  	s7 =	smul.u32 @!p0 $0xF7A, s2;
	p2 =	seq.s32 @!p0 s5, $0x0  }
0x1f: {  	s9 =	smul.u32 $0xF7A, s1;
	s8 =	simm.s32 @!p0 $0x1BF5;
	p2 =	por !p2, p0  }
0x20: {  	[sflag:s8] =	ssyncset.s32 @!p0 $0xFFFFF086;
	s6 =	sadd.s32 @!p0 s3, s7;
	s7 =	simm.s32 @!p0 $0x108  }
0x21: {  	s3 =	sadd.s32 s3, s9;
	s6 =	sadd.s32 @!p0 $0x88, s6;
	s7 =	simm.s32 @p2 $0x1082  }
0x22: {  	[simem:s7], [sflag:s8] =	dma.local @!p0 [hbm:s6], $0xF7A  }
0x23: {  	s9 =	sor.u32 $0xD0000000, s2;
	s6 =	simm.s32 $0x108;
	_ =	swait.ge @!p0 [sflag:s8], $0x0  }
0x24: {  	s3 =	sadd.s32 $0x88, s3;
	s6 =	simm.s32 @!p1 $0x1082;
	[sflag:s4] =	ssyncset.s32 $0xFFFFF086  }
0x25: {  	[simem:s6], [sflag:s4] =	dma.local [hbm:s3], $0xF7A  }
0x26: {  	[smem:$0x3F83] =	sst s1;
	(tag) =	ssettag s2;
	_ =	strace s9  }
0x27: {  	s1 =	sld [smem:$0x3F93]  }
0x28: {  	s2 =	sld [smem:$0x3F94]  }
0x29: {  	s4 =	sld [smem:$0x3F96]  }
0x2a: {  	p0 =	seq.s32 s5, $0x0;
	s5 =	sld [smem:$0x3F97]  }
0x2b: {  	s6 =	sld [smem:$0x3F98]  }
0x2c: {  	s7 =	sld [smem:$0x3F99]  }
0x2d: {  	s3 =	simm.s32 $0x108;
	s8 =	sld [smem:$0x3F9A]  }
0x2e: {  	s3 =	simm.s32 @!p0 $0x1082;
	s9 =	sld [smem:$0x3F9B]  }
0x2f: {  	lr =	sadd.s32 s0, s3;
	s0 =	sld [smem:$0x3F92]  }
0x30: {  	s3 =	sld [smem:$0x3F95]  }
0x31: {  	[smem:$0x3F9E] =	sst s10  }
0x32: {  	s10 =	sld [smem:$0x3F9C];
	_ =	sdelay $0x3  }
0x33: {  	p0 =	seq.s32 s10, $0x1;
	s10 =	sld [smem:$0x3F9E];
	_ =	sdelay $0x3  }
0x34: {  	[smem:$0x3F9E] =	sst s10  }
0x35: {  	s10 =	sld [smem:$0x3F9D];
	_ =	sdelay $0x3  }
0x36: {  	p1 =	seq.s32 s10, $0x1;
	s10 =	sld [smem:$0x3F9E];
	_ =	sdelay $0x3  }
0x37: {  	[smem:$0x3F9E] =	sst s10  }
0x38: {  	s10 =	sld [smem:$0x3F9F]  }
0x39: {  	_ = 	snop;
	(pc) =	sbr.ind lr, $3  }
0x3a: {  	_ = 	snop  }
0x3b: {  	_ = 	snop  }
0x3c: {  	p2 =	seq.s32 s10, $0x1;
	s10 =	sld [smem:$0x3F9E]  }
0x3d: {  	_ =	shalt  }
0x3e: {  	_ =	shalt  }
0x3f: {  	_ =	shalt  }
0x40: {  	_ =	shalt  }
0x41: {  	_ =	shalt  }
0x42: {  	_ =	shalt  }
0x43: {  	_ =	shalt  }
0x44: {  	_ =	shalt  }
0x45: {  	_ =	shalt  }
0x46: {  	_ =	shalt  }
0x47: {  	_ =	shalt  }
0x48: {  	_ =	shalt  }
0x49: {  	_ =	shalt  }
0x4a: {  	_ =	shalt  }
0x4b: {  	_ =	shalt  }
0x4c: {  	_ =	shalt  }
0x4d: {  	_ =	shalt  }
0x4e: {  	_ =	shalt  }
0x4f: {  	_ =	shalt  }
0x50: {  	_ =	shalt  }
0x51: {  	_ =	shalt  }
0x52: {  	_ =	shalt  }
0x53: {  	_ =	shalt  }
0x54: {  	_ =	shalt  }
0x55: {  	_ =	shalt  }
0x56: {  	_ =	shalt  }
0x57: {  	_ =	shalt  }
0x58: {  	_ =	shalt  }
0x59: {  	_ =	shalt  }
0x5a: {  	_ =	shalt  }
0x5b: {  	_ =	shalt  }
0x5c: {  	_ =	shalt  }
0x5d: {  	_ =	shalt  }
0x5e: {  	_ =	shalt  }
0x5f: {  	_ =	shalt  }
0x60: {  	_ =	shalt  }
0x61: {  	_ =	shalt  }
0x62: {  	_ =	shalt  }
0x63: {  	_ =	shalt  }
0x64: {  	_ =	shalt  }
0x65: {  	_ =	shalt  }
0x66: {  	_ =	shalt  }
0x67: {  	_ =	shalt  }
0x68: {  	_ =	shalt  }
0x69: {  	_ =	shalt  }
0x6a: {  	_ =	shalt  }
0x6b: {  	_ =	shalt  }
0x6c: {  	_ =	shalt  }
0x6d: {  	_ =	shalt  }
0x6e: {  	_ =	shalt  }
0x6f: {  	_ =	shalt  }
0x70: {  	_ =	shalt  }
0x71: {  	_ =	shalt  }
0x72: {  	_ =	shalt  }
0x73: {  	_ =	shalt  }
0x74: {  	_ =	shalt  }
0x75: {  	_ =	shalt  }
0x76: {  	_ =	shalt  }
0x77: {  	_ =	shalt  }
0x78: {  	_ =	shalt  }
0x79: {  	_ =	shalt  }
0x7a: {  	_ =	shalt  }
0x7b: {  	_ =	shalt  }
0x7c: {  	_ =	shalt  }
0x7d: {  	_ =	shalt  }
0x7e: {  	_ =	shalt  }
0x7f: {  	_ =	shalt  }
0x80: {  	_ =	shalt  }
0x81: {  	_ =	shalt  }
0x82: {  	_ =	shalt  }
0x83: {  	_ =	shalt  }
0x84: {  	_ =	shalt  }
0x85: {  	_ =	shalt  }
0x86: {  	_ =	shalt  }
0x87: {  	_ =	shalt  }
.Lfunc_end0:
.L_simem_size_0:
called_computation.3_lowered:
.L_overlay_start_0:
0x88: {  	s2 =	sld [smem:$0x3FD9]  }
0x89: {  	s3 =	sld [smem:$0x3FFE];
	_ =	sdelay $0x1  }
0x8a: {  	s1 =	srdreg.scid  }
0x8b: {  	s0 =	sand.u32 $0x1, s1  }
0x8c: {  	s17 =	sshll.u32 s0, $0xA;
	s2 =	sadd.s32 s3, s2  }
0x8d: {  	s2 =	sadd.s32 s2, s17  }
0x8e: {  	[smem:$0x3FAA] =	sst s2  }
0x8f: {  	_ = 	snop  }
0x90: {  	s18 =	sld [smem:$0x3FAD];
	(tm) =	ssettm $0x1  }
0x91: {  	s19 =	sld [smem:$0x3FFB];
	_ =	sdelay $0x3  }
0x92: {  	_ =	strace s19  }
0x93: {  	s2 =	sld [smem:$0x3FFC];
	_ =	sdelay $0x3  }
0x94: {  	_ =	strace s2  }
0x95: {  	s2 =	sld [smem:$0x3FFD];
	_ =	sdelay $0x3  }
0x96: {  	_ =	strace s2  }
0x97: {  	_ =	strace $0x8FFFFFFF  }
0x98: {  	s20 =	sld [smem:$0x3FDB];
	_ =	sdelay $0x1  }
0x99: {  	s4 =	simm.s32 $_scs_section_size  }
0x9a: {  	s5 =	simm.s32 $_size__tile_overlayer_lowered;
	s6 =	simm.s32 $_tile_overlayer_lowered  }
0x9b: {  	s7 =	simm.s32 $0x1BFF;
	s21 =	sshll.u32 s6, $0x1;
	s4 =	sadd.s32 s4, s20  }
0x9c: {  	s22 =	simm.s32 $0x0;
	s5 =	sshll.u32 s5, $0x1;
	s6 =	sadd.s32 s21, s4  }
0x9d: {  	[timem:s22], [sflag:s7] =	dma.local [hbm:s6], s5  }
0x9e: {  	_ =	swait.ge [sflag:s7], s5  }
0x9f: {  	s5 =	ssub.s32 $0x0, s5;
	[sflag:s7] =	ssyncset.done $0x0  }
0xa0: {  	[sflag:s7] =	ssyncadd.s32 s5;
	_ =	sdelay $0x1  }
0xa1: {  	s23 =	simm.s32 $0x1B8B  }
0xa2: {  	_ =	swait.ge [sflag:s23], $0x1  }
0xa3: {  	[sflag:s23] =	ssyncset.done $0x0  }
0xa4: {  	[sflag:s23] =	ssyncadd.s32 $0xFFFFFFFF  }
0xa5: {  	s5 =	sld [smem:$0x0]  }
0xa6: {  	s6 =	sand.u32 $0xFFFFFFFE, s1  }
0xa7: {  	p0 =	sne.s32 s1, s6  }
0xa8: {  	s6 =	sshll.u32 @p0 s6, $0xE  }
0xa9: {  	s6 =	sadd.s32 @p0 $0x11B8D, s6;
	s7 =	sshll.u32 @p0 s5, $0x11  }
0xaa: {  	s6 =	sor.u32 @p0 s7, s6  }
0xab: {  	[sflag:s6] =	ssyncadd.remote.s32 @p0 $0x1;
	_ =	sdelay $0x1  }
0xac: {  	s6 =	simm.s32 @p0 $0x1B8D  }
0xad: {  	_ =	swait.eq @p0 [sflag:s6], $0x1  }
0xae: {  	[sflag:s6] =	ssyncadd.s32 @p0 $0xFFFFFFFF  }
0xaf: {  	s7 =	sshll.u32 @!p0 s1, $0xE  }
0xb0: {  	s7 =	sor.u32 @!p0 $0x4000, s7;
	s6 =	simm.s32 @!p0 $0x1B8D  }
0xb1: {  	s5 =	sshll.u32 @!p0 s5, $0x11;
	s7 =	sadd.s32 @!p0 $0x11B8D, s7;
	_ =	swait.eq @!p0 [sflag:s6], $0x1  }
0xb2: {  	s5 =	sor.u32 @!p0 s5, s7;
	[sflag:s6] =	ssyncadd.s32 @!p0 $0xFFFFFFFF  }
0xb3: {  	s25 =	simm.s32 $0x1B8E;
	s24 =	sld [smem:$0x3FFE];
	[sflag:s5] =	ssyncadd.remote.s32 @!p0 $0x1  }
0xb4: {  	s26 =	simm.s32 $execute0_lowered;
	[smem:$0x3FD2] =	sst s25  }
0xb5: {  	s6 =	sshll.u32 s26, $0x1;
	_ =	strace $0x8000004F;
	[dreg:$0x1] =	wrdreg $0xFFFFFFFF  }
0xb6: {  	s28 =	simm.s32 $_size_execute0_lowered;
	s4 =	sadd.s32 s4, s6;
	[dreg:$0x0] =	wrdreg $0x0  }
0xb7: {  	s6 =	sshll.u32 s28, $0x1;
	[dreg:$0x2] =	wrdreg s4  }
0xb8: {  	[dreg:$0x3] =	wrdreg s6  }
0xb9: {  	[dreg:$0x4] =	wrdreg $0xC0  }
0xba: {  	_ =	task [dreg:s22], $0x5FFFF  }
0xbb: {  	[dreg:$0x1] =	wrdreg $0xFFFFFFFF  }
0xbc: {  	[dreg:$0x0] =	wrdreg $0x60  }
0xbd: {  	[dreg:$0x2] =	wrdreg s18  }
0xbe: {  	[dreg:$0x3] =	wrdreg s24  }
0xbf: {  	[dreg:$0x4] =	wrdreg $0xB  }
0xc0: {  	_ =	task.clear_ibuf [dreg:s22], $0x5FFFF;
	_ =	strace $0x9000004F  }
0xc1: {  	s29 =	simm.s32 $0xB;
	_ =	strace $0x80000051  }
0xc2: {  	_ =	swait.ge [sflag:s29], $0x1  }
0xc3: {  	[sflag:s29] =	ssyncadd.s32 $0xFFFFFFFF  }
0xc4: {  	_ =	strace $0x90000051  }
0xc5: {  	_ =	sfence  }
0xc6: {  	s30 =	sld [smem:$0x0];
	_ =	sdelay $0x2  }
0xc7: {  	s31 =	sshll.u32 s1, $0xD;
	s1 =	sshrl.u32 s1, $0x2  }
0xc8: {  	s4 =	sand.u32 $0x4000, s31;
	s1 =	sadd.s32 s1, s30  }
0xc9: {  	s0 =	sor.u32 s4, s0;
	s1 =	sshll.u32 s1, $0x11  }
0xca: {  	s0 =	sor.u32 s1, s0  }
0xcb: {  	s0 =	sadd.s32 $0x8F2B, s0  }
0xcc: {  	[sflag:s0] =	ssyncadd.remote.s32 $0x1  }
0xcd: {  	_ =	sfence.sel $0xFFFF  }
0xce: {  	[dreg:$0x0] =	wrdreg $0xFFFFFFFF;
	(pc) =	sbr.abs _section_cstart, $3  }
0xcf: {  	[dreg:$0x1] =	wrdreg $0xFFFFFFFF  }
0xd0: {  	_ =	task.clear_ibuf [dreg:s22], $0x2FFFF;
	_ =	strace $0x9FFFFFFF  }
0xd1: {  	(tm) =	ssettm $0x7FFFFFFF  }
tec
execute0_lowered:
.L_overlay_start_1:
0x0: {  	(tag) =	ssettag $0x1  }
0x1: {  	s1 =	rddreg [dreg:$0x0]  }
0x2: {  	s4 =	rddreg [dreg:$0x1]  }
0x3: {  	s5 =	srdreg.scid;
	s3 =	simm.s32 $0x0;
	s2 =	stileid.u32  }
0x4: {  	s15 =	simm.s32 $0x880;
	s16 =	simm.s32 $0x1080;
	s17 =	simm.s32 $0x1880  }
0x5: {  	s18 =	simm.s32 $0x2080;
	s19 =	simm.s32 $0x2880;
	s20 =	simm.s32 $0x3080  }
0x6: {  	s28 =	simm.s32 $0x6880;
	s29 =	simm.s32 $0x7080;
	s30 =	simm.s32 $0x7880  }
0x7: {  	s31 =	simm.s32 $0x1;
	[smem:$0x7FF] =	sst s3;
	s6 =	sshll.u32 s2, $0x9  }
0x8: {  	s5 =	sand.u32 $0x1, s5;
	s10 =	sadd.s32 $0x104E00, s4;
	s11 =	sadd.s32 $0x105200, s4  }
0x9: {  	s4 =	sadd.s32 $0x100, s1;
	s7 =	sshll.u32 s5, $0x8;
	s5 =	ssub.s32 $0x2, s5  }
0xa: {  	_ =	strace $0x80000050;
	s9 =	sor.u32 s7, s6;
	s21 =	sshrl.u32 s5, $0x1  }
0xb: {  	s6 =	sshrl.u32 s9, $0x3;
	s12 =	ssub.s32 s5, s21;
	s22 =	sshll.u32 s9, $0x6  }
0xc: {  	s23 =	sor.u32 $0x40, s9;
	s13 =	sor.u32 $0x80, s9;
	s14 =	sor.u32 $0xC0, s9  }
0xd: {  	s21 =	simm.s32 $0x3880;
	s6 =	sadd.s32 s10, s6;
	s5 =	sadd.s32 s11, s22  }
0xe: {  	s24 =	sshrl.u32 s23, $0x3;
	s8 =	sshll.u32 s23, $0x6;
	s25 =	sshrl.u32 s13, $0x3  }
0xf: {  	s13 =	sshll.u32 s13, $0x6;
	s26 =	sshrl.u32 s14, $0x3;
	s14 =	sshll.u32 s14, $0x6  }
0x10: {  	s12 =	smax.u32 s12, $0x1;
	s22 =	simm.s32 $0x4080;
	s23 =	simm.s32 $0x4880  }
0x11: {  	[dreg:$0x3] =	wrdreg s6;
	s6 =	sadd.s32 s10, s24;
	s7 =	sadd.s32 s11, s8  }
0x12: {  	v2 =	vlaneseq.u32;
	s8 =	sadd.s32 s10, s25;
	s9 =	sadd.s32 s11, s13;
	s10 =	sadd.s32 s10, s26  }
0x13: {  	vm0 =	vmmov $0xffff;
	v1 =	vshrl.u32 v2, $0x3;
	s11 =	sadd.s32 s11, s14;
	s13 =	simm.s32 $0x2;
	s14 =	simm.s32 $0x80  }
0x14: {  	v0 =	vand.u32 $0x7, v2;
	v2 =	vor.u32 $0x8, v2;
	v1 =	vmul.u32 $0x8, v1;
	s24 =	simm.s32 $0x5080;
	s25 =	simm.s32 $0x5880;
	s26 =	simm.s32 $0x6080  }
.LBB2_1:
0x15: {  	s0 =	rddreg [dreg:$0x3]  }
0x16: {  	[tilespmem:s3], [sflag:$0x2] =	stream.linear.gather [hbm4b:s0+s3], $0x40, $0x38;
	[tilespmem:$0x8080] =	vst v63  }
0x17: {  	_ =	swait.ge [sflag:s13], $0x40  }
0x18: {  	[sflag:s13] =	ssyncset.done $0x0  }
0x19: {  	[sflag:s13] =	ssyncadd.s32 $0xFFFFFFC0  }
0x1a: {  	v3 =	vld [tilespmem:$0x0];
	_ =	sdelay $0x4  }
0x1b: {  	v4 =	vshll.u32 v3, $0x2  }
0x1c: {  	v3 =	vand.u32 $0x7, v3;
	v4 =	vand.u32 $0xFFFFFFE0, v4  }
0x1d: {  	v3 =	vor.u32 v3, v4  }
0x1e: {  	v4 =	vperm.xlane v3, v0;
	_ =	sdelay $0x1  }
0x1f: {  	v4 =	vadd.s32 v1, v4;
	_ =	sdelay $0x1  }
0x20: {  	v3 =	vperm.xlane v3, v2;
	_ =	sdelay $0x1  }
0x21: {  	v3 =	vadd.s32 v1, v3  }
0x22: {  	[tilespmem:s14], [sflag:$0x1] =	stream.indirect_vreg.gather [hbm4b:s1+s3], $0x80, v4, vm0, $0xb8;
	[tilespmem:$0x8080] =	vst v63  }
0x23: {  	_ = 	snop  }
0x24: {  	[tilespmem:s15], [sflag:$0x1] =	stream.indirect_vreg.gather [hbm4b:s4+s3], $0x80, v4, vm0, $0xb8;
	[tilespmem:$0x8080] =	vst v63  }
0x25: {  	_ = 	snop  }
0x26: {  	[tilespmem:s16], [sflag:$0x1] =	stream.indirect_vreg.gather [hbm4b:s1+s3], $0x80, v3, vm0, $0xb8;
	[tilespmem:$0x8080] =	vst v63  }
0x27: {  	_ = 	snop  }
0x28: {  	[tilespmem:s17], [sflag:$0x1] =	stream.indirect_vreg.gather [hbm4b:s4+s3], $0x80, v3, vm0, $0xb8;
	[tilespmem:$0x8080] =	vst v63  }
0x29: {  	v3 =	vld [tilespmem:$0x10];
	_ =	sdelay $0x4  }
0x2a: {  	v49 =	vshll.u32 v3, $0x2  }
0x2b: {  	v3 =	vand.u32 $0x7, v3;
	v4 =	vand.u32 $0xFFFFFFE0, v49  }
0x2c: {  	v3 =	vor.u32 v3, v4  }
0x2d: {  	v4 =	vperm.xlane v3, v0;
	_ =	sdelay $0x1  }
0x2e: {  	v4 =	vadd.s32 v1, v4;
	_ =	sdelay $0x1  }
0x2f: {  	v3 =	vperm.xlane v3, v2;
	_ =	sdelay $0x1  }
0x30: {  	v3 =	vadd.s32 v1, v3  }
0x31: {  	[tilespmem:s18], [sflag:$0x1] =	stream.indirect_vreg.gather [hbm4b:s1+s3], $0x80, v4, vm0, $0xb8;
	[tilespmem:$0x8080] =	vst v63  }
0x32: {  	_ = 	snop  }
0x33: {  	[tilespmem:s19], [sflag:$0x1] =	stream.indirect_vreg.gather [hbm4b:s4+s3], $0x80, v4, vm0, $0xb8;
	[tilespmem:$0x8080] =	vst v63  }
0x34: {  	_ = 	snop  }
0x35: {  	[tilespmem:s20], [sflag:$0x1] =	stream.indirect_vreg.gather [hbm4b:s1+s3], $0x80, v3, vm0, $0xb8;
	[tilespmem:$0x8080] =	vst v63  }
0x36: {  	_ = 	snop  }
0x37: {  	[tilespmem:s21], [sflag:$0x1] =	stream.indirect_vreg.gather [hbm4b:s4+s3], $0x80, v3, vm0, $0xb8;
	[tilespmem:$0x8080] =	vst v63  }
0x38: {  	v3 =	vld [tilespmem:$0x20];
	_ =	sdelay $0x4  }
0x39: {  	v50 =	vshll.u32 v3, $0x2  }
0x3a: {  	v3 =	vand.u32 $0x7, v3;
	v4 =	vand.u32 $0xFFFFFFE0, v50  }
0x3b: {  	v3 =	vor.u32 v3, v4  }
0x3c: {  	v4 =	vperm.xlane v3, v0;
	_ =	sdelay $0x1  }
0x3d: {  	v4 =	vadd.s32 v1, v4;
	_ =	sdelay $0x1  }
0x3e: {  	v3 =	vperm.xlane v3, v2;
	_ =	sdelay $0x1  }
0x3f: {  	v3 =	vadd.s32 v1, v3  }
0x40: {  	[tilespmem:s22], [sflag:$0x1] =	stream.indirect_vreg.gather [hbm4b:s1+s3], $0x80, v4, vm0, $0xb8;
	[tilespmem:$0x8080] =	vst v63  }
0x41: {  	_ = 	snop  }
0x42: {  	[tilespmem:s23], [sflag:$0x1] =	stream.indirect_vreg.gather [hbm4b:s4+s3], $0x80, v4, vm0, $0xb8;
	[tilespmem:$0x8080] =	vst v63  }
0x43: {  	_ = 	snop  }
0x44: {  	[tilespmem:s24], [sflag:$0x1] =	stream.indirect_vreg.gather [hbm4b:s1+s3], $0x80, v3, vm0, $0xb8;
	[tilespmem:$0x8080] =	vst v63  }
0x45: {  	_ = 	snop  }
0x46: {  	[tilespmem:s25], [sflag:$0x1] =	stream.indirect_vreg.gather [hbm4b:s4+s3], $0x80, v3, vm0, $0xb8;
	[tilespmem:$0x8080] =	vst v63  }
0x47: {  	v3 =	vld [tilespmem:$0x30];
	_ =	sdelay $0x4  }
0x48: {  	v51 =	vshll.u32 v3, $0x2  }
0x49: {  	v3 =	vand.u32 $0x7, v3;
	v4 =	vand.u32 $0xFFFFFFE0, v51  }
0x4a: {  	v3 =	vor.u32 v3, v4  }
0x4b: {  	v4 =	vperm.xlane v3, v0;
	_ =	sdelay $0x1  }
0x4c: {  	v4 =	vadd.s32 v1, v4;
	_ =	sdelay $0x1  }
0x4d: {  	v3 =	vperm.xlane v3, v2;
	_ =	sdelay $0x1  }
0x4e: {  	v3 =	vadd.s32 v1, v3  }
0x4f: {  	[tilespmem:s26], [sflag:$0x1] =	stream.indirect_vreg.gather [hbm4b:s1+s3], $0x80, v4, vm0, $0xb8;
	[tilespmem:$0x8080] =	vst v63  }
0x50: {  	_ = 	snop  }
0x51: {  	[tilespmem:s28], [sflag:$0x1] =	stream.indirect_vreg.gather [hbm4b:s4+s3], $0x80, v4, vm0, $0xb8;
	[tilespmem:$0x8080] =	vst v63  }
0x52: {  	_ = 	snop  }
0x53: {  	[tilespmem:s29], [sflag:$0x1] =	stream.indirect_vreg.gather [hbm4b:s1+s3], $0x80, v3, vm0, $0xb8;
	[tilespmem:$0x8080] =	vst v63  }
0x54: {  	_ = 	snop  }
0x55: {  	[tilespmem:s30], [sflag:$0x1] =	stream.indirect_vreg.gather [hbm4b:s4+s3], $0x80, v3, vm0, $0xb8;
	[tilespmem:$0x8080] =	vst v63  }
0x56: {  	_ =	swait.ge [sflag:s31], $0x8000  }
0x57: {  	[sflag:s31] =	ssyncset.done $0x0  }
0x58: {  	[sflag:s31] =	ssyncadd.s32 $0xFFFF8000  }
0x59: {  	[hbm4b:s5+s3] =	stream.linear.scatter [tilespmem:s14], [sflag:$0x2], $0x8000, $0x38;
	[tilespmem:$0x8080] =	vst v63  }
0x5a: {  	_ =	swait.ge [sflag:s13], $0x8000  }
0x5b: {  	[sflag:s13] =	ssyncset.done $0x0  }
0x5c: {  	[sflag:s13] =	ssyncadd.s32 $0xFFFF8000  }
0x5d: {  	[tilespmem:s3], [sflag:$0x2] =	stream.linear.gather [hbm4b:s6+s3], $0x40, $0x38;
	[tilespmem:$0x8080] =	vst v63  }
0x5e: {  	_ =	swait.ge [sflag:s13], $0x40  }
0x5f: {  	[sflag:s13] =	ssyncset.done $0x0  }
0x60: {  	[sflag:s13] =	ssyncadd.s32 $0xFFFFFFC0  }
0x61: {  	v3 =	vld [tilespmem:$0x0];
	_ =	sdelay $0x4  }
0x62: {  	v52 =	vshll.u32 v3, $0x2  }
0x63: {  	v3 =	vand.u32 $0x7, v3;
	v4 =	vand.u32 $0xFFFFFFE0, v52  }
0x64: {  	v3 =	vor.u32 v3, v4  }
0x65: {  	v4 =	vperm.xlane v3, v0;
	_ =	sdelay $0x1  }
0x66: {  	v4 =	vadd.s32 v1, v4;
	_ =	sdelay $0x1  }
0x67: {  	v3 =	vperm.xlane v3, v2;
	_ =	sdelay $0x1  }
0x68: {  	v3 =	vadd.s32 v1, v3  }
0x69: {  	[tilespmem:s14], [sflag:$0x1] =	stream.indirect_vreg.gather [hbm4b:s1+s3], $0x80, v4, vm0, $0xb8;
	[tilespmem:$0x8080] =	vst v63  }
0x6a: {  	_ = 	snop  }
0x6b: {  	[tilespmem:s15], [sflag:$0x1] =	stream.indirect_vreg.gather [hbm4b:s4+s3], $0x80, v4, vm0, $0xb8;
	[tilespmem:$0x8080] =	vst v63  }
0x6c: {  	_ = 	snop  }
0x6d: {  	[tilespmem:s16], [sflag:$0x1] =	stream.indirect_vreg.gather [hbm4b:s1+s3], $0x80, v3, vm0, $0xb8;
	[tilespmem:$0x8080] =	vst v63  }
0x6e: {  	_ = 	snop  }
0x6f: {  	[tilespmem:s17], [sflag:$0x1] =	stream.indirect_vreg.gather [hbm4b:s4+s3], $0x80, v3, vm0, $0xb8;
	[tilespmem:$0x8080] =	vst v63  }
0x70: {  	v3 =	vld [tilespmem:$0x10];
	_ =	sdelay $0x4  }
0x71: {  	v53 =	vshll.u32 v3, $0x2  }
0x72: {  	v3 =	vand.u32 $0x7, v3;
	v4 =	vand.u32 $0xFFFFFFE0, v53  }
0x73: {  	v3 =	vor.u32 v3, v4  }
0x74: {  	v4 =	vperm.xlane v3, v0;
	_ =	sdelay $0x1  }
0x75: {  	v4 =	vadd.s32 v1, v4;
	_ =	sdelay $0x1  }
0x76: {  	v3 =	vperm.xlane v3, v2;
	_ =	sdelay $0x1  }
0x77: {  	v3 =	vadd.s32 v1, v3  }
0x78: {  	[tilespmem:s18], [sflag:$0x1] =	stream.indirect_vreg.gather [hbm4b:s1+s3], $0x80, v4, vm0, $0xb8;
	[tilespmem:$0x8080] =	vst v63  }
0x79: {  	_ = 	snop  }
0x7a: {  	[tilespmem:s19], [sflag:$0x1] =	stream.indirect_vreg.gather [hbm4b:s4+s3], $0x80, v4, vm0, $0xb8;
	[tilespmem:$0x8080] =	vst v63  }
0x7b: {  	_ = 	snop  }
0x7c: {  	[tilespmem:s20], [sflag:$0x1] =	stream.indirect_vreg.gather [hbm4b:s1+s3], $0x80, v3, vm0, $0xb8;
	[tilespmem:$0x8080] =	vst v63  }
0x7d: {  	_ = 	snop  }
0x7e: {  	[tilespmem:s21], [sflag:$0x1] =	stream.indirect_vreg.gather [hbm4b:s4+s3], $0x80, v3, vm0, $0xb8;
	[tilespmem:$0x8080] =	vst v63  }
0x7f: {  	v3 =	vld [tilespmem:$0x20];
	_ =	sdelay $0x4  }
0x80: {  	v54 =	vshll.u32 v3, $0x2  }
0x81: {  	v3 =	vand.u32 $0x7, v3;
	v4 =	vand.u32 $0xFFFFFFE0, v54  }
0x82: {  	v3 =	vor.u32 v3, v4  }
0x83: {  	v4 =	vperm.xlane v3, v0;
	_ =	sdelay $0x1  }
0x84: {  	v4 =	vadd.s32 v1, v4;
	_ =	sdelay $0x1  }
0x85: {  	v3 =	vperm.xlane v3, v2;
	_ =	sdelay $0x1  }
0x86: {  	v3 =	vadd.s32 v1, v3  }
0x87: {  	[tilespmem:s22], [sflag:$0x1] =	stream.indirect_vreg.gather [hbm4b:s1+s3], $0x80, v4, vm0, $0xb8;
	[tilespmem:$0x8080] =	vst v63  }
0x88: {  	_ = 	snop  }
0x89: {  	[tilespmem:s23], [sflag:$0x1] =	stream.indirect_vreg.gather [hbm4b:s4+s3], $0x80, v4, vm0, $0xb8;
	[tilespmem:$0x8080] =	vst v63  }
0x8a: {  	_ = 	snop  }
0x8b: {  	[tilespmem:s24], [sflag:$0x1] =	stream.indirect_vreg.gather [hbm4b:s1+s3], $0x80, v3, vm0, $0xb8;
	[tilespmem:$0x8080] =	vst v63  }
0x8c: {  	_ = 	snop  }
0x8d: {  	[tilespmem:s25], [sflag:$0x1] =	stream.indirect_vreg.gather [hbm4b:s4+s3], $0x80, v3, vm0, $0xb8;
	[tilespmem:$0x8080] =	vst v63  }
0x8e: {  	v3 =	vld [tilespmem:$0x30];
	_ =	sdelay $0x4  }
0x8f: {  	v55 =	vshll.u32 v3, $0x2  }
0x90: {  	v3 =	vand.u32 $0x7, v3;
	v4 =	vand.u32 $0xFFFFFFE0, v55  }
0x91: {  	v3 =	vor.u32 v3, v4  }
0x92: {  	v4 =	vperm.xlane v3, v0;
	_ =	sdelay $0x1  }
0x93: {  	v4 =	vadd.s32 v1, v4;
	_ =	sdelay $0x1  }
0x94: {  	v3 =	vperm.xlane v3, v2;
	_ =	sdelay $0x1  }
0x95: {  	v3 =	vadd.s32 v1, v3  }
0x96: {  	[tilespmem:s26], [sflag:$0x1] =	stream.indirect_vreg.gather [hbm4b:s1+s3], $0x80, v4, vm0, $0xb8;
	[tilespmem:$0x8080] =	vst v63  }
0x97: {  	_ = 	snop  }
0x98: {  	[tilespmem:s28], [sflag:$0x1] =	stream.indirect_vreg.gather [hbm4b:s4+s3], $0x80, v4, vm0, $0xb8;
	[tilespmem:$0x8080] =	vst v63  }
0x99: {  	_ = 	snop  }
0x9a: {  	[tilespmem:s29], [sflag:$0x1] =	stream.indirect_vreg.gather [hbm4b:s1+s3], $0x80, v3, vm0, $0xb8;
	[tilespmem:$0x8080] =	vst v63  }
0x9b: {  	_ = 	snop  }
0x9c: {  	[tilespmem:s30], [sflag:$0x1] =	stream.indirect_vreg.gather [hbm4b:s4+s3], $0x80, v3, vm0, $0xb8;
	[tilespmem:$0x8080] =	vst v63  }
0x9d: {  	_ =	swait.ge [sflag:s31], $0x8000  }
0x9e: {  	[sflag:s31] =	ssyncset.done $0x0  }
0x9f: {  	[sflag:s31] =	ssyncadd.s32 $0xFFFF8000  }
0xa0: {  	[hbm4b:s7+s3] =	stream.linear.scatter [tilespmem:s14], [sflag:$0x2], $0x8000, $0x38;
	[tilespmem:$0x8080] =	vst v63  }
0xa1: {  	_ =	swait.ge [sflag:s13], $0x8000  }
0xa2: {  	[sflag:s13] =	ssyncset.done $0x0  }
0xa3: {  	[sflag:s13] =	ssyncadd.s32 $0xFFFF8000  }
0xa4: {  	[tilespmem:s3], [sflag:$0x2] =	stream.linear.gather [hbm4b:s8+s3], $0x40, $0x38;
	[tilespmem:$0x8080] =	vst v63  }
0xa5: {  	_ =	swait.ge [sflag:s13], $0x40  }
0xa6: {  	[sflag:s13] =	ssyncset.done $0x0  }
0xa7: {  	[sflag:s13] =	ssyncadd.s32 $0xFFFFFFC0  }
0xa8: {  	v3 =	vld [tilespmem:$0x0];
	_ =	sdelay $0x4  }
0xa9: {  	v56 =	vshll.u32 v3, $0x2  }
0xaa: {  	v3 =	vand.u32 $0x7, v3;
	v4 =	vand.u32 $0xFFFFFFE0, v56  }
0xab: {  	v3 =	vor.u32 v3, v4  }
0xac: {  	v4 =	vperm.xlane v3, v0;
	_ =	sdelay $0x1  }
0xad: {  	v4 =	vadd.s32 v1, v4;
	_ =	sdelay $0x1  }
0xae: {  	v3 =	vperm.xlane v3, v2;
	_ =	sdelay $0x1  }
0xaf: {  	v3 =	vadd.s32 v1, v3  }
0xb0: {  	[tilespmem:s14], [sflag:$0x1] =	stream.indirect_vreg.gather [hbm4b:s1+s3], $0x80, v4, vm0, $0xb8;
	[tilespmem:$0x8080] =	vst v63  }
0xb1: {  	_ = 	snop  }
0xb2: {  	[tilespmem:s15], [sflag:$0x1] =	stream.indirect_vreg.gather [hbm4b:s4+s3], $0x80, v4, vm0, $0xb8;
	[tilespmem:$0x8080] =	vst v63  }
0xb3: {  	_ = 	snop  }
0xb4: {  	[tilespmem:s16], [sflag:$0x1] =	stream.indirect_vreg.gather [hbm4b:s1+s3], $0x80, v3, vm0, $0xb8;
	[tilespmem:$0x8080] =	vst v63  }
0xb5: {  	_ = 	snop  }
0xb6: {  	[tilespmem:s17], [sflag:$0x1] =	stream.indirect_vreg.gather [hbm4b:s4+s3], $0x80, v3, vm0, $0xb8;
	[tilespmem:$0x8080] =	vst v63  }
0xb7: {  	v3 =	vld [tilespmem:$0x10];
	_ =	sdelay $0x4  }
0xb8: {  	v57 =	vshll.u32 v3, $0x2  }
0xb9: {  	v3 =	vand.u32 $0x7, v3;
	v4 =	vand.u32 $0xFFFFFFE0, v57  }
0xba: {  	v3 =	vor.u32 v3, v4  }
0xbb: {  	v4 =	vperm.xlane v3, v0;
	_ =	sdelay $0x1  }
0xbc: {  	v4 =	vadd.s32 v1, v4;
	_ =	sdelay $0x1  }
0xbd: {  	v3 =	vperm.xlane v3, v2;
	_ =	sdelay $0x1  }
0xbe: {  	v3 =	vadd.s32 v1, v3  }
0xbf: {  	[tilespmem:s18], [sflag:$0x1] =	stream.indirect_vreg.gather [hbm4b:s1+s3], $0x80, v4, vm0, $0xb8;
	[tilespmem:$0x8080] =	vst v63  }
0xc0: {  	_ = 	snop  }
0xc1: {  	[tilespmem:s19], [sflag:$0x1] =	stream.indirect_vreg.gather [hbm4b:s4+s3], $0x80, v4, vm0, $0xb8;
	[tilespmem:$0x8080] =	vst v63  }
0xc2: {  	_ = 	snop  }
0xc3: {  	[tilespmem:s20], [sflag:$0x1] =	stream.indirect_vreg.gather [hbm4b:s1+s3], $0x80, v3, vm0, $0xb8;
	[tilespmem:$0x8080] =	vst v63  }
0xc4: {  	_ = 	snop  }
0xc5: {  	[tilespmem:s21], [sflag:$0x1] =	stream.indirect_vreg.gather [hbm4b:s4+s3], $0x80, v3, vm0, $0xb8;
	[tilespmem:$0x8080] =	vst v63  }
0xc6: {  	v3 =	vld [tilespmem:$0x20];
	_ =	sdelay $0x4  }
0xc7: {  	v58 =	vshll.u32 v3, $0x2  }
0xc8: {  	v3 =	vand.u32 $0x7, v3;
	v4 =	vand.u32 $0xFFFFFFE0, v58  }
0xc9: {  	v3 =	vor.u32 v3, v4  }
0xca: {  	v4 =	vperm.xlane v3, v0;
	_ =	sdelay $0x1  }
0xcb: {  	v4 =	vadd.s32 v1, v4;
	_ =	sdelay $0x1  }
0xcc: {  	v3 =	vperm.xlane v3, v2;
	_ =	sdelay $0x1  }
0xcd: {  	v3 =	vadd.s32 v1, v3  }
0xce: {  	[tilespmem:s22], [sflag:$0x1] =	stream.indirect_vreg.gather [hbm4b:s1+s3], $0x80, v4, vm0, $0xb8;
	[tilespmem:$0x8080] =	vst v63  }
0xcf: {  	_ = 	snop  }
0xd0: {  	[tilespmem:s23], [sflag:$0x1] =	stream.indirect_vreg.gather [hbm4b:s4+s3], $0x80, v4, vm0, $0xb8;
	[tilespmem:$0x8080] =	vst v63  }
0xd1: {  	_ = 	snop  }
0xd2: {  	[tilespmem:s24], [sflag:$0x1] =	stream.indirect_vreg.gather [hbm4b:s1+s3], $0x80, v3, vm0, $0xb8;
	[tilespmem:$0x8080] =	vst v63  }
0xd3: {  	_ = 	snop  }
0xd4: {  	[tilespmem:s25], [sflag:$0x1] =	stream.indirect_vreg.gather [hbm4b:s4+s3], $0x80, v3, vm0, $0xb8;
	[tilespmem:$0x8080] =	vst v63  }
0xd5: {  	v3 =	vld [tilespmem:$0x30];
	_ =	sdelay $0x4  }
0xd6: {  	v59 =	vshll.u32 v3, $0x2  }
0xd7: {  	v3 =	vand.u32 $0x7, v3;
	v4 =	vand.u32 $0xFFFFFFE0, v59  }
0xd8: {  	v3 =	vor.u32 v3, v4  }
0xd9: {  	v4 =	vperm.xlane v3, v0;
	_ =	sdelay $0x1  }
0xda: {  	v4 =	vadd.s32 v1, v4;
	_ =	sdelay $0x1  }
0xdb: {  	v3 =	vperm.xlane v3, v2;
	_ =	sdelay $0x1  }
0xdc: {  	v3 =	vadd.s32 v1, v3  }
0xdd: {  	[tilespmem:s26], [sflag:$0x1] =	stream.indirect_vreg.gather [hbm4b:s1+s3], $0x80, v4, vm0, $0xb8;
	[tilespmem:$0x8080] =	vst v63  }
0xde: {  	_ = 	snop  }
0xdf: {  	[tilespmem:s28], [sflag:$0x1] =	stream.indirect_vreg.gather [hbm4b:s4+s3], $0x80, v4, vm0, $0xb8;
	[tilespmem:$0x8080] =	vst v63  }
0xe0: {  	_ = 	snop  }
0xe1: {  	[tilespmem:s29], [sflag:$0x1] =	stream.indirect_vreg.gather [hbm4b:s1+s3], $0x80, v3, vm0, $0xb8;
	[tilespmem:$0x8080] =	vst v63  }
0xe2: {  	_ = 	snop  }
0xe3: {  	[tilespmem:s30], [sflag:$0x1] =	stream.indirect_vreg.gather [hbm4b:s4+s3], $0x80, v3, vm0, $0xb8;
	[tilespmem:$0x8080] =	vst v63  }
0xe4: {  	_ =	swait.ge [sflag:s31], $0x8000  }
0xe5: {  	[sflag:s31] =	ssyncset.done $0x0  }
0xe6: {  	[sflag:s31] =	ssyncadd.s32 $0xFFFF8000  }
0xe7: {  	[hbm4b:s9+s3] =	stream.linear.scatter [tilespmem:s14], [sflag:$0x2], $0x8000, $0x38;
	[tilespmem:$0x8080] =	vst v63  }
0xe8: {  	_ =	swait.ge [sflag:s13], $0x8000  }
0xe9: {  	[sflag:s13] =	ssyncset.done $0x0  }
0xea: {  	[sflag:s13] =	ssyncadd.s32 $0xFFFF8000  }
0xeb: {  	[tilespmem:s3], [sflag:$0x2] =	stream.linear.gather [hbm4b:s10+s3], $0x40, $0x38;
	[tilespmem:$0x8080] =	vst v63  }
0xec: {  	_ =	swait.ge [sflag:s13], $0x40  }
0xed: {  	[sflag:s13] =	ssyncset.done $0x0  }
0xee: {  	[sflag:s13] =	ssyncadd.s32 $0xFFFFFFC0  }
0xef: {  	v3 =	vld [tilespmem:$0x0];
	_ =	sdelay $0x4  }
0xf0: {  	v60 =	vshll.u32 v3, $0x2  }
0xf1: {  	v3 =	vand.u32 $0x7, v3;
	v4 =	vand.u32 $0xFFFFFFE0, v60  }
0xf2: {  	v3 =	vor.u32 v3, v4  }
0xf3: {  	v4 =	vperm.xlane v3, v0;
	_ =	sdelay $0x1  }
0xf4: {  	v4 =	vadd.s32 v1, v4;
	_ =	sdelay $0x1  }
0xf5: {  	v3 =	vperm.xlane v3, v2;
	_ =	sdelay $0x1  }
0xf6: {  	v3 =	vadd.s32 v1, v3  }
0xf7: {  	[tilespmem:s14], [sflag:$0x1] =	stream.indirect_vreg.gather [hbm4b:s1+s3], $0x80, v4, vm0, $0xb8;
	[tilespmem:$0x8080] =	vst v63  }
0xf8: {  	_ = 	snop  }
0xf9: {  	[tilespmem:s15], [sflag:$0x1] =	stream.indirect_vreg.gather [hbm4b:s4+s3], $0x80, v4, vm0, $0xb8;
	[tilespmem:$0x8080] =	vst v63  }
0xfa: {  	_ = 	snop  }
0xfb: {  	[tilespmem:s16], [sflag:$0x1] =	stream.indirect_vreg.gather [hbm4b:s1+s3], $0x80, v3, vm0, $0xb8;
	[tilespmem:$0x8080] =	vst v63  }
0xfc: {  	_ = 	snop  }
0xfd: {  	[tilespmem:s17], [sflag:$0x1] =	stream.indirect_vreg.gather [hbm4b:s4+s3], $0x80, v3, vm0, $0xb8;
	[tilespmem:$0x8080] =	vst v63  }
0xfe: {  	v3 =	vld [tilespmem:$0x10];
	_ =	sdelay $0x4  }
0xff: {  	v61 =	vshll.u32 v3, $0x2  }
0x100: {  	v3 =	vand.u32 $0x7, v3;
	v4 =	vand.u32 $0xFFFFFFE0, v61  }
0x101: {  	v3 =	vor.u32 v3, v4  }
0x102: {  	v4 =	vperm.xlane v3, v0;
	_ =	sdelay $0x1  }
0x103: {  	v4 =	vadd.s32 v1, v4;
	_ =	sdelay $0x1  }
0x104: {  	v3 =	vperm.xlane v3, v2;
	_ =	sdelay $0x1  }
0x105: {  	v3 =	vadd.s32 v1, v3  }
0x106: {  	[tilespmem:s18], [sflag:$0x1] =	stream.indirect_vreg.gather [hbm4b:s1+s3], $0x80, v4, vm0, $0xb8;
	[tilespmem:$0x8080] =	vst v63  }
0x107: {  	_ = 	snop  }
0x108: {  	[tilespmem:s19], [sflag:$0x1] =	stream.indirect_vreg.gather [hbm4b:s4+s3], $0x80, v4, vm0, $0xb8;
	[tilespmem:$0x8080] =	vst v63  }
0x109: {  	_ = 	snop  }
0x10a: {  	[tilespmem:s20], [sflag:$0x1] =	stream.indirect_vreg.gather [hbm4b:s1+s3], $0x80, v3, vm0, $0xb8;
	[tilespmem:$0x8080] =	vst v63  }
0x10b: {  	_ = 	snop  }
0x10c: {  	[tilespmem:s21], [sflag:$0x1] =	stream.indirect_vreg.gather [hbm4b:s4+s3], $0x80, v3, vm0, $0xb8;
	[tilespmem:$0x8080] =	vst v63  }
0x10d: {  	v3 =	vld [tilespmem:$0x20];
	_ =	sdelay $0x4  }
0x10e: {  	v62 =	vshll.u32 v3, $0x2  }
0x10f: {  	v3 =	vand.u32 $0x7, v3;
	v4 =	vand.u32 $0xFFFFFFE0, v62  }
0x110: {  	v3 =	vor.u32 v3, v4  }
0x111: {  	v4 =	vperm.xlane v3, v0;
	_ =	sdelay $0x1  }
0x112: {  	v4 =	vadd.s32 v1, v4;
	_ =	sdelay $0x1  }
0x113: {  	v3 =	vperm.xlane v3, v2;
	_ =	sdelay $0x1  }
0x114: {  	v3 =	vadd.s32 v1, v3  }
0x115: {  	[tilespmem:s22], [sflag:$0x1] =	stream.indirect_vreg.gather [hbm4b:s1+s3], $0x80, v4, vm0, $0xb8;
	[tilespmem:$0x8080] =	vst v63  }
0x116: {  	_ = 	snop  }
0x117: {  	[tilespmem:s23], [sflag:$0x1] =	stream.indirect_vreg.gather [hbm4b:s4+s3], $0x80, v4, vm0, $0xb8;
	[tilespmem:$0x8080] =	vst v63  }
0x118: {  	_ = 	snop  }
0x119: {  	[tilespmem:s24], [sflag:$0x1] =	stream.indirect_vreg.gather [hbm4b:s1+s3], $0x80, v3, vm0, $0xb8;
	[tilespmem:$0x8080] =	vst v63  }
0x11a: {  	_ = 	snop  }
0x11b: {  	[tilespmem:s25], [sflag:$0x1] =	stream.indirect_vreg.gather [hbm4b:s4+s3], $0x80, v3, vm0, $0xb8;
	[tilespmem:$0x8080] =	vst v63  }
0x11c: {  	v3 =	vld [tilespmem:$0x30];
	_ =	sdelay $0x4  }
0x11d: {  	v63 =	vshll.u32 v3, $0x2  }
0x11e: {  	v3 =	vand.u32 $0x7, v3;
	v4 =	vand.u32 $0xFFFFFFE0, v63  }
0x11f: {  	v3 =	vor.u32 v3, v4  }
0x120: {  	v4 =	vperm.xlane v3, v0;
	_ =	sdelay $0x1  }
0x121: {  	v4 =	vadd.s32 v1, v4;
	_ =	sdelay $0x1  }
0x122: {  	v3 =	vperm.xlane v3, v2;
	_ =	sdelay $0x1  }
0x123: {  	v3 =	vadd.s32 v1, v3  }
0x124: {  	[tilespmem:s26], [sflag:$0x1] =	stream.indirect_vreg.gather [hbm4b:s1+s3], $0x80, v4, vm0, $0xb8;
	[tilespmem:$0x8080] =	vst v63  }
0x125: {  	_ = 	snop  }
0x126: {  	[tilespmem:s28], [sflag:$0x1] =	stream.indirect_vreg.gather [hbm4b:s4+s3], $0x80, v4, vm0, $0xb8;
	[tilespmem:$0x8080] =	vst v63  }
0x127: {  	_ = 	snop  }
0x128: {  	[tilespmem:s29], [sflag:$0x1] =	stream.indirect_vreg.gather [hbm4b:s1+s3], $0x80, v3, vm0, $0xb8;
	[tilespmem:$0x8080] =	vst v63  }
0x129: {  	_ = 	snop  }
0x12a: {  	[tilespmem:s30], [sflag:$0x1] =	stream.indirect_vreg.gather [hbm4b:s4+s3], $0x80, v3, vm0, $0xb8;
	[tilespmem:$0x8080] =	vst v63  }
0x12b: {  	_ =	swait.ge [sflag:s31], $0x8000  }
0x12c: {  	p0 =	sne.s32 s12, $0x1;
	[sflag:s31] =	ssyncset.done $0x0  }
.Ltmp0:
0x12d: {  	[sflag:s31] =	ssyncadd.s32 $0xFFFF8000;
	(pc) =	sbr.rel @p0 .LBB2_1-.Ltmp0, $4  }
0x12e: {  	[hbm4b:s11+s3] =	stream.linear.scatter [tilespmem:s14], [sflag:$0x2], $0x8000, $0x38;
	[tilespmem:$0x8080] =	vst v63  }
0x12f: {  	_ =	swait.ge [sflag:s13], $0x8000  }
0x130: {  	[sflag:s13] =	ssyncset.done $0x0  }
0x131: {  	s12 =	sadd.s32 $0xFFFFFFFF, s12;
	[sflag:s13] =	ssyncadd.s32 $0xFFFF8000  }
0x132: {  	_ =	sfence.sel $0x180000  }
0x133: {  	[bflag:$0x0] =	sbarrier.arrive $0xFFFF  }
0x134: {  	_ =	strace $0x90000050  }
0x135: {  	[bflag:$0x2] =	sbarrier.arrive $0xFFFF  }
0x136: {  	p0 =	sne.s32 s2, $0x0;
	s0 =	rddreg [dreg:$0x2]  }
0x137: {  	s0 =	sadd.s32 @!p0 $0x100000, s0  }
0x138: {  	[sflag:s0] =	ssyncadd.tile.s32 @!p0 $0x1;
	_ =	shalt  }
.Lfunc_end2:
_tile_overlayer_lowered:
.L_overlay_start_2:
0x139: {  	(tag) =	ssettag $0x2  }
0x13a: {  	s0 =	rddreg [dreg:$0x0];
	s2 =	stileid.u32  }
0x13b: {  	s1 =	rddreg [dreg:$0x1];
	p0 =	sne.s32 s2, $0x0  }
0x13c: {  	s3 =	rddreg [dreg:$0x2];
	[bflag:$0x3] =	sbarrier.arrive $0xFFFF;
	s2 =	simm.s32 @!p0 $0x1C02  }
0x13d: {  	[timem:s3], [sflag:s2] =	dma.local @!p0 [hbm:s0], s1  }
0x13e: {  	s0 =	simm.s32 @!p0 $0x2  }
0x13f: {  	_ =	swait.ge @!p0 [sflag:s0], s1  }
0x140: {  	s1 =	ssub.s32 @!p0 $0x0, s1;
	[sflag:s0] =	ssyncset.done @!p0 $0x0  }
0x141: {  	[sflag:s0] =	ssyncadd.s32 @!p0 s1  }
0x142: {  	[bflag:$0x3] =	sbarrier.arrive $0xFFFF  }
0x143: {  	_ =	shalt  }

</sc_bundles>
